<compile_context>
chip_gen: v7x
topology: tpu7x:2x2x1
jax: 0.10.2.dev20260603
libtpu: 0.0.44.dev20260713+nightly
codegen_flags: <defaults>
</compile_context>

<pallas_src>
import functools

import jax
import jax.numpy as jnp
from jax import lax
from jax.experimental import pallas as pl
from jax.experimental.pallas import tpu as pltpu
from jax.experimental.pallas import tpu_sc as plsc

N = 10000
E = 320000
D = 128

NC = 2
NS = 16
NW = NC * NS
K = 64
EPW = 10240
E_PAD = NW * EPW
STEPS = EPW // K
EPW0 = E_PAD // NS
STEPS0 = EPW0 // K
PH = 80
NPH = STEPS0 // PH
N_PAD = 10112
ZR = N_PAD // NS

_MESH = plsc.VectorSubcoreMesh(core_axis_name="c", subcore_axis_name="s")


def _sc_agg_body(with_gather, h_hbm, src_hbm, dst_hbm, zrows_hbm, agg_out,
                 agg_sh, src_sl, dst_0, dst_1, buf_0, buf_1, semg, semd):
    cid = lax.axis_index("c")
    sid = lax.axis_index("s")
    wid = cid * NS + sid
    bufs = [buf_0, buf_1]
    dsts = [dst_0, dst_1]
    if with_gather:
        @pl.when(cid == 0)
        def _():
            pltpu.sync_copy(zrows_hbm, agg_sh.at[pl.ds(sid * ZR, ZR)])
    else:
        pltpu.sync_copy(zrows_hbm, agg_sh.at[pl.ds(sid * ZR, ZR)])
        pltpu.sync_copy(h_hbm, buf_0)
    plsc.subcore_barrier()

    def fire_dst(ebase, i, j):
        pltpu.async_copy(dst_hbm.at[pl.ds(ebase + i * K, K)], dsts[j], semd)

    def wait_dst(ebase, i, j):
        pltpu.make_async_copy(dst_hbm.at[pl.ds(ebase + i * K, K)],
                              dsts[j], semd).wait()

    def fire_g(i, j):
        pltpu.async_copy(h_hbm.at[src_sl.at[pl.ds(i * K, K)]], bufs[j], semg)

    def wait_g(i, j):
        pltpu.make_async_copy(h_hbm.at[src_sl.at[pl.ds(i * K, K)]],
                              bufs[j], semg).wait()

    def gather_phase(pbase):
        pltpu.sync_copy(src_hbm.at[pl.ds(pbase, PH * K)], src_sl)
        fire_dst(pbase, 0, 0)
        fire_g(0, 0)

        @pl.loop(0, PH // 2)
        def _(t):
            i0 = 2 * t
            i1 = i0 + 1
            i2 = i0 + 2
            fire_dst(pbase, i1, 1)
            fire_g(i1, 1)
            wait_g(i0, 0)
            wait_dst(pbase, i0, 0)
            pltpu.sync_copy(buf_0, agg_sh.at[dst_0], add=True)

            @pl.when(i2 < PH)
            def _():
                fire_dst(pbase, i2, 0)
                fire_g(i2, 0)

            wait_g(i1, 1)
            wait_dst(pbase, i1, 1)
            pltpu.sync_copy(buf_1, agg_sh.at[dst_1], add=True)

    if with_gather:
        @pl.when(cid == 0)
        def _():
            for p in range(NPH):
                gather_phase(sid * EPW0 + p * PH * K)
    else:
        ebase = wid * EPW
        fire_dst(ebase, 0, 0)

        @pl.loop(0, STEPS // 2)
        def _(t):
            i0 = 2 * t
            i1 = i0 + 1
            i2 = i0 + 2
            fire_dst(ebase, i1, 1)
            wait_dst(ebase, i0, 0)
            pltpu.sync_copy(buf_0, agg_sh.at[dst_0], add=True)

            @pl.when(i2 < STEPS)
            def _():
                fire_dst(ebase, i2, 0)

            wait_dst(ebase, i1, 1)
            pltpu.sync_copy(buf_0, agg_sh.at[dst_1], add=True)

    plsc.subcore_barrier()
    if with_gather:
        @pl.when(cid == 0)
        def _():
            pltpu.sync_copy(agg_sh.at[pl.ds(sid * ZR, ZR)],
                            agg_out.at[0, pl.ds(sid * ZR, ZR)])
    else:
        pltpu.sync_copy(agg_sh.at[pl.ds(sid * ZR, ZR)],
                        agg_out.at[cid, pl.ds(sid * ZR, ZR)])


def _make_sc_agg(with_gather):
    out_type = jax.ShapeDtypeStruct(
        (1 if with_gather else NC, N_PAD, D), jnp.float32)
    scratch = [
        pltpu.VMEM_SHARED((N_PAD, D), jnp.float32),
        pltpu.VMEM((PH * K,), jnp.int32),
        pltpu.VMEM((K,), jnp.int32),
        pltpu.VMEM((K,), jnp.int32),
        pltpu.VMEM((K, D), jnp.float32),
        pltpu.VMEM((K, D), jnp.float32),
        pltpu.SemaphoreType.DMA,
        pltpu.SemaphoreType.DMA,
    ]
    return pl.kernel(functools.partial(_sc_agg_body, with_gather),
                     out_type=out_type, mesh=_MESH, scratch_types=scratch)


_sc_agg = _make_sc_agg(True)
_sc_deg = _make_sc_agg(False)


def _rdeg_body(d_ref, o_ref):
    o_ref[...] = 1.0 / jnp.maximum(d_ref[0] + d_ref[1], 1.0)


_rdeg = pl.pallas_call(
    _rdeg_body,
    grid=(5,),
    in_specs=[pl.BlockSpec((NC, 2000, D), lambda i: (0, i, 0))],
    out_specs=pl.BlockSpec((2000, D), lambda i: (i, 0)),
    out_shape=jax.ShapeDtypeStruct((N, D), jnp.float32),
)


def _combine_body(act, h_ref, p_ref, r_ref, ws_ref, wn_ref, b_ref, o_ref):
    agg = p_ref[0] * r_ref[...]
    acc = jnp.dot(h_ref[...], ws_ref[...], preferred_element_type=jnp.float32)
    acc = acc + jnp.dot(agg, wn_ref[...], preferred_element_type=jnp.float32)
    acc = acc + b_ref[...]
    if act:
        acc = jnp.maximum(acc, 0.0)
    o_ref[...] = acc


def _make_combine(act, block=2000):
    return pl.pallas_call(
        functools.partial(_combine_body, act),
        grid=(N // block,),
        in_specs=[
            pl.BlockSpec((block, D), lambda i: (i, 0)),
            pl.BlockSpec((1, block, D), lambda i: (0, i, 0)),
            pl.BlockSpec((block, D), lambda i: (i, 0)),
            pl.BlockSpec((D, D), lambda i: (0, 0)),
            pl.BlockSpec((D, D), lambda i: (0, 0)),
            pl.BlockSpec((1, D), lambda i: (0, 0)),
        ],
        out_specs=pl.BlockSpec((block, D), lambda i: (i, 0)),
        out_shape=jax.ShapeDtypeStruct((N, D), jnp.float32),
    )


_combine_relu = _make_combine(True)
_combine_lin = _make_combine(False)


def kernel(features, edge_index, W_self0, W_neigh0, b0, W_self1, W_neigh1,
           b1, W_self2, W_neigh2, b2):
    src = edge_index[0].astype(jnp.int32)
    dst = edge_index[1].astype(jnp.int32)
    pad = E_PAD - E
    srcp = jnp.concatenate([src, jnp.zeros((pad,), jnp.int32)])
    dstp = jnp.concatenate([dst, jnp.full((pad,), N, jnp.int32)])
    zrows = jnp.zeros((ZR, D), jnp.float32)
    ones_rows = jnp.ones((K, D), jnp.float32)

    degp = _sc_deg(ones_rows, srcp, dstp, zrows)
    rdeg = _rdeg(degp)
    agg0 = _sc_agg(features, srcp, dstp, zrows)
    h1 = _combine_relu(features, agg0, rdeg, W_self0, W_neigh0,
                       b0.reshape(1, D))
    agg1 = _sc_agg(h1, srcp, dstp, zrows)
    h2 = _combine_relu(h1, agg1, rdeg, W_self1, W_neigh1, b1.reshape(1, D))
    agg2 = _sc_agg(h2, srcp, dstp, zrows)
    h3 = _combine_lin(h2, agg2, rdeg, W_self2, W_neigh2, b2.reshape(1, D))
    return h3

# --- scband reference (transcript-rebuilt; emitter-appended) ---
"""Pipeline reference for scband-graph-sagemodel-24326694764904 (READ-ONLY COPY).

The authoritative reference and input builder live on the scoring server;
editing this copy changes nothing except your own understanding.
"""

import jax, jax.numpy as jnp
import numpy as np

N = 10000
E = 320000
D = 128


def setup_inputs(seed: int = 0) -> dict:
    key = jax.random.key(seed)
    ks = jax.random.split(key, 12)
    features = jax.random.normal(ks[0], (N, D), dtype=jnp.float32)
    edge_index = jax.random.randint(ks[1], (2, E), 0, N, dtype=jnp.int64)
    s = 1.0 / np.sqrt(D)
    inp = {"features": features, "edge_index": edge_index}
    for i in range(3):
        inp[f"W_self{i}"] = jax.random.normal(ks[2 + 3 * i], (D, D), dtype=jnp.float32) * s
        inp[f"W_neigh{i}"] = jax.random.normal(ks[3 + 3 * i], (D, D), dtype=jnp.float32) * s
        inp[f"b{i}"] = jnp.zeros((D,), dtype=jnp.float32)
    return inp


def _sage_layer(h, src, dst, deg, W_self, W_neigh, b, act):
    # DGL SAGEConv mean aggregator: rst = fc_self(h) + fc_neigh(mean_{u in N(v)} h_u) + bias
    msg = h[src]  # gather over edges
    agg = jax.ops.segment_sum(msg, dst, num_segments=N)
    agg = agg / deg[:, None]
    rst = h @ W_self + agg @ W_neigh + b
    if act:
        rst = jax.nn.relu(rst)
    return rst


def reference(features, edge_index, W_self0, W_neigh0, b0, W_self1, W_neigh1, b1, W_self2, W_neigh2, b2):
    src = edge_index[0]
    dst = edge_index[1]
    deg = jax.ops.segment_sum(jnp.ones((E,), dtype=jnp.float32), dst, num_segments=N)
    deg = jnp.clip(deg, 1.0, None)
    h = features
    h = _sage_layer(h, src, dst, deg, W_self0, W_neigh0, b0, True)
    h = _sage_layer(h, src, dst, deg, W_self1, W_neigh1, b1, True)
    h = _sage_layer(h, src, dst, deg, W_self2, W_neigh2, b2, False)
    return h

if __name__ == "__main__":
    import jax
    _d = setup_inputs()
    print(jax.jit(kernel)(*tuple(_d.values())))

</pallas_src>

<mosaic_0001>
#map = affine_map<(d0, d1) -> (0, 0)>
#map1 = affine_map<(d0, d1) -> (0)>
#map2 = affine_map<(d0, d1) -> (0, 0, 0)>
module attributes {stable_mosaic.version = 14 : i64} {
  func.func @_sc_agg_body(%arg0: i32, %arg1: i32, %arg2: memref<10000x128xf32, #tpu.memory_space<hbm>>, %arg3: memref<327680xi32, #tpu.memory_space<hbm>>, %arg4: memref<327680xi32, #tpu.memory_space<hbm>>, %arg5: memref<632x128xf32, #tpu.memory_space<hbm>>, %arg6: memref<1x10112x128xf32, #tpu.memory_space<hbm>>, %arg7: memref<10112x128xf32, #tpu.memory_space<vmem_shared>>, %arg8: memref<5120xi32, #tpu.memory_space<vmem>>, %arg9: memref<64xi32, #tpu.memory_space<vmem>>, %arg10: memref<64xi32, #tpu.memory_space<vmem>>, %arg11: memref<64x128xf32, #tpu.memory_space<vmem>>, %arg12: memref<64x128xf32, #tpu.memory_space<vmem>>, %arg13: memref<!tpu.dma_semaphore, #tpu.memory_space<semaphore_mem>>, %arg14: memref<!tpu.dma_semaphore, #tpu.memory_space<semaphore_mem>>) attributes {dimension_semantics = [#tpu.dimension_semantics<core_parallel>, #tpu.dimension_semantics<subcore_parallel>], iteration_bounds = array<i64: 2, 16>, scalar_prefetch = 0 : i64, scratch_operands = 8 : i64, tpu.core_type = #tpu.core_type<sc_vector_subcore>, window_params = [{transform_indices = #map}, {transform_indices = #map1}, {transform_indices = #map1}, {transform_indices = #map}, {transform_indices = #map2}]} {
    %mul3A = arith.constant 16 : i32
    %mul3A_0 = arith.muli %arg0, %mul3A : i32
    %add3A = arith.addi %mul3A_0, %arg1 : i32
    %eq3A = arith.constant 0 : i32
    %eq3A_1 = arith.cmpi eq, %arg0, %eq3A : i32
    %convert_element_type3A = arith.extui %eq3A_1 : i1 to i32
    %cond3A = arith.constant 0 : i32
    %cond3A_2 = arith.cmpi ne, %convert_element_type3A, %cond3A : i32
    scf.if %cond3A_2 {
      %mul3A_14 = arith.constant 632 : i32
      %mul3A_15 = arith.muli %arg1, %mul3A_14 : i32
      "tpu.region"() ({
        %run_scoped3A = tpu.sem_alloc : memref<!tpu.dma_semaphore, #tpu.memory_space<semaphore_mem>>
        %dma_start3A = arith.constant 0 : i32
        %dma_start3A_16 = tpu.memref_slice %arg7[%mul3A_15, %dma_start3A] : memref<10112x128xf32, #tpu.memory_space<vmem_shared>> -> memref<632x128xf32, #tpu.memory_space<vmem_shared>>
        tpu.enqueue_dma source(%arg5 : memref<632x128xf32, #tpu.memory_space<hbm>>) target(%dma_start3A_16 : memref<632x128xf32, #tpu.memory_space<vmem_shared>>) target_semaphore(%run_scoped3A : memref<!tpu.dma_semaphore, #tpu.memory_space<semaphore_mem>>)
        %dma_wait3A = arith.constant 0 : i32
        %dma_wait3A_17 = tpu.memref_slice %arg7[%mul3A_15, %dma_wait3A] : memref<10112x128xf32, #tpu.memory_space<vmem_shared>> -> memref<632x128xf32, #tpu.memory_space<vmem_shared>>
        tpu.wait_dma2 semaphore(%run_scoped3A : memref<!tpu.dma_semaphore, #tpu.memory_space<semaphore_mem>>) src(%arg5 : memref<632x128xf32, #tpu.memory_space<hbm>>) dst(%dma_wait3A_17 : memref<632x128xf32, #tpu.memory_space<vmem_shared>>)
        tpu.yield
      }) : () -> ()
    } else {
    }
    %barrier3A = arith.constant 0 : index
    tpu.barrier barrier_id(%barrier3A)
    %eq3A_3 = arith.constant 0 : i32
    %eq3A_4 = arith.cmpi eq, %arg0, %eq3A_3 : i32
    %convert_element_type3A_5 = arith.extui %eq3A_4 : i1 to i32
    %cond3A_6 = arith.constant 0 : i32
    %cond3A_7 = arith.cmpi ne, %convert_element_type3A_5, %cond3A_6 : i32
    scf.if %cond3A_7 {
      %mul3A_14 = arith.constant 20480 : i32
      %mul3A_15 = arith.muli %arg1, %mul3A_14 : i32
      %add3A_16 = arith.constant 0 : i32
      %add3A_17 = arith.addi %mul3A_15, %add3A_16 : i32
      "tpu.region"() ({
        %run_scoped3A = tpu.sem_alloc : memref<!tpu.dma_semaphore, #tpu.memory_space<semaphore_mem>>
        %dma_start3A_84 = tpu.memref_slice %arg3[%add3A_17] : memref<327680xi32, #tpu.memory_space<hbm>> -> memref<5120xi32, #tpu.memory_space<hbm>>
        %dma_start3A_85 = tpu.memref_slice %arg3[%add3A_17] : memref<327680xi32, #tpu.memory_space<hbm>> -> memref<5120xi32, #tpu.memory_space<hbm>>
        tpu.enqueue_dma source(%dma_start3A_85 : memref<5120xi32, #tpu.memory_space<hbm>>) target(%arg8 : memref<5120xi32, #tpu.memory_space<vmem>>) target_semaphore(%run_scoped3A : memref<!tpu.dma_semaphore, #tpu.memory_space<semaphore_mem>>)
        %dma_wait3A = tpu.memref_slice %arg3[%add3A_17] : memref<327680xi32, #tpu.memory_space<hbm>> -> memref<5120xi32, #tpu.memory_space<hbm>>
        %dma_wait3A_86 = tpu.memref_slice %arg3[%add3A_17] : memref<327680xi32, #tpu.memory_space<hbm>> -> memref<5120xi32, #tpu.memory_space<hbm>>
        tpu.wait_dma2 semaphore(%run_scoped3A : memref<!tpu.dma_semaphore, #tpu.memory_space<semaphore_mem>>) src(%dma_wait3A_86 : memref<5120xi32, #tpu.memory_space<hbm>>) dst(%arg8 : memref<5120xi32, #tpu.memory_space<vmem>>)
        tpu.yield
      }) : () -> ()
      %add3A_18 = arith.constant 0 : i32
      %add3A_19 = arith.addi %add3A_17, %add3A_18 : i32
      %dma_start3A = tpu.memref_slice %arg4[%add3A_19] : memref<327680xi32, #tpu.memory_space<hbm>> -> memref<64xi32, #tpu.memory_space<hbm>>
      %dma_start3A_20 = tpu.memref_slice %arg4[%add3A_19] : memref<327680xi32, #tpu.memory_space<hbm>> -> memref<64xi32, #tpu.memory_space<hbm>>
      tpu.enqueue_dma source(%dma_start3A_20 : memref<64xi32, #tpu.memory_space<hbm>>) target(%arg9 : memref<64xi32, #tpu.memory_space<vmem>>) target_semaphore(%arg14 : memref<!tpu.dma_semaphore, #tpu.memory_space<semaphore_mem>>)
      %dma_start3A_21 = arith.constant 0 : i32
      %dma_start3A_22 = tpu.memref_slice %arg8[%dma_start3A_21] : memref<5120xi32, #tpu.memory_space<vmem>> -> memref<64xi32, #tpu.memory_space<vmem>>
      %dma_start3A_23 = arith.constant 0 : i32
      %dma_start3A_24 = arith.constant 0 : i32
      %dma_start3A_25 = tpu.memref_slice %arg2[%dma_start3A_23, %dma_start3A_24] : memref<10000x128xf32, #tpu.memory_space<hbm>> -> memref<10000x128xf32, #tpu.memory_space<hbm>>
      tpu.enqueue_indirect_dma source(%dma_start3A_25 : memref<10000x128xf32, #tpu.memory_space<hbm>>) target(%arg11 : memref<64x128xf32, #tpu.memory_space<vmem>>) offsets(%dma_start3A_22 : memref<64xi32, #tpu.memory_space<vmem>>) semaphore(%arg13 : memref<!tpu.dma_semaphore, #tpu.memory_space<semaphore_mem>>)
      %scan3A = arith.constant 0 : i32
      %scan3A_26 = arith.constant 40 : i32
      %scan3A_27 = arith.addi %scan3A, %scan3A_26 : i32
      %scan3A_28 = arith.constant 1 : i32
      scf.for %scan3A_84 = %scan3A to %scan3A_27 step %scan3A_28  : i32 {
        %mul3A_85 = arith.constant 1 : i32
        %mul3A_86 = arith.muli %scan3A_84, %mul3A_85 : i32
        %add3A_87 = arith.constant 0 : i32
        %add3A_88 = arith.addi %add3A_87, %mul3A_86 : i32
        %mul3A_89 = arith.constant 2 : i32
        %mul3A_90 = arith.muli %mul3A_89, %add3A_88 : i32
        %add3A_91 = arith.constant 1 : i32
        %add3A_92 = arith.addi %mul3A_90, %add3A_91 : i32
        %add3A_93 = arith.constant 2 : i32
        %add3A_94 = arith.addi %mul3A_90, %add3A_93 : i32
        %mul3A_95 = arith.constant 64 : i32
        %mul3A_96 = arith.muli %add3A_92, %mul3A_95 : i32
        %add3A_97 = arith.addi %add3A_17, %mul3A_96 : i32
        %dma_start3A_98 = tpu.memref_slice %arg4[%add3A_97] : memref<327680xi32, #tpu.memory_space<hbm>> -> memref<64xi32, #tpu.memory_space<hbm>>
        %dma_start3A_99 = tpu.memref_slice %arg4[%add3A_97] : memref<327680xi32, #tpu.memory_space<hbm>> -> memref<64xi32, #tpu.memory_space<hbm>>
        tpu.enqueue_dma source(%dma_start3A_99 : memref<64xi32, #tpu.memory_space<hbm>>) target(%arg10 : memref<64xi32, #tpu.memory_space<vmem>>) target_semaphore(%arg14 : memref<!tpu.dma_semaphore, #tpu.memory_space<semaphore_mem>>)
        %mul3A_100 = arith.constant 64 : i32
        %mul3A_101 = arith.muli %add3A_92, %mul3A_100 : i32
        %dma_start3A_102 = tpu.memref_slice %arg8[%mul3A_101] : memref<5120xi32, #tpu.memory_space<vmem>> -> memref<64xi32, #tpu.memory_space<vmem>>
        %dma_start3A_103 = arith.constant 0 : i32
        %dma_start3A_104 = arith.constant 0 : i32
        %dma_start3A_105 = tpu.memref_slice %arg2[%dma_start3A_103, %dma_start3A_104] : memref<10000x128xf32, #tpu.memory_space<hbm>> -> memref<10000x128xf32, #tpu.memory_space<hbm>>
        tpu.enqueue_indirect_dma source(%dma_start3A_105 : memref<10000x128xf32, #tpu.memory_space<hbm>>) target(%arg12 : memref<64x128xf32, #tpu.memory_space<vmem>>) offsets(%dma_start3A_102 : memref<64xi32, #tpu.memory_space<vmem>>) semaphore(%arg13 : memref<!tpu.dma_semaphore, #tpu.memory_space<semaphore_mem>>)
        %mul3A_106 = arith.constant 64 : i32
        %mul3A_107 = arith.muli %mul3A_90, %mul3A_106 : i32
        %dma_wait3A = tpu.memref_slice %arg8[%mul3A_107] : memref<5120xi32, #tpu.memory_space<vmem>> -> memref<64xi32, #tpu.memory_space<vmem>>
        %dma_wait3A_108 = arith.constant 0 : i32
        %dma_wait3A_109 = arith.constant 0 : i32
        %dma_wait3A_110 = tpu.memref_slice %arg2[%dma_wait3A_108, %dma_wait3A_109] : memref<10000x128xf32, #tpu.memory_space<hbm>> -> memref<10000x128xf32, #tpu.memory_space<hbm>>
        tpu.wait_indirect_dma semaphore(%arg13 : memref<!tpu.dma_semaphore, #tpu.memory_space<semaphore_mem>>) src(%dma_wait3A_110 : memref<10000x128xf32, #tpu.memory_space<hbm>>) dst(%arg11 : memref<64x128xf32, #tpu.memory_space<vmem>>)
        %mul3A_111 = arith.constant 64 : i32
        %mul3A_112 = arith.muli %mul3A_90, %mul3A_111 : i32
        %add3A_113 = arith.addi %add3A_17, %mul3A_112 : i32
        %dma_wait3A_114 = tpu.memref_slice %arg4[%add3A_113] : memref<327680xi32, #tpu.memory_space<hbm>> -> memref<64xi32, #tpu.memory_space<hbm>>
        %dma_wait3A_115 = tpu.memref_slice %arg4[%add3A_113] : memref<327680xi32, #tpu.memory_space<hbm>> -> memref<64xi32, #tpu.memory_space<hbm>>
        tpu.wait_dma2 semaphore(%arg14 : memref<!tpu.dma_semaphore, #tpu.memory_space<semaphore_mem>>) src(%dma_wait3A_115 : memref<64xi32, #tpu.memory_space<hbm>>) dst(%arg9 : memref<64xi32, #tpu.memory_space<vmem>>)
        "tpu.region"() ({
          %run_scoped3A = tpu.sem_alloc : memref<!tpu.dma_semaphore, #tpu.memory_space<semaphore_mem>>
          %dma_start3A_131 = arith.constant 0 : i32
          %dma_start3A_132 = arith.constant 0 : i32
          %dma_start3A_133 = tpu.memref_slice %arg7[%dma_start3A_131, %dma_start3A_132] : memref<10112x128xf32, #tpu.memory_space<vmem_shared>> -> memref<10112x128xf32, #tpu.memory_space<vmem_shared>>
          tpu.enqueue_indirect_dma source(%arg11 : memref<64x128xf32, #tpu.memory_space<vmem>>) target(%dma_start3A_133 : memref<10112x128xf32, #tpu.memory_space<vmem_shared>>) offsets(%arg9 : memref<64xi32, #tpu.memory_space<vmem>>) semaphore(%run_scoped3A : memref<!tpu.dma_semaphore, #tpu.memory_space<semaphore_mem>>) {add = true}
          %dma_wait3A_134 = arith.constant 0 : i32
          %dma_wait3A_135 = arith.constant 0 : i32
          %dma_wait3A_136 = tpu.memref_slice %arg7[%dma_wait3A_134, %dma_wait3A_135] : memref<10112x128xf32, #tpu.memory_space<vmem_shared>> -> memref<10112x128xf32, #tpu.memory_space<vmem_shared>>
          tpu.wait_indirect_dma semaphore(%run_scoped3A : memref<!tpu.dma_semaphore, #tpu.memory_space<semaphore_mem>>) src(%arg11 : memref<64x128xf32, #tpu.memory_space<vmem>>) dst(%dma_wait3A_136 : memref<10112x128xf32, #tpu.memory_space<vmem_shared>>)
          tpu.yield
        }) : () -> ()
        %lt3A = arith.constant 80 : i32
        %lt3A_116 = arith.cmpi slt, %add3A_94, %lt3A : i32
        %convert_element_type3A_117 = arith.extui %lt3A_116 : i1 to i32
        %cond3A_118 = arith.constant 0 : i32
        %cond3A_119 = arith.cmpi ne, %convert_element_type3A_117, %cond3A_118 : i32
        scf.if %cond3A_119 {
          %mul3A_131 = arith.constant 64 : i32
          %mul3A_132 = arith.muli %add3A_94, %mul3A_131 : i32
          %add3A_133 = arith.addi %add3A_17, %mul3A_132 : i32
          %dma_start3A_134 = tpu.memref_slice %arg4[%add3A_133] : memref<327680xi32, #tpu.memory_space<hbm>> -> memref<64xi32, #tpu.memory_space<hbm>>
          %dma_start3A_135 = tpu.memref_slice %arg4[%add3A_133] : memref<327680xi32, #tpu.memory_space<hbm>> -> memref<64xi32, #tpu.memory_space<hbm>>
          tpu.enqueue_dma source(%dma_start3A_135 : memref<64xi32, #tpu.memory_space<hbm>>) target(%arg9 : memref<64xi32, #tpu.memory_space<vmem>>) target_semaphore(%arg14 : memref<!tpu.dma_semaphore, #tpu.memory_space<semaphore_mem>>)
          %mul3A_136 = arith.constant 64 : i32
          %mul3A_137 = arith.muli %add3A_94, %mul3A_136 : i32
          %dma_start3A_138 = tpu.memref_slice %arg8[%mul3A_137] : memref<5120xi32, #tpu.memory_space<vmem>> -> memref<64xi32, #tpu.memory_space<vmem>>
          %dma_start3A_139 = arith.constant 0 : i32
          %dma_start3A_140 = arith.constant 0 : i32
          %dma_start3A_141 = tpu.memref_slice %arg2[%dma_start3A_139, %dma_start3A_140] : memref<10000x128xf32, #tpu.memory_space<hbm>> -> memref<10000x128xf32, #tpu.memory_space<hbm>>
          tpu.enqueue_indirect_dma source(%dma_start3A_141 : memref<10000x128xf32, #tpu.memory_space<hbm>>) target(%arg11 : memref<64x128xf32, #tpu.memory_space<vmem>>) offsets(%dma_start3A_138 : memref<64xi32, #tpu.memory_space<vmem>>) semaphore(%arg13 : memref<!tpu.dma_semaphore, #tpu.memory_space<semaphore_mem>>)
        } else {
        }
        %mul3A_120 = arith.constant 64 : i32
        %mul3A_121 = arith.muli %add3A_92, %mul3A_120 : i32
        %dma_wait3A_122 = tpu.memref_slice %arg8[%mul3A_121] : memref<5120xi32, #tpu.memory_space<vmem>> -> memref<64xi32, #tpu.memory_space<vmem>>
        %dma_wait3A_123 = arith.constant 0 : i32
        %dma_wait3A_124 = arith.constant 0 : i32
        %dma_wait3A_125 = tpu.memref_slice %arg2[%dma_wait3A_123, %dma_wait3A_124] : memref<10000x128xf32, #tpu.memory_space<hbm>> -> memref<10000x128xf32, #tpu.memory_space<hbm>>
        tpu.wait_indirect_dma semaphore(%arg13 : memref<!tpu.dma_semaphore, #tpu.memory_space<semaphore_mem>>) src(%dma_wait3A_125 : memref<10000x128xf32, #tpu.memory_space<hbm>>) dst(%arg12 : memref<64x128xf32, #tpu.memory_space<vmem>>)
        %mul3A_126 = arith.constant 64 : i32
        %mul3A_127 = arith.muli %add3A_92, %mul3A_126 : i32
        %add3A_128 = arith.addi %add3A_17, %mul3A_127 : i32
        %dma_wait3A_129 = tpu.memref_slice %arg4[%add3A_128] : memref<327680xi32, #tpu.memory_space<hbm>> -> memref<64xi32, #tpu.memory_space<hbm>>
        %dma_wait3A_130 = tpu.memref_slice %arg4[%add3A_128] : memref<327680xi32, #tpu.memory_space<hbm>> -> memref<64xi32, #tpu.memory_space<hbm>>
        tpu.wait_dma2 semaphore(%arg14 : memref<!tpu.dma_semaphore, #tpu.memory_space<semaphore_mem>>) src(%dma_wait3A_130 : memref<64xi32, #tpu.memory_space<hbm>>) dst(%arg10 : memref<64xi32, #tpu.memory_space<vmem>>)
        "tpu.region"() ({
          %run_scoped3A = tpu.sem_alloc : memref<!tpu.dma_semaphore, #tpu.memory_space<semaphore_mem>>
          %dma_start3A_131 = arith.constant 0 : i32
          %dma_start3A_132 = arith.constant 0 : i32
          %dma_start3A_133 = tpu.memref_slice %arg7[%dma_start3A_131, %dma_start3A_132] : memref<10112x128xf32, #tpu.memory_space<vmem_shared>> -> memref<10112x128xf32, #tpu.memory_space<vmem_shared>>
          tpu.enqueue_indirect_dma source(%arg12 : memref<64x128xf32, #tpu.memory_space<vmem>>) target(%dma_start3A_133 : memref<10112x128xf32, #tpu.memory_space<vmem_shared>>) offsets(%arg10 : memref<64xi32, #tpu.memory_space<vmem>>) semaphore(%run_scoped3A : memref<!tpu.dma_semaphore, #tpu.memory_space<semaphore_mem>>) {add = true}
          %dma_wait3A_134 = arith.constant 0 : i32
          %dma_wait3A_135 = arith.constant 0 : i32
          %dma_wait3A_136 = tpu.memref_slice %arg7[%dma_wait3A_134, %dma_wait3A_135] : memref<10112x128xf32, #tpu.memory_space<vmem_shared>> -> memref<10112x128xf32, #tpu.memory_space<vmem_shared>>
          tpu.wait_indirect_dma semaphore(%run_scoped3A : memref<!tpu.dma_semaphore, #tpu.memory_space<semaphore_mem>>) src(%arg12 : memref<64x128xf32, #tpu.memory_space<vmem>>) dst(%dma_wait3A_136 : memref<10112x128xf32, #tpu.memory_space<vmem_shared>>)
          tpu.yield
        }) : () -> ()
      }
      %scan3A_29 = arith.constant 40 : i32
      %mul3A_30 = arith.constant 20480 : i32
      %mul3A_31 = arith.muli %arg1, %mul3A_30 : i32
      %add3A_32 = arith.constant 5120 : i32
      %add3A_33 = arith.addi %mul3A_31, %add3A_32 : i32
      "tpu.region"() ({
        %run_scoped3A = tpu.sem_alloc : memref<!tpu.dma_semaphore, #tpu.memory_space<semaphore_mem>>
        %dma_start3A_84 = tpu.memref_slice %arg3[%add3A_33] : memref<327680xi32, #tpu.memory_space<hbm>> -> memref<5120xi32, #tpu.memory_space<hbm>>
        %dma_start3A_85 = tpu.memref_slice %arg3[%add3A_33] : memref<327680xi32, #tpu.memory_space<hbm>> -> memref<5120xi32, #tpu.memory_space<hbm>>
        tpu.enqueue_dma source(%dma_start3A_85 : memref<5120xi32, #tpu.memory_space<hbm>>) target(%arg8 : memref<5120xi32, #tpu.memory_space<vmem>>) target_semaphore(%run_scoped3A : memref<!tpu.dma_semaphore, #tpu.memory_space<semaphore_mem>>)
        %dma_wait3A = tpu.memref_slice %arg3[%add3A_33] : memref<327680xi32, #tpu.memory_space<hbm>> -> memref<5120xi32, #tpu.memory_space<hbm>>
        %dma_wait3A_86 = tpu.memref_slice %arg3[%add3A_33] : memref<327680xi32, #tpu.memory_space<hbm>> -> memref<5120xi32, #tpu.memory_space<hbm>>
        tpu.wait_dma2 semaphore(%run_scoped3A : memref<!tpu.dma_semaphore, #tpu.memory_space<semaphore_mem>>) src(%dma_wait3A_86 : memref<5120xi32, #tpu.memory_space<hbm>>) dst(%arg8 : memref<5120xi32, #tpu.memory_space<vmem>>)
        tpu.yield
      }) : () -> ()
      %add3A_34 = arith.constant 0 : i32
      %add3A_35 = arith.addi %add3A_33, %add3A_34 : i32
      %dma_start3A_36 = tpu.memref_slice %arg4[%add3A_35] : memref<327680xi32, #tpu.memory_space<hbm>> -> memref<64xi32, #tpu.memory_space<hbm>>
      %dma_start3A_37 = tpu.memref_slice %arg4[%add3A_35] : memref<327680xi32, #tpu.memory_space<hbm>> -> memref<64xi32, #tpu.memory_space<hbm>>
      tpu.enqueue_dma source(%dma_start3A_37 : memref<64xi32, #tpu.memory_space<hbm>>) target(%arg9 : memref<64xi32, #tpu.memory_space<vmem>>) target_semaphore(%arg14 : memref<!tpu.dma_semaphore, #tpu.memory_space<semaphore_mem>>)
      %dma_start3A_38 = arith.constant 0 : i32
      %dma_start3A_39 = tpu.memref_slice %arg8[%dma_start3A_38] : memref<5120xi32, #tpu.memory_space<vmem>> -> memref<64xi32, #tpu.memory_space<vmem>>
      %dma_start3A_40 = arith.constant 0 : i32
      %dma_start3A_41 = arith.constant 0 : i32
      %dma_start3A_42 = tpu.memref_slice %arg2[%dma_start3A_40, %dma_start3A_41] : memref<10000x128xf32, #tpu.memory_space<hbm>> -> memref<10000x128xf32, #tpu.memory_space<hbm>>
      tpu.enqueue_indirect_dma source(%dma_start3A_42 : memref<10000x128xf32, #tpu.memory_space<hbm>>) target(%arg11 : memref<64x128xf32, #tpu.memory_space<vmem>>) offsets(%dma_start3A_39 : memref<64xi32, #tpu.memory_space<vmem>>) semaphore(%arg13 : memref<!tpu.dma_semaphore, #tpu.memory_space<semaphore_mem>>)
      %scan3A_43 = arith.constant 0 : i32
      %scan3A_44 = arith.constant 40 : i32
      %scan3A_45 = arith.addi %scan3A_43, %scan3A_44 : i32
      %scan3A_46 = arith.constant 1 : i32
      scf.for %scan3A_84 = %scan3A_43 to %scan3A_45 step %scan3A_46  : i32 {
        %mul3A_85 = arith.constant 1 : i32
        %mul3A_86 = arith.muli %scan3A_84, %mul3A_85 : i32
        %add3A_87 = arith.constant 0 : i32
        %add3A_88 = arith.addi %add3A_87, %mul3A_86 : i32
        %mul3A_89 = arith.constant 2 : i32
        %mul3A_90 = arith.muli %mul3A_89, %add3A_88 : i32
        %add3A_91 = arith.constant 1 : i32
        %add3A_92 = arith.addi %mul3A_90, %add3A_91 : i32
        %add3A_93 = arith.constant 2 : i32
        %add3A_94 = arith.addi %mul3A_90, %add3A_93 : i32
        %mul3A_95 = arith.constant 64 : i32
        %mul3A_96 = arith.muli %add3A_92, %mul3A_95 : i32
        %add3A_97 = arith.addi %add3A_33, %mul3A_96 : i32
        %dma_start3A_98 = tpu.memref_slice %arg4[%add3A_97] : memref<327680xi32, #tpu.memory_space<hbm>> -> memref<64xi32, #tpu.memory_space<hbm>>
        %dma_start3A_99 = tpu.memref_slice %arg4[%add3A_97] : memref<327680xi32, #tpu.memory_space<hbm>> -> memref<64xi32, #tpu.memory_space<hbm>>
        tpu.enqueue_dma source(%dma_start3A_99 : memref<64xi32, #tpu.memory_space<hbm>>) target(%arg10 : memref<64xi32, #tpu.memory_space<vmem>>) target_semaphore(%arg14 : memref<!tpu.dma_semaphore, #tpu.memory_space<semaphore_mem>>)
        %mul3A_100 = arith.constant 64 : i32
        %mul3A_101 = arith.muli %add3A_92, %mul3A_100 : i32
        %dma_start3A_102 = tpu.memref_slice %arg8[%mul3A_101] : memref<5120xi32, #tpu.memory_space<vmem>> -> memref<64xi32, #tpu.memory_space<vmem>>
        %dma_start3A_103 = arith.constant 0 : i32
        %dma_start3A_104 = arith.constant 0 : i32
        %dma_start3A_105 = tpu.memref_slice %arg2[%dma_start3A_103, %dma_start3A_104] : memref<10000x128xf32, #tpu.memory_space<hbm>> -> memref<10000x128xf32, #tpu.memory_space<hbm>>
        tpu.enqueue_indirect_dma source(%dma_start3A_105 : memref<10000x128xf32, #tpu.memory_space<hbm>>) target(%arg12 : memref<64x128xf32, #tpu.memory_space<vmem>>) offsets(%dma_start3A_102 : memref<64xi32, #tpu.memory_space<vmem>>) semaphore(%arg13 : memref<!tpu.dma_semaphore, #tpu.memory_space<semaphore_mem>>)
        %mul3A_106 = arith.constant 64 : i32
        %mul3A_107 = arith.muli %mul3A_90, %mul3A_106 : i32
        %dma_wait3A = tpu.memref_slice %arg8[%mul3A_107] : memref<5120xi32, #tpu.memory_space<vmem>> -> memref<64xi32, #tpu.memory_space<vmem>>
        %dma_wait3A_108 = arith.constant 0 : i32
        %dma_wait3A_109 = arith.constant 0 : i32
        %dma_wait3A_110 = tpu.memref_slice %arg2[%dma_wait3A_108, %dma_wait3A_109] : memref<10000x128xf32, #tpu.memory_space<hbm>> -> memref<10000x128xf32, #tpu.memory_space<hbm>>
        tpu.wait_indirect_dma semaphore(%arg13 : memref<!tpu.dma_semaphore, #tpu.memory_space<semaphore_mem>>) src(%dma_wait3A_110 : memref<10000x128xf32, #tpu.memory_space<hbm>>) dst(%arg11 : memref<64x128xf32, #tpu.memory_space<vmem>>)
        %mul3A_111 = arith.constant 64 : i32
        %mul3A_112 = arith.muli %mul3A_90, %mul3A_111 : i32
        %add3A_113 = arith.addi %add3A_33, %mul3A_112 : i32
        %dma_wait3A_114 = tpu.memref_slice %arg4[%add3A_113] : memref<327680xi32, #tpu.memory_space<hbm>> -> memref<64xi32, #tpu.memory_space<hbm>>
        %dma_wait3A_115 = tpu.memref_slice %arg4[%add3A_113] : memref<327680xi32, #tpu.memory_space<hbm>> -> memref<64xi32, #tpu.memory_space<hbm>>
        tpu.wait_dma2 semaphore(%arg14 : memref<!tpu.dma_semaphore, #tpu.memory_space<semaphore_mem>>) src(%dma_wait3A_115 : memref<64xi32, #tpu.memory_space<hbm>>) dst(%arg9 : memref<64xi32, #tpu.memory_space<vmem>>)
        "tpu.region"() ({
          %run_scoped3A = tpu.sem_alloc : memref<!tpu.dma_semaphore, #tpu.memory_space<semaphore_mem>>
          %dma_start3A_131 = arith.constant 0 : i32
          %dma_start3A_132 = arith.constant 0 : i32
          %dma_start3A_133 = tpu.memref_slice %arg7[%dma_start3A_131, %dma_start3A_132] : memref<10112x128xf32, #tpu.memory_space<vmem_shared>> -> memref<10112x128xf32, #tpu.memory_space<vmem_shared>>
          tpu.enqueue_indirect_dma source(%arg11 : memref<64x128xf32, #tpu.memory_space<vmem>>) target(%dma_start3A_133 : memref<10112x128xf32, #tpu.memory_space<vmem_shared>>) offsets(%arg9 : memref<64xi32, #tpu.memory_space<vmem>>) semaphore(%run_scoped3A : memref<!tpu.dma_semaphore, #tpu.memory_space<semaphore_mem>>) {add = true}
          %dma_wait3A_134 = arith.constant 0 : i32
          %dma_wait3A_135 = arith.constant 0 : i32
          %dma_wait3A_136 = tpu.memref_slice %arg7[%dma_wait3A_134, %dma_wait3A_135] : memref<10112x128xf32, #tpu.memory_space<vmem_shared>> -> memref<10112x128xf32, #tpu.memory_space<vmem_shared>>
          tpu.wait_indirect_dma semaphore(%run_scoped3A : memref<!tpu.dma_semaphore, #tpu.memory_space<semaphore_mem>>) src(%arg11 : memref<64x128xf32, #tpu.memory_space<vmem>>) dst(%dma_wait3A_136 : memref<10112x128xf32, #tpu.memory_space<vmem_shared>>)
          tpu.yield
        }) : () -> ()
        %lt3A = arith.constant 80 : i32
        %lt3A_116 = arith.cmpi slt, %add3A_94, %lt3A : i32
        %convert_element_type3A_117 = arith.extui %lt3A_116 : i1 to i32
        %cond3A_118 = arith.constant 0 : i32
        %cond3A_119 = arith.cmpi ne, %convert_element_type3A_117, %cond3A_118 : i32
        scf.if %cond3A_119 {
          %mul3A_131 = arith.constant 64 : i32
          %mul3A_132 = arith.muli %add3A_94, %mul3A_131 : i32
          %add3A_133 = arith.addi %add3A_33, %mul3A_132 : i32
          %dma_start3A_134 = tpu.memref_slice %arg4[%add3A_133] : memref<327680xi32, #tpu.memory_space<hbm>> -> memref<64xi32, #tpu.memory_space<hbm>>
          %dma_start3A_135 = tpu.memref_slice %arg4[%add3A_133] : memref<327680xi32, #tpu.memory_space<hbm>> -> memref<64xi32, #tpu.memory_space<hbm>>
          tpu.enqueue_dma source(%dma_start3A_135 : memref<64xi32, #tpu.memory_space<hbm>>) target(%arg9 : memref<64xi32, #tpu.memory_space<vmem>>) target_semaphore(%arg14 : memref<!tpu.dma_semaphore, #tpu.memory_space<semaphore_mem>>)
          %mul3A_136 = arith.constant 64 : i32
          %mul3A_137 = arith.muli %add3A_94, %mul3A_136 : i32
          %dma_start3A_138 = tpu.memref_slice %arg8[%mul3A_137] : memref<5120xi32, #tpu.memory_space<vmem>> -> memref<64xi32, #tpu.memory_space<vmem>>
          %dma_start3A_139 = arith.constant 0 : i32
          %dma_start3A_140 = arith.constant 0 : i32
          %dma_start3A_141 = tpu.memref_slice %arg2[%dma_start3A_139, %dma_start3A_140] : memref<10000x128xf32, #tpu.memory_space<hbm>> -> memref<10000x128xf32, #tpu.memory_space<hbm>>
          tpu.enqueue_indirect_dma source(%dma_start3A_141 : memref<10000x128xf32, #tpu.memory_space<hbm>>) target(%arg11 : memref<64x128xf32, #tpu.memory_space<vmem>>) offsets(%dma_start3A_138 : memref<64xi32, #tpu.memory_space<vmem>>) semaphore(%arg13 : memref<!tpu.dma_semaphore, #tpu.memory_space<semaphore_mem>>)
        } else {
        }
        %mul3A_120 = arith.constant 64 : i32
        %mul3A_121 = arith.muli %add3A_92, %mul3A_120 : i32
        %dma_wait3A_122 = tpu.memref_slice %arg8[%mul3A_121] : memref<5120xi32, #tpu.memory_space<vmem>> -> memref<64xi32, #tpu.memory_space<vmem>>
        %dma_wait3A_123 = arith.constant 0 : i32
        %dma_wait3A_124 = arith.constant 0 : i32
        %dma_wait3A_125 = tpu.memref_slice %arg2[%dma_wait3A_123, %dma_wait3A_124] : memref<10000x128xf32, #tpu.memory_space<hbm>> -> memref<10000x128xf32, #tpu.memory_space<hbm>>
        tpu.wait_indirect_dma semaphore(%arg13 : memref<!tpu.dma_semaphore, #tpu.memory_space<semaphore_mem>>) src(%dma_wait3A_125 : memref<10000x128xf32, #tpu.memory_space<hbm>>) dst(%arg12 : memref<64x128xf32, #tpu.memory_space<vmem>>)
        %mul3A_126 = arith.constant 64 : i32
        %mul3A_127 = arith.muli %add3A_92, %mul3A_126 : i32
        %add3A_128 = arith.addi %add3A_33, %mul3A_127 : i32
        %dma_wait3A_129 = tpu.memref_slice %arg4[%add3A_128] : memref<327680xi32, #tpu.memory_space<hbm>> -> memref<64xi32, #tpu.memory_space<hbm>>
        %dma_wait3A_130 = tpu.memref_slice %arg4[%add3A_128] : memref<327680xi32, #tpu.memory_space<hbm>> -> memref<64xi32, #tpu.memory_space<hbm>>
        tpu.wait_dma2 semaphore(%arg14 : memref<!tpu.dma_semaphore, #tpu.memory_space<semaphore_mem>>) src(%dma_wait3A_130 : memref<64xi32, #tpu.memory_space<hbm>>) dst(%arg10 : memref<64xi32, #tpu.memory_space<vmem>>)
        "tpu.region"() ({
          %run_scoped3A = tpu.sem_alloc : memref<!tpu.dma_semaphore, #tpu.memory_space<semaphore_mem>>
          %dma_start3A_131 = arith.constant 0 : i32
          %dma_start3A_132 = arith.constant 0 : i32
          %dma_start3A_133 = tpu.memref_slice %arg7[%dma_start3A_131, %dma_start3A_132] : memref<10112x128xf32, #tpu.memory_space<vmem_shared>> -> memref<10112x128xf32, #tpu.memory_space<vmem_shared>>
          tpu.enqueue_indirect_dma source(%arg12 : memref<64x128xf32, #tpu.memory_space<vmem>>) target(%dma_start3A_133 : memref<10112x128xf32, #tpu.memory_space<vmem_shared>>) offsets(%arg10 : memref<64xi32, #tpu.memory_space<vmem>>) semaphore(%run_scoped3A : memref<!tpu.dma_semaphore, #tpu.memory_space<semaphore_mem>>) {add = true}
          %dma_wait3A_134 = arith.constant 0 : i32
          %dma_wait3A_135 = arith.constant 0 : i32
          %dma_wait3A_136 = tpu.memref_slice %arg7[%dma_wait3A_134, %dma_wait3A_135] : memref<10112x128xf32, #tpu.memory_space<vmem_shared>> -> memref<10112x128xf32, #tpu.memory_space<vmem_shared>>
          tpu.wait_indirect_dma semaphore(%run_scoped3A : memref<!tpu.dma_semaphore, #tpu.memory_space<semaphore_mem>>) src(%arg12 : memref<64x128xf32, #tpu.memory_space<vmem>>) dst(%dma_wait3A_136 : memref<10112x128xf32, #tpu.memory_space<vmem_shared>>)
          tpu.yield
        }) : () -> ()
      }
      %scan3A_47 = arith.constant 40 : i32
      %mul3A_48 = arith.constant 20480 : i32
      %mul3A_49 = arith.muli %arg1, %mul3A_48 : i32
      %add3A_50 = arith.constant 10240 : i32
      %add3A_51 = arith.addi %mul3A_49, %add3A_50 : i32
      "tpu.region"() ({
        %run_scoped3A = tpu.sem_alloc : memref<!tpu.dma_semaphore, #tpu.memory_space<semaphore_mem>>
        %dma_start3A_84 = tpu.memref_slice %arg3[%add3A_51] : memref<327680xi32, #tpu.memory_space<hbm>> -> memref<5120xi32, #tpu.memory_space<hbm>>
        %dma_start3A_85 = tpu.memref_slice %arg3[%add3A_51] : memref<327680xi32, #tpu.memory_space<hbm>> -> memref<5120xi32, #tpu.memory_space<hbm>>
        tpu.enqueue_dma source(%dma_start3A_85 : memref<5120xi32, #tpu.memory_space<hbm>>) target(%arg8 : memref<5120xi32, #tpu.memory_space<vmem>>) target_semaphore(%run_scoped3A : memref<!tpu.dma_semaphore, #tpu.memory_space<semaphore_mem>>)
        %dma_wait3A = tpu.memref_slice %arg3[%add3A_51] : memref<327680xi32, #tpu.memory_space<hbm>> -> memref<5120xi32, #tpu.memory_space<hbm>>
        %dma_wait3A_86 = tpu.memref_slice %arg3[%add3A_51] : memref<327680xi32, #tpu.memory_space<hbm>> -> memref<5120xi32, #tpu.memory_space<hbm>>
        tpu.wait_dma2 semaphore(%run_scoped3A : memref<!tpu.dma_semaphore, #tpu.memory_space<semaphore_mem>>) src(%dma_wait3A_86 : memref<5120xi32, #tpu.memory_space<hbm>>) dst(%arg8 : memref<5120xi32, #tpu.memory_space<vmem>>)
        tpu.yield
      }) : () -> ()
      %add3A_52 = arith.constant 0 : i32
      %add3A_53 = arith.addi %add3A_51, %add3A_52 : i32
      %dma_start3A_54 = tpu.memref_slice %arg4[%add3A_53] : memref<327680xi32, #tpu.memory_space<hbm>> -> memref<64xi32, #tpu.memory_space<hbm>>
      %dma_start3A_55 = tpu.memref_slice %arg4[%add3A_53] : memref<327680xi32, #tpu.memory_space<hbm>> -> memref<64xi32, #tpu.memory_space<hbm>>
      tpu.enqueue_dma source(%dma_start3A_55 : memref<64xi32, #tpu.memory_space<hbm>>) target(%arg9 : memref<64xi32, #tpu.memory_space<vmem>>) target_semaphore(%arg14 : memref<!tpu.dma_semaphore, #tpu.memory_space<semaphore_mem>>)
      %dma_start3A_56 = arith.constant 0 : i32
      %dma_start3A_57 = tpu.memref_slice %arg8[%dma_start3A_56] : memref<5120xi32, #tpu.memory_space<vmem>> -> memref<64xi32, #tpu.memory_space<vmem>>
      %dma_start3A_58 = arith.constant 0 : i32
      %dma_start3A_59 = arith.constant 0 : i32
      %dma_start3A_60 = tpu.memref_slice %arg2[%dma_start3A_58, %dma_start3A_59] : memref<10000x128xf32, #tpu.memory_space<hbm>> -> memref<10000x128xf32, #tpu.memory_space<hbm>>
      tpu.enqueue_indirect_dma source(%dma_start3A_60 : memref<10000x128xf32, #tpu.memory_space<hbm>>) target(%arg11 : memref<64x128xf32, #tpu.memory_space<vmem>>) offsets(%dma_start3A_57 : memref<64xi32, #tpu.memory_space<vmem>>) semaphore(%arg13 : memref<!tpu.dma_semaphore, #tpu.memory_space<semaphore_mem>>)
      %scan3A_61 = arith.constant 0 : i32
      %scan3A_62 = arith.constant 40 : i32
      %scan3A_63 = arith.addi %scan3A_61, %scan3A_62 : i32
      %scan3A_64 = arith.constant 1 : i32
      scf.for %scan3A_84 = %scan3A_61 to %scan3A_63 step %scan3A_64  : i32 {
        %mul3A_85 = arith.constant 1 : i32
        %mul3A_86 = arith.muli %scan3A_84, %mul3A_85 : i32
        %add3A_87 = arith.constant 0 : i32
        %add3A_88 = arith.addi %add3A_87, %mul3A_86 : i32
        %mul3A_89 = arith.constant 2 : i32
        %mul3A_90 = arith.muli %mul3A_89, %add3A_88 : i32
        %add3A_91 = arith.constant 1 : i32
        %add3A_92 = arith.addi %mul3A_90, %add3A_91 : i32
        %add3A_93 = arith.constant 2 : i32
        %add3A_94 = arith.addi %mul3A_90, %add3A_93 : i32
        %mul3A_95 = arith.constant 64 : i32
        %mul3A_96 = arith.muli %add3A_92, %mul3A_95 : i32
        %add3A_97 = arith.addi %add3A_51, %mul3A_96 : i32
        %dma_start3A_98 = tpu.memref_slice %arg4[%add3A_97] : memref<327680xi32, #tpu.memory_space<hbm>> -> memref<64xi32, #tpu.memory_space<hbm>>
        %dma_start3A_99 = tpu.memref_slice %arg4[%add3A_97] : memref<327680xi32, #tpu.memory_space<hbm>> -> memref<64xi32, #tpu.memory_space<hbm>>
        tpu.enqueue_dma source(%dma_start3A_99 : memref<64xi32, #tpu.memory_space<hbm>>) target(%arg10 : memref<64xi32, #tpu.memory_space<vmem>>) target_semaphore(%arg14 : memref<!tpu.dma_semaphore, #tpu.memory_space<semaphore_mem>>)
        %mul3A_100 = arith.constant 64 : i32
        %mul3A_101 = arith.muli %add3A_92, %mul3A_100 : i32
        %dma_start3A_102 = tpu.memref_slice %arg8[%mul3A_101] : memref<5120xi32, #tpu.memory_space<vmem>> -> memref<64xi32, #tpu.memory_space<vmem>>
        %dma_start3A_103 = arith.constant 0 : i32
        %dma_start3A_104 = arith.constant 0 : i32
        %dma_start3A_105 = tpu.memref_slice %arg2[%dma_start3A_103, %dma_start3A_104] : memref<10000x128xf32, #tpu.memory_space<hbm>> -> memref<10000x128xf32, #tpu.memory_space<hbm>>
        tpu.enqueue_indirect_dma source(%dma_start3A_105 : memref<10000x128xf32, #tpu.memory_space<hbm>>) target(%arg12 : memref<64x128xf32, #tpu.memory_space<vmem>>) offsets(%dma_start3A_102 : memref<64xi32, #tpu.memory_space<vmem>>) semaphore(%arg13 : memref<!tpu.dma_semaphore, #tpu.memory_space<semaphore_mem>>)
        %mul3A_106 = arith.constant 64 : i32
        %mul3A_107 = arith.muli %mul3A_90, %mul3A_106 : i32
        %dma_wait3A = tpu.memref_slice %arg8[%mul3A_107] : memref<5120xi32, #tpu.memory_space<vmem>> -> memref<64xi32, #tpu.memory_space<vmem>>
        %dma_wait3A_108 = arith.constant 0 : i32
        %dma_wait3A_109 = arith.constant 0 : i32
        %dma_wait3A_110 = tpu.memref_slice %arg2[%dma_wait3A_108, %dma_wait3A_109] : memref<10000x128xf32, #tpu.memory_space<hbm>> -> memref<10000x128xf32, #tpu.memory_space<hbm>>
        tpu.wait_indirect_dma semaphore(%arg13 : memref<!tpu.dma_semaphore, #tpu.memory_space<semaphore_mem>>) src(%dma_wait3A_110 : memref<10000x128xf32, #tpu.memory_space<hbm>>) dst(%arg11 : memref<64x128xf32, #tpu.memory_space<vmem>>)
        %mul3A_111 = arith.constant 64 : i32
        %mul3A_112 = arith.muli %mul3A_90, %mul3A_111 : i32
        %add3A_113 = arith.addi %add3A_51, %mul3A_112 : i32
        %dma_wait3A_114 = tpu.memref_slice %arg4[%add3A_113] : memref<327680xi32, #tpu.memory_space<hbm>> -> memref<64xi32, #tpu.memory_space<hbm>>
        %dma_wait3A_115 = tpu.memref_slice %arg4[%add3A_113] : memref<327680xi32, #tpu.memory_space<hbm>> -> memref<64xi32, #tpu.memory_space<hbm>>
        tpu.wait_dma2 semaphore(%arg14 : memref<!tpu.dma_semaphore, #tpu.memory_space<semaphore_mem>>) src(%dma_wait3A_115 : memref<64xi32, #tpu.memory_space<hbm>>) dst(%arg9 : memref<64xi32, #tpu.memory_space<vmem>>)
        "tpu.region"() ({
          %run_scoped3A = tpu.sem_alloc : memref<!tpu.dma_semaphore, #tpu.memory_space<semaphore_mem>>
          %dma_start3A_131 = arith.constant 0 : i32
          %dma_start3A_132 = arith.constant 0 : i32
          %dma_start3A_133 = tpu.memref_slice %arg7[%dma_start3A_131, %dma_start3A_132] : memref<10112x128xf32, #tpu.memory_space<vmem_shared>> -> memref<10112x128xf32, #tpu.memory_space<vmem_shared>>
          tpu.enqueue_indirect_dma source(%arg11 : memref<64x128xf32, #tpu.memory_space<vmem>>) target(%dma_start3A_133 : memref<10112x128xf32, #tpu.memory_space<vmem_shared>>) offsets(%arg9 : memref<64xi32, #tpu.memory_space<vmem>>) semaphore(%run_scoped3A : memref<!tpu.dma_semaphore, #tpu.memory_space<semaphore_mem>>) {add = true}
          %dma_wait3A_134 = arith.constant 0 : i32
          %dma_wait3A_135 = arith.constant 0 : i32
          %dma_wait3A_136 = tpu.memref_slice %arg7[%dma_wait3A_134, %dma_wait3A_135] : memref<10112x128xf32, #tpu.memory_space<vmem_shared>> -> memref<10112x128xf32, #tpu.memory_space<vmem_shared>>
          tpu.wait_indirect_dma semaphore(%run_scoped3A : memref<!tpu.dma_semaphore, #tpu.memory_space<semaphore_mem>>) src(%arg11 : memref<64x128xf32, #tpu.memory_space<vmem>>) dst(%dma_wait3A_136 : memref<10112x128xf32, #tpu.memory_space<vmem_shared>>)
          tpu.yield
        }) : () -> ()
        %lt3A = arith.constant 80 : i32
        %lt3A_116 = arith.cmpi slt, %add3A_94, %lt3A : i32
        %convert_element_type3A_117 = arith.extui %lt3A_116 : i1 to i32
        %cond3A_118 = arith.constant 0 : i32
        %cond3A_119 = arith.cmpi ne, %convert_element_type3A_117, %cond3A_118 : i32
        scf.if %cond3A_119 {
          %mul3A_131 = arith.constant 64 : i32
          %mul3A_132 = arith.muli %add3A_94, %mul3A_131 : i32
          %add3A_133 = arith.addi %add3A_51, %mul3A_132 : i32
          %dma_start3A_134 = tpu.memref_slice %arg4[%add3A_133] : memref<327680xi32, #tpu.memory_space<hbm>> -> memref<64xi32, #tpu.memory_space<hbm>>
          %dma_start3A_135 = tpu.memref_slice %arg4[%add3A_133] : memref<327680xi32, #tpu.memory_space<hbm>> -> memref<64xi32, #tpu.memory_space<hbm>>
          tpu.enqueue_dma source(%dma_start3A_135 : memref<64xi32, #tpu.memory_space<hbm>>) target(%arg9 : memref<64xi32, #tpu.memory_space<vmem>>) target_semaphore(%arg14 : memref<!tpu.dma_semaphore, #tpu.memory_space<semaphore_mem>>)
          %mul3A_136 = arith.constant 64 : i32
          %mul3A_137 = arith.muli %add3A_94, %mul3A_136 : i32
          %dma_start3A_138 = tpu.memref_slice %arg8[%mul3A_137] : memref<5120xi32, #tpu.memory_space<vmem>> -> memref<64xi32, #tpu.memory_space<vmem>>
          %dma_start3A_139 = arith.constant 0 : i32
          %dma_start3A_140 = arith.constant 0 : i32
          %dma_start3A_141 = tpu.memref_slice %arg2[%dma_start3A_139, %dma_start3A_140] : memref<10000x128xf32, #tpu.memory_space<hbm>> -> memref<10000x128xf32, #tpu.memory_space<hbm>>
          tpu.enqueue_indirect_dma source(%dma_start3A_141 : memref<10000x128xf32, #tpu.memory_space<hbm>>) target(%arg11 : memref<64x128xf32, #tpu.memory_space<vmem>>) offsets(%dma_start3A_138 : memref<64xi32, #tpu.memory_space<vmem>>) semaphore(%arg13 : memref<!tpu.dma_semaphore, #tpu.memory_space<semaphore_mem>>)
        } else {
        }
        %mul3A_120 = arith.constant 64 : i32
        %mul3A_121 = arith.muli %add3A_92, %mul3A_120 : i32
        %dma_wait3A_122 = tpu.memref_slice %arg8[%mul3A_121] : memref<5120xi32, #tpu.memory_space<vmem>> -> memref<64xi32, #tpu.memory_space<vmem>>
        %dma_wait3A_123 = arith.constant 0 : i32
        %dma_wait3A_124 = arith.constant 0 : i32
        %dma_wait3A_125 = tpu.memref_slice %arg2[%dma_wait3A_123, %dma_wait3A_124] : memref<10000x128xf32, #tpu.memory_space<hbm>> -> memref<10000x128xf32, #tpu.memory_space<hbm>>
        tpu.wait_indirect_dma semaphore(%arg13 : memref<!tpu.dma_semaphore, #tpu.memory_space<semaphore_mem>>) src(%dma_wait3A_125 : memref<10000x128xf32, #tpu.memory_space<hbm>>) dst(%arg12 : memref<64x128xf32, #tpu.memory_space<vmem>>)
        %mul3A_126 = arith.constant 64 : i32
        %mul3A_127 = arith.muli %add3A_92, %mul3A_126 : i32
        %add3A_128 = arith.addi %add3A_51, %mul3A_127 : i32
        %dma_wait3A_129 = tpu.memref_slice %arg4[%add3A_128] : memref<327680xi32, #tpu.memory_space<hbm>> -> memref<64xi32, #tpu.memory_space<hbm>>
        %dma_wait3A_130 = tpu.memref_slice %arg4[%add3A_128] : memref<327680xi32, #tpu.memory_space<hbm>> -> memref<64xi32, #tpu.memory_space<hbm>>
        tpu.wait_dma2 semaphore(%arg14 : memref<!tpu.dma_semaphore, #tpu.memory_space<semaphore_mem>>) src(%dma_wait3A_130 : memref<64xi32, #tpu.memory_space<hbm>>) dst(%arg10 : memref<64xi32, #tpu.memory_space<vmem>>)
        "tpu.region"() ({
          %run_scoped3A = tpu.sem_alloc : memref<!tpu.dma_semaphore, #tpu.memory_space<semaphore_mem>>
          %dma_start3A_131 = arith.constant 0 : i32
          %dma_start3A_132 = arith.constant 0 : i32
          %dma_start3A_133 = tpu.memref_slice %arg7[%dma_start3A_131, %dma_start3A_132] : memref<10112x128xf32, #tpu.memory_space<vmem_shared>> -> memref<10112x128xf32, #tpu.memory_space<vmem_shared>>
          tpu.enqueue_indirect_dma source(%arg12 : memref<64x128xf32, #tpu.memory_space<vmem>>) target(%dma_start3A_133 : memref<10112x128xf32, #tpu.memory_space<vmem_shared>>) offsets(%arg10 : memref<64xi32, #tpu.memory_space<vmem>>) semaphore(%run_scoped3A : memref<!tpu.dma_semaphore, #tpu.memory_space<semaphore_mem>>) {add = true}
          %dma_wait3A_134 = arith.constant 0 : i32
          %dma_wait3A_135 = arith.constant 0 : i32
          %dma_wait3A_136 = tpu.memref_slice %arg7[%dma_wait3A_134, %dma_wait3A_135] : memref<10112x128xf32, #tpu.memory_space<vmem_shared>> -> memref<10112x128xf32, #tpu.memory_space<vmem_shared>>
          tpu.wait_indirect_dma semaphore(%run_scoped3A : memref<!tpu.dma_semaphore, #tpu.memory_space<semaphore_mem>>) src(%arg12 : memref<64x128xf32, #tpu.memory_space<vmem>>) dst(%dma_wait3A_136 : memref<10112x128xf32, #tpu.memory_space<vmem_shared>>)
          tpu.yield
        }) : () -> ()
      }
      %scan3A_65 = arith.constant 40 : i32
      %mul3A_66 = arith.constant 20480 : i32
      %mul3A_67 = arith.muli %arg1, %mul3A_66 : i32
      %add3A_68 = arith.constant 15360 : i32
      %add3A_69 = arith.addi %mul3A_67, %add3A_68 : i32
      "tpu.region"() ({
        %run_scoped3A = tpu.sem_alloc : memref<!tpu.dma_semaphore, #tpu.memory_space<semaphore_mem>>
        %dma_start3A_84 = tpu.memref_slice %arg3[%add3A_69] : memref<327680xi32, #tpu.memory_space<hbm>> -> memref<5120xi32, #tpu.memory_space<hbm>>
        %dma_start3A_85 = tpu.memref_slice %arg3[%add3A_69] : memref<327680xi32, #tpu.memory_space<hbm>> -> memref<5120xi32, #tpu.memory_space<hbm>>
        tpu.enqueue_dma source(%dma_start3A_85 : memref<5120xi32, #tpu.memory_space<hbm>>) target(%arg8 : memref<5120xi32, #tpu.memory_space<vmem>>) target_semaphore(%run_scoped3A : memref<!tpu.dma_semaphore, #tpu.memory_space<semaphore_mem>>)
        %dma_wait3A = tpu.memref_slice %arg3[%add3A_69] : memref<327680xi32, #tpu.memory_space<hbm>> -> memref<5120xi32, #tpu.memory_space<hbm>>
        %dma_wait3A_86 = tpu.memref_slice %arg3[%add3A_69] : memref<327680xi32, #tpu.memory_space<hbm>> -> memref<5120xi32, #tpu.memory_space<hbm>>
        tpu.wait_dma2 semaphore(%run_scoped3A : memref<!tpu.dma_semaphore, #tpu.memory_space<semaphore_mem>>) src(%dma_wait3A_86 : memref<5120xi32, #tpu.memory_space<hbm>>) dst(%arg8 : memref<5120xi32, #tpu.memory_space<vmem>>)
        tpu.yield
      }) : () -> ()
      %add3A_70 = arith.constant 0 : i32
      %add3A_71 = arith.addi %add3A_69, %add3A_70 : i32
      %dma_start3A_72 = tpu.memref_slice %arg4[%add3A_71] : memref<327680xi32, #tpu.memory_space<hbm>> -> memref<64xi32, #tpu.memory_space<hbm>>
      %dma_start3A_73 = tpu.memref_slice %arg4[%add3A_71] : memref<327680xi32, #tpu.memory_space<hbm>> -> memref<64xi32, #tpu.memory_space<hbm>>
      tpu.enqueue_dma source(%dma_start3A_73 : memref<64xi32, #tpu.memory_space<hbm>>) target(%arg9 : memref<64xi32, #tpu.memory_space<vmem>>) target_semaphore(%arg14 : memref<!tpu.dma_semaphore, #tpu.memory_space<semaphore_mem>>)
      %dma_start3A_74 = arith.constant 0 : i32
      %dma_start3A_75 = tpu.memref_slice %arg8[%dma_start3A_74] : memref<5120xi32, #tpu.memory_space<vmem>> -> memref<64xi32, #tpu.memory_space<vmem>>
      %dma_start3A_76 = arith.constant 0 : i32
      %dma_start3A_77 = arith.constant 0 : i32
      %dma_start3A_78 = tpu.memref_slice %arg2[%dma_start3A_76, %dma_start3A_77] : memref<10000x128xf32, #tpu.memory_space<hbm>> -> memref<10000x128xf32, #tpu.memory_space<hbm>>
      tpu.enqueue_indirect_dma source(%dma_start3A_78 : memref<10000x128xf32, #tpu.memory_space<hbm>>) target(%arg11 : memref<64x128xf32, #tpu.memory_space<vmem>>) offsets(%dma_start3A_75 : memref<64xi32, #tpu.memory_space<vmem>>) semaphore(%arg13 : memref<!tpu.dma_semaphore, #tpu.memory_space<semaphore_mem>>)
      %scan3A_79 = arith.constant 0 : i32
      %scan3A_80 = arith.constant 40 : i32
      %scan3A_81 = arith.addi %scan3A_79, %scan3A_80 : i32
      %scan3A_82 = arith.constant 1 : i32
      scf.for %scan3A_84 = %scan3A_79 to %scan3A_81 step %scan3A_82  : i32 {
        %mul3A_85 = arith.constant 1 : i32
        %mul3A_86 = arith.muli %scan3A_84, %mul3A_85 : i32
        %add3A_87 = arith.constant 0 : i32
        %add3A_88 = arith.addi %add3A_87, %mul3A_86 : i32
        %mul3A_89 = arith.constant 2 : i32
        %mul3A_90 = arith.muli %mul3A_89, %add3A_88 : i32
        %add3A_91 = arith.constant 1 : i32
        %add3A_92 = arith.addi %mul3A_90, %add3A_91 : i32
        %add3A_93 = arith.constant 2 : i32
        %add3A_94 = arith.addi %mul3A_90, %add3A_93 : i32
        %mul3A_95 = arith.constant 64 : i32
        %mul3A_96 = arith.muli %add3A_92, %mul3A_95 : i32
        %add3A_97 = arith.addi %add3A_69, %mul3A_96 : i32
        %dma_start3A_98 = tpu.memref_slice %arg4[%add3A_97] : memref<327680xi32, #tpu.memory_space<hbm>> -> memref<64xi32, #tpu.memory_space<hbm>>
        %dma_start3A_99 = tpu.memref_slice %arg4[%add3A_97] : memref<327680xi32, #tpu.memory_space<hbm>> -> memref<64xi32, #tpu.memory_space<hbm>>
        tpu.enqueue_dma source(%dma_start3A_99 : memref<64xi32, #tpu.memory_space<hbm>>) target(%arg10 : memref<64xi32, #tpu.memory_space<vmem>>) target_semaphore(%arg14 : memref<!tpu.dma_semaphore, #tpu.memory_space<semaphore_mem>>)
        %mul3A_100 = arith.constant 64 : i32
        %mul3A_101 = arith.muli %add3A_92, %mul3A_100 : i32
        %dma_start3A_102 = tpu.memref_slice %arg8[%mul3A_101] : memref<5120xi32, #tpu.memory_space<vmem>> -> memref<64xi32, #tpu.memory_space<vmem>>
        %dma_start3A_103 = arith.constant 0 : i32
        %dma_start3A_104 = arith.constant 0 : i32
        %dma_start3A_105 = tpu.memref_slice %arg2[%dma_start3A_103, %dma_start3A_104] : memref<10000x128xf32, #tpu.memory_space<hbm>> -> memref<10000x128xf32, #tpu.memory_space<hbm>>
        tpu.enqueue_indirect_dma source(%dma_start3A_105 : memref<10000x128xf32, #tpu.memory_space<hbm>>) target(%arg12 : memref<64x128xf32, #tpu.memory_space<vmem>>) offsets(%dma_start3A_102 : memref<64xi32, #tpu.memory_space<vmem>>) semaphore(%arg13 : memref<!tpu.dma_semaphore, #tpu.memory_space<semaphore_mem>>)
        %mul3A_106 = arith.constant 64 : i32
        %mul3A_107 = arith.muli %mul3A_90, %mul3A_106 : i32
        %dma_wait3A = tpu.memref_slice %arg8[%mul3A_107] : memref<5120xi32, #tpu.memory_space<vmem>> -> memref<64xi32, #tpu.memory_space<vmem>>
        %dma_wait3A_108 = arith.constant 0 : i32
        %dma_wait3A_109 = arith.constant 0 : i32
        %dma_wait3A_110 = tpu.memref_slice %arg2[%dma_wait3A_108, %dma_wait3A_109] : memref<10000x128xf32, #tpu.memory_space<hbm>> -> memref<10000x128xf32, #tpu.memory_space<hbm>>
        tpu.wait_indirect_dma semaphore(%arg13 : memref<!tpu.dma_semaphore, #tpu.memory_space<semaphore_mem>>) src(%dma_wait3A_110 : memref<10000x128xf32, #tpu.memory_space<hbm>>) dst(%arg11 : memref<64x128xf32, #tpu.memory_space<vmem>>)
        %mul3A_111 = arith.constant 64 : i32
        %mul3A_112 = arith.muli %mul3A_90, %mul3A_111 : i32
        %add3A_113 = arith.addi %add3A_69, %mul3A_112 : i32
        %dma_wait3A_114 = tpu.memref_slice %arg4[%add3A_113] : memref<327680xi32, #tpu.memory_space<hbm>> -> memref<64xi32, #tpu.memory_space<hbm>>
        %dma_wait3A_115 = tpu.memref_slice %arg4[%add3A_113] : memref<327680xi32, #tpu.memory_space<hbm>> -> memref<64xi32, #tpu.memory_space<hbm>>
        tpu.wait_dma2 semaphore(%arg14 : memref<!tpu.dma_semaphore, #tpu.memory_space<semaphore_mem>>) src(%dma_wait3A_115 : memref<64xi32, #tpu.memory_space<hbm>>) dst(%arg9 : memref<64xi32, #tpu.memory_space<vmem>>)
        "tpu.region"() ({
          %run_scoped3A = tpu.sem_alloc : memref<!tpu.dma_semaphore, #tpu.memory_space<semaphore_mem>>
          %dma_start3A_131 = arith.constant 0 : i32
          %dma_start3A_132 = arith.constant 0 : i32
          %dma_start3A_133 = tpu.memref_slice %arg7[%dma_start3A_131, %dma_start3A_132] : memref<10112x128xf32, #tpu.memory_space<vmem_shared>> -> memref<10112x128xf32, #tpu.memory_space<vmem_shared>>
          tpu.enqueue_indirect_dma source(%arg11 : memref<64x128xf32, #tpu.memory_space<vmem>>) target(%dma_start3A_133 : memref<10112x128xf32, #tpu.memory_space<vmem_shared>>) offsets(%arg9 : memref<64xi32, #tpu.memory_space<vmem>>) semaphore(%run_scoped3A : memref<!tpu.dma_semaphore, #tpu.memory_space<semaphore_mem>>) {add = true}
          %dma_wait3A_134 = arith.constant 0 : i32
          %dma_wait3A_135 = arith.constant 0 : i32
          %dma_wait3A_136 = tpu.memref_slice %arg7[%dma_wait3A_134, %dma_wait3A_135] : memref<10112x128xf32, #tpu.memory_space<vmem_shared>> -> memref<10112x128xf32, #tpu.memory_space<vmem_shared>>
          tpu.wait_indirect_dma semaphore(%run_scoped3A : memref<!tpu.dma_semaphore, #tpu.memory_space<semaphore_mem>>) src(%arg11 : memref<64x128xf32, #tpu.memory_space<vmem>>) dst(%dma_wait3A_136 : memref<10112x128xf32, #tpu.memory_space<vmem_shared>>)
          tpu.yield
        }) : () -> ()
        %lt3A = arith.constant 80 : i32
        %lt3A_116 = arith.cmpi slt, %add3A_94, %lt3A : i32
        %convert_element_type3A_117 = arith.extui %lt3A_116 : i1 to i32
        %cond3A_118 = arith.constant 0 : i32
        %cond3A_119 = arith.cmpi ne, %convert_element_type3A_117, %cond3A_118 : i32
        scf.if %cond3A_119 {
          %mul3A_131 = arith.constant 64 : i32
          %mul3A_132 = arith.muli %add3A_94, %mul3A_131 : i32
          %add3A_133 = arith.addi %add3A_69, %mul3A_132 : i32
          %dma_start3A_134 = tpu.memref_slice %arg4[%add3A_133] : memref<327680xi32, #tpu.memory_space<hbm>> -> memref<64xi32, #tpu.memory_space<hbm>>
          %dma_start3A_135 = tpu.memref_slice %arg4[%add3A_133] : memref<327680xi32, #tpu.memory_space<hbm>> -> memref<64xi32, #tpu.memory_space<hbm>>
          tpu.enqueue_dma source(%dma_start3A_135 : memref<64xi32, #tpu.memory_space<hbm>>) target(%arg9 : memref<64xi32, #tpu.memory_space<vmem>>) target_semaphore(%arg14 : memref<!tpu.dma_semaphore, #tpu.memory_space<semaphore_mem>>)
          %mul3A_136 = arith.constant 64 : i32
          %mul3A_137 = arith.muli %add3A_94, %mul3A_136 : i32
          %dma_start3A_138 = tpu.memref_slice %arg8[%mul3A_137] : memref<5120xi32, #tpu.memory_space<vmem>> -> memref<64xi32, #tpu.memory_space<vmem>>
          %dma_start3A_139 = arith.constant 0 : i32
          %dma_start3A_140 = arith.constant 0 : i32
          %dma_start3A_141 = tpu.memref_slice %arg2[%dma_start3A_139, %dma_start3A_140] : memref<10000x128xf32, #tpu.memory_space<hbm>> -> memref<10000x128xf32, #tpu.memory_space<hbm>>
          tpu.enqueue_indirect_dma source(%dma_start3A_141 : memref<10000x128xf32, #tpu.memory_space<hbm>>) target(%arg11 : memref<64x128xf32, #tpu.memory_space<vmem>>) offsets(%dma_start3A_138 : memref<64xi32, #tpu.memory_space<vmem>>) semaphore(%arg13 : memref<!tpu.dma_semaphore, #tpu.memory_space<semaphore_mem>>)
        } else {
        }
        %mul3A_120 = arith.constant 64 : i32
        %mul3A_121 = arith.muli %add3A_92, %mul3A_120 : i32
        %dma_wait3A_122 = tpu.memref_slice %arg8[%mul3A_121] : memref<5120xi32, #tpu.memory_space<vmem>> -> memref<64xi32, #tpu.memory_space<vmem>>
        %dma_wait3A_123 = arith.constant 0 : i32
        %dma_wait3A_124 = arith.constant 0 : i32
        %dma_wait3A_125 = tpu.memref_slice %arg2[%dma_wait3A_123, %dma_wait3A_124] : memref<10000x128xf32, #tpu.memory_space<hbm>> -> memref<10000x128xf32, #tpu.memory_space<hbm>>
        tpu.wait_indirect_dma semaphore(%arg13 : memref<!tpu.dma_semaphore, #tpu.memory_space<semaphore_mem>>) src(%dma_wait3A_125 : memref<10000x128xf32, #tpu.memory_space<hbm>>) dst(%arg12 : memref<64x128xf32, #tpu.memory_space<vmem>>)
        %mul3A_126 = arith.constant 64 : i32
        %mul3A_127 = arith.muli %add3A_92, %mul3A_126 : i32
        %add3A_128 = arith.addi %add3A_69, %mul3A_127 : i32
        %dma_wait3A_129 = tpu.memref_slice %arg4[%add3A_128] : memref<327680xi32, #tpu.memory_space<hbm>> -> memref<64xi32, #tpu.memory_space<hbm>>
        %dma_wait3A_130 = tpu.memref_slice %arg4[%add3A_128] : memref<327680xi32, #tpu.memory_space<hbm>> -> memref<64xi32, #tpu.memory_space<hbm>>
        tpu.wait_dma2 semaphore(%arg14 : memref<!tpu.dma_semaphore, #tpu.memory_space<semaphore_mem>>) src(%dma_wait3A_130 : memref<64xi32, #tpu.memory_space<hbm>>) dst(%arg10 : memref<64xi32, #tpu.memory_space<vmem>>)
        "tpu.region"() ({
          %run_scoped3A = tpu.sem_alloc : memref<!tpu.dma_semaphore, #tpu.memory_space<semaphore_mem>>
          %dma_start3A_131 = arith.constant 0 : i32
          %dma_start3A_132 = arith.constant 0 : i32
          %dma_start3A_133 = tpu.memref_slice %arg7[%dma_start3A_131, %dma_start3A_132] : memref<10112x128xf32, #tpu.memory_space<vmem_shared>> -> memref<10112x128xf32, #tpu.memory_space<vmem_shared>>
          tpu.enqueue_indirect_dma source(%arg12 : memref<64x128xf32, #tpu.memory_space<vmem>>) target(%dma_start3A_133 : memref<10112x128xf32, #tpu.memory_space<vmem_shared>>) offsets(%arg10 : memref<64xi32, #tpu.memory_space<vmem>>) semaphore(%run_scoped3A : memref<!tpu.dma_semaphore, #tpu.memory_space<semaphore_mem>>) {add = true}
          %dma_wait3A_134 = arith.constant 0 : i32
          %dma_wait3A_135 = arith.constant 0 : i32
          %dma_wait3A_136 = tpu.memref_slice %arg7[%dma_wait3A_134, %dma_wait3A_135] : memref<10112x128xf32, #tpu.memory_space<vmem_shared>> -> memref<10112x128xf32, #tpu.memory_space<vmem_shared>>
          tpu.wait_indirect_dma semaphore(%run_scoped3A : memref<!tpu.dma_semaphore, #tpu.memory_space<semaphore_mem>>) src(%arg12 : memref<64x128xf32, #tpu.memory_space<vmem>>) dst(%dma_wait3A_136 : memref<10112x128xf32, #tpu.memory_space<vmem_shared>>)
          tpu.yield
        }) : () -> ()
      }
      %scan3A_83 = arith.constant 40 : i32
    } else {
    }
    %barrier3A_8 = arith.constant 0 : index
    tpu.barrier barrier_id(%barrier3A_8)
    %eq3A_9 = arith.constant 0 : i32
    %eq3A_10 = arith.cmpi eq, %arg0, %eq3A_9 : i32
    %convert_element_type3A_11 = arith.extui %eq3A_10 : i1 to i32
    %cond3A_12 = arith.constant 0 : i32
    %cond3A_13 = arith.cmpi ne, %convert_element_type3A_11, %cond3A_12 : i32
    scf.if %cond3A_13 {
      %mul3A_14 = arith.constant 632 : i32
      %mul3A_15 = arith.muli %arg1, %mul3A_14 : i32
      %mul3A_16 = arith.constant 632 : i32
      %mul3A_17 = arith.muli %arg1, %mul3A_16 : i32
      %run_scoped3A = arith.constant 0 : i32
      "tpu.region"() ({
        %run_scoped3A_18 = tpu.sem_alloc : memref<!tpu.dma_semaphore, #tpu.memory_space<semaphore_mem>>
        %dma_start3A = arith.constant 0 : i32
        %dma_start3A_19 = tpu.memref_slice %arg6[%run_scoped3A, %mul3A_17, %dma_start3A] : memref<1x10112x128xf32, #tpu.memory_space<hbm>> -> memref<1x632x128xf32, #tpu.memory_space<hbm>>
        %dma_start3A_20 = tpu.memref_squeeze %dma_start3A_19 : memref<1x632x128xf32, #tpu.memory_space<hbm>> -> memref<632x128xf32, #tpu.memory_space<hbm>>
        %dma_start3A_21 = arith.constant 0 : i32
        %dma_start3A_22 = tpu.memref_slice %arg7[%mul3A_15, %dma_start3A_21] : memref<10112x128xf32, #tpu.memory_space<vmem_shared>> -> memref<632x128xf32, #tpu.memory_space<vmem_shared>>
        tpu.enqueue_dma source(%dma_start3A_22 : memref<632x128xf32, #tpu.memory_space<vmem_shared>>) target(%dma_start3A_20 : memref<632x128xf32, #tpu.memory_space<hbm>>) target_semaphore(%run_scoped3A_18 : memref<!tpu.dma_semaphore, #tpu.memory_space<semaphore_mem>>)
        %dma_wait3A = arith.constant 0 : i32
        %dma_wait3A_23 = tpu.memref_slice %arg6[%run_scoped3A, %mul3A_17, %dma_wait3A] : memref<1x10112x128xf32, #tpu.memory_space<hbm>> -> memref<1x632x128xf32, #tpu.memory_space<hbm>>
        %dma_wait3A_24 = tpu.memref_squeeze %dma_wait3A_23 : memref<1x632x128xf32, #tpu.memory_space<hbm>> -> memref<632x128xf32, #tpu.memory_space<hbm>>
        %dma_wait3A_25 = arith.constant 0 : i32
        %dma_wait3A_26 = tpu.memref_slice %arg7[%mul3A_15, %dma_wait3A_25] : memref<10112x128xf32, #tpu.memory_space<vmem_shared>> -> memref<632x128xf32, #tpu.memory_space<vmem_shared>>
        tpu.wait_dma2 semaphore(%run_scoped3A_18 : memref<!tpu.dma_semaphore, #tpu.memory_space<semaphore_mem>>) src(%dma_wait3A_26 : memref<632x128xf32, #tpu.memory_space<vmem_shared>>) dst(%dma_wait3A_24 : memref<632x128xf32, #tpu.memory_space<hbm>>)
        tpu.yield
      }) : () -> ()
    } else {
    }
    return
  }
}

#map = affine_map<(d0, d1) -> (0, 0)>
#map1 = affine_map<(d0, d1) -> (0)>
#map2 = affine_map<(d0, d1) -> (0, 0, 0)>
module attributes {stable_mosaic.version = 14 : i64} {
  func.func @_sc_agg_body(%arg0: i32, %arg1: i32, %arg2: memref<64x128xf32, #tpu.memory_space<hbm>>, %arg3: memref<327680xi32, #tpu.memory_space<hbm>>, %arg4: memref<327680xi32, #tpu.memory_space<hbm>>, %arg5: memref<632x128xf32, #tpu.memory_space<hbm>>, %arg6: memref<2x10112x128xf32, #tpu.memory_space<hbm>>, %arg7: memref<10112x128xf32, #tpu.memory_space<vmem_shared>>, %arg8: memref<5120xi32, #tpu.memory_space<vmem>>, %arg9: memref<64xi32, #tpu.memory_space<vmem>>, %arg10: memref<64xi32, #tpu.memory_space<vmem>>, %arg11: memref<64x128xf32, #tpu.memory_space<vmem>>, %arg12: memref<64x128xf32, #tpu.memory_space<vmem>>, %arg13: memref<!tpu.dma_semaphore, #tpu.memory_space<semaphore_mem>>, %arg14: memref<!tpu.dma_semaphore, #tpu.memory_space<semaphore_mem>>) attributes {dimension_semantics = [#tpu.dimension_semantics<core_parallel>, #tpu.dimension_semantics<subcore_parallel>], iteration_bounds = array<i64: 2, 16>, scalar_prefetch = 0 : i64, scratch_operands = 8 : i64, tpu.core_type = #tpu.core_type<sc_vector_subcore>, window_params = [{transform_indices = #map}, {transform_indices = #map1}, {transform_indices = #map1}, {transform_indices = #map}, {transform_indices = #map2}]} {
    %mul3A = arith.constant 16 : i32
    %mul3A_0 = arith.muli %arg0, %mul3A : i32
    %add3A = arith.addi %mul3A_0, %arg1 : i32
    %mul3A_1 = arith.constant 632 : i32
    %mul3A_2 = arith.muli %arg1, %mul3A_1 : i32
    "tpu.region"() ({
      %run_scoped3A = tpu.sem_alloc : memref<!tpu.dma_semaphore, #tpu.memory_space<semaphore_mem>>
      %dma_start3A_17 = arith.constant 0 : i32
      %dma_start3A_18 = tpu.memref_slice %arg7[%mul3A_2, %dma_start3A_17] : memref<10112x128xf32, #tpu.memory_space<vmem_shared>> -> memref<632x128xf32, #tpu.memory_space<vmem_shared>>
      tpu.enqueue_dma source(%arg5 : memref<632x128xf32, #tpu.memory_space<hbm>>) target(%dma_start3A_18 : memref<632x128xf32, #tpu.memory_space<vmem_shared>>) target_semaphore(%run_scoped3A : memref<!tpu.dma_semaphore, #tpu.memory_space<semaphore_mem>>)
      %dma_wait3A = arith.constant 0 : i32
      %dma_wait3A_19 = tpu.memref_slice %arg7[%mul3A_2, %dma_wait3A] : memref<10112x128xf32, #tpu.memory_space<vmem_shared>> -> memref<632x128xf32, #tpu.memory_space<vmem_shared>>
      tpu.wait_dma2 semaphore(%run_scoped3A : memref<!tpu.dma_semaphore, #tpu.memory_space<semaphore_mem>>) src(%arg5 : memref<632x128xf32, #tpu.memory_space<hbm>>) dst(%dma_wait3A_19 : memref<632x128xf32, #tpu.memory_space<vmem_shared>>)
      tpu.yield
    }) : () -> ()
    "tpu.region"() ({
      %run_scoped3A = tpu.sem_alloc : memref<!tpu.dma_semaphore, #tpu.memory_space<semaphore_mem>>
      tpu.enqueue_dma source(%arg2 : memref<64x128xf32, #tpu.memory_space<hbm>>) target(%arg11 : memref<64x128xf32, #tpu.memory_space<vmem>>) target_semaphore(%run_scoped3A : memref<!tpu.dma_semaphore, #tpu.memory_space<semaphore_mem>>)
      tpu.wait_dma2 semaphore(%run_scoped3A : memref<!tpu.dma_semaphore, #tpu.memory_space<semaphore_mem>>) src(%arg2 : memref<64x128xf32, #tpu.memory_space<hbm>>) dst(%arg11 : memref<64x128xf32, #tpu.memory_space<vmem>>)
      tpu.yield
    }) : () -> ()
    %barrier3A = arith.constant 0 : index
    tpu.barrier barrier_id(%barrier3A)
    %mul3A_3 = arith.constant 10240 : i32
    %mul3A_4 = arith.muli %add3A, %mul3A_3 : i32
    %add3A_5 = arith.constant 0 : i32
    %add3A_6 = arith.addi %mul3A_4, %add3A_5 : i32
    %dma_start3A = tpu.memref_slice %arg4[%add3A_6] : memref<327680xi32, #tpu.memory_space<hbm>> -> memref<64xi32, #tpu.memory_space<hbm>>
    %dma_start3A_7 = tpu.memref_slice %arg4[%add3A_6] : memref<327680xi32, #tpu.memory_space<hbm>> -> memref<64xi32, #tpu.memory_space<hbm>>
    tpu.enqueue_dma source(%dma_start3A_7 : memref<64xi32, #tpu.memory_space<hbm>>) target(%arg9 : memref<64xi32, #tpu.memory_space<vmem>>) target_semaphore(%arg14 : memref<!tpu.dma_semaphore, #tpu.memory_space<semaphore_mem>>)
    %scan3A = arith.constant 0 : i32
    %scan3A_8 = arith.constant 80 : i32
    %scan3A_9 = arith.addi %scan3A, %scan3A_8 : i32
    %scan3A_10 = arith.constant 1 : i32
    scf.for %scan3A_17 = %scan3A to %scan3A_9 step %scan3A_10  : i32 {
      %mul3A_18 = arith.constant 1 : i32
      %mul3A_19 = arith.muli %scan3A_17, %mul3A_18 : i32
      %add3A_20 = arith.constant 0 : i32
      %add3A_21 = arith.addi %add3A_20, %mul3A_19 : i32
      %mul3A_22 = arith.constant 2 : i32
      %mul3A_23 = arith.muli %mul3A_22, %add3A_21 : i32
      %add3A_24 = arith.constant 1 : i32
      %add3A_25 = arith.addi %mul3A_23, %add3A_24 : i32
      %add3A_26 = arith.constant 2 : i32
      %add3A_27 = arith.addi %mul3A_23, %add3A_26 : i32
      %mul3A_28 = arith.constant 64 : i32
      %mul3A_29 = arith.muli %add3A_25, %mul3A_28 : i32
      %add3A_30 = arith.addi %mul3A_4, %mul3A_29 : i32
      %dma_start3A_31 = tpu.memref_slice %arg4[%add3A_30] : memref<327680xi32, #tpu.memory_space<hbm>> -> memref<64xi32, #tpu.memory_space<hbm>>
      %dma_start3A_32 = tpu.memref_slice %arg4[%add3A_30] : memref<327680xi32, #tpu.memory_space<hbm>> -> memref<64xi32, #tpu.memory_space<hbm>>
      tpu.enqueue_dma source(%dma_start3A_32 : memref<64xi32, #tpu.memory_space<hbm>>) target(%arg10 : memref<64xi32, #tpu.memory_space<vmem>>) target_semaphore(%arg14 : memref<!tpu.dma_semaphore, #tpu.memory_space<semaphore_mem>>)
      %mul3A_33 = arith.constant 64 : i32
      %mul3A_34 = arith.muli %mul3A_23, %mul3A_33 : i32
      %add3A_35 = arith.addi %mul3A_4, %mul3A_34 : i32
      %dma_wait3A = tpu.memref_slice %arg4[%add3A_35] : memref<327680xi32, #tpu.memory_space<hbm>> -> memref<64xi32, #tpu.memory_space<hbm>>
      %dma_wait3A_36 = tpu.memref_slice %arg4[%add3A_35] : memref<327680xi32, #tpu.memory_space<hbm>> -> memref<64xi32, #tpu.memory_space<hbm>>
      tpu.wait_dma2 semaphore(%arg14 : memref<!tpu.dma_semaphore, #tpu.memory_space<semaphore_mem>>) src(%dma_wait3A_36 : memref<64xi32, #tpu.memory_space<hbm>>) dst(%arg9 : memref<64xi32, #tpu.memory_space<vmem>>)
      "tpu.region"() ({
        %run_scoped3A = tpu.sem_alloc : memref<!tpu.dma_semaphore, #tpu.memory_space<semaphore_mem>>
        %dma_start3A_44 = arith.constant 0 : i32
        %dma_start3A_45 = arith.constant 0 : i32
        %dma_start3A_46 = tpu.memref_slice %arg7[%dma_start3A_44, %dma_start3A_45] : memref<10112x128xf32, #tpu.memory_space<vmem_shared>> -> memref<10112x128xf32, #tpu.memory_space<vmem_shared>>
        tpu.enqueue_indirect_dma source(%arg11 : memref<64x128xf32, #tpu.memory_space<vmem>>) target(%dma_start3A_46 : memref<10112x128xf32, #tpu.memory_space<vmem_shared>>) offsets(%arg9 : memref<64xi32, #tpu.memory_space<vmem>>) semaphore(%run_scoped3A : memref<!tpu.dma_semaphore, #tpu.memory_space<semaphore_mem>>) {add = true}
        %dma_wait3A_47 = arith.constant 0 : i32
        %dma_wait3A_48 = arith.constant 0 : i32
        %dma_wait3A_49 = tpu.memref_slice %arg7[%dma_wait3A_47, %dma_wait3A_48] : memref<10112x128xf32, #tpu.memory_space<vmem_shared>> -> memref<10112x128xf32, #tpu.memory_space<vmem_shared>>
        tpu.wait_indirect_dma semaphore(%run_scoped3A : memref<!tpu.dma_semaphore, #tpu.memory_space<semaphore_mem>>) src(%arg11 : memref<64x128xf32, #tpu.memory_space<vmem>>) dst(%dma_wait3A_49 : memref<10112x128xf32, #tpu.memory_space<vmem_shared>>)
        tpu.yield
      }) : () -> ()
      %lt3A = arith.constant 160 : i32
      %lt3A_37 = arith.cmpi slt, %add3A_27, %lt3A : i32
      %convert_element_type3A = arith.extui %lt3A_37 : i1 to i32
      %cond3A = arith.constant 0 : i32
      %cond3A_38 = arith.cmpi ne, %convert_element_type3A, %cond3A : i32
      scf.if %cond3A_38 {
        %mul3A_44 = arith.constant 64 : i32
        %mul3A_45 = arith.muli %add3A_27, %mul3A_44 : i32
        %add3A_46 = arith.addi %mul3A_4, %mul3A_45 : i32
        %dma_start3A_47 = tpu.memref_slice %arg4[%add3A_46] : memref<327680xi32, #tpu.memory_space<hbm>> -> memref<64xi32, #tpu.memory_space<hbm>>
        %dma_start3A_48 = tpu.memref_slice %arg4[%add3A_46] : memref<327680xi32, #tpu.memory_space<hbm>> -> memref<64xi32, #tpu.memory_space<hbm>>
        tpu.enqueue_dma source(%dma_start3A_48 : memref<64xi32, #tpu.memory_space<hbm>>) target(%arg9 : memref<64xi32, #tpu.memory_space<vmem>>) target_semaphore(%arg14 : memref<!tpu.dma_semaphore, #tpu.memory_space<semaphore_mem>>)
      } else {
      }
      %mul3A_39 = arith.constant 64 : i32
      %mul3A_40 = arith.muli %add3A_25, %mul3A_39 : i32
      %add3A_41 = arith.addi %mul3A_4, %mul3A_40 : i32
      %dma_wait3A_42 = tpu.memref_slice %arg4[%add3A_41] : memref<327680xi32, #tpu.memory_space<hbm>> -> memref<64xi32, #tpu.memory_space<hbm>>
      %dma_wait3A_43 = tpu.memref_slice %arg4[%add3A_41] : memref<327680xi32, #tpu.memory_space<hbm>> -> memref<64xi32, #tpu.memory_space<hbm>>
      tpu.wait_dma2 semaphore(%arg14 : memref<!tpu.dma_semaphore, #tpu.memory_space<semaphore_mem>>) src(%dma_wait3A_43 : memref<64xi32, #tpu.memory_space<hbm>>) dst(%arg10 : memref<64xi32, #tpu.memory_space<vmem>>)
      "tpu.region"() ({
        %run_scoped3A = tpu.sem_alloc : memref<!tpu.dma_semaphore, #tpu.memory_space<semaphore_mem>>
        %dma_start3A_44 = arith.constant 0 : i32
        %dma_start3A_45 = arith.constant 0 : i32
        %dma_start3A_46 = tpu.memref_slice %arg7[%dma_start3A_44, %dma_start3A_45] : memref<10112x128xf32, #tpu.memory_space<vmem_shared>> -> memref<10112x128xf32, #tpu.memory_space<vmem_shared>>
        tpu.enqueue_indirect_dma source(%arg11 : memref<64x128xf32, #tpu.memory_space<vmem>>) target(%dma_start3A_46 : memref<10112x128xf32, #tpu.memory_space<vmem_shared>>) offsets(%arg10 : memref<64xi32, #tpu.memory_space<vmem>>) semaphore(%run_scoped3A : memref<!tpu.dma_semaphore, #tpu.memory_space<semaphore_mem>>) {add = true}
        %dma_wait3A_47 = arith.constant 0 : i32
        %dma_wait3A_48 = arith.constant 0 : i32
        %dma_wait3A_49 = tpu.memref_slice %arg7[%dma_wait3A_47, %dma_wait3A_48] : memref<10112x128xf32, #tpu.memory_space<vmem_shared>> -> memref<10112x128xf32, #tpu.memory_space<vmem_shared>>
        tpu.wait_indirect_dma semaphore(%run_scoped3A : memref<!tpu.dma_semaphore, #tpu.memory_space<semaphore_mem>>) src(%arg11 : memref<64x128xf32, #tpu.memory_space<vmem>>) dst(%dma_wait3A_49 : memref<10112x128xf32, #tpu.memory_space<vmem_shared>>)
        tpu.yield
      }) : () -> ()
    }
    %scan3A_11 = arith.constant 80 : i32
    %barrier3A_12 = arith.constant 0 : index
    tpu.barrier barrier_id(%barrier3A_12)
    %mul3A_13 = arith.constant 632 : i32
    %mul3A_14 = arith.muli %arg1, %mul3A_13 : i32
    %mul3A_15 = arith.constant 632 : i32
    %mul3A_16 = arith.muli %arg1, %mul3A_15 : i32
    "tpu.region"() ({
      %run_scoped3A = tpu.sem_alloc : memref<!tpu.dma_semaphore, #tpu.memory_space<semaphore_mem>>
      %dma_start3A_17 = arith.constant 0 : i32
      %dma_start3A_18 = tpu.memref_slice %arg6[%arg0, %mul3A_16, %dma_start3A_17] : memref<2x10112x128xf32, #tpu.memory_space<hbm>> -> memref<1x632x128xf32, #tpu.memory_space<hbm>>
      %dma_start3A_19 = tpu.memref_squeeze %dma_start3A_18 : memref<1x632x128xf32, #tpu.memory_space<hbm>> -> memref<632x128xf32, #tpu.memory_space<hbm>>
      %dma_start3A_20 = arith.constant 0 : i32
      %dma_start3A_21 = tpu.memref_slice %arg7[%mul3A_14, %dma_start3A_20] : memref<10112x128xf32, #tpu.memory_space<vmem_shared>> -> memref<632x128xf32, #tpu.memory_space<vmem_shared>>
      tpu.enqueue_dma source(%dma_start3A_21 : memref<632x128xf32, #tpu.memory_space<vmem_shared>>) target(%dma_start3A_19 : memref<632x128xf32, #tpu.memory_space<hbm>>) target_semaphore(%run_scoped3A : memref<!tpu.dma_semaphore, #tpu.memory_space<semaphore_mem>>)
      %dma_wait3A = arith.constant 0 : i32
      %dma_wait3A_22 = tpu.memref_slice %arg6[%arg0, %mul3A_16, %dma_wait3A] : memref<2x10112x128xf32, #tpu.memory_space<hbm>> -> memref<1x632x128xf32, #tpu.memory_space<hbm>>
      %dma_wait3A_23 = tpu.memref_squeeze %dma_wait3A_22 : memref<1x632x128xf32, #tpu.memory_space<hbm>> -> memref<632x128xf32, #tpu.memory_space<hbm>>
      %dma_wait3A_24 = arith.constant 0 : i32
      %dma_wait3A_25 = tpu.memref_slice %arg7[%mul3A_14, %dma_wait3A_24] : memref<10112x128xf32, #tpu.memory_space<vmem_shared>> -> memref<632x128xf32, #tpu.memory_space<vmem_shared>>
      tpu.wait_dma2 semaphore(%run_scoped3A : memref<!tpu.dma_semaphore, #tpu.memory_space<semaphore_mem>>) src(%dma_wait3A_25 : memref<632x128xf32, #tpu.memory_space<vmem_shared>>) dst(%dma_wait3A_23 : memref<632x128xf32, #tpu.memory_space<hbm>>)
      tpu.yield
    }) : () -> ()
    return
  }
}

#map = affine_map<(d0, d1) -> (0, 0)>
#map1 = affine_map<(d0, d1) -> (0)>
#map2 = affine_map<(d0, d1) -> (0, 0, 0)>
module attributes {stable_mosaic.version = 14 : i64} {
  func.func @_sc_agg_body(%arg0: i32, %arg1: i32, %arg2: memref<10000x128xf32, #tpu.memory_space<hbm>>, %arg3: memref<327680xi32, #tpu.memory_space<hbm>>, %arg4: memref<327680xi32, #tpu.memory_space<hbm>>, %arg5: memref<632x128xf32, #tpu.memory_space<hbm>>, %arg6: memref<1x10112x128xf32, #tpu.memory_space<hbm>>, %arg7: memref<10112x128xf32, #tpu.memory_space<vmem_shared>>, %arg8: memref<5120xi32, #tpu.memory_space<vmem>>, %arg9: memref<64xi32, #tpu.memory_space<vmem>>, %arg10: memref<64xi32, #tpu.memory_space<vmem>>, %arg11: memref<64x128xf32, #tpu.memory_space<vmem>>, %arg12: memref<64x128xf32, #tpu.memory_space<vmem>>, %arg13: memref<!tpu.dma_semaphore, #tpu.memory_space<semaphore_mem>>, %arg14: memref<!tpu.dma_semaphore, #tpu.memory_space<semaphore_mem>>) attributes {dimension_semantics = [#tpu.dimension_semantics<core_parallel>, #tpu.dimension_semantics<subcore_parallel>], iteration_bounds = array<i64: 2, 16>, scalar_prefetch = 0 : i64, scratch_operands = 8 : i64, tpu.core_type = #tpu.core_type<sc_vector_subcore>, window_params = [{transform_indices = #map}, {transform_indices = #map1}, {transform_indices = #map1}, {transform_indices = #map}, {transform_indices = #map2}]} {
    %mul3A = arith.constant 16 : i32
    %mul3A_0 = arith.muli %arg0, %mul3A : i32
    %add3A = arith.addi %mul3A_0, %arg1 : i32
    %eq3A = arith.constant 0 : i32
    %eq3A_1 = arith.cmpi eq, %arg0, %eq3A : i32
    %convert_element_type3A = arith.extui %eq3A_1 : i1 to i32
    %cond3A = arith.constant 0 : i32
    %cond3A_2 = arith.cmpi ne, %convert_element_type3A, %cond3A : i32
    scf.if %cond3A_2 {
      %mul3A_14 = arith.constant 632 : i32
      %mul3A_15 = arith.muli %arg1, %mul3A_14 : i32
      "tpu.region"() ({
        %run_scoped3A = tpu.sem_alloc : memref<!tpu.dma_semaphore, #tpu.memory_space<semaphore_mem>>
        %dma_start3A = arith.constant 0 : i32
        %dma_start3A_16 = tpu.memref_slice %arg7[%mul3A_15, %dma_start3A] : memref<10112x128xf32, #tpu.memory_space<vmem_shared>> -> memref<632x128xf32, #tpu.memory_space<vmem_shared>>
        tpu.enqueue_dma source(%arg5 : memref<632x128xf32, #tpu.memory_space<hbm>>) target(%dma_start3A_16 : memref<632x128xf32, #tpu.memory_space<vmem_shared>>) target_semaphore(%run_scoped3A : memref<!tpu.dma_semaphore, #tpu.memory_space<semaphore_mem>>)
        %dma_wait3A = arith.constant 0 : i32
        %dma_wait3A_17 = tpu.memref_slice %arg7[%mul3A_15, %dma_wait3A] : memref<10112x128xf32, #tpu.memory_space<vmem_shared>> -> memref<632x128xf32, #tpu.memory_space<vmem_shared>>
        tpu.wait_dma2 semaphore(%run_scoped3A : memref<!tpu.dma_semaphore, #tpu.memory_space<semaphore_mem>>) src(%arg5 : memref<632x128xf32, #tpu.memory_space<hbm>>) dst(%dma_wait3A_17 : memref<632x128xf32, #tpu.memory_space<vmem_shared>>)
        tpu.yield
      }) : () -> ()
    } else {
    }
    %barrier3A = arith.constant 0 : index
    tpu.barrier barrier_id(%barrier3A)
    %eq3A_3 = arith.constant 0 : i32
    %eq3A_4 = arith.cmpi eq, %arg0, %eq3A_3 : i32
    %convert_element_type3A_5 = arith.extui %eq3A_4 : i1 to i32
    %cond3A_6 = arith.constant 0 : i32
    %cond3A_7 = arith.cmpi ne, %convert_element_type3A_5, %cond3A_6 : i32
    scf.if %cond3A_7 {
      %mul3A_14 = arith.constant 20480 : i32
      %mul3A_15 = arith.muli %arg1, %mul3A_14 : i32
      %add3A_16 = arith.constant 0 : i32
      %add3A_17 = arith.addi %mul3A_15, %add3A_16 : i32
      "tpu.region"() ({
        %run_scoped3A = tpu.sem_alloc : memref<!tpu.dma_semaphore, #tpu.memory_space<semaphore_mem>>
        %dma_start3A_84 = tpu.memref_slice %arg3[%add3A_17] : memref<327680xi32, #tpu.memory_space<hbm>> -> memref<5120xi32, #tpu.memory_space<hbm>>
        %dma_start3A_85 = tpu.memref_slice %arg3[%add3A_17] : memref<327680xi32, #tpu.memory_space<hbm>> -> memref<5120xi32, #tpu.memory_space<hbm>>
        tpu.enqueue_dma source(%dma_start3A_85 : memref<5120xi32, #tpu.memory_space<hbm>>) target(%arg8 : memref<5120xi32, #tpu.memory_space<vmem>>) target_semaphore(%run_scoped3A : memref<!tpu.dma_semaphore, #tpu.memory_space<semaphore_mem>>)
        %dma_wait3A = tpu.memref_slice %arg3[%add3A_17] : memref<327680xi32, #tpu.memory_space<hbm>> -> memref<5120xi32, #tpu.memory_space<hbm>>
        %dma_wait3A_86 = tpu.memref_slice %arg3[%add3A_17] : memref<327680xi32, #tpu.memory_space<hbm>> -> memref<5120xi32, #tpu.memory_space<hbm>>
        tpu.wait_dma2 semaphore(%run_scoped3A : memref<!tpu.dma_semaphore, #tpu.memory_space<semaphore_mem>>) src(%dma_wait3A_86 : memref<5120xi32, #tpu.memory_space<hbm>>) dst(%arg8 : memref<5120xi32, #tpu.memory_space<vmem>>)
        tpu.yield
      }) : () -> ()
      %add3A_18 = arith.constant 0 : i32
      %add3A_19 = arith.addi %add3A_17, %add3A_18 : i32
      %dma_start3A = tpu.memref_slice %arg4[%add3A_19] : memref<327680xi32, #tpu.memory_space<hbm>> -> memref<64xi32, #tpu.memory_space<hbm>>
      %dma_start3A_20 = tpu.memref_slice %arg4[%add3A_19] : memref<327680xi32, #tpu.memory_space<hbm>> -> memref<64xi32, #tpu.memory_space<hbm>>
      tpu.enqueue_dma source(%dma_start3A_20 : memref<64xi32, #tpu.memory_space<hbm>>) target(%arg9 : memref<64xi32, #tpu.memory_space<vmem>>) target_semaphore(%arg14 : memref<!tpu.dma_semaphore, #tpu.memory_space<semaphore_mem>>)
      %dma_start3A_21 = arith.constant 0 : i32
      %dma_start3A_22 = tpu.memref_slice %arg8[%dma_start3A_21] : memref<5120xi32, #tpu.memory_space<vmem>> -> memref<64xi32, #tpu.memory_space<vmem>>
      %dma_start3A_23 = arith.constant 0 : i32
      %dma_start3A_24 = arith.constant 0 : i32
      %dma_start3A_25 = tpu.memref_slice %arg2[%dma_start3A_23, %dma_start3A_24] : memref<10000x128xf32, #tpu.memory_space<hbm>> -> memref<10000x128xf32, #tpu.memory_space<hbm>>
      tpu.enqueue_indirect_dma source(%dma_start3A_25 : memref<10000x128xf32, #tpu.memory_space<hbm>>) target(%arg11 : memref<64x128xf32, #tpu.memory_space<vmem>>) offsets(%dma_start3A_22 : memref<64xi32, #tpu.memory_space<vmem>>) semaphore(%arg13 : memref<!tpu.dma_semaphore, #tpu.memory_space<semaphore_mem>>)
      %scan3A = arith.constant 0 : i32
      %scan3A_26 = arith.constant 40 : i32
      %scan3A_27 = arith.addi %scan3A, %scan3A_26 : i32
      %scan3A_28 = arith.constant 1 : i32
      scf.for %scan3A_84 = %scan3A to %scan3A_27 step %scan3A_28  : i32 {
        %mul3A_85 = arith.constant 1 : i32
        %mul3A_86 = arith.muli %scan3A_84, %mul3A_85 : i32
        %add3A_87 = arith.constant 0 : i32
        %add3A_88 = arith.addi %add3A_87, %mul3A_86 : i32
        %mul3A_89 = arith.constant 2 : i32
        %mul3A_90 = arith.muli %mul3A_89, %add3A_88 : i32
        %add3A_91 = arith.constant 1 : i32
        %add3A_92 = arith.addi %mul3A_90, %add3A_91 : i32
        %add3A_93 = arith.constant 2 : i32
        %add3A_94 = arith.addi %mul3A_90, %add3A_93 : i32
        %mul3A_95 = arith.constant 64 : i32
        %mul3A_96 = arith.muli %add3A_92, %mul3A_95 : i32
        %add3A_97 = arith.addi %add3A_17, %mul3A_96 : i32
        %dma_start3A_98 = tpu.memref_slice %arg4[%add3A_97] : memref<327680xi32, #tpu.memory_space<hbm>> -> memref<64xi32, #tpu.memory_space<hbm>>
        %dma_start3A_99 = tpu.memref_slice %arg4[%add3A_97] : memref<327680xi32, #tpu.memory_space<hbm>> -> memref<64xi32, #tpu.memory_space<hbm>>
        tpu.enqueue_dma source(%dma_start3A_99 : memref<64xi32, #tpu.memory_space<hbm>>) target(%arg10 : memref<64xi32, #tpu.memory_space<vmem>>) target_semaphore(%arg14 : memref<!tpu.dma_semaphore, #tpu.memory_space<semaphore_mem>>)
        %mul3A_100 = arith.constant 64 : i32
        %mul3A_101 = arith.muli %add3A_92, %mul3A_100 : i32
        %dma_start3A_102 = tpu.memref_slice %arg8[%mul3A_101] : memref<5120xi32, #tpu.memory_space<vmem>> -> memref<64xi32, #tpu.memory_space<vmem>>
        %dma_start3A_103 = arith.constant 0 : i32
        %dma_start3A_104 = arith.constant 0 : i32
        %dma_start3A_105 = tpu.memref_slice %arg2[%dma_start3A_103, %dma_start3A_104] : memref<10000x128xf32, #tpu.memory_space<hbm>> -> memref<10000x128xf32, #tpu.memory_space<hbm>>
        tpu.enqueue_indirect_dma source(%dma_start3A_105 : memref<10000x128xf32, #tpu.memory_space<hbm>>) target(%arg12 : memref<64x128xf32, #tpu.memory_space<vmem>>) offsets(%dma_start3A_102 : memref<64xi32, #tpu.memory_space<vmem>>) semaphore(%arg13 : memref<!tpu.dma_semaphore, #tpu.memory_space<semaphore_mem>>)
        %mul3A_106 = arith.constant 64 : i32
        %mul3A_107 = arith.muli %mul3A_90, %mul3A_106 : i32
        %dma_wait3A = tpu.memref_slice %arg8[%mul3A_107] : memref<5120xi32, #tpu.memory_space<vmem>> -> memref<64xi32, #tpu.memory_space<vmem>>
        %dma_wait3A_108 = arith.constant 0 : i32
        %dma_wait3A_109 = arith.constant 0 : i32
        %dma_wait3A_110 = tpu.memref_slice %arg2[%dma_wait3A_108, %dma_wait3A_109] : memref<10000x128xf32, #tpu.memory_space<hbm>> -> memref<10000x128xf32, #tpu.memory_space<hbm>>
        tpu.wait_indirect_dma semaphore(%arg13 : memref<!tpu.dma_semaphore, #tpu.memory_space<semaphore_mem>>) src(%dma_wait3A_110 : memref<10000x128xf32, #tpu.memory_space<hbm>>) dst(%arg11 : memref<64x128xf32, #tpu.memory_space<vmem>>)
        %mul3A_111 = arith.constant 64 : i32
        %mul3A_112 = arith.muli %mul3A_90, %mul3A_111 : i32
        %add3A_113 = arith.addi %add3A_17, %mul3A_112 : i32
        %dma_wait3A_114 = tpu.memref_slice %arg4[%add3A_113] : memref<327680xi32, #tpu.memory_space<hbm>> -> memref<64xi32, #tpu.memory_space<hbm>>
        %dma_wait3A_115 = tpu.memref_slice %arg4[%add3A_113] : memref<327680xi32, #tpu.memory_space<hbm>> -> memref<64xi32, #tpu.memory_space<hbm>>
        tpu.wait_dma2 semaphore(%arg14 : memref<!tpu.dma_semaphore, #tpu.memory_space<semaphore_mem>>) src(%dma_wait3A_115 : memref<64xi32, #tpu.memory_space<hbm>>) dst(%arg9 : memref<64xi32, #tpu.memory_space<vmem>>)
        "tpu.region"() ({
          %run_scoped3A = tpu.sem_alloc : memref<!tpu.dma_semaphore, #tpu.memory_space<semaphore_mem>>
          %dma_start3A_131 = arith.constant 0 : i32
          %dma_start3A_132 = arith.constant 0 : i32
          %dma_start3A_133 = tpu.memref_slice %arg7[%dma_start3A_131, %dma_start3A_132] : memref<10112x128xf32, #tpu.memory_space<vmem_shared>> -> memref<10112x128xf32, #tpu.memory_space<vmem_shared>>
          tpu.enqueue_indirect_dma source(%arg11 : memref<64x128xf32, #tpu.memory_space<vmem>>) target(%dma_start3A_133 : memref<10112x128xf32, #tpu.memory_space<vmem_shared>>) offsets(%arg9 : memref<64xi32, #tpu.memory_space<vmem>>) semaphore(%run_scoped3A : memref<!tpu.dma_semaphore, #tpu.memory_space<semaphore_mem>>) {add = true}
          %dma_wait3A_134 = arith.constant 0 : i32
          %dma_wait3A_135 = arith.constant 0 : i32
          %dma_wait3A_136 = tpu.memref_slice %arg7[%dma_wait3A_134, %dma_wait3A_135] : memref<10112x128xf32, #tpu.memory_space<vmem_shared>> -> memref<10112x128xf32, #tpu.memory_space<vmem_shared>>
          tpu.wait_indirect_dma semaphore(%run_scoped3A : memref<!tpu.dma_semaphore, #tpu.memory_space<semaphore_mem>>) src(%arg11 : memref<64x128xf32, #tpu.memory_space<vmem>>) dst(%dma_wait3A_136 : memref<10112x128xf32, #tpu.memory_space<vmem_shared>>)
          tpu.yield
        }) : () -> ()
        %lt3A = arith.constant 80 : i32
        %lt3A_116 = arith.cmpi slt, %add3A_94, %lt3A : i32
        %convert_element_type3A_117 = arith.extui %lt3A_116 : i1 to i32
        %cond3A_118 = arith.constant 0 : i32
        %cond3A_119 = arith.cmpi ne, %convert_element_type3A_117, %cond3A_118 : i32
        scf.if %cond3A_119 {
          %mul3A_131 = arith.constant 64 : i32
          %mul3A_132 = arith.muli %add3A_94, %mul3A_131 : i32
          %add3A_133 = arith.addi %add3A_17, %mul3A_132 : i32
          %dma_start3A_134 = tpu.memref_slice %arg4[%add3A_133] : memref<327680xi32, #tpu.memory_space<hbm>> -> memref<64xi32, #tpu.memory_space<hbm>>
          %dma_start3A_135 = tpu.memref_slice %arg4[%add3A_133] : memref<327680xi32, #tpu.memory_space<hbm>> -> memref<64xi32, #tpu.memory_space<hbm>>
          tpu.enqueue_dma source(%dma_start3A_135 : memref<64xi32, #tpu.memory_space<hbm>>) target(%arg9 : memref<64xi32, #tpu.memory_space<vmem>>) target_semaphore(%arg14 : memref<!tpu.dma_semaphore, #tpu.memory_space<semaphore_mem>>)
          %mul3A_136 = arith.constant 64 : i32
          %mul3A_137 = arith.muli %add3A_94, %mul3A_136 : i32
          %dma_start3A_138 = tpu.memref_slice %arg8[%mul3A_137] : memref<5120xi32, #tpu.memory_space<vmem>> -> memref<64xi32, #tpu.memory_space<vmem>>
          %dma_start3A_139 = arith.constant 0 : i32
          %dma_start3A_140 = arith.constant 0 : i32
          %dma_start3A_141 = tpu.memref_slice %arg2[%dma_start3A_139, %dma_start3A_140] : memref<10000x128xf32, #tpu.memory_space<hbm>> -> memref<10000x128xf32, #tpu.memory_space<hbm>>
          tpu.enqueue_indirect_dma source(%dma_start3A_141 : memref<10000x128xf32, #tpu.memory_space<hbm>>) target(%arg11 : memref<64x128xf32, #tpu.memory_space<vmem>>) offsets(%dma_start3A_138 : memref<64xi32, #tpu.memory_space<vmem>>) semaphore(%arg13 : memref<!tpu.dma_semaphore, #tpu.memory_space<semaphore_mem>>)
        } else {
        }
        %mul3A_120 = arith.constant 64 : i32
        %mul3A_121 = arith.muli %add3A_92, %mul3A_120 : i32
        %dma_wait3A_122 = tpu.memref_slice %arg8[%mul3A_121] : memref<5120xi32, #tpu.memory_space<vmem>> -> memref<64xi32, #tpu.memory_space<vmem>>
        %dma_wait3A_123 = arith.constant 0 : i32
        %dma_wait3A_124 = arith.constant 0 : i32
        %dma_wait3A_125 = tpu.memref_slice %arg2[%dma_wait3A_123, %dma_wait3A_124] : memref<10000x128xf32, #tpu.memory_space<hbm>> -> memref<10000x128xf32, #tpu.memory_space<hbm>>
        tpu.wait_indirect_dma semaphore(%arg13 : memref<!tpu.dma_semaphore, #tpu.memory_space<semaphore_mem>>) src(%dma_wait3A_125 : memref<10000x128xf32, #tpu.memory_space<hbm>>) dst(%arg12 : memref<64x128xf32, #tpu.memory_space<vmem>>)
        %mul3A_126 = arith.constant 64 : i32
        %mul3A_127 = arith.muli %add3A_92, %mul3A_126 : i32
        %add3A_128 = arith.addi %add3A_17, %mul3A_127 : i32
        %dma_wait3A_129 = tpu.memref_slice %arg4[%add3A_128] : memref<327680xi32, #tpu.memory_space<hbm>> -> memref<64xi32, #tpu.memory_space<hbm>>
        %dma_wait3A_130 = tpu.memref_slice %arg4[%add3A_128] : memref<327680xi32, #tpu.memory_space<hbm>> -> memref<64xi32, #tpu.memory_space<hbm>>
        tpu.wait_dma2 semaphore(%arg14 : memref<!tpu.dma_semaphore, #tpu.memory_space<semaphore_mem>>) src(%dma_wait3A_130 : memref<64xi32, #tpu.memory_space<hbm>>) dst(%arg10 : memref<64xi32, #tpu.memory_space<vmem>>)
        "tpu.region"() ({
          %run_scoped3A = tpu.sem_alloc : memref<!tpu.dma_semaphore, #tpu.memory_space<semaphore_mem>>
          %dma_start3A_131 = arith.constant 0 : i32
          %dma_start3A_132 = arith.constant 0 : i32
          %dma_start3A_133 = tpu.memref_slice %arg7[%dma_start3A_131, %dma_start3A_132] : memref<10112x128xf32, #tpu.memory_space<vmem_shared>> -> memref<10112x128xf32, #tpu.memory_space<vmem_shared>>
          tpu.enqueue_indirect_dma source(%arg12 : memref<64x128xf32, #tpu.memory_space<vmem>>) target(%dma_start3A_133 : memref<10112x128xf32, #tpu.memory_space<vmem_shared>>) offsets(%arg10 : memref<64xi32, #tpu.memory_space<vmem>>) semaphore(%run_scoped3A : memref<!tpu.dma_semaphore, #tpu.memory_space<semaphore_mem>>) {add = true}
          %dma_wait3A_134 = arith.constant 0 : i32
          %dma_wait3A_135 = arith.constant 0 : i32
          %dma_wait3A_136 = tpu.memref_slice %arg7[%dma_wait3A_134, %dma_wait3A_135] : memref<10112x128xf32, #tpu.memory_space<vmem_shared>> -> memref<10112x128xf32, #tpu.memory_space<vmem_shared>>
          tpu.wait_indirect_dma semaphore(%run_scoped3A : memref<!tpu.dma_semaphore, #tpu.memory_space<semaphore_mem>>) src(%arg12 : memref<64x128xf32, #tpu.memory_space<vmem>>) dst(%dma_wait3A_136 : memref<10112x128xf32, #tpu.memory_space<vmem_shared>>)
          tpu.yield
        }) : () -> ()
      }
      %scan3A_29 = arith.constant 40 : i32
      %mul3A_30 = arith.constant 20480 : i32
      %mul3A_31 = arith.muli %arg1, %mul3A_30 : i32
      %add3A_32 = arith.constant 5120 : i32
      %add3A_33 = arith.addi %mul3A_31, %add3A_32 : i32
      "tpu.region"() ({
        %run_scoped3A = tpu.sem_alloc : memref<!tpu.dma_semaphore, #tpu.memory_space<semaphore_mem>>
        %dma_start3A_84 = tpu.memref_slice %arg3[%add3A_33] : memref<327680xi32, #tpu.memory_space<hbm>> -> memref<5120xi32, #tpu.memory_space<hbm>>
        %dma_start3A_85 = tpu.memref_slice %arg3[%add3A_33] : memref<327680xi32, #tpu.memory_space<hbm>> -> memref<5120xi32, #tpu.memory_space<hbm>>
        tpu.enqueue_dma source(%dma_start3A_85 : memref<5120xi32, #tpu.memory_space<hbm>>) target(%arg8 : memref<5120xi32, #tpu.memory_space<vmem>>) target_semaphore(%run_scoped3A : memref<!tpu.dma_semaphore, #tpu.memory_space<semaphore_mem>>)
        %dma_wait3A = tpu.memref_slice %arg3[%add3A_33] : memref<327680xi32, #tpu.memory_space<hbm>> -> memref<5120xi32, #tpu.memory_space<hbm>>
        %dma_wait3A_86 = tpu.memref_slice %arg3[%add3A_33] : memref<327680xi32, #tpu.memory_space<hbm>> -> memref<5120xi32, #tpu.memory_space<hbm>>
        tpu.wait_dma2 semaphore(%run_scoped3A : memref<!tpu.dma_semaphore, #tpu.memory_space<semaphore_mem>>) src(%dma_wait3A_86 : memref<5120xi32, #tpu.memory_space<hbm>>) dst(%arg8 : memref<5120xi32, #tpu.memory_space<vmem>>)
        tpu.yield
      }) : () -> ()
      %add3A_34 = arith.constant 0 : i32
      %add3A_35 = arith.addi %add3A_33, %add3A_34 : i32
      %dma_start3A_36 = tpu.memref_slice %arg4[%add3A_35] : memref<327680xi32, #tpu.memory_space<hbm>> -> memref<64xi32, #tpu.memory_space<hbm>>
      %dma_start3A_37 = tpu.memref_slice %arg4[%add3A_35] : memref<327680xi32, #tpu.memory_space<hbm>> -> memref<64xi32, #tpu.memory_space<hbm>>
      tpu.enqueue_dma source(%dma_start3A_37 : memref<64xi32, #tpu.memory_space<hbm>>) target(%arg9 : memref<64xi32, #tpu.memory_space<vmem>>) target_semaphore(%arg14 : memref<!tpu.dma_semaphore, #tpu.memory_space<semaphore_mem>>)
      %dma_start3A_38 = arith.constant 0 : i32
      %dma_start3A_39 = tpu.memref_slice %arg8[%dma_start3A_38] : memref<5120xi32, #tpu.memory_space<vmem>> -> memref<64xi32, #tpu.memory_space<vmem>>
      %dma_start3A_40 = arith.constant 0 : i32
      %dma_start3A_41 = arith.constant 0 : i32
      %dma_start3A_42 = tpu.memref_slice %arg2[%dma_start3A_40, %dma_start3A_41] : memref<10000x128xf32, #tpu.memory_space<hbm>> -> memref<10000x128xf32, #tpu.memory_space<hbm>>
      tpu.enqueue_indirect_dma source(%dma_start3A_42 : memref<10000x128xf32, #tpu.memory_space<hbm>>) target(%arg11 : memref<64x128xf32, #tpu.memory_space<vmem>>) offsets(%dma_start3A_39 : memref<64xi32, #tpu.memory_space<vmem>>) semaphore(%arg13 : memref<!tpu.dma_semaphore, #tpu.memory_space<semaphore_mem>>)
      %scan3A_43 = arith.constant 0 : i32
      %scan3A_44 = arith.constant 40 : i32
      %scan3A_45 = arith.addi %scan3A_43, %scan3A_44 : i32
      %scan3A_46 = arith.constant 1 : i32
      scf.for %scan3A_84 = %scan3A_43 to %scan3A_45 step %scan3A_46  : i32 {
        %mul3A_85 = arith.constant 1 : i32
        %mul3A_86 = arith.muli %scan3A_84, %mul3A_85 : i32
        %add3A_87 = arith.constant 0 : i32
        %add3A_88 = arith.addi %add3A_87, %mul3A_86 : i32
        %mul3A_89 = arith.constant 2 : i32
        %mul3A_90 = arith.muli %mul3A_89, %add3A_88 : i32
        %add3A_91 = arith.constant 1 : i32
        %add3A_92 = arith.addi %mul3A_90, %add3A_91 : i32
        %add3A_93 = arith.constant 2 : i32
        %add3A_94 = arith.addi %mul3A_90, %add3A_93 : i32
        %mul3A_95 = arith.constant 64 : i32
        %mul3A_96 = arith.muli %add3A_92, %mul3A_95 : i32
        %add3A_97 = arith.addi %add3A_33, %mul3A_96 : i32
        %dma_start3A_98 = tpu.memref_slice %arg4[%add3A_97] : memref<327680xi32, #tpu.memory_space<hbm>> -> memref<64xi32, #tpu.memory_space<hbm>>
        %dma_start3A_99 = tpu.memref_slice %arg4[%add3A_97] : memref<327680xi32, #tpu.memory_space<hbm>> -> memref<64xi32, #tpu.memory_space<hbm>>
        tpu.enqueue_dma source(%dma_start3A_99 : memref<64xi32, #tpu.memory_space<hbm>>) target(%arg10 : memref<64xi32, #tpu.memory_space<vmem>>) target_semaphore(%arg14 : memref<!tpu.dma_semaphore, #tpu.memory_space<semaphore_mem>>)
        %mul3A_100 = arith.constant 64 : i32
        %mul3A_101 = arith.muli %add3A_92, %mul3A_100 : i32
        %dma_start3A_102 = tpu.memref_slice %arg8[%mul3A_101] : memref<5120xi32, #tpu.memory_space<vmem>> -> memref<64xi32, #tpu.memory_space<vmem>>
        %dma_start3A_103 = arith.constant 0 : i32
        %dma_start3A_104 = arith.constant 0 : i32
        %dma_start3A_105 = tpu.memref_slice %arg2[%dma_start3A_103, %dma_start3A_104] : memref<10000x128xf32, #tpu.memory_space<hbm>> -> memref<10000x128xf32, #tpu.memory_space<hbm>>
        tpu.enqueue_indirect_dma source(%dma_start3A_105 : memref<10000x128xf32, #tpu.memory_space<hbm>>) target(%arg12 : memref<64x128xf32, #tpu.memory_space<vmem>>) offsets(%dma_start3A_102 : memref<64xi32, #tpu.memory_space<vmem>>) semaphore(%arg13 : memref<!tpu.dma_semaphore, #tpu.memory_space<semaphore_mem>>)
        %mul3A_106 = arith.constant 64 : i32
        %mul3A_107 = arith.muli %mul3A_90, %mul3A_106 : i32
        %dma_wait3A = tpu.memref_slice %arg8[%mul3A_107] : memref<5120xi32, #tpu.memory_space<vmem>> -> memref<64xi32, #tpu.memory_space<vmem>>
        %dma_wait3A_108 = arith.constant 0 : i32
        %dma_wait3A_109 = arith.constant 0 : i32
        %dma_wait3A_110 = tpu.memref_slice %arg2[%dma_wait3A_108, %dma_wait3A_109] : memref<10000x128xf32, #tpu.memory_space<hbm>> -> memref<10000x128xf32, #tpu.memory_space<hbm>>
        tpu.wait_indirect_dma semaphore(%arg13 : memref<!tpu.dma_semaphore, #tpu.memory_space<semaphore_mem>>) src(%dma_wait3A_110 : memref<10000x128xf32, #tpu.memory_space<hbm>>) dst(%arg11 : memref<64x128xf32, #tpu.memory_space<vmem>>)
        %mul3A_111 = arith.constant 64 : i32
        %mul3A_112 = arith.muli %mul3A_90, %mul3A_111 : i32
        %add3A_113 = arith.addi %add3A_33, %mul3A_112 : i32
        %dma_wait3A_114 = tpu.memref_slice %arg4[%add3A_113] : memref<327680xi32, #tpu.memory_space<hbm>> -> memref<64xi32, #tpu.memory_space<hbm>>
        %dma_wait3A_115 = tpu.memref_slice %arg4[%add3A_113] : memref<327680xi32, #tpu.memory_space<hbm>> -> memref<64xi32, #tpu.memory_space<hbm>>
        tpu.wait_dma2 semaphore(%arg14 : memref<!tpu.dma_semaphore, #tpu.memory_space<semaphore_mem>>) src(%dma_wait3A_115 : memref<64xi32, #tpu.memory_space<hbm>>) dst(%arg9 : memref<64xi32, #tpu.memory_space<vmem>>)
        "tpu.region"() ({
          %run_scoped3A = tpu.sem_alloc : memref<!tpu.dma_semaphore, #tpu.memory_space<semaphore_mem>>
          %dma_start3A_131 = arith.constant 0 : i32
          %dma_start3A_132 = arith.constant 0 : i32
          %dma_start3A_133 = tpu.memref_slice %arg7[%dma_start3A_131, %dma_start3A_132] : memref<10112x128xf32, #tpu.memory_space<vmem_shared>> -> memref<10112x128xf32, #tpu.memory_space<vmem_shared>>
          tpu.enqueue_indirect_dma source(%arg11 : memref<64x128xf32, #tpu.memory_space<vmem>>) target(%dma_start3A_133 : memref<10112x128xf32, #tpu.memory_space<vmem_shared>>) offsets(%arg9 : memref<64xi32, #tpu.memory_space<vmem>>) semaphore(%run_scoped3A : memref<!tpu.dma_semaphore, #tpu.memory_space<semaphore_mem>>) {add = true}
          %dma_wait3A_134 = arith.constant 0 : i32
          %dma_wait3A_135 = arith.constant 0 : i32
          %dma_wait3A_136 = tpu.memref_slice %arg7[%dma_wait3A_134, %dma_wait3A_135] : memref<10112x128xf32, #tpu.memory_space<vmem_shared>> -> memref<10112x128xf32, #tpu.memory_space<vmem_shared>>
          tpu.wait_indirect_dma semaphore(%run_scoped3A : memref<!tpu.dma_semaphore, #tpu.memory_space<semaphore_mem>>) src(%arg11 : memref<64x128xf32, #tpu.memory_space<vmem>>) dst(%dma_wait3A_136 : memref<10112x128xf32, #tpu.memory_space<vmem_shared>>)
          tpu.yield
        }) : () -> ()
        %lt3A = arith.constant 80 : i32
        %lt3A_116 = arith.cmpi slt, %add3A_94, %lt3A : i32
        %convert_element_type3A_117 = arith.extui %lt3A_116 : i1 to i32
        %cond3A_118 = arith.constant 0 : i32
        %cond3A_119 = arith.cmpi ne, %convert_element_type3A_117, %cond3A_118 : i32
        scf.if %cond3A_119 {
          %mul3A_131 = arith.constant 64 : i32
          %mul3A_132 = arith.muli %add3A_94, %mul3A_131 : i32
          %add3A_133 = arith.addi %add3A_33, %mul3A_132 : i32
          %dma_start3A_134 = tpu.memref_slice %arg4[%add3A_133] : memref<327680xi32, #tpu.memory_space<hbm>> -> memref<64xi32, #tpu.memory_space<hbm>>
          %dma_start3A_135 = tpu.memref_slice %arg4[%add3A_133] : memref<327680xi32, #tpu.memory_space<hbm>> -> memref<64xi32, #tpu.memory_space<hbm>>
          tpu.enqueue_dma source(%dma_start3A_135 : memref<64xi32, #tpu.memory_space<hbm>>) target(%arg9 : memref<64xi32, #tpu.memory_space<vmem>>) target_semaphore(%arg14 : memref<!tpu.dma_semaphore, #tpu.memory_space<semaphore_mem>>)
          %mul3A_136 = arith.constant 64 : i32
          %mul3A_137 = arith.muli %add3A_94, %mul3A_136 : i32
          %dma_start3A_138 = tpu.memref_slice %arg8[%mul3A_137] : memref<5120xi32, #tpu.memory_space<vmem>> -> memref<64xi32, #tpu.memory_space<vmem>>
          %dma_start3A_139 = arith.constant 0 : i32
          %dma_start3A_140 = arith.constant 0 : i32
          %dma_start3A_141 = tpu.memref_slice %arg2[%dma_start3A_139, %dma_start3A_140] : memref<10000x128xf32, #tpu.memory_space<hbm>> -> memref<10000x128xf32, #tpu.memory_space<hbm>>
          tpu.enqueue_indirect_dma source(%dma_start3A_141 : memref<10000x128xf32, #tpu.memory_space<hbm>>) target(%arg11 : memref<64x128xf32, #tpu.memory_space<vmem>>) offsets(%dma_start3A_138 : memref<64xi32, #tpu.memory_space<vmem>>) semaphore(%arg13 : memref<!tpu.dma_semaphore, #tpu.memory_space<semaphore_mem>>)
        } else {
        }
        %mul3A_120 = arith.constant 64 : i32
        %mul3A_121 = arith.muli %add3A_92, %mul3A_120 : i32
        %dma_wait3A_122 = tpu.memref_slice %arg8[%mul3A_121] : memref<5120xi32, #tpu.memory_space<vmem>> -> memref<64xi32, #tpu.memory_space<vmem>>
        %dma_wait3A_123 = arith.constant 0 : i32
        %dma_wait3A_124 = arith.constant 0 : i32
        %dma_wait3A_125 = tpu.memref_slice %arg2[%dma_wait3A_123, %dma_wait3A_124] : memref<10000x128xf32, #tpu.memory_space<hbm>> -> memref<10000x128xf32, #tpu.memory_space<hbm>>
        tpu.wait_indirect_dma semaphore(%arg13 : memref<!tpu.dma_semaphore, #tpu.memory_space<semaphore_mem>>) src(%dma_wait3A_125 : memref<10000x128xf32, #tpu.memory_space<hbm>>) dst(%arg12 : memref<64x128xf32, #tpu.memory_space<vmem>>)
        %mul3A_126 = arith.constant 64 : i32
        %mul3A_127 = arith.muli %add3A_92, %mul3A_126 : i32
        %add3A_128 = arith.addi %add3A_33, %mul3A_127 : i32
        %dma_wait3A_129 = tpu.memref_slice %arg4[%add3A_128] : memref<327680xi32, #tpu.memory_space<hbm>> -> memref<64xi32, #tpu.memory_space<hbm>>
        %dma_wait3A_130 = tpu.memref_slice %arg4[%add3A_128] : memref<327680xi32, #tpu.memory_space<hbm>> -> memref<64xi32, #tpu.memory_space<hbm>>
        tpu.wait_dma2 semaphore(%arg14 : memref<!tpu.dma_semaphore, #tpu.memory_space<semaphore_mem>>) src(%dma_wait3A_130 : memref<64xi32, #tpu.memory_space<hbm>>) dst(%arg10 : memref<64xi32, #tpu.memory_space<vmem>>)
        "tpu.region"() ({
          %run_scoped3A = tpu.sem_alloc : memref<!tpu.dma_semaphore, #tpu.memory_space<semaphore_mem>>
          %dma_start3A_131 = arith.constant 0 : i32
          %dma_start3A_132 = arith.constant 0 : i32
          %dma_start3A_133 = tpu.memref_slice %arg7[%dma_start3A_131, %dma_start3A_132] : memref<10112x128xf32, #tpu.memory_space<vmem_shared>> -> memref<10112x128xf32, #tpu.memory_space<vmem_shared>>
          tpu.enqueue_indirect_dma source(%arg12 : memref<64x128xf32, #tpu.memory_space<vmem>>) target(%dma_start3A_133 : memref<10112x128xf32, #tpu.memory_space<vmem_shared>>) offsets(%arg10 : memref<64xi32, #tpu.memory_space<vmem>>) semaphore(%run_scoped3A : memref<!tpu.dma_semaphore, #tpu.memory_space<semaphore_mem>>) {add = true}
          %dma_wait3A_134 = arith.constant 0 : i32
          %dma_wait3A_135 = arith.constant 0 : i32
          %dma_wait3A_136 = tpu.memref_slice %arg7[%dma_wait3A_134, %dma_wait3A_135] : memref<10112x128xf32, #tpu.memory_space<vmem_shared>> -> memref<10112x128xf32, #tpu.memory_space<vmem_shared>>
          tpu.wait_indirect_dma semaphore(%run_scoped3A : memref<!tpu.dma_semaphore, #tpu.memory_space<semaphore_mem>>) src(%arg12 : memref<64x128xf32, #tpu.memory_space<vmem>>) dst(%dma_wait3A_136 : memref<10112x128xf32, #tpu.memory_space<vmem_shared>>)
          tpu.yield
        }) : () -> ()
      }
      %scan3A_47 = arith.constant 40 : i32
      %mul3A_48 = arith.constant 20480 : i32
      %mul3A_49 = arith.muli %arg1, %mul3A_48 : i32
      %add3A_50 = arith.constant 10240 : i32
      %add3A_51 = arith.addi %mul3A_49, %add3A_50 : i32
      "tpu.region"() ({
        %run_scoped3A = tpu.sem_alloc : memref<!tpu.dma_semaphore, #tpu.memory_space<semaphore_mem>>
        %dma_start3A_84 = tpu.memref_slice %arg3[%add3A_51] : memref<327680xi32, #tpu.memory_space<hbm>> -> memref<5120xi32, #tpu.memory_space<hbm>>
        %dma_start3A_85 = tpu.memref_slice %arg3[%add3A_51] : memref<327680xi32, #tpu.memory_space<hbm>> -> memref<5120xi32, #tpu.memory_space<hbm>>
        tpu.enqueue_dma source(%dma_start3A_85 : memref<5120xi32, #tpu.memory_space<hbm>>) target(%arg8 : memref<5120xi32, #tpu.memory_space<vmem>>) target_semaphore(%run_scoped3A : memref<!tpu.dma_semaphore, #tpu.memory_space<semaphore_mem>>)
        %dma_wait3A = tpu.memref_slice %arg3[%add3A_51] : memref<327680xi32, #tpu.memory_space<hbm>> -> memref<5120xi32, #tpu.memory_space<hbm>>
        %dma_wait3A_86 = tpu.memref_slice %arg3[%add3A_51] : memref<327680xi32, #tpu.memory_space<hbm>> -> memref<5120xi32, #tpu.memory_space<hbm>>
        tpu.wait_dma2 semaphore(%run_scoped3A : memref<!tpu.dma_semaphore, #tpu.memory_space<semaphore_mem>>) src(%dma_wait3A_86 : memref<5120xi32, #tpu.memory_space<hbm>>) dst(%arg8 : memref<5120xi32, #tpu.memory_space<vmem>>)
        tpu.yield
      }) : () -> ()
      %add3A_52 = arith.constant 0 : i32
      %add3A_53 = arith.addi %add3A_51, %add3A_52 : i32
      %dma_start3A_54 = tpu.memref_slice %arg4[%add3A_53] : memref<327680xi32, #tpu.memory_space<hbm>> -> memref<64xi32, #tpu.memory_space<hbm>>
      %dma_start3A_55 = tpu.memref_slice %arg4[%add3A_53] : memref<327680xi32, #tpu.memory_space<hbm>> -> memref<64xi32, #tpu.memory_space<hbm>>
      tpu.enqueue_dma source(%dma_start3A_55 : memref<64xi32, #tpu.memory_space<hbm>>) target(%arg9 : memref<64xi32, #tpu.memory_space<vmem>>) target_semaphore(%arg14 : memref<!tpu.dma_semaphore, #tpu.memory_space<semaphore_mem>>)
      %dma_start3A_56 = arith.constant 0 : i32
      %dma_start3A_57 = tpu.memref_slice %arg8[%dma_start3A_56] : memref<5120xi32, #tpu.memory_space<vmem>> -> memref<64xi32, #tpu.memory_space<vmem>>
      %dma_start3A_58 = arith.constant 0 : i32
      %dma_start3A_59 = arith.constant 0 : i32
      %dma_start3A_60 = tpu.memref_slice %arg2[%dma_start3A_58, %dma_start3A_59] : memref<10000x128xf32, #tpu.memory_space<hbm>> -> memref<10000x128xf32, #tpu.memory_space<hbm>>
      tpu.enqueue_indirect_dma source(%dma_start3A_60 : memref<10000x128xf32, #tpu.memory_space<hbm>>) target(%arg11 : memref<64x128xf32, #tpu.memory_space<vmem>>) offsets(%dma_start3A_57 : memref<64xi32, #tpu.memory_space<vmem>>) semaphore(%arg13 : memref<!tpu.dma_semaphore, #tpu.memory_space<semaphore_mem>>)
      %scan3A_61 = arith.constant 0 : i32
      %scan3A_62 = arith.constant 40 : i32
      %scan3A_63 = arith.addi %scan3A_61, %scan3A_62 : i32
      %scan3A_64 = arith.constant 1 : i32
      scf.for %scan3A_84 = %scan3A_61 to %scan3A_63 step %scan3A_64  : i32 {
        %mul3A_85 = arith.constant 1 : i32
        %mul3A_86 = arith.muli %scan3A_84, %mul3A_85 : i32
        %add3A_87 = arith.constant 0 : i32
        %add3A_88 = arith.addi %add3A_87, %mul3A_86 : i32
        %mul3A_89 = arith.constant 2 : i32
        %mul3A_90 = arith.muli %mul3A_89, %add3A_88 : i32
        %add3A_91 = arith.constant 1 : i32
        %add3A_92 = arith.addi %mul3A_90, %add3A_91 : i32
        %add3A_93 = arith.constant 2 : i32
        %add3A_94 = arith.addi %mul3A_90, %add3A_93 : i32
        %mul3A_95 = arith.constant 64 : i32
        %mul3A_96 = arith.muli %add3A_92, %mul3A_95 : i32
        %add3A_97 = arith.addi %add3A_51, %mul3A_96 : i32
        %dma_start3A_98 = tpu.memref_slice %arg4[%add3A_97] : memref<327680xi32, #tpu.memory_space<hbm>> -> memref<64xi32, #tpu.memory_space<hbm>>
        %dma_start3A_99 = tpu.memref_slice %arg4[%add3A_97] : memref<327680xi32, #tpu.memory_space<hbm>> -> memref<64xi32, #tpu.memory_space<hbm>>
        tpu.enqueue_dma source(%dma_start3A_99 : memref<64xi32, #tpu.memory_space<hbm>>) target(%arg10 : memref<64xi32, #tpu.memory_space<vmem>>) target_semaphore(%arg14 : memref<!tpu.dma_semaphore, #tpu.memory_space<semaphore_mem>>)
        %mul3A_100 = arith.constant 64 : i32
        %mul3A_101 = arith.muli %add3A_92, %mul3A_100 : i32
        %dma_start3A_102 = tpu.memref_slice %arg8[%mul3A_101] : memref<5120xi32, #tpu.memory_space<vmem>> -> memref<64xi32, #tpu.memory_space<vmem>>
        %dma_start3A_103 = arith.constant 0 : i32
        %dma_start3A_104 = arith.constant 0 : i32
        %dma_start3A_105 = tpu.memref_slice %arg2[%dma_start3A_103, %dma_start3A_104] : memref<10000x128xf32, #tpu.memory_space<hbm>> -> memref<10000x128xf32, #tpu.memory_space<hbm>>
        tpu.enqueue_indirect_dma source(%dma_start3A_105 : memref<10000x128xf32, #tpu.memory_space<hbm>>) target(%arg12 : memref<64x128xf32, #tpu.memory_space<vmem>>) offsets(%dma_start3A_102 : memref<64xi32, #tpu.memory_space<vmem>>) semaphore(%arg13 : memref<!tpu.dma_semaphore, #tpu.memory_space<semaphore_mem>>)
        %mul3A_106 = arith.constant 64 : i32
        %mul3A_107 = arith.muli %mul3A_90, %mul3A_106 : i32
        %dma_wait3A = tpu.memref_slice %arg8[%mul3A_107] : memref<5120xi32, #tpu.memory_space<vmem>> -> memref<64xi32, #tpu.memory_space<vmem>>
        %dma_wait3A_108 = arith.constant 0 : i32
        %dma_wait3A_109 = arith.constant 0 : i32
        %dma_wait3A_110 = tpu.memref_slice %arg2[%dma_wait3A_108, %dma_wait3A_109] : memref<10000x128xf32, #tpu.memory_space<hbm>> -> memref<10000x128xf32, #tpu.memory_space<hbm>>
        tpu.wait_indirect_dma semaphore(%arg13 : memref<!tpu.dma_semaphore, #tpu.memory_space<semaphore_mem>>) src(%dma_wait3A_110 : memref<10000x128xf32, #tpu.memory_space<hbm>>) dst(%arg11 : memref<64x128xf32, #tpu.memory_space<vmem>>)
        %mul3A_111 = arith.constant 64 : i32
        %mul3A_112 = arith.muli %mul3A_90, %mul3A_111 : i32
        %add3A_113 = arith.addi %add3A_51, %mul3A_112 : i32
        %dma_wait3A_114 = tpu.memref_slice %arg4[%add3A_113] : memref<327680xi32, #tpu.memory_space<hbm>> -> memref<64xi32, #tpu.memory_space<hbm>>
        %dma_wait3A_115 = tpu.memref_slice %arg4[%add3A_113] : memref<327680xi32, #tpu.memory_space<hbm>> -> memref<64xi32, #tpu.memory_space<hbm>>
        tpu.wait_dma2 semaphore(%arg14 : memref<!tpu.dma_semaphore, #tpu.memory_space<semaphore_mem>>) src(%dma_wait3A_115 : memref<64xi32, #tpu.memory_space<hbm>>) dst(%arg9 : memref<64xi32, #tpu.memory_space<vmem>>)
        "tpu.region"() ({
          %run_scoped3A = tpu.sem_alloc : memref<!tpu.dma_semaphore, #tpu.memory_space<semaphore_mem>>
          %dma_start3A_131 = arith.constant 0 : i32
          %dma_start3A_132 = arith.constant 0 : i32
          %dma_start3A_133 = tpu.memref_slice %arg7[%dma_start3A_131, %dma_start3A_132] : memref<10112x128xf32, #tpu.memory_space<vmem_shared>> -> memref<10112x128xf32, #tpu.memory_space<vmem_shared>>
          tpu.enqueue_indirect_dma source(%arg11 : memref<64x128xf32, #tpu.memory_space<vmem>>) target(%dma_start3A_133 : memref<10112x128xf32, #tpu.memory_space<vmem_shared>>) offsets(%arg9 : memref<64xi32, #tpu.memory_space<vmem>>) semaphore(%run_scoped3A : memref<!tpu.dma_semaphore, #tpu.memory_space<semaphore_mem>>) {add = true}
          %dma_wait3A_134 = arith.constant 0 : i32
          %dma_wait3A_135 = arith.constant 0 : i32
          %dma_wait3A_136 = tpu.memref_slice %arg7[%dma_wait3A_134, %dma_wait3A_135] : memref<10112x128xf32, #tpu.memory_space<vmem_shared>> -> memref<10112x128xf32, #tpu.memory_space<vmem_shared>>
          tpu.wait_indirect_dma semaphore(%run_scoped3A : memref<!tpu.dma_semaphore, #tpu.memory_space<semaphore_mem>>) src(%arg11 : memref<64x128xf32, #tpu.memory_space<vmem>>) dst(%dma_wait3A_136 : memref<10112x128xf32, #tpu.memory_space<vmem_shared>>)
          tpu.yield
        }) : () -> ()
        %lt3A = arith.constant 80 : i32
        %lt3A_116 = arith.cmpi slt, %add3A_94, %lt3A : i32
        %convert_element_type3A_117 = arith.extui %lt3A_116 : i1 to i32
        %cond3A_118 = arith.constant 0 : i32
        %cond3A_119 = arith.cmpi ne, %convert_element_type3A_117, %cond3A_118 : i32
        scf.if %cond3A_119 {
          %mul3A_131 = arith.constant 64 : i32
          %mul3A_132 = arith.muli %add3A_94, %mul3A_131 : i32
          %add3A_133 = arith.addi %add3A_51, %mul3A_132 : i32
          %dma_start3A_134 = tpu.memref_slice %arg4[%add3A_133] : memref<327680xi32, #tpu.memory_space<hbm>> -> memref<64xi32, #tpu.memory_space<hbm>>
          %dma_start3A_135 = tpu.memref_slice %arg4[%add3A_133] : memref<327680xi32, #tpu.memory_space<hbm>> -> memref<64xi32, #tpu.memory_space<hbm>>
          tpu.enqueue_dma source(%dma_start3A_135 : memref<64xi32, #tpu.memory_space<hbm>>) target(%arg9 : memref<64xi32, #tpu.memory_space<vmem>>) target_semaphore(%arg14 : memref<!tpu.dma_semaphore, #tpu.memory_space<semaphore_mem>>)
          %mul3A_136 = arith.constant 64 : i32
          %mul3A_137 = arith.muli %add3A_94, %mul3A_136 : i32
          %dma_start3A_138 = tpu.memref_slice %arg8[%mul3A_137] : memref<5120xi32, #tpu.memory_space<vmem>> -> memref<64xi32, #tpu.memory_space<vmem>>
          %dma_start3A_139 = arith.constant 0 : i32
          %dma_start3A_140 = arith.constant 0 : i32
          %dma_start3A_141 = tpu.memref_slice %arg2[%dma_start3A_139, %dma_start3A_140] : memref<10000x128xf32, #tpu.memory_space<hbm>> -> memref<10000x128xf32, #tpu.memory_space<hbm>>
          tpu.enqueue_indirect_dma source(%dma_start3A_141 : memref<10000x128xf32, #tpu.memory_space<hbm>>) target(%arg11 : memref<64x128xf32, #tpu.memory_space<vmem>>) offsets(%dma_start3A_138 : memref<64xi32, #tpu.memory_space<vmem>>) semaphore(%arg13 : memref<!tpu.dma_semaphore, #tpu.memory_space<semaphore_mem>>)
        } else {
        }
        %mul3A_120 = arith.constant 64 : i32
        %mul3A_121 = arith.muli %add3A_92, %mul3A_120 : i32
        %dma_wait3A_122 = tpu.memref_slice %arg8[%mul3A_121] : memref<5120xi32, #tpu.memory_space<vmem>> -> memref<64xi32, #tpu.memory_space<vmem>>
        %dma_wait3A_123 = arith.constant 0 : i32
        %dma_wait3A_124 = arith.constant 0 : i32
        %dma_wait3A_125 = tpu.memref_slice %arg2[%dma_wait3A_123, %dma_wait3A_124] : memref<10000x128xf32, #tpu.memory_space<hbm>> -> memref<10000x128xf32, #tpu.memory_space<hbm>>
        tpu.wait_indirect_dma semaphore(%arg13 : memref<!tpu.dma_semaphore, #tpu.memory_space<semaphore_mem>>) src(%dma_wait3A_125 : memref<10000x128xf32, #tpu.memory_space<hbm>>) dst(%arg12 : memref<64x128xf32, #tpu.memory_space<vmem>>)
        %mul3A_126 = arith.constant 64 : i32
        %mul3A_127 = arith.muli %add3A_92, %mul3A_126 : i32
        %add3A_128 = arith.addi %add3A_51, %mul3A_127 : i32
        %dma_wait3A_129 = tpu.memref_slice %arg4[%add3A_128] : memref<327680xi32, #tpu.memory_space<hbm>> -> memref<64xi32, #tpu.memory_space<hbm>>
        %dma_wait3A_130 = tpu.memref_slice %arg4[%add3A_128] : memref<327680xi32, #tpu.memory_space<hbm>> -> memref<64xi32, #tpu.memory_space<hbm>>
        tpu.wait_dma2 semaphore(%arg14 : memref<!tpu.dma_semaphore, #tpu.memory_space<semaphore_mem>>) src(%dma_wait3A_130 : memref<64xi32, #tpu.memory_space<hbm>>) dst(%arg10 : memref<64xi32, #tpu.memory_space<vmem>>)
        "tpu.region"() ({
          %run_scoped3A = tpu.sem_alloc : memref<!tpu.dma_semaphore, #tpu.memory_space<semaphore_mem>>
          %dma_start3A_131 = arith.constant 0 : i32
          %dma_start3A_132 = arith.constant 0 : i32
          %dma_start3A_133 = tpu.memref_slice %arg7[%dma_start3A_131, %dma_start3A_132] : memref<10112x128xf32, #tpu.memory_space<vmem_shared>> -> memref<10112x128xf32, #tpu.memory_space<vmem_shared>>
          tpu.enqueue_indirect_dma source(%arg12 : memref<64x128xf32, #tpu.memory_space<vmem>>) target(%dma_start3A_133 : memref<10112x128xf32, #tpu.memory_space<vmem_shared>>) offsets(%arg10 : memref<64xi32, #tpu.memory_space<vmem>>) semaphore(%run_scoped3A : memref<!tpu.dma_semaphore, #tpu.memory_space<semaphore_mem>>) {add = true}
          %dma_wait3A_134 = arith.constant 0 : i32
          %dma_wait3A_135 = arith.constant 0 : i32
          %dma_wait3A_136 = tpu.memref_slice %arg7[%dma_wait3A_134, %dma_wait3A_135] : memref<10112x128xf32, #tpu.memory_space<vmem_shared>> -> memref<10112x128xf32, #tpu.memory_space<vmem_shared>>
          tpu.wait_indirect_dma semaphore(%run_scoped3A : memref<!tpu.dma_semaphore, #tpu.memory_space<semaphore_mem>>) src(%arg12 : memref<64x128xf32, #tpu.memory_space<vmem>>) dst(%dma_wait3A_136 : memref<10112x128xf32, #tpu.memory_space<vmem_shared>>)
          tpu.yield
        }) : () -> ()
      }
      %scan3A_65 = arith.constant 40 : i32
      %mul3A_66 = arith.constant 20480 : i32
      %mul3A_67 = arith.muli %arg1, %mul3A_66 : i32
      %add3A_68 = arith.constant 15360 : i32
      %add3A_69 = arith.addi %mul3A_67, %add3A_68 : i32
      "tpu.region"() ({
        %run_scoped3A = tpu.sem_alloc : memref<!tpu.dma_semaphore, #tpu.memory_space<semaphore_mem>>
        %dma_start3A_84 = tpu.memref_slice %arg3[%add3A_69] : memref<327680xi32, #tpu.memory_space<hbm>> -> memref<5120xi32, #tpu.memory_space<hbm>>
        %dma_start3A_85 = tpu.memref_slice %arg3[%add3A_69] : memref<327680xi32, #tpu.memory_space<hbm>> -> memref<5120xi32, #tpu.memory_space<hbm>>
        tpu.enqueue_dma source(%dma_start3A_85 : memref<5120xi32, #tpu.memory_space<hbm>>) target(%arg8 : memref<5120xi32, #tpu.memory_space<vmem>>) target_semaphore(%run_scoped3A : memref<!tpu.dma_semaphore, #tpu.memory_space<semaphore_mem>>)
        %dma_wait3A = tpu.memref_slice %arg3[%add3A_69] : memref<327680xi32, #tpu.memory_space<hbm>> -> memref<5120xi32, #tpu.memory_space<hbm>>
        %dma_wait3A_86 = tpu.memref_slice %arg3[%add3A_69] : memref<327680xi32, #tpu.memory_space<hbm>> -> memref<5120xi32, #tpu.memory_space<hbm>>
        tpu.wait_dma2 semaphore(%run_scoped3A : memref<!tpu.dma_semaphore, #tpu.memory_space<semaphore_mem>>) src(%dma_wait3A_86 : memref<5120xi32, #tpu.memory_space<hbm>>) dst(%arg8 : memref<5120xi32, #tpu.memory_space<vmem>>)
        tpu.yield
      }) : () -> ()
      %add3A_70 = arith.constant 0 : i32
      %add3A_71 = arith.addi %add3A_69, %add3A_70 : i32
      %dma_start3A_72 = tpu.memref_slice %arg4[%add3A_71] : memref<327680xi32, #tpu.memory_space<hbm>> -> memref<64xi32, #tpu.memory_space<hbm>>
      %dma_start3A_73 = tpu.memref_slice %arg4[%add3A_71] : memref<327680xi32, #tpu.memory_space<hbm>> -> memref<64xi32, #tpu.memory_space<hbm>>
      tpu.enqueue_dma source(%dma_start3A_73 : memref<64xi32, #tpu.memory_space<hbm>>) target(%arg9 : memref<64xi32, #tpu.memory_space<vmem>>) target_semaphore(%arg14 : memref<!tpu.dma_semaphore, #tpu.memory_space<semaphore_mem>>)
      %dma_start3A_74 = arith.constant 0 : i32
      %dma_start3A_75 = tpu.memref_slice %arg8[%dma_start3A_74] : memref<5120xi32, #tpu.memory_space<vmem>> -> memref<64xi32, #tpu.memory_space<vmem>>
      %dma_start3A_76 = arith.constant 0 : i32
      %dma_start3A_77 = arith.constant 0 : i32
      %dma_start3A_78 = tpu.memref_slice %arg2[%dma_start3A_76, %dma_start3A_77] : memref<10000x128xf32, #tpu.memory_space<hbm>> -> memref<10000x128xf32, #tpu.memory_space<hbm>>
      tpu.enqueue_indirect_dma source(%dma_start3A_78 : memref<10000x128xf32, #tpu.memory_space<hbm>>) target(%arg11 : memref<64x128xf32, #tpu.memory_space<vmem>>) offsets(%dma_start3A_75 : memref<64xi32, #tpu.memory_space<vmem>>) semaphore(%arg13 : memref<!tpu.dma_semaphore, #tpu.memory_space<semaphore_mem>>)
      %scan3A_79 = arith.constant 0 : i32
      %scan3A_80 = arith.constant 40 : i32
      %scan3A_81 = arith.addi %scan3A_79, %scan3A_80 : i32
      %scan3A_82 = arith.constant 1 : i32
      scf.for %scan3A_84 = %scan3A_79 to %scan3A_81 step %scan3A_82  : i32 {
        %mul3A_85 = arith.constant 1 : i32
        %mul3A_86 = arith.muli %scan3A_84, %mul3A_85 : i32
        %add3A_87 = arith.constant 0 : i32
        %add3A_88 = arith.addi %add3A_87, %mul3A_86 : i32
        %mul3A_89 = arith.constant 2 : i32
        %mul3A_90 = arith.muli %mul3A_89, %add3A_88 : i32
        %add3A_91 = arith.constant 1 : i32
        %add3A_92 = arith.addi %mul3A_90, %add3A_91 : i32
        %add3A_93 = arith.constant 2 : i32
        %add3A_94 = arith.addi %mul3A_90, %add3A_93 : i32
        %mul3A_95 = arith.constant 64 : i32
        %mul3A_96 = arith.muli %add3A_92, %mul3A_95 : i32
        %add3A_97 = arith.addi %add3A_69, %mul3A_96 : i32
        %dma_start3A_98 = tpu.memref_slice %arg4[%add3A_97] : memref<327680xi32, #tpu.memory_space<hbm>> -> memref<64xi32, #tpu.memory_space<hbm>>
        %dma_start3A_99 = tpu.memref_slice %arg4[%add3A_97] : memref<327680xi32, #tpu.memory_space<hbm>> -> memref<64xi32, #tpu.memory_space<hbm>>
        tpu.enqueue_dma source(%dma_start3A_99 : memref<64xi32, #tpu.memory_space<hbm>>) target(%arg10 : memref<64xi32, #tpu.memory_space<vmem>>) target_semaphore(%arg14 : memref<!tpu.dma_semaphore, #tpu.memory_space<semaphore_mem>>)
        %mul3A_100 = arith.constant 64 : i32
        %mul3A_101 = arith.muli %add3A_92, %mul3A_100 : i32
        %dma_start3A_102 = tpu.memref_slice %arg8[%mul3A_101] : memref<5120xi32, #tpu.memory_space<vmem>> -> memref<64xi32, #tpu.memory_space<vmem>>
        %dma_start3A_103 = arith.constant 0 : i32
        %dma_start3A_104 = arith.constant 0 : i32
        %dma_start3A_105 = tpu.memref_slice %arg2[%dma_start3A_103, %dma_start3A_104] : memref<10000x128xf32, #tpu.memory_space<hbm>> -> memref<10000x128xf32, #tpu.memory_space<hbm>>
        tpu.enqueue_indirect_dma source(%dma_start3A_105 : memref<10000x128xf32, #tpu.memory_space<hbm>>) target(%arg12 : memref<64x128xf32, #tpu.memory_space<vmem>>) offsets(%dma_start3A_102 : memref<64xi32, #tpu.memory_space<vmem>>) semaphore(%arg13 : memref<!tpu.dma_semaphore, #tpu.memory_space<semaphore_mem>>)
        %mul3A_106 = arith.constant 64 : i32
        %mul3A_107 = arith.muli %mul3A_90, %mul3A_106 : i32
        %dma_wait3A = tpu.memref_slice %arg8[%mul3A_107] : memref<5120xi32, #tpu.memory_space<vmem>> -> memref<64xi32, #tpu.memory_space<vmem>>
        %dma_wait3A_108 = arith.constant 0 : i32
        %dma_wait3A_109 = arith.constant 0 : i32
        %dma_wait3A_110 = tpu.memref_slice %arg2[%dma_wait3A_108, %dma_wait3A_109] : memref<10000x128xf32, #tpu.memory_space<hbm>> -> memref<10000x128xf32, #tpu.memory_space<hbm>>
        tpu.wait_indirect_dma semaphore(%arg13 : memref<!tpu.dma_semaphore, #tpu.memory_space<semaphore_mem>>) src(%dma_wait3A_110 : memref<10000x128xf32, #tpu.memory_space<hbm>>) dst(%arg11 : memref<64x128xf32, #tpu.memory_space<vmem>>)
        %mul3A_111 = arith.constant 64 : i32
        %mul3A_112 = arith.muli %mul3A_90, %mul3A_111 : i32
        %add3A_113 = arith.addi %add3A_69, %mul3A_112 : i32
        %dma_wait3A_114 = tpu.memref_slice %arg4[%add3A_113] : memref<327680xi32, #tpu.memory_space<hbm>> -> memref<64xi32, #tpu.memory_space<hbm>>
        %dma_wait3A_115 = tpu.memref_slice %arg4[%add3A_113] : memref<327680xi32, #tpu.memory_space<hbm>> -> memref<64xi32, #tpu.memory_space<hbm>>
        tpu.wait_dma2 semaphore(%arg14 : memref<!tpu.dma_semaphore, #tpu.memory_space<semaphore_mem>>) src(%dma_wait3A_115 : memref<64xi32, #tpu.memory_space<hbm>>) dst(%arg9 : memref<64xi32, #tpu.memory_space<vmem>>)
        "tpu.region"() ({
          %run_scoped3A = tpu.sem_alloc : memref<!tpu.dma_semaphore, #tpu.memory_space<semaphore_mem>>
          %dma_start3A_131 = arith.constant 0 : i32
          %dma_start3A_132 = arith.constant 0 : i32
          %dma_start3A_133 = tpu.memref_slice %arg7[%dma_start3A_131, %dma_start3A_132] : memref<10112x128xf32, #tpu.memory_space<vmem_shared>> -> memref<10112x128xf32, #tpu.memory_space<vmem_shared>>
          tpu.enqueue_indirect_dma source(%arg11 : memref<64x128xf32, #tpu.memory_space<vmem>>) target(%dma_start3A_133 : memref<10112x128xf32, #tpu.memory_space<vmem_shared>>) offsets(%arg9 : memref<64xi32, #tpu.memory_space<vmem>>) semaphore(%run_scoped3A : memref<!tpu.dma_semaphore, #tpu.memory_space<semaphore_mem>>) {add = true}
          %dma_wait3A_134 = arith.constant 0 : i32
          %dma_wait3A_135 = arith.constant 0 : i32
          %dma_wait3A_136 = tpu.memref_slice %arg7[%dma_wait3A_134, %dma_wait3A_135] : memref<10112x128xf32, #tpu.memory_space<vmem_shared>> -> memref<10112x128xf32, #tpu.memory_space<vmem_shared>>
          tpu.wait_indirect_dma semaphore(%run_scoped3A : memref<!tpu.dma_semaphore, #tpu.memory_space<semaphore_mem>>) src(%arg11 : memref<64x128xf32, #tpu.memory_space<vmem>>) dst(%dma_wait3A_136 : memref<10112x128xf32, #tpu.memory_space<vmem_shared>>)
          tpu.yield
        }) : () -> ()
        %lt3A = arith.constant 80 : i32
        %lt3A_116 = arith.cmpi slt, %add3A_94, %lt3A : i32
        %convert_element_type3A_117 = arith.extui %lt3A_116 : i1 to i32
        %cond3A_118 = arith.constant 0 : i32
        %cond3A_119 = arith.cmpi ne, %convert_element_type3A_117, %cond3A_118 : i32
        scf.if %cond3A_119 {
          %mul3A_131 = arith.constant 64 : i32
          %mul3A_132 = arith.muli %add3A_94, %mul3A_131 : i32
          %add3A_133 = arith.addi %add3A_69, %mul3A_132 : i32
          %dma_start3A_134 = tpu.memref_slice %arg4[%add3A_133] : memref<327680xi32, #tpu.memory_space<hbm>> -> memref<64xi32, #tpu.memory_space<hbm>>
          %dma_start3A_135 = tpu.memref_slice %arg4[%add3A_133] : memref<327680xi32, #tpu.memory_space<hbm>> -> memref<64xi32, #tpu.memory_space<hbm>>
          tpu.enqueue_dma source(%dma_start3A_135 : memref<64xi32, #tpu.memory_space<hbm>>) target(%arg9 : memref<64xi32, #tpu.memory_space<vmem>>) target_semaphore(%arg14 : memref<!tpu.dma_semaphore, #tpu.memory_space<semaphore_mem>>)
          %mul3A_136 = arith.constant 64 : i32
          %mul3A_137 = arith.muli %add3A_94, %mul3A_136 : i32
          %dma_start3A_138 = tpu.memref_slice %arg8[%mul3A_137] : memref<5120xi32, #tpu.memory_space<vmem>> -> memref<64xi32, #tpu.memory_space<vmem>>
          %dma_start3A_139 = arith.constant 0 : i32
          %dma_start3A_140 = arith.constant 0 : i32
          %dma_start3A_141 = tpu.memref_slice %arg2[%dma_start3A_139, %dma_start3A_140] : memref<10000x128xf32, #tpu.memory_space<hbm>> -> memref<10000x128xf32, #tpu.memory_space<hbm>>
          tpu.enqueue_indirect_dma source(%dma_start3A_141 : memref<10000x128xf32, #tpu.memory_space<hbm>>) target(%arg11 : memref<64x128xf32, #tpu.memory_space<vmem>>) offsets(%dma_start3A_138 : memref<64xi32, #tpu.memory_space<vmem>>) semaphore(%arg13 : memref<!tpu.dma_semaphore, #tpu.memory_space<semaphore_mem>>)
        } else {
        }
        %mul3A_120 = arith.constant 64 : i32
        %mul3A_121 = arith.muli %add3A_92, %mul3A_120 : i32
        %dma_wait3A_122 = tpu.memref_slice %arg8[%mul3A_121] : memref<5120xi32, #tpu.memory_space<vmem>> -> memref<64xi32, #tpu.memory_space<vmem>>
        %dma_wait3A_123 = arith.constant 0 : i32
        %dma_wait3A_124 = arith.constant 0 : i32
        %dma_wait3A_125 = tpu.memref_slice %arg2[%dma_wait3A_123, %dma_wait3A_124] : memref<10000x128xf32, #tpu.memory_space<hbm>> -> memref<10000x128xf32, #tpu.memory_space<hbm>>
        tpu.wait_indirect_dma semaphore(%arg13 : memref<!tpu.dma_semaphore, #tpu.memory_space<semaphore_mem>>) src(%dma_wait3A_125 : memref<10000x128xf32, #tpu.memory_space<hbm>>) dst(%arg12 : memref<64x128xf32, #tpu.memory_space<vmem>>)
        %mul3A_126 = arith.constant 64 : i32
        %mul3A_127 = arith.muli %add3A_92, %mul3A_126 : i32
        %add3A_128 = arith.addi %add3A_69, %mul3A_127 : i32
        %dma_wait3A_129 = tpu.memref_slice %arg4[%add3A_128] : memref<327680xi32, #tpu.memory_space<hbm>> -> memref<64xi32, #tpu.memory_space<hbm>>
        %dma_wait3A_130 = tpu.memref_slice %arg4[%add3A_128] : memref<327680xi32, #tpu.memory_space<hbm>> -> memref<64xi32, #tpu.memory_space<hbm>>
        tpu.wait_dma2 semaphore(%arg14 : memref<!tpu.dma_semaphore, #tpu.memory_space<semaphore_mem>>) src(%dma_wait3A_130 : memref<64xi32, #tpu.memory_space<hbm>>) dst(%arg10 : memref<64xi32, #tpu.memory_space<vmem>>)
        "tpu.region"() ({
          %run_scoped3A = tpu.sem_alloc : memref<!tpu.dma_semaphore, #tpu.memory_space<semaphore_mem>>
          %dma_start3A_131 = arith.constant 0 : i32
          %dma_start3A_132 = arith.constant 0 : i32
          %dma_start3A_133 = tpu.memref_slice %arg7[%dma_start3A_131, %dma_start3A_132] : memref<10112x128xf32, #tpu.memory_space<vmem_shared>> -> memref<10112x128xf32, #tpu.memory_space<vmem_shared>>
          tpu.enqueue_indirect_dma source(%arg12 : memref<64x128xf32, #tpu.memory_space<vmem>>) target(%dma_start3A_133 : memref<10112x128xf32, #tpu.memory_space<vmem_shared>>) offsets(%arg10 : memref<64xi32, #tpu.memory_space<vmem>>) semaphore(%run_scoped3A : memref<!tpu.dma_semaphore, #tpu.memory_space<semaphore_mem>>) {add = true}
          %dma_wait3A_134 = arith.constant 0 : i32
          %dma_wait3A_135 = arith.constant 0 : i32
          %dma_wait3A_136 = tpu.memref_slice %arg7[%dma_wait3A_134, %dma_wait3A_135] : memref<10112x128xf32, #tpu.memory_space<vmem_shared>> -> memref<10112x128xf32, #tpu.memory_space<vmem_shared>>
          tpu.wait_indirect_dma semaphore(%run_scoped3A : memref<!tpu.dma_semaphore, #tpu.memory_space<semaphore_mem>>) src(%arg12 : memref<64x128xf32, #tpu.memory_space<vmem>>) dst(%dma_wait3A_136 : memref<10112x128xf32, #tpu.memory_space<vmem_shared>>)
          tpu.yield
        }) : () -> ()
      }
      %scan3A_83 = arith.constant 40 : i32
    } else {
    }
    %barrier3A_8 = arith.constant 0 : index
    tpu.barrier barrier_id(%barrier3A_8)
    %eq3A_9 = arith.constant 0 : i32
    %eq3A_10 = arith.cmpi eq, %arg0, %eq3A_9 : i32
    %convert_element_type3A_11 = arith.extui %eq3A_10 : i1 to i32
    %cond3A_12 = arith.constant 0 : i32
    %cond3A_13 = arith.cmpi ne, %convert_element_type3A_11, %cond3A_12 : i32
    scf.if %cond3A_13 {
      %mul3A_14 = arith.constant 632 : i32
      %mul3A_15 = arith.muli %arg1, %mul3A_14 : i32
      %mul3A_16 = arith.constant 632 : i32
      %mul3A_17 = arith.muli %arg1, %mul3A_16 : i32
      %run_scoped3A = arith.constant 0 : i32
      "tpu.region"() ({
        %run_scoped3A_18 = tpu.sem_alloc : memref<!tpu.dma_semaphore, #tpu.memory_space<semaphore_mem>>
        %dma_start3A = arith.constant 0 : i32
        %dma_start3A_19 = tpu.memref_slice %arg6[%run_scoped3A, %mul3A_17, %dma_start3A] : memref<1x10112x128xf32, #tpu.memory_space<hbm>> -> memref<1x632x128xf32, #tpu.memory_space<hbm>>
        %dma_start3A_20 = tpu.memref_squeeze %dma_start3A_19 : memref<1x632x128xf32, #tpu.memory_space<hbm>> -> memref<632x128xf32, #tpu.memory_space<hbm>>
        %dma_start3A_21 = arith.constant 0 : i32
        %dma_start3A_22 = tpu.memref_slice %arg7[%mul3A_15, %dma_start3A_21] : memref<10112x128xf32, #tpu.memory_space<vmem_shared>> -> memref<632x128xf32, #tpu.memory_space<vmem_shared>>
        tpu.enqueue_dma source(%dma_start3A_22 : memref<632x128xf32, #tpu.memory_space<vmem_shared>>) target(%dma_start3A_20 : memref<632x128xf32, #tpu.memory_space<hbm>>) target_semaphore(%run_scoped3A_18 : memref<!tpu.dma_semaphore, #tpu.memory_space<semaphore_mem>>)
        %dma_wait3A = arith.constant 0 : i32
        %dma_wait3A_23 = tpu.memref_slice %arg6[%run_scoped3A, %mul3A_17, %dma_wait3A] : memref<1x10112x128xf32, #tpu.memory_space<hbm>> -> memref<1x632x128xf32, #tpu.memory_space<hbm>>
        %dma_wait3A_24 = tpu.memref_squeeze %dma_wait3A_23 : memref<1x632x128xf32, #tpu.memory_space<hbm>> -> memref<632x128xf32, #tpu.memory_space<hbm>>
        %dma_wait3A_25 = arith.constant 0 : i32
        %dma_wait3A_26 = tpu.memref_slice %arg7[%mul3A_15, %dma_wait3A_25] : memref<10112x128xf32, #tpu.memory_space<vmem_shared>> -> memref<632x128xf32, #tpu.memory_space<vmem_shared>>
        tpu.wait_dma2 semaphore(%run_scoped3A_18 : memref<!tpu.dma_semaphore, #tpu.memory_space<semaphore_mem>>) src(%dma_wait3A_26 : memref<632x128xf32, #tpu.memory_space<vmem_shared>>) dst(%dma_wait3A_24 : memref<632x128xf32, #tpu.memory_space<hbm>>)
        tpu.yield
      }) : () -> ()
    } else {
    }
    return
  }
}

#map = affine_map<(d0, d1) -> (0, 0)>
#map1 = affine_map<(d0, d1) -> (0)>
#map2 = affine_map<(d0, d1) -> (0, 0, 0)>
module attributes {stable_mosaic.version = 14 : i64} {
  func.func @_sc_agg_body(%arg0: i32, %arg1: i32, %arg2: memref<10000x128xf32, #tpu.memory_space<hbm>>, %arg3: memref<327680xi32, #tpu.memory_space<hbm>>, %arg4: memref<327680xi32, #tpu.memory_space<hbm>>, %arg5: memref<632x128xf32, #tpu.memory_space<hbm>>, %arg6: memref<1x10112x128xf32, #tpu.memory_space<hbm>>, %arg7: memref<10112x128xf32, #tpu.memory_space<vmem_shared>>, %arg8: memref<5120xi32, #tpu.memory_space<vmem>>, %arg9: memref<64xi32, #tpu.memory_space<vmem>>, %arg10: memref<64xi32, #tpu.memory_space<vmem>>, %arg11: memref<64x128xf32, #tpu.memory_space<vmem>>, %arg12: memref<64x128xf32, #tpu.memory_space<vmem>>, %arg13: memref<!tpu.dma_semaphore, #tpu.memory_space<semaphore_mem>>, %arg14: memref<!tpu.dma_semaphore, #tpu.memory_space<semaphore_mem>>) attributes {dimension_semantics = [#tpu.dimension_semantics<core_parallel>, #tpu.dimension_semantics<subcore_parallel>], iteration_bounds = array<i64: 2, 16>, scalar_prefetch = 0 : i64, scratch_operands = 8 : i64, tpu.core_type = #tpu.core_type<sc_vector_subcore>, window_params = [{transform_indices = #map}, {transform_indices = #map1}, {transform_indices = #map1}, {transform_indices = #map}, {transform_indices = #map2}]} {
    %mul3A = arith.constant 16 : i32
    %mul3A_0 = arith.muli %arg0, %mul3A : i32
    %add3A = arith.addi %mul3A_0, %arg1 : i32
    %eq3A = arith.constant 0 : i32
    %eq3A_1 = arith.cmpi eq, %arg0, %eq3A : i32
    %convert_element_type3A = arith.extui %eq3A_1 : i1 to i32
    %cond3A = arith.constant 0 : i32
    %cond3A_2 = arith.cmpi ne, %convert_element_type3A, %cond3A : i32
    scf.if %cond3A_2 {
      %mul3A_14 = arith.constant 632 : i32
      %mul3A_15 = arith.muli %arg1, %mul3A_14 : i32
      "tpu.region"() ({
        %run_scoped3A = tpu.sem_alloc : memref<!tpu.dma_semaphore, #tpu.memory_space<semaphore_mem>>
        %dma_start3A = arith.constant 0 : i32
        %dma_start3A_16 = tpu.memref_slice %arg7[%mul3A_15, %dma_start3A] : memref<10112x128xf32, #tpu.memory_space<vmem_shared>> -> memref<632x128xf32, #tpu.memory_space<vmem_shared>>
        tpu.enqueue_dma source(%arg5 : memref<632x128xf32, #tpu.memory_space<hbm>>) target(%dma_start3A_16 : memref<632x128xf32, #tpu.memory_space<vmem_shared>>) target_semaphore(%run_scoped3A : memref<!tpu.dma_semaphore, #tpu.memory_space<semaphore_mem>>)
        %dma_wait3A = arith.constant 0 : i32
        %dma_wait3A_17 = tpu.memref_slice %arg7[%mul3A_15, %dma_wait3A] : memref<10112x128xf32, #tpu.memory_space<vmem_shared>> -> memref<632x128xf32, #tpu.memory_space<vmem_shared>>
        tpu.wait_dma2 semaphore(%run_scoped3A : memref<!tpu.dma_semaphore, #tpu.memory_space<semaphore_mem>>) src(%arg5 : memref<632x128xf32, #tpu.memory_space<hbm>>) dst(%dma_wait3A_17 : memref<632x128xf32, #tpu.memory_space<vmem_shared>>)
        tpu.yield
      }) : () -> ()
    } else {
    }
    %barrier3A = arith.constant 0 : index
    tpu.barrier barrier_id(%barrier3A)
    %eq3A_3 = arith.constant 0 : i32
    %eq3A_4 = arith.cmpi eq, %arg0, %eq3A_3 : i32
    %convert_element_type3A_5 = arith.extui %eq3A_4 : i1 to i32
    %cond3A_6 = arith.constant 0 : i32
    %cond3A_7 = arith.cmpi ne, %convert_element_type3A_5, %cond3A_6 : i32
    scf.if %cond3A_7 {
      %mul3A_14 = arith.constant 20480 : i32
      %mul3A_15 = arith.muli %arg1, %mul3A_14 : i32
      %add3A_16 = arith.constant 0 : i32
      %add3A_17 = arith.addi %mul3A_15, %add3A_16 : i32
      "tpu.region"() ({
        %run_scoped3A = tpu.sem_alloc : memref<!tpu.dma_semaphore, #tpu.memory_space<semaphore_mem>>
        %dma_start3A_84 = tpu.memref_slice %arg3[%add3A_17] : memref<327680xi32, #tpu.memory_space<hbm>> -> memref<5120xi32, #tpu.memory_space<hbm>>
        %dma_start3A_85 = tpu.memref_slice %arg3[%add3A_17] : memref<327680xi32, #tpu.memory_space<hbm>> -> memref<5120xi32, #tpu.memory_space<hbm>>
        tpu.enqueue_dma source(%dma_start3A_85 : memref<5120xi32, #tpu.memory_space<hbm>>) target(%arg8 : memref<5120xi32, #tpu.memory_space<vmem>>) target_semaphore(%run_scoped3A : memref<!tpu.dma_semaphore, #tpu.memory_space<semaphore_mem>>)
        %dma_wait3A = tpu.memref_slice %arg3[%add3A_17] : memref<327680xi32, #tpu.memory_space<hbm>> -> memref<5120xi32, #tpu.memory_space<hbm>>
        %dma_wait3A_86 = tpu.memref_slice %arg3[%add3A_17] : memref<327680xi32, #tpu.memory_space<hbm>> -> memref<5120xi32, #tpu.memory_space<hbm>>
        tpu.wait_dma2 semaphore(%run_scoped3A : memref<!tpu.dma_semaphore, #tpu.memory_space<semaphore_mem>>) src(%dma_wait3A_86 : memref<5120xi32, #tpu.memory_space<hbm>>) dst(%arg8 : memref<5120xi32, #tpu.memory_space<vmem>>)
        tpu.yield
      }) : () -> ()
      %add3A_18 = arith.constant 0 : i32
      %add3A_19 = arith.addi %add3A_17, %add3A_18 : i32
      %dma_start3A = tpu.memref_slice %arg4[%add3A_19] : memref<327680xi32, #tpu.memory_space<hbm>> -> memref<64xi32, #tpu.memory_space<hbm>>
      %dma_start3A_20 = tpu.memref_slice %arg4[%add3A_19] : memref<327680xi32, #tpu.memory_space<hbm>> -> memref<64xi32, #tpu.memory_space<hbm>>
      tpu.enqueue_dma source(%dma_start3A_20 : memref<64xi32, #tpu.memory_space<hbm>>) target(%arg9 : memref<64xi32, #tpu.memory_space<vmem>>) target_semaphore(%arg14 : memref<!tpu.dma_semaphore, #tpu.memory_space<semaphore_mem>>)
      %dma_start3A_21 = arith.constant 0 : i32
      %dma_start3A_22 = tpu.memref_slice %arg8[%dma_start3A_21] : memref<5120xi32, #tpu.memory_space<vmem>> -> memref<64xi32, #tpu.memory_space<vmem>>
      %dma_start3A_23 = arith.constant 0 : i32
      %dma_start3A_24 = arith.constant 0 : i32
      %dma_start3A_25 = tpu.memref_slice %arg2[%dma_start3A_23, %dma_start3A_24] : memref<10000x128xf32, #tpu.memory_space<hbm>> -> memref<10000x128xf32, #tpu.memory_space<hbm>>
      tpu.enqueue_indirect_dma source(%dma_start3A_25 : memref<10000x128xf32, #tpu.memory_space<hbm>>) target(%arg11 : memref<64x128xf32, #tpu.memory_space<vmem>>) offsets(%dma_start3A_22 : memref<64xi32, #tpu.memory_space<vmem>>) semaphore(%arg13 : memref<!tpu.dma_semaphore, #tpu.memory_space<semaphore_mem>>)
      %scan3A = arith.constant 0 : i32
      %scan3A_26 = arith.constant 40 : i32
      %scan3A_27 = arith.addi %scan3A, %scan3A_26 : i32
      %scan3A_28 = arith.constant 1 : i32
      scf.for %scan3A_84 = %scan3A to %scan3A_27 step %scan3A_28  : i32 {
        %mul3A_85 = arith.constant 1 : i32
        %mul3A_86 = arith.muli %scan3A_84, %mul3A_85 : i32
        %add3A_87 = arith.constant 0 : i32
        %add3A_88 = arith.addi %add3A_87, %mul3A_86 : i32
        %mul3A_89 = arith.constant 2 : i32
        %mul3A_90 = arith.muli %mul3A_89, %add3A_88 : i32
        %add3A_91 = arith.constant 1 : i32
        %add3A_92 = arith.addi %mul3A_90, %add3A_91 : i32
        %add3A_93 = arith.constant 2 : i32
        %add3A_94 = arith.addi %mul3A_90, %add3A_93 : i32
        %mul3A_95 = arith.constant 64 : i32
        %mul3A_96 = arith.muli %add3A_92, %mul3A_95 : i32
        %add3A_97 = arith.addi %add3A_17, %mul3A_96 : i32
        %dma_start3A_98 = tpu.memref_slice %arg4[%add3A_97] : memref<327680xi32, #tpu.memory_space<hbm>> -> memref<64xi32, #tpu.memory_space<hbm>>
        %dma_start3A_99 = tpu.memref_slice %arg4[%add3A_97] : memref<327680xi32, #tpu.memory_space<hbm>> -> memref<64xi32, #tpu.memory_space<hbm>>
        tpu.enqueue_dma source(%dma_start3A_99 : memref<64xi32, #tpu.memory_space<hbm>>) target(%arg10 : memref<64xi32, #tpu.memory_space<vmem>>) target_semaphore(%arg14 : memref<!tpu.dma_semaphore, #tpu.memory_space<semaphore_mem>>)
        %mul3A_100 = arith.constant 64 : i32
        %mul3A_101 = arith.muli %add3A_92, %mul3A_100 : i32
        %dma_start3A_102 = tpu.memref_slice %arg8[%mul3A_101] : memref<5120xi32, #tpu.memory_space<vmem>> -> memref<64xi32, #tpu.memory_space<vmem>>
        %dma_start3A_103 = arith.constant 0 : i32
        %dma_start3A_104 = arith.constant 0 : i32
        %dma_start3A_105 = tpu.memref_slice %arg2[%dma_start3A_103, %dma_start3A_104] : memref<10000x128xf32, #tpu.memory_space<hbm>> -> memref<10000x128xf32, #tpu.memory_space<hbm>>
        tpu.enqueue_indirect_dma source(%dma_start3A_105 : memref<10000x128xf32, #tpu.memory_space<hbm>>) target(%arg12 : memref<64x128xf32, #tpu.memory_space<vmem>>) offsets(%dma_start3A_102 : memref<64xi32, #tpu.memory_space<vmem>>) semaphore(%arg13 : memref<!tpu.dma_semaphore, #tpu.memory_space<semaphore_mem>>)
        %mul3A_106 = arith.constant 64 : i32
        %mul3A_107 = arith.muli %mul3A_90, %mul3A_106 : i32
        %dma_wait3A = tpu.memref_slice %arg8[%mul3A_107] : memref<5120xi32, #tpu.memory_space<vmem>> -> memref<64xi32, #tpu.memory_space<vmem>>
        %dma_wait3A_108 = arith.constant 0 : i32
        %dma_wait3A_109 = arith.constant 0 : i32
        %dma_wait3A_110 = tpu.memref_slice %arg2[%dma_wait3A_108, %dma_wait3A_109] : memref<10000x128xf32, #tpu.memory_space<hbm>> -> memref<10000x128xf32, #tpu.memory_space<hbm>>
        tpu.wait_indirect_dma semaphore(%arg13 : memref<!tpu.dma_semaphore, #tpu.memory_space<semaphore_mem>>) src(%dma_wait3A_110 : memref<10000x128xf32, #tpu.memory_space<hbm>>) dst(%arg11 : memref<64x128xf32, #tpu.memory_space<vmem>>)
        %mul3A_111 = arith.constant 64 : i32
        %mul3A_112 = arith.muli %mul3A_90, %mul3A_111 : i32
        %add3A_113 = arith.addi %add3A_17, %mul3A_112 : i32
        %dma_wait3A_114 = tpu.memref_slice %arg4[%add3A_113] : memref<327680xi32, #tpu.memory_space<hbm>> -> memref<64xi32, #tpu.memory_space<hbm>>
        %dma_wait3A_115 = tpu.memref_slice %arg4[%add3A_113] : memref<327680xi32, #tpu.memory_space<hbm>> -> memref<64xi32, #tpu.memory_space<hbm>>
        tpu.wait_dma2 semaphore(%arg14 : memref<!tpu.dma_semaphore, #tpu.memory_space<semaphore_mem>>) src(%dma_wait3A_115 : memref<64xi32, #tpu.memory_space<hbm>>) dst(%arg9 : memref<64xi32, #tpu.memory_space<vmem>>)
        "tpu.region"() ({
          %run_scoped3A = tpu.sem_alloc : memref<!tpu.dma_semaphore, #tpu.memory_space<semaphore_mem>>
          %dma_start3A_131 = arith.constant 0 : i32
          %dma_start3A_132 = arith.constant 0 : i32
          %dma_start3A_133 = tpu.memref_slice %arg7[%dma_start3A_131, %dma_start3A_132] : memref<10112x128xf32, #tpu.memory_space<vmem_shared>> -> memref<10112x128xf32, #tpu.memory_space<vmem_shared>>
          tpu.enqueue_indirect_dma source(%arg11 : memref<64x128xf32, #tpu.memory_space<vmem>>) target(%dma_start3A_133 : memref<10112x128xf32, #tpu.memory_space<vmem_shared>>) offsets(%arg9 : memref<64xi32, #tpu.memory_space<vmem>>) semaphore(%run_scoped3A : memref<!tpu.dma_semaphore, #tpu.memory_space<semaphore_mem>>) {add = true}
          %dma_wait3A_134 = arith.constant 0 : i32
          %dma_wait3A_135 = arith.constant 0 : i32
          %dma_wait3A_136 = tpu.memref_slice %arg7[%dma_wait3A_134, %dma_wait3A_135] : memref<10112x128xf32, #tpu.memory_space<vmem_shared>> -> memref<10112x128xf32, #tpu.memory_space<vmem_shared>>
          tpu.wait_indirect_dma semaphore(%run_scoped3A : memref<!tpu.dma_semaphore, #tpu.memory_space<semaphore_mem>>) src(%arg11 : memref<64x128xf32, #tpu.memory_space<vmem>>) dst(%dma_wait3A_136 : memref<10112x128xf32, #tpu.memory_space<vmem_shared>>)
          tpu.yield
        }) : () -> ()
        %lt3A = arith.constant 80 : i32
        %lt3A_116 = arith.cmpi slt, %add3A_94, %lt3A : i32
        %convert_element_type3A_117 = arith.extui %lt3A_116 : i1 to i32
        %cond3A_118 = arith.constant 0 : i32
        %cond3A_119 = arith.cmpi ne, %convert_element_type3A_117, %cond3A_118 : i32
        scf.if %cond3A_119 {
          %mul3A_131 = arith.constant 64 : i32
          %mul3A_132 = arith.muli %add3A_94, %mul3A_131 : i32
          %add3A_133 = arith.addi %add3A_17, %mul3A_132 : i32
          %dma_start3A_134 = tpu.memref_slice %arg4[%add3A_133] : memref<327680xi32, #tpu.memory_space<hbm>> -> memref<64xi32, #tpu.memory_space<hbm>>
          %dma_start3A_135 = tpu.memref_slice %arg4[%add3A_133] : memref<327680xi32, #tpu.memory_space<hbm>> -> memref<64xi32, #tpu.memory_space<hbm>>
          tpu.enqueue_dma source(%dma_start3A_135 : memref<64xi32, #tpu.memory_space<hbm>>) target(%arg9 : memref<64xi32, #tpu.memory_space<vmem>>) target_semaphore(%arg14 : memref<!tpu.dma_semaphore, #tpu.memory_space<semaphore_mem>>)
          %mul3A_136 = arith.constant 64 : i32
          %mul3A_137 = arith.muli %add3A_94, %mul3A_136 : i32
          %dma_start3A_138 = tpu.memref_slice %arg8[%mul3A_137] : memref<5120xi32, #tpu.memory_space<vmem>> -> memref<64xi32, #tpu.memory_space<vmem>>
          %dma_start3A_139 = arith.constant 0 : i32
          %dma_start3A_140 = arith.constant 0 : i32
          %dma_start3A_141 = tpu.memref_slice %arg2[%dma_start3A_139, %dma_start3A_140] : memref<10000x128xf32, #tpu.memory_space<hbm>> -> memref<10000x128xf32, #tpu.memory_space<hbm>>
          tpu.enqueue_indirect_dma source(%dma_start3A_141 : memref<10000x128xf32, #tpu.memory_space<hbm>>) target(%arg11 : memref<64x128xf32, #tpu.memory_space<vmem>>) offsets(%dma_start3A_138 : memref<64xi32, #tpu.memory_space<vmem>>) semaphore(%arg13 : memref<!tpu.dma_semaphore, #tpu.memory_space<semaphore_mem>>)
        } else {
        }
        %mul3A_120 = arith.constant 64 : i32
        %mul3A_121 = arith.muli %add3A_92, %mul3A_120 : i32
        %dma_wait3A_122 = tpu.memref_slice %arg8[%mul3A_121] : memref<5120xi32, #tpu.memory_space<vmem>> -> memref<64xi32, #tpu.memory_space<vmem>>
        %dma_wait3A_123 = arith.constant 0 : i32
        %dma_wait3A_124 = arith.constant 0 : i32
        %dma_wait3A_125 = tpu.memref_slice %arg2[%dma_wait3A_123, %dma_wait3A_124] : memref<10000x128xf32, #tpu.memory_space<hbm>> -> memref<10000x128xf32, #tpu.memory_space<hbm>>
        tpu.wait_indirect_dma semaphore(%arg13 : memref<!tpu.dma_semaphore, #tpu.memory_space<semaphore_mem>>) src(%dma_wait3A_125 : memref<10000x128xf32, #tpu.memory_space<hbm>>) dst(%arg12 : memref<64x128xf32, #tpu.memory_space<vmem>>)
        %mul3A_126 = arith.constant 64 : i32
        %mul3A_127 = arith.muli %add3A_92, %mul3A_126 : i32
        %add3A_128 = arith.addi %add3A_17, %mul3A_127 : i32
        %dma_wait3A_129 = tpu.memref_slice %arg4[%add3A_128] : memref<327680xi32, #tpu.memory_space<hbm>> -> memref<64xi32, #tpu.memory_space<hbm>>
        %dma_wait3A_130 = tpu.memref_slice %arg4[%add3A_128] : memref<327680xi32, #tpu.memory_space<hbm>> -> memref<64xi32, #tpu.memory_space<hbm>>
        tpu.wait_dma2 semaphore(%arg14 : memref<!tpu.dma_semaphore, #tpu.memory_space<semaphore_mem>>) src(%dma_wait3A_130 : memref<64xi32, #tpu.memory_space<hbm>>) dst(%arg10 : memref<64xi32, #tpu.memory_space<vmem>>)
        "tpu.region"() ({
          %run_scoped3A = tpu.sem_alloc : memref<!tpu.dma_semaphore, #tpu.memory_space<semaphore_mem>>
          %dma_start3A_131 = arith.constant 0 : i32
          %dma_start3A_132 = arith.constant 0 : i32
          %dma_start3A_133 = tpu.memref_slice %arg7[%dma_start3A_131, %dma_start3A_132] : memref<10112x128xf32, #tpu.memory_space<vmem_shared>> -> memref<10112x128xf32, #tpu.memory_space<vmem_shared>>
          tpu.enqueue_indirect_dma source(%arg12 : memref<64x128xf32, #tpu.memory_space<vmem>>) target(%dma_start3A_133 : memref<10112x128xf32, #tpu.memory_space<vmem_shared>>) offsets(%arg10 : memref<64xi32, #tpu.memory_space<vmem>>) semaphore(%run_scoped3A : memref<!tpu.dma_semaphore, #tpu.memory_space<semaphore_mem>>) {add = true}
          %dma_wait3A_134 = arith.constant 0 : i32
          %dma_wait3A_135 = arith.constant 0 : i32
          %dma_wait3A_136 = tpu.memref_slice %arg7[%dma_wait3A_134, %dma_wait3A_135] : memref<10112x128xf32, #tpu.memory_space<vmem_shared>> -> memref<10112x128xf32, #tpu.memory_space<vmem_shared>>
          tpu.wait_indirect_dma semaphore(%run_scoped3A : memref<!tpu.dma_semaphore, #tpu.memory_space<semaphore_mem>>) src(%arg12 : memref<64x128xf32, #tpu.memory_space<vmem>>) dst(%dma_wait3A_136 : memref<10112x128xf32, #tpu.memory_space<vmem_shared>>)
          tpu.yield
        }) : () -> ()
      }
      %scan3A_29 = arith.constant 40 : i32
      %mul3A_30 = arith.constant 20480 : i32
      %mul3A_31 = arith.muli %arg1, %mul3A_30 : i32
      %add3A_32 = arith.constant 5120 : i32
      %add3A_33 = arith.addi %mul3A_31, %add3A_32 : i32
      "tpu.region"() ({
        %run_scoped3A = tpu.sem_alloc : memref<!tpu.dma_semaphore, #tpu.memory_space<semaphore_mem>>
        %dma_start3A_84 = tpu.memref_slice %arg3[%add3A_33] : memref<327680xi32, #tpu.memory_space<hbm>> -> memref<5120xi32, #tpu.memory_space<hbm>>
        %dma_start3A_85 = tpu.memref_slice %arg3[%add3A_33] : memref<327680xi32, #tpu.memory_space<hbm>> -> memref<5120xi32, #tpu.memory_space<hbm>>
        tpu.enqueue_dma source(%dma_start3A_85 : memref<5120xi32, #tpu.memory_space<hbm>>) target(%arg8 : memref<5120xi32, #tpu.memory_space<vmem>>) target_semaphore(%run_scoped3A : memref<!tpu.dma_semaphore, #tpu.memory_space<semaphore_mem>>)
        %dma_wait3A = tpu.memref_slice %arg3[%add3A_33] : memref<327680xi32, #tpu.memory_space<hbm>> -> memref<5120xi32, #tpu.memory_space<hbm>>
        %dma_wait3A_86 = tpu.memref_slice %arg3[%add3A_33] : memref<327680xi32, #tpu.memory_space<hbm>> -> memref<5120xi32, #tpu.memory_space<hbm>>
        tpu.wait_dma2 semaphore(%run_scoped3A : memref<!tpu.dma_semaphore, #tpu.memory_space<semaphore_mem>>) src(%dma_wait3A_86 : memref<5120xi32, #tpu.memory_space<hbm>>) dst(%arg8 : memref<5120xi32, #tpu.memory_space<vmem>>)
        tpu.yield
      }) : () -> ()
      %add3A_34 = arith.constant 0 : i32
      %add3A_35 = arith.addi %add3A_33, %add3A_34 : i32
      %dma_start3A_36 = tpu.memref_slice %arg4[%add3A_35] : memref<327680xi32, #tpu.memory_space<hbm>> -> memref<64xi32, #tpu.memory_space<hbm>>
      %dma_start3A_37 = tpu.memref_slice %arg4[%add3A_35] : memref<327680xi32, #tpu.memory_space<hbm>> -> memref<64xi32, #tpu.memory_space<hbm>>
      tpu.enqueue_dma source(%dma_start3A_37 : memref<64xi32, #tpu.memory_space<hbm>>) target(%arg9 : memref<64xi32, #tpu.memory_space<vmem>>) target_semaphore(%arg14 : memref<!tpu.dma_semaphore, #tpu.memory_space<semaphore_mem>>)
      %dma_start3A_38 = arith.constant 0 : i32
      %dma_start3A_39 = tpu.memref_slice %arg8[%dma_start3A_38] : memref<5120xi32, #tpu.memory_space<vmem>> -> memref<64xi32, #tpu.memory_space<vmem>>
      %dma_start3A_40 = arith.constant 0 : i32
      %dma_start3A_41 = arith.constant 0 : i32
      %dma_start3A_42 = tpu.memref_slice %arg2[%dma_start3A_40, %dma_start3A_41] : memref<10000x128xf32, #tpu.memory_space<hbm>> -> memref<10000x128xf32, #tpu.memory_space<hbm>>
      tpu.enqueue_indirect_dma source(%dma_start3A_42 : memref<10000x128xf32, #tpu.memory_space<hbm>>) target(%arg11 : memref<64x128xf32, #tpu.memory_space<vmem>>) offsets(%dma_start3A_39 : memref<64xi32, #tpu.memory_space<vmem>>) semaphore(%arg13 : memref<!tpu.dma_semaphore, #tpu.memory_space<semaphore_mem>>)
      %scan3A_43 = arith.constant 0 : i32
      %scan3A_44 = arith.constant 40 : i32
      %scan3A_45 = arith.addi %scan3A_43, %scan3A_44 : i32
      %scan3A_46 = arith.constant 1 : i32
      scf.for %scan3A_84 = %scan3A_43 to %scan3A_45 step %scan3A_46  : i32 {
        %mul3A_85 = arith.constant 1 : i32
        %mul3A_86 = arith.muli %scan3A_84, %mul3A_85 : i32
        %add3A_87 = arith.constant 0 : i32
        %add3A_88 = arith.addi %add3A_87, %mul3A_86 : i32
        %mul3A_89 = arith.constant 2 : i32
        %mul3A_90 = arith.muli %mul3A_89, %add3A_88 : i32
        %add3A_91 = arith.constant 1 : i32
        %add3A_92 = arith.addi %mul3A_90, %add3A_91 : i32
        %add3A_93 = arith.constant 2 : i32
        %add3A_94 = arith.addi %mul3A_90, %add3A_93 : i32
        %mul3A_95 = arith.constant 64 : i32
        %mul3A_96 = arith.muli %add3A_92, %mul3A_95 : i32
        %add3A_97 = arith.addi %add3A_33, %mul3A_96 : i32
        %dma_start3A_98 = tpu.memref_slice %arg4[%add3A_97] : memref<327680xi32, #tpu.memory_space<hbm>> -> memref<64xi32, #tpu.memory_space<hbm>>
        %dma_start3A_99 = tpu.memref_slice %arg4[%add3A_97] : memref<327680xi32, #tpu.memory_space<hbm>> -> memref<64xi32, #tpu.memory_space<hbm>>
        tpu.enqueue_dma source(%dma_start3A_99 : memref<64xi32, #tpu.memory_space<hbm>>) target(%arg10 : memref<64xi32, #tpu.memory_space<vmem>>) target_semaphore(%arg14 : memref<!tpu.dma_semaphore, #tpu.memory_space<semaphore_mem>>)
        %mul3A_100 = arith.constant 64 : i32
        %mul3A_101 = arith.muli %add3A_92, %mul3A_100 : i32
        %dma_start3A_102 = tpu.memref_slice %arg8[%mul3A_101] : memref<5120xi32, #tpu.memory_space<vmem>> -> memref<64xi32, #tpu.memory_space<vmem>>
        %dma_start3A_103 = arith.constant 0 : i32
        %dma_start3A_104 = arith.constant 0 : i32
        %dma_start3A_105 = tpu.memref_slice %arg2[%dma_start3A_103, %dma_start3A_104] : memref<10000x128xf32, #tpu.memory_space<hbm>> -> memref<10000x128xf32, #tpu.memory_space<hbm>>
        tpu.enqueue_indirect_dma source(%dma_start3A_105 : memref<10000x128xf32, #tpu.memory_space<hbm>>) target(%arg12 : memref<64x128xf32, #tpu.memory_space<vmem>>) offsets(%dma_start3A_102 : memref<64xi32, #tpu.memory_space<vmem>>) semaphore(%arg13 : memref<!tpu.dma_semaphore, #tpu.memory_space<semaphore_mem>>)
        %mul3A_106 = arith.constant 64 : i32
        %mul3A_107 = arith.muli %mul3A_90, %mul3A_106 : i32
        %dma_wait3A = tpu.memref_slice %arg8[%mul3A_107] : memref<5120xi32, #tpu.memory_space<vmem>> -> memref<64xi32, #tpu.memory_space<vmem>>
        %dma_wait3A_108 = arith.constant 0 : i32
        %dma_wait3A_109 = arith.constant 0 : i32
        %dma_wait3A_110 = tpu.memref_slice %arg2[%dma_wait3A_108, %dma_wait3A_109] : memref<10000x128xf32, #tpu.memory_space<hbm>> -> memref<10000x128xf32, #tpu.memory_space<hbm>>
        tpu.wait_indirect_dma semaphore(%arg13 : memref<!tpu.dma_semaphore, #tpu.memory_space<semaphore_mem>>) src(%dma_wait3A_110 : memref<10000x128xf32, #tpu.memory_space<hbm>>) dst(%arg11 : memref<64x128xf32, #tpu.memory_space<vmem>>)
        %mul3A_111 = arith.constant 64 : i32
        %mul3A_112 = arith.muli %mul3A_90, %mul3A_111 : i32
        %add3A_113 = arith.addi %add3A_33, %mul3A_112 : i32
        %dma_wait3A_114 = tpu.memref_slice %arg4[%add3A_113] : memref<327680xi32, #tpu.memory_space<hbm>> -> memref<64xi32, #tpu.memory_space<hbm>>
        %dma_wait3A_115 = tpu.memref_slice %arg4[%add3A_113] : memref<327680xi32, #tpu.memory_space<hbm>> -> memref<64xi32, #tpu.memory_space<hbm>>
        tpu.wait_dma2 semaphore(%arg14 : memref<!tpu.dma_semaphore, #tpu.memory_space<semaphore_mem>>) src(%dma_wait3A_115 : memref<64xi32, #tpu.memory_space<hbm>>) dst(%arg9 : memref<64xi32, #tpu.memory_space<vmem>>)
        "tpu.region"() ({
          %run_scoped3A = tpu.sem_alloc : memref<!tpu.dma_semaphore, #tpu.memory_space<semaphore_mem>>
          %dma_start3A_131 = arith.constant 0 : i32
          %dma_start3A_132 = arith.constant 0 : i32
          %dma_start3A_133 = tpu.memref_slice %arg7[%dma_start3A_131, %dma_start3A_132] : memref<10112x128xf32, #tpu.memory_space<vmem_shared>> -> memref<10112x128xf32, #tpu.memory_space<vmem_shared>>
          tpu.enqueue_indirect_dma source(%arg11 : memref<64x128xf32, #tpu.memory_space<vmem>>) target(%dma_start3A_133 : memref<10112x128xf32, #tpu.memory_space<vmem_shared>>) offsets(%arg9 : memref<64xi32, #tpu.memory_space<vmem>>) semaphore(%run_scoped3A : memref<!tpu.dma_semaphore, #tpu.memory_space<semaphore_mem>>) {add = true}
          %dma_wait3A_134 = arith.constant 0 : i32
          %dma_wait3A_135 = arith.constant 0 : i32
          %dma_wait3A_136 = tpu.memref_slice %arg7[%dma_wait3A_134, %dma_wait3A_135] : memref<10112x128xf32, #tpu.memory_space<vmem_shared>> -> memref<10112x128xf32, #tpu.memory_space<vmem_shared>>
          tpu.wait_indirect_dma semaphore(%run_scoped3A : memref<!tpu.dma_semaphore, #tpu.memory_space<semaphore_mem>>) src(%arg11 : memref<64x128xf32, #tpu.memory_space<vmem>>) dst(%dma_wait3A_136 : memref<10112x128xf32, #tpu.memory_space<vmem_shared>>)
          tpu.yield
        }) : () -> ()
        %lt3A = arith.constant 80 : i32
        %lt3A_116 = arith.cmpi slt, %add3A_94, %lt3A : i32
        %convert_element_type3A_117 = arith.extui %lt3A_116 : i1 to i32
        %cond3A_118 = arith.constant 0 : i32
        %cond3A_119 = arith.cmpi ne, %convert_element_type3A_117, %cond3A_118 : i32
        scf.if %cond3A_119 {
          %mul3A_131 = arith.constant 64 : i32
          %mul3A_132 = arith.muli %add3A_94, %mul3A_131 : i32
          %add3A_133 = arith.addi %add3A_33, %mul3A_132 : i32
          %dma_start3A_134 = tpu.memref_slice %arg4[%add3A_133] : memref<327680xi32, #tpu.memory_space<hbm>> -> memref<64xi32, #tpu.memory_space<hbm>>
          %dma_start3A_135 = tpu.memref_slice %arg4[%add3A_133] : memref<327680xi32, #tpu.memory_space<hbm>> -> memref<64xi32, #tpu.memory_space<hbm>>
          tpu.enqueue_dma source(%dma_start3A_135 : memref<64xi32, #tpu.memory_space<hbm>>) target(%arg9 : memref<64xi32, #tpu.memory_space<vmem>>) target_semaphore(%arg14 : memref<!tpu.dma_semaphore, #tpu.memory_space<semaphore_mem>>)
          %mul3A_136 = arith.constant 64 : i32
          %mul3A_137 = arith.muli %add3A_94, %mul3A_136 : i32
          %dma_start3A_138 = tpu.memref_slice %arg8[%mul3A_137] : memref<5120xi32, #tpu.memory_space<vmem>> -> memref<64xi32, #tpu.memory_space<vmem>>
          %dma_start3A_139 = arith.constant 0 : i32
          %dma_start3A_140 = arith.constant 0 : i32
          %dma_start3A_141 = tpu.memref_slice %arg2[%dma_start3A_139, %dma_start3A_140] : memref<10000x128xf32, #tpu.memory_space<hbm>> -> memref<10000x128xf32, #tpu.memory_space<hbm>>
          tpu.enqueue_indirect_dma source(%dma_start3A_141 : memref<10000x128xf32, #tpu.memory_space<hbm>>) target(%arg11 : memref<64x128xf32, #tpu.memory_space<vmem>>) offsets(%dma_start3A_138 : memref<64xi32, #tpu.memory_space<vmem>>) semaphore(%arg13 : memref<!tpu.dma_semaphore, #tpu.memory_space<semaphore_mem>>)
        } else {
        }
        %mul3A_120 = arith.constant 64 : i32
        %mul3A_121 = arith.muli %add3A_92, %mul3A_120 : i32
        %dma_wait3A_122 = tpu.memref_slice %arg8[%mul3A_121] : memref<5120xi32, #tpu.memory_space<vmem>> -> memref<64xi32, #tpu.memory_space<vmem>>
        %dma_wait3A_123 = arith.constant 0 : i32
        %dma_wait3A_124 = arith.constant 0 : i32
        %dma_wait3A_125 = tpu.memref_slice %arg2[%dma_wait3A_123, %dma_wait3A_124] : memref<10000x128xf32, #tpu.memory_space<hbm>> -> memref<10000x128xf32, #tpu.memory_space<hbm>>
        tpu.wait_indirect_dma semaphore(%arg13 : memref<!tpu.dma_semaphore, #tpu.memory_space<semaphore_mem>>) src(%dma_wait3A_125 : memref<10000x128xf32, #tpu.memory_space<hbm>>) dst(%arg12 : memref<64x128xf32, #tpu.memory_space<vmem>>)
        %mul3A_126 = arith.constant 64 : i32
        %mul3A_127 = arith.muli %add3A_92, %mul3A_126 : i32
        %add3A_128 = arith.addi %add3A_33, %mul3A_127 : i32
        %dma_wait3A_129 = tpu.memref_slice %arg4[%add3A_128] : memref<327680xi32, #tpu.memory_space<hbm>> -> memref<64xi32, #tpu.memory_space<hbm>>
        %dma_wait3A_130 = tpu.memref_slice %arg4[%add3A_128] : memref<327680xi32, #tpu.memory_space<hbm>> -> memref<64xi32, #tpu.memory_space<hbm>>
        tpu.wait_dma2 semaphore(%arg14 : memref<!tpu.dma_semaphore, #tpu.memory_space<semaphore_mem>>) src(%dma_wait3A_130 : memref<64xi32, #tpu.memory_space<hbm>>) dst(%arg10 : memref<64xi32, #tpu.memory_space<vmem>>)
        "tpu.region"() ({
          %run_scoped3A = tpu.sem_alloc : memref<!tpu.dma_semaphore, #tpu.memory_space<semaphore_mem>>
          %dma_start3A_131 = arith.constant 0 : i32
          %dma_start3A_132 = arith.constant 0 : i32
          %dma_start3A_133 = tpu.memref_slice %arg7[%dma_start3A_131, %dma_start3A_132] : memref<10112x128xf32, #tpu.memory_space<vmem_shared>> -> memref<10112x128xf32, #tpu.memory_space<vmem_shared>>
          tpu.enqueue_indirect_dma source(%arg12 : memref<64x128xf32, #tpu.memory_space<vmem>>) target(%dma_start3A_133 : memref<10112x128xf32, #tpu.memory_space<vmem_shared>>) offsets(%arg10 : memref<64xi32, #tpu.memory_space<vmem>>) semaphore(%run_scoped3A : memref<!tpu.dma_semaphore, #tpu.memory_space<semaphore_mem>>) {add = true}
          %dma_wait3A_134 = arith.constant 0 : i32
          %dma_wait3A_135 = arith.constant 0 : i32
          %dma_wait3A_136 = tpu.memref_slice %arg7[%dma_wait3A_134, %dma_wait3A_135] : memref<10112x128xf32, #tpu.memory_space<vmem_shared>> -> memref<10112x128xf32, #tpu.memory_space<vmem_shared>>
          tpu.wait_indirect_dma semaphore(%run_scoped3A : memref<!tpu.dma_semaphore, #tpu.memory_space<semaphore_mem>>) src(%arg12 : memref<64x128xf32, #tpu.memory_space<vmem>>) dst(%dma_wait3A_136 : memref<10112x128xf32, #tpu.memory_space<vmem_shared>>)
          tpu.yield
        }) : () -> ()
      }
      %scan3A_47 = arith.constant 40 : i32
      %mul3A_48 = arith.constant 20480 : i32
      %mul3A_49 = arith.muli %arg1, %mul3A_48 : i32
      %add3A_50 = arith.constant 10240 : i32
      %add3A_51 = arith.addi %mul3A_49, %add3A_50 : i32
      "tpu.region"() ({
        %run_scoped3A = tpu.sem_alloc : memref<!tpu.dma_semaphore, #tpu.memory_space<semaphore_mem>>
        %dma_start3A_84 = tpu.memref_slice %arg3[%add3A_51] : memref<327680xi32, #tpu.memory_space<hbm>> -> memref<5120xi32, #tpu.memory_space<hbm>>
        %dma_start3A_85 = tpu.memref_slice %arg3[%add3A_51] : memref<327680xi32, #tpu.memory_space<hbm>> -> memref<5120xi32, #tpu.memory_space<hbm>>
        tpu.enqueue_dma source(%dma_start3A_85 : memref<5120xi32, #tpu.memory_space<hbm>>) target(%arg8 : memref<5120xi32, #tpu.memory_space<vmem>>) target_semaphore(%run_scoped3A : memref<!tpu.dma_semaphore, #tpu.memory_space<semaphore_mem>>)
        %dma_wait3A = tpu.memref_slice %arg3[%add3A_51] : memref<327680xi32, #tpu.memory_space<hbm>> -> memref<5120xi32, #tpu.memory_space<hbm>>
        %dma_wait3A_86 = tpu.memref_slice %arg3[%add3A_51] : memref<327680xi32, #tpu.memory_space<hbm>> -> memref<5120xi32, #tpu.memory_space<hbm>>
        tpu.wait_dma2 semaphore(%run_scoped3A : memref<!tpu.dma_semaphore, #tpu.memory_space<semaphore_mem>>) src(%dma_wait3A_86 : memref<5120xi32, #tpu.memory_space<hbm>>) dst(%arg8 : memref<5120xi32, #tpu.memory_space<vmem>>)
        tpu.yield
      }) : () -> ()
      %add3A_52 = arith.constant 0 : i32
      %add3A_53 = arith.addi %add3A_51, %add3A_52 : i32
      %dma_start3A_54 = tpu.memref_slice %arg4[%add3A_53] : memref<327680xi32, #tpu.memory_space<hbm>> -> memref<64xi32, #tpu.memory_space<hbm>>
      %dma_start3A_55 = tpu.memref_slice %arg4[%add3A_53] : memref<327680xi32, #tpu.memory_space<hbm>> -> memref<64xi32, #tpu.memory_space<hbm>>
      tpu.enqueue_dma source(%dma_start3A_55 : memref<64xi32, #tpu.memory_space<hbm>>) target(%arg9 : memref<64xi32, #tpu.memory_space<vmem>>) target_semaphore(%arg14 : memref<!tpu.dma_semaphore, #tpu.memory_space<semaphore_mem>>)
      %dma_start3A_56 = arith.constant 0 : i32
      %dma_start3A_57 = tpu.memref_slice %arg8[%dma_start3A_56] : memref<5120xi32, #tpu.memory_space<vmem>> -> memref<64xi32, #tpu.memory_space<vmem>>
      %dma_start3A_58 = arith.constant 0 : i32
      %dma_start3A_59 = arith.constant 0 : i32
      %dma_start3A_60 = tpu.memref_slice %arg2[%dma_start3A_58, %dma_start3A_59] : memref<10000x128xf32, #tpu.memory_space<hbm>> -> memref<10000x128xf32, #tpu.memory_space<hbm>>
      tpu.enqueue_indirect_dma source(%dma_start3A_60 : memref<10000x128xf32, #tpu.memory_space<hbm>>) target(%arg11 : memref<64x128xf32, #tpu.memory_space<vmem>>) offsets(%dma_start3A_57 : memref<64xi32, #tpu.memory_space<vmem>>) semaphore(%arg13 : memref<!tpu.dma_semaphore, #tpu.memory_space<semaphore_mem>>)
      %scan3A_61 = arith.constant 0 : i32
      %scan3A_62 = arith.constant 40 : i32
      %scan3A_63 = arith.addi %scan3A_61, %scan3A_62 : i32
      %scan3A_64 = arith.constant 1 : i32
      scf.for %scan3A_84 = %scan3A_61 to %scan3A_63 step %scan3A_64  : i32 {
        %mul3A_85 = arith.constant 1 : i32
        %mul3A_86 = arith.muli %scan3A_84, %mul3A_85 : i32
        %add3A_87 = arith.constant 0 : i32
        %add3A_88 = arith.addi %add3A_87, %mul3A_86 : i32
        %mul3A_89 = arith.constant 2 : i32
        %mul3A_90 = arith.muli %mul3A_89, %add3A_88 : i32
        %add3A_91 = arith.constant 1 : i32
        %add3A_92 = arith.addi %mul3A_90, %add3A_91 : i32
        %add3A_93 = arith.constant 2 : i32
        %add3A_94 = arith.addi %mul3A_90, %add3A_93 : i32
        %mul3A_95 = arith.constant 64 : i32
        %mul3A_96 = arith.muli %add3A_92, %mul3A_95 : i32
        %add3A_97 = arith.addi %add3A_51, %mul3A_96 : i32
        %dma_start3A_98 = tpu.memref_slice %arg4[%add3A_97] : memref<327680xi32, #tpu.memory_space<hbm>> -> memref<64xi32, #tpu.memory_space<hbm>>
        %dma_start3A_99 = tpu.memref_slice %arg4[%add3A_97] : memref<327680xi32, #tpu.memory_space<hbm>> -> memref<64xi32, #tpu.memory_space<hbm>>
        tpu.enqueue_dma source(%dma_start3A_99 : memref<64xi32, #tpu.memory_space<hbm>>) target(%arg10 : memref<64xi32, #tpu.memory_space<vmem>>) target_semaphore(%arg14 : memref<!tpu.dma_semaphore, #tpu.memory_space<semaphore_mem>>)
        %mul3A_100 = arith.constant 64 : i32
        %mul3A_101 = arith.muli %add3A_92, %mul3A_100 : i32
        %dma_start3A_102 = tpu.memref_slice %arg8[%mul3A_101] : memref<5120xi32, #tpu.memory_space<vmem>> -> memref<64xi32, #tpu.memory_space<vmem>>
        %dma_start3A_103 = arith.constant 0 : i32
        %dma_start3A_104 = arith.constant 0 : i32
        %dma_start3A_105 = tpu.memref_slice %arg2[%dma_start3A_103, %dma_start3A_104] : memref<10000x128xf32, #tpu.memory_space<hbm>> -> memref<10000x128xf32, #tpu.memory_space<hbm>>
        tpu.enqueue_indirect_dma source(%dma_start3A_105 : memref<10000x128xf32, #tpu.memory_space<hbm>>) target(%arg12 : memref<64x128xf32, #tpu.memory_space<vmem>>) offsets(%dma_start3A_102 : memref<64xi32, #tpu.memory_space<vmem>>) semaphore(%arg13 : memref<!tpu.dma_semaphore, #tpu.memory_space<semaphore_mem>>)
        %mul3A_106 = arith.constant 64 : i32
        %mul3A_107 = arith.muli %mul3A_90, %mul3A_106 : i32
        %dma_wait3A = tpu.memref_slice %arg8[%mul3A_107] : memref<5120xi32, #tpu.memory_space<vmem>> -> memref<64xi32, #tpu.memory_space<vmem>>
        %dma_wait3A_108 = arith.constant 0 : i32
        %dma_wait3A_109 = arith.constant 0 : i32
        %dma_wait3A_110 = tpu.memref_slice %arg2[%dma_wait3A_108, %dma_wait3A_109] : memref<10000x128xf32, #tpu.memory_space<hbm>> -> memref<10000x128xf32, #tpu.memory_space<hbm>>
        tpu.wait_indirect_dma semaphore(%arg13 : memref<!tpu.dma_semaphore, #tpu.memory_space<semaphore_mem>>) src(%dma_wait3A_110 : memref<10000x128xf32, #tpu.memory_space<hbm>>) dst(%arg11 : memref<64x128xf32, #tpu.memory_space<vmem>>)
        %mul3A_111 = arith.constant 64 : i32
        %mul3A_112 = arith.muli %mul3A_90, %mul3A_111 : i32
        %add3A_113 = arith.addi %add3A_51, %mul3A_112 : i32
        %dma_wait3A_114 = tpu.memref_slice %arg4[%add3A_113] : memref<327680xi32, #tpu.memory_space<hbm>> -> memref<64xi32, #tpu.memory_space<hbm>>
        %dma_wait3A_115 = tpu.memref_slice %arg4[%add3A_113] : memref<327680xi32, #tpu.memory_space<hbm>> -> memref<64xi32, #tpu.memory_space<hbm>>
        tpu.wait_dma2 semaphore(%arg14 : memref<!tpu.dma_semaphore, #tpu.memory_space<semaphore_mem>>) src(%dma_wait3A_115 : memref<64xi32, #tpu.memory_space<hbm>>) dst(%arg9 : memref<64xi32, #tpu.memory_space<vmem>>)
        "tpu.region"() ({
          %run_scoped3A = tpu.sem_alloc : memref<!tpu.dma_semaphore, #tpu.memory_space<semaphore_mem>>
          %dma_start3A_131 = arith.constant 0 : i32
          %dma_start3A_132 = arith.constant 0 : i32
          %dma_start3A_133 = tpu.memref_slice %arg7[%dma_start3A_131, %dma_start3A_132] : memref<10112x128xf32, #tpu.memory_space<vmem_shared>> -> memref<10112x128xf32, #tpu.memory_space<vmem_shared>>
          tpu.enqueue_indirect_dma source(%arg11 : memref<64x128xf32, #tpu.memory_space<vmem>>) target(%dma_start3A_133 : memref<10112x128xf32, #tpu.memory_space<vmem_shared>>) offsets(%arg9 : memref<64xi32, #tpu.memory_space<vmem>>) semaphore(%run_scoped3A : memref<!tpu.dma_semaphore, #tpu.memory_space<semaphore_mem>>) {add = true}
          %dma_wait3A_134 = arith.constant 0 : i32
          %dma_wait3A_135 = arith.constant 0 : i32
          %dma_wait3A_136 = tpu.memref_slice %arg7[%dma_wait3A_134, %dma_wait3A_135] : memref<10112x128xf32, #tpu.memory_space<vmem_shared>> -> memref<10112x128xf32, #tpu.memory_space<vmem_shared>>
          tpu.wait_indirect_dma semaphore(%run_scoped3A : memref<!tpu.dma_semaphore, #tpu.memory_space<semaphore_mem>>) src(%arg11 : memref<64x128xf32, #tpu.memory_space<vmem>>) dst(%dma_wait3A_136 : memref<10112x128xf32, #tpu.memory_space<vmem_shared>>)
          tpu.yield
        }) : () -> ()
        %lt3A = arith.constant 80 : i32
        %lt3A_116 = arith.cmpi slt, %add3A_94, %lt3A : i32
        %convert_element_type3A_117 = arith.extui %lt3A_116 : i1 to i32
        %cond3A_118 = arith.constant 0 : i32
        %cond3A_119 = arith.cmpi ne, %convert_element_type3A_117, %cond3A_118 : i32
        scf.if %cond3A_119 {
          %mul3A_131 = arith.constant 64 : i32
          %mul3A_132 = arith.muli %add3A_94, %mul3A_131 : i32
          %add3A_133 = arith.addi %add3A_51, %mul3A_132 : i32
          %dma_start3A_134 = tpu.memref_slice %arg4[%add3A_133] : memref<327680xi32, #tpu.memory_space<hbm>> -> memref<64xi32, #tpu.memory_space<hbm>>
          %dma_start3A_135 = tpu.memref_slice %arg4[%add3A_133] : memref<327680xi32, #tpu.memory_space<hbm>> -> memref<64xi32, #tpu.memory_space<hbm>>
          tpu.enqueue_dma source(%dma_start3A_135 : memref<64xi32, #tpu.memory_space<hbm>>) target(%arg9 : memref<64xi32, #tpu.memory_space<vmem>>) target_semaphore(%arg14 : memref<!tpu.dma_semaphore, #tpu.memory_space<semaphore_mem>>)
          %mul3A_136 = arith.constant 64 : i32
          %mul3A_137 = arith.muli %add3A_94, %mul3A_136 : i32
          %dma_start3A_138 = tpu.memref_slice %arg8[%mul3A_137] : memref<5120xi32, #tpu.memory_space<vmem>> -> memref<64xi32, #tpu.memory_space<vmem>>
          %dma_start3A_139 = arith.constant 0 : i32
          %dma_start3A_140 = arith.constant 0 : i32
          %dma_start3A_141 = tpu.memref_slice %arg2[%dma_start3A_139, %dma_start3A_140] : memref<10000x128xf32, #tpu.memory_space<hbm>> -> memref<10000x128xf32, #tpu.memory_space<hbm>>
          tpu.enqueue_indirect_dma source(%dma_start3A_141 : memref<10000x128xf32, #tpu.memory_space<hbm>>) target(%arg11 : memref<64x128xf32, #tpu.memory_space<vmem>>) offsets(%dma_start3A_138 : memref<64xi32, #tpu.memory_space<vmem>>) semaphore(%arg13 : memref<!tpu.dma_semaphore, #tpu.memory_space<semaphore_mem>>)
        } else {
        }
        %mul3A_120 = arith.constant 64 : i32
        %mul3A_121 = arith.muli %add3A_92, %mul3A_120 : i32
        %dma_wait3A_122 = tpu.memref_slice %arg8[%mul3A_121] : memref<5120xi32, #tpu.memory_space<vmem>> -> memref<64xi32, #tpu.memory_space<vmem>>
        %dma_wait3A_123 = arith.constant 0 : i32
        %dma_wait3A_124 = arith.constant 0 : i32
        %dma_wait3A_125 = tpu.memref_slice %arg2[%dma_wait3A_123, %dma_wait3A_124] : memref<10000x128xf32, #tpu.memory_space<hbm>> -> memref<10000x128xf32, #tpu.memory_space<hbm>>
        tpu.wait_indirect_dma semaphore(%arg13 : memref<!tpu.dma_semaphore, #tpu.memory_space<semaphore_mem>>) src(%dma_wait3A_125 : memref<10000x128xf32, #tpu.memory_space<hbm>>) dst(%arg12 : memref<64x128xf32, #tpu.memory_space<vmem>>)
        %mul3A_126 = arith.constant 64 : i32
        %mul3A_127 = arith.muli %add3A_92, %mul3A_126 : i32
        %add3A_128 = arith.addi %add3A_51, %mul3A_127 : i32
        %dma_wait3A_129 = tpu.memref_slice %arg4[%add3A_128] : memref<327680xi32, #tpu.memory_space<hbm>> -> memref<64xi32, #tpu.memory_space<hbm>>
        %dma_wait3A_130 = tpu.memref_slice %arg4[%add3A_128] : memref<327680xi32, #tpu.memory_space<hbm>> -> memref<64xi32, #tpu.memory_space<hbm>>
        tpu.wait_dma2 semaphore(%arg14 : memref<!tpu.dma_semaphore, #tpu.memory_space<semaphore_mem>>) src(%dma_wait3A_130 : memref<64xi32, #tpu.memory_space<hbm>>) dst(%arg10 : memref<64xi32, #tpu.memory_space<vmem>>)
        "tpu.region"() ({
          %run_scoped3A = tpu.sem_alloc : memref<!tpu.dma_semaphore, #tpu.memory_space<semaphore_mem>>
          %dma_start3A_131 = arith.constant 0 : i32
          %dma_start3A_132 = arith.constant 0 : i32
          %dma_start3A_133 = tpu.memref_slice %arg7[%dma_start3A_131, %dma_start3A_132] : memref<10112x128xf32, #tpu.memory_space<vmem_shared>> -> memref<10112x128xf32, #tpu.memory_space<vmem_shared>>
          tpu.enqueue_indirect_dma source(%arg12 : memref<64x128xf32, #tpu.memory_space<vmem>>) target(%dma_start3A_133 : memref<10112x128xf32, #tpu.memory_space<vmem_shared>>) offsets(%arg10 : memref<64xi32, #tpu.memory_space<vmem>>) semaphore(%run_scoped3A : memref<!tpu.dma_semaphore, #tpu.memory_space<semaphore_mem>>) {add = true}
          %dma_wait3A_134 = arith.constant 0 : i32
          %dma_wait3A_135 = arith.constant 0 : i32
          %dma_wait3A_136 = tpu.memref_slice %arg7[%dma_wait3A_134, %dma_wait3A_135] : memref<10112x128xf32, #tpu.memory_space<vmem_shared>> -> memref<10112x128xf32, #tpu.memory_space<vmem_shared>>
          tpu.wait_indirect_dma semaphore(%run_scoped3A : memref<!tpu.dma_semaphore, #tpu.memory_space<semaphore_mem>>) src(%arg12 : memref<64x128xf32, #tpu.memory_space<vmem>>) dst(%dma_wait3A_136 : memref<10112x128xf32, #tpu.memory_space<vmem_shared>>)
          tpu.yield
        }) : () -> ()
      }
      %scan3A_65 = arith.constant 40 : i32
      %mul3A_66 = arith.constant 20480 : i32
      %mul3A_67 = arith.muli %arg1, %mul3A_66 : i32
      %add3A_68 = arith.constant 15360 : i32
      %add3A_69 = arith.addi %mul3A_67, %add3A_68 : i32
      "tpu.region"() ({
        %run_scoped3A = tpu.sem_alloc : memref<!tpu.dma_semaphore, #tpu.memory_space<semaphore_mem>>
        %dma_start3A_84 = tpu.memref_slice %arg3[%add3A_69] : memref<327680xi32, #tpu.memory_space<hbm>> -> memref<5120xi32, #tpu.memory_space<hbm>>
        %dma_start3A_85 = tpu.memref_slice %arg3[%add3A_69] : memref<327680xi32, #tpu.memory_space<hbm>> -> memref<5120xi32, #tpu.memory_space<hbm>>
        tpu.enqueue_dma source(%dma_start3A_85 : memref<5120xi32, #tpu.memory_space<hbm>>) target(%arg8 : memref<5120xi32, #tpu.memory_space<vmem>>) target_semaphore(%run_scoped3A : memref<!tpu.dma_semaphore, #tpu.memory_space<semaphore_mem>>)
        %dma_wait3A = tpu.memref_slice %arg3[%add3A_69] : memref<327680xi32, #tpu.memory_space<hbm>> -> memref<5120xi32, #tpu.memory_space<hbm>>
        %dma_wait3A_86 = tpu.memref_slice %arg3[%add3A_69] : memref<327680xi32, #tpu.memory_space<hbm>> -> memref<5120xi32, #tpu.memory_space<hbm>>
        tpu.wait_dma2 semaphore(%run_scoped3A : memref<!tpu.dma_semaphore, #tpu.memory_space<semaphore_mem>>) src(%dma_wait3A_86 : memref<5120xi32, #tpu.memory_space<hbm>>) dst(%arg8 : memref<5120xi32, #tpu.memory_space<vmem>>)
        tpu.yield
      }) : () -> ()
      %add3A_70 = arith.constant 0 : i32
      %add3A_71 = arith.addi %add3A_69, %add3A_70 : i32
      %dma_start3A_72 = tpu.memref_slice %arg4[%add3A_71] : memref<327680xi32, #tpu.memory_space<hbm>> -> memref<64xi32, #tpu.memory_space<hbm>>
      %dma_start3A_73 = tpu.memref_slice %arg4[%add3A_71] : memref<327680xi32, #tpu.memory_space<hbm>> -> memref<64xi32, #tpu.memory_space<hbm>>
      tpu.enqueue_dma source(%dma_start3A_73 : memref<64xi32, #tpu.memory_space<hbm>>) target(%arg9 : memref<64xi32, #tpu.memory_space<vmem>>) target_semaphore(%arg14 : memref<!tpu.dma_semaphore, #tpu.memory_space<semaphore_mem>>)
      %dma_start3A_74 = arith.constant 0 : i32
      %dma_start3A_75 = tpu.memref_slice %arg8[%dma_start3A_74] : memref<5120xi32, #tpu.memory_space<vmem>> -> memref<64xi32, #tpu.memory_space<vmem>>
      %dma_start3A_76 = arith.constant 0 : i32
      %dma_start3A_77 = arith.constant 0 : i32
      %dma_start3A_78 = tpu.memref_slice %arg2[%dma_start3A_76, %dma_start3A_77] : memref<10000x128xf32, #tpu.memory_space<hbm>> -> memref<10000x128xf32, #tpu.memory_space<hbm>>
      tpu.enqueue_indirect_dma source(%dma_start3A_78 : memref<10000x128xf32, #tpu.memory_space<hbm>>) target(%arg11 : memref<64x128xf32, #tpu.memory_space<vmem>>) offsets(%dma_start3A_75 : memref<64xi32, #tpu.memory_space<vmem>>) semaphore(%arg13 : memref<!tpu.dma_semaphore, #tpu.memory_space<semaphore_mem>>)
      %scan3A_79 = arith.constant 0 : i32
      %scan3A_80 = arith.constant 40 : i32
      %scan3A_81 = arith.addi %scan3A_79, %scan3A_80 : i32
      %scan3A_82 = arith.constant 1 : i32
      scf.for %scan3A_84 = %scan3A_79 to %scan3A_81 step %scan3A_82  : i32 {
        %mul3A_85 = arith.constant 1 : i32
        %mul3A_86 = arith.muli %scan3A_84, %mul3A_85 : i32
        %add3A_87 = arith.constant 0 : i32
        %add3A_88 = arith.addi %add3A_87, %mul3A_86 : i32
        %mul3A_89 = arith.constant 2 : i32
        %mul3A_90 = arith.muli %mul3A_89, %add3A_88 : i32
        %add3A_91 = arith.constant 1 : i32
        %add3A_92 = arith.addi %mul3A_90, %add3A_91 : i32
        %add3A_93 = arith.constant 2 : i32
        %add3A_94 = arith.addi %mul3A_90, %add3A_93 : i32
        %mul3A_95 = arith.constant 64 : i32
        %mul3A_96 = arith.muli %add3A_92, %mul3A_95 : i32
        %add3A_97 = arith.addi %add3A_69, %mul3A_96 : i32
        %dma_start3A_98 = tpu.memref_slice %arg4[%add3A_97] : memref<327680xi32, #tpu.memory_space<hbm>> -> memref<64xi32, #tpu.memory_space<hbm>>
        %dma_start3A_99 = tpu.memref_slice %arg4[%add3A_97] : memref<327680xi32, #tpu.memory_space<hbm>> -> memref<64xi32, #tpu.memory_space<hbm>>
        tpu.enqueue_dma source(%dma_start3A_99 : memref<64xi32, #tpu.memory_space<hbm>>) target(%arg10 : memref<64xi32, #tpu.memory_space<vmem>>) target_semaphore(%arg14 : memref<!tpu.dma_semaphore, #tpu.memory_space<semaphore_mem>>)
        %mul3A_100 = arith.constant 64 : i32
        %mul3A_101 = arith.muli %add3A_92, %mul3A_100 : i32
        %dma_start3A_102 = tpu.memref_slice %arg8[%mul3A_101] : memref<5120xi32, #tpu.memory_space<vmem>> -> memref<64xi32, #tpu.memory_space<vmem>>
        %dma_start3A_103 = arith.constant 0 : i32
        %dma_start3A_104 = arith.constant 0 : i32
        %dma_start3A_105 = tpu.memref_slice %arg2[%dma_start3A_103, %dma_start3A_104] : memref<10000x128xf32, #tpu.memory_space<hbm>> -> memref<10000x128xf32, #tpu.memory_space<hbm>>
        tpu.enqueue_indirect_dma source(%dma_start3A_105 : memref<10000x128xf32, #tpu.memory_space<hbm>>) target(%arg12 : memref<64x128xf32, #tpu.memory_space<vmem>>) offsets(%dma_start3A_102 : memref<64xi32, #tpu.memory_space<vmem>>) semaphore(%arg13 : memref<!tpu.dma_semaphore, #tpu.memory_space<semaphore_mem>>)
        %mul3A_106 = arith.constant 64 : i32
        %mul3A_107 = arith.muli %mul3A_90, %mul3A_106 : i32
        %dma_wait3A = tpu.memref_slice %arg8[%mul3A_107] : memref<5120xi32, #tpu.memory_space<vmem>> -> memref<64xi32, #tpu.memory_space<vmem>>
        %dma_wait3A_108 = arith.constant 0 : i32
        %dma_wait3A_109 = arith.constant 0 : i32
        %dma_wait3A_110 = tpu.memref_slice %arg2[%dma_wait3A_108, %dma_wait3A_109] : memref<10000x128xf32, #tpu.memory_space<hbm>> -> memref<10000x128xf32, #tpu.memory_space<hbm>>
        tpu.wait_indirect_dma semaphore(%arg13 : memref<!tpu.dma_semaphore, #tpu.memory_space<semaphore_mem>>) src(%dma_wait3A_110 : memref<10000x128xf32, #tpu.memory_space<hbm>>) dst(%arg11 : memref<64x128xf32, #tpu.memory_space<vmem>>)
        %mul3A_111 = arith.constant 64 : i32
        %mul3A_112 = arith.muli %mul3A_90, %mul3A_111 : i32
        %add3A_113 = arith.addi %add3A_69, %mul3A_112 : i32
        %dma_wait3A_114 = tpu.memref_slice %arg4[%add3A_113] : memref<327680xi32, #tpu.memory_space<hbm>> -> memref<64xi32, #tpu.memory_space<hbm>>
        %dma_wait3A_115 = tpu.memref_slice %arg4[%add3A_113] : memref<327680xi32, #tpu.memory_space<hbm>> -> memref<64xi32, #tpu.memory_space<hbm>>
        tpu.wait_dma2 semaphore(%arg14 : memref<!tpu.dma_semaphore, #tpu.memory_space<semaphore_mem>>) src(%dma_wait3A_115 : memref<64xi32, #tpu.memory_space<hbm>>) dst(%arg9 : memref<64xi32, #tpu.memory_space<vmem>>)
        "tpu.region"() ({
          %run_scoped3A = tpu.sem_alloc : memref<!tpu.dma_semaphore, #tpu.memory_space<semaphore_mem>>
          %dma_start3A_131 = arith.constant 0 : i32
          %dma_start3A_132 = arith.constant 0 : i32
          %dma_start3A_133 = tpu.memref_slice %arg7[%dma_start3A_131, %dma_start3A_132] : memref<10112x128xf32, #tpu.memory_space<vmem_shared>> -> memref<10112x128xf32, #tpu.memory_space<vmem_shared>>
          tpu.enqueue_indirect_dma source(%arg11 : memref<64x128xf32, #tpu.memory_space<vmem>>) target(%dma_start3A_133 : memref<10112x128xf32, #tpu.memory_space<vmem_shared>>) offsets(%arg9 : memref<64xi32, #tpu.memory_space<vmem>>) semaphore(%run_scoped3A : memref<!tpu.dma_semaphore, #tpu.memory_space<semaphore_mem>>) {add = true}
          %dma_wait3A_134 = arith.constant 0 : i32
          %dma_wait3A_135 = arith.constant 0 : i32
          %dma_wait3A_136 = tpu.memref_slice %arg7[%dma_wait3A_134, %dma_wait3A_135] : memref<10112x128xf32, #tpu.memory_space<vmem_shared>> -> memref<10112x128xf32, #tpu.memory_space<vmem_shared>>
          tpu.wait_indirect_dma semaphore(%run_scoped3A : memref<!tpu.dma_semaphore, #tpu.memory_space<semaphore_mem>>) src(%arg11 : memref<64x128xf32, #tpu.memory_space<vmem>>) dst(%dma_wait3A_136 : memref<10112x128xf32, #tpu.memory_space<vmem_shared>>)
          tpu.yield
        }) : () -> ()
        %lt3A = arith.constant 80 : i32
        %lt3A_116 = arith.cmpi slt, %add3A_94, %lt3A : i32
        %convert_element_type3A_117 = arith.extui %lt3A_116 : i1 to i32
        %cond3A_118 = arith.constant 0 : i32
        %cond3A_119 = arith.cmpi ne, %convert_element_type3A_117, %cond3A_118 : i32
        scf.if %cond3A_119 {
          %mul3A_131 = arith.constant 64 : i32
          %mul3A_132 = arith.muli %add3A_94, %mul3A_131 : i32
          %add3A_133 = arith.addi %add3A_69, %mul3A_132 : i32
          %dma_start3A_134 = tpu.memref_slice %arg4[%add3A_133] : memref<327680xi32, #tpu.memory_space<hbm>> -> memref<64xi32, #tpu.memory_space<hbm>>
          %dma_start3A_135 = tpu.memref_slice %arg4[%add3A_133] : memref<327680xi32, #tpu.memory_space<hbm>> -> memref<64xi32, #tpu.memory_space<hbm>>
          tpu.enqueue_dma source(%dma_start3A_135 : memref<64xi32, #tpu.memory_space<hbm>>) target(%arg9 : memref<64xi32, #tpu.memory_space<vmem>>) target_semaphore(%arg14 : memref<!tpu.dma_semaphore, #tpu.memory_space<semaphore_mem>>)
          %mul3A_136 = arith.constant 64 : i32
          %mul3A_137 = arith.muli %add3A_94, %mul3A_136 : i32
          %dma_start3A_138 = tpu.memref_slice %arg8[%mul3A_137] : memref<5120xi32, #tpu.memory_space<vmem>> -> memref<64xi32, #tpu.memory_space<vmem>>
          %dma_start3A_139 = arith.constant 0 : i32
          %dma_start3A_140 = arith.constant 0 : i32
          %dma_start3A_141 = tpu.memref_slice %arg2[%dma_start3A_139, %dma_start3A_140] : memref<10000x128xf32, #tpu.memory_space<hbm>> -> memref<10000x128xf32, #tpu.memory_space<hbm>>
          tpu.enqueue_indirect_dma source(%dma_start3A_141 : memref<10000x128xf32, #tpu.memory_space<hbm>>) target(%arg11 : memref<64x128xf32, #tpu.memory_space<vmem>>) offsets(%dma_start3A_138 : memref<64xi32, #tpu.memory_space<vmem>>) semaphore(%arg13 : memref<!tpu.dma_semaphore, #tpu.memory_space<semaphore_mem>>)
        } else {
        }
        %mul3A_120 = arith.constant 64 : i32
        %mul3A_121 = arith.muli %add3A_92, %mul3A_120 : i32
        %dma_wait3A_122 = tpu.memref_slice %arg8[%mul3A_121] : memref<5120xi32, #tpu.memory_space<vmem>> -> memref<64xi32, #tpu.memory_space<vmem>>
        %dma_wait3A_123 = arith.constant 0 : i32
        %dma_wait3A_124 = arith.constant 0 : i32
        %dma_wait3A_125 = tpu.memref_slice %arg2[%dma_wait3A_123, %dma_wait3A_124] : memref<10000x128xf32, #tpu.memory_space<hbm>> -> memref<10000x128xf32, #tpu.memory_space<hbm>>
        tpu.wait_indirect_dma semaphore(%arg13 : memref<!tpu.dma_semaphore, #tpu.memory_space<semaphore_mem>>) src(%dma_wait3A_125 : memref<10000x128xf32, #tpu.memory_space<hbm>>) dst(%arg12 : memref<64x128xf32, #tpu.memory_space<vmem>>)
        %mul3A_126 = arith.constant 64 : i32
        %mul3A_127 = arith.muli %add3A_92, %mul3A_126 : i32
        %add3A_128 = arith.addi %add3A_69, %mul3A_127 : i32
        %dma_wait3A_129 = tpu.memref_slice %arg4[%add3A_128] : memref<327680xi32, #tpu.memory_space<hbm>> -> memref<64xi32, #tpu.memory_space<hbm>>
        %dma_wait3A_130 = tpu.memref_slice %arg4[%add3A_128] : memref<327680xi32, #tpu.memory_space<hbm>> -> memref<64xi32, #tpu.memory_space<hbm>>
        tpu.wait_dma2 semaphore(%arg14 : memref<!tpu.dma_semaphore, #tpu.memory_space<semaphore_mem>>) src(%dma_wait3A_130 : memref<64xi32, #tpu.memory_space<hbm>>) dst(%arg10 : memref<64xi32, #tpu.memory_space<vmem>>)
        "tpu.region"() ({
          %run_scoped3A = tpu.sem_alloc : memref<!tpu.dma_semaphore, #tpu.memory_space<semaphore_mem>>
          %dma_start3A_131 = arith.constant 0 : i32
          %dma_start3A_132 = arith.constant 0 : i32
          %dma_start3A_133 = tpu.memref_slice %arg7[%dma_start3A_131, %dma_start3A_132] : memref<10112x128xf32, #tpu.memory_space<vmem_shared>> -> memref<10112x128xf32, #tpu.memory_space<vmem_shared>>
          tpu.enqueue_indirect_dma source(%arg12 : memref<64x128xf32, #tpu.memory_space<vmem>>) target(%dma_start3A_133 : memref<10112x128xf32, #tpu.memory_space<vmem_shared>>) offsets(%arg10 : memref<64xi32, #tpu.memory_space<vmem>>) semaphore(%run_scoped3A : memref<!tpu.dma_semaphore, #tpu.memory_space<semaphore_mem>>) {add = true}
          %dma_wait3A_134 = arith.constant 0 : i32
          %dma_wait3A_135 = arith.constant 0 : i32
          %dma_wait3A_136 = tpu.memref_slice %arg7[%dma_wait3A_134, %dma_wait3A_135] : memref<10112x128xf32, #tpu.memory_space<vmem_shared>> -> memref<10112x128xf32, #tpu.memory_space<vmem_shared>>
          tpu.wait_indirect_dma semaphore(%run_scoped3A : memref<!tpu.dma_semaphore, #tpu.memory_space<semaphore_mem>>) src(%arg12 : memref<64x128xf32, #tpu.memory_space<vmem>>) dst(%dma_wait3A_136 : memref<10112x128xf32, #tpu.memory_space<vmem_shared>>)
          tpu.yield
        }) : () -> ()
      }
      %scan3A_83 = arith.constant 40 : i32
    } else {
    }
    %barrier3A_8 = arith.constant 0 : index
    tpu.barrier barrier_id(%barrier3A_8)
    %eq3A_9 = arith.constant 0 : i32
    %eq3A_10 = arith.cmpi eq, %arg0, %eq3A_9 : i32
    %convert_element_type3A_11 = arith.extui %eq3A_10 : i1 to i32
    %cond3A_12 = arith.constant 0 : i32
    %cond3A_13 = arith.cmpi ne, %convert_element_type3A_11, %cond3A_12 : i32
    scf.if %cond3A_13 {
      %mul3A_14 = arith.constant 632 : i32
      %mul3A_15 = arith.muli %arg1, %mul3A_14 : i32
      %mul3A_16 = arith.constant 632 : i32
      %mul3A_17 = arith.muli %arg1, %mul3A_16 : i32
      %run_scoped3A = arith.constant 0 : i32
      "tpu.region"() ({
        %run_scoped3A_18 = tpu.sem_alloc : memref<!tpu.dma_semaphore, #tpu.memory_space<semaphore_mem>>
        %dma_start3A = arith.constant 0 : i32
        %dma_start3A_19 = tpu.memref_slice %arg6[%run_scoped3A, %mul3A_17, %dma_start3A] : memref<1x10112x128xf32, #tpu.memory_space<hbm>> -> memref<1x632x128xf32, #tpu.memory_space<hbm>>
        %dma_start3A_20 = tpu.memref_squeeze %dma_start3A_19 : memref<1x632x128xf32, #tpu.memory_space<hbm>> -> memref<632x128xf32, #tpu.memory_space<hbm>>
        %dma_start3A_21 = arith.constant 0 : i32
        %dma_start3A_22 = tpu.memref_slice %arg7[%mul3A_15, %dma_start3A_21] : memref<10112x128xf32, #tpu.memory_space<vmem_shared>> -> memref<632x128xf32, #tpu.memory_space<vmem_shared>>
        tpu.enqueue_dma source(%dma_start3A_22 : memref<632x128xf32, #tpu.memory_space<vmem_shared>>) target(%dma_start3A_20 : memref<632x128xf32, #tpu.memory_space<hbm>>) target_semaphore(%run_scoped3A_18 : memref<!tpu.dma_semaphore, #tpu.memory_space<semaphore_mem>>)
        %dma_wait3A = arith.constant 0 : i32
        %dma_wait3A_23 = tpu.memref_slice %arg6[%run_scoped3A, %mul3A_17, %dma_wait3A] : memref<1x10112x128xf32, #tpu.memory_space<hbm>> -> memref<1x632x128xf32, #tpu.memory_space<hbm>>
        %dma_wait3A_24 = tpu.memref_squeeze %dma_wait3A_23 : memref<1x632x128xf32, #tpu.memory_space<hbm>> -> memref<632x128xf32, #tpu.memory_space<hbm>>
        %dma_wait3A_25 = arith.constant 0 : i32
        %dma_wait3A_26 = tpu.memref_slice %arg7[%mul3A_15, %dma_wait3A_25] : memref<10112x128xf32, #tpu.memory_space<vmem_shared>> -> memref<632x128xf32, #tpu.memory_space<vmem_shared>>
        tpu.wait_dma2 semaphore(%run_scoped3A_18 : memref<!tpu.dma_semaphore, #tpu.memory_space<semaphore_mem>>) src(%dma_wait3A_26 : memref<632x128xf32, #tpu.memory_space<vmem_shared>>) dst(%dma_wait3A_24 : memref<632x128xf32, #tpu.memory_space<hbm>>)
        tpu.yield
      }) : () -> ()
    } else {
    }
    return
  }
}

module attributes {stable_mosaic.version = 14 : i64} {
  func.func @_rdeg_body(%arg0: i32, %arg1: memref<2x2000x128xf32, #tpu.memory_space<vmem>>, %arg2: memref<2000x128xf32, #tpu.memory_space<vmem>>) attributes {dimension_semantics = [#tpu.dimension_semantics<arbitrary>], iteration_bounds = array<i64: 5>, scalar_prefetch = 0 : i64, scratch_operands = 0 : i64, tpu.core_type = #tpu.core_type<tc>, window_params = [{transform_indices = @transform_0, window_bounds = array<i64: 2, 2000, 128>}, {transform_indices = @transform_1, window_bounds = array<i64: 2000, 128>}]} {
    %get3A = arith.constant 0 : index
    %get3A_0 = arith.constant 0 : index
    %get3A_1 = arith.constant 0 : index
    %get3A_2 = vector.load %arg1[%get3A, %get3A_0, %get3A_1] : memref<2x2000x128xf32, #tpu.memory_space<vmem>>, vector<1x2000x128xf32>
    %get3A_3 = vector.shape_cast %get3A_2 : vector<1x2000x128xf32> to vector<2000x128xf32>
    %get3A_4 = arith.constant 1 : index
    %get3A_5 = arith.constant 0 : index
    %get3A_6 = arith.constant 0 : index
    %get3A_7 = vector.load %arg1[%get3A_4, %get3A_5, %get3A_6] : memref<2x2000x128xf32, #tpu.memory_space<vmem>>, vector<1x2000x128xf32>
    %get3A_8 = vector.shape_cast %get3A_7 : vector<1x2000x128xf32> to vector<2000x128xf32>
    %add3A = arith.addf %get3A_3, %get3A_8 : vector<2000x128xf32>
    %max3A = arith.constant 1.000000e+00 : f32
    %max3A_9 = vector.broadcast %max3A : f32 to vector<2000x128xf32>
    %max3A_10 = arith.maximumf %add3A, %max3A_9 : vector<2000x128xf32>
    %div3A = arith.constant 1.000000e+00 : f32
    %div3A_11 = vector.broadcast %div3A : f32 to vector<2000x128xf32>
    %div3A_12 = arith.divf %div3A_11, %max3A_10 : vector<2000x128xf32>
    %swap3A = arith.constant 0 : index
    %swap3A_13 = arith.constant 0 : index
    %swap3A_14 = vector.load %arg2[%swap3A, %swap3A_13] : memref<2000x128xf32, #tpu.memory_space<vmem>>, vector<2000x128xf32>
    tpu.vector_store %arg2[%swap3A, %swap3A_13], %div3A_12 {strides = array<i32>} : memref<2000x128xf32, #tpu.memory_space<vmem>>, vector<2000x128xf32>,
    return
  }
  func.func @transform_0(%arg0: i32) -> (i32, i32, i32) {
    %c0_i32 = arith.constant 0 : i32
    %c0_i32_0 = arith.constant 0 : i32
    %c0_i32_1 = arith.constant 0 : i32
    return %c0_i32, %arg0, %c0_i32_0 : i32, i32, i32
  }
  func.func @transform_1(%arg0: i32) -> (i32, i32) {
    %c0_i32 = arith.constant 0 : i32
    %c0_i32_0 = arith.constant 0 : i32
    return %arg0, %c0_i32 : i32, i32
  }
}

module attributes {stable_mosaic.version = 14 : i64} {
  func.func @_combine_body(%arg0: i32, %arg1: memref<2000x128xf32, #tpu.memory_space<vmem>>, %arg2: memref<1x2000x128xf32, #tpu.memory_space<vmem>>, %arg3: memref<2000x128xf32, #tpu.memory_space<vmem>>, %arg4: memref<128x128xf32, #tpu.memory_space<vmem>>, %arg5: memref<128x128xf32, #tpu.memory_space<vmem>>, %arg6: memref<1x128xf32, #tpu.memory_space<vmem>>, %arg7: memref<2000x128xf32, #tpu.memory_space<vmem>>) attributes {dimension_semantics = [#tpu.dimension_semantics<arbitrary>], iteration_bounds = array<i64: 5>, scalar_prefetch = 0 : i64, scratch_operands = 0 : i64, tpu.core_type = #tpu.core_type<tc>, window_params = [{transform_indices = @transform_0, window_bounds = array<i64: 2000, 128>}, {transform_indices = @transform_1, window_bounds = array<i64: 1, 2000, 128>}, {transform_indices = @transform_2, window_bounds = array<i64: 2000, 128>}, {pipeline_mode = #tpu.pipeline_mode<synchronous>, transform_indices = @transform_3, window_bounds = array<i64: 128, 128>}, {pipeline_mode = #tpu.pipeline_mode<synchronous>, transform_indices = @transform_4, window_bounds = array<i64: 128, 128>}, {pipeline_mode = #tpu.pipeline_mode<synchronous>, transform_indices = @transform_5, window_bounds = array<i64: 1, 128>}, {transform_indices = @transform_6, window_bounds = array<i64: 2000, 128>}]} {
    %get3A = arith.constant 0 : index
    %get3A_0 = arith.constant 0 : index
    %get3A_1 = arith.constant 0 : index
    %get3A_2 = vector.load %arg2[%get3A, %get3A_0, %get3A_1] : memref<1x2000x128xf32, #tpu.memory_space<vmem>>, vector<1x2000x128xf32>
    %get3A_3 = vector.shape_cast %get3A_2 : vector<1x2000x128xf32> to vector<2000x128xf32>
    %get3A_4 = arith.constant 0 : index
    %get3A_5 = arith.constant 0 : index
    %get3A_6 = vector.load %arg3[%get3A_4, %get3A_5] : memref<2000x128xf32, #tpu.memory_space<vmem>>, vector<2000x128xf32>
    %mul3A = arith.mulf %get3A_3, %get3A_6 : vector<2000x128xf32>
    %get3A_7 = arith.constant 0 : index
    %get3A_8 = arith.constant 0 : index
    %get3A_9 = vector.load %arg1[%get3A_7, %get3A_8] : memref<2000x128xf32, #tpu.memory_space<vmem>>, vector<2000x128xf32>
    %get3A_10 = arith.constant 0 : index
    %get3A_11 = arith.constant 0 : index
    %get3A_12 = vector.load %arg4[%get3A_10, %get3A_11] : memref<128x128xf32, #tpu.memory_space<vmem>>, vector<128x128xf32>
    %dot_general3A = arith.constant dense<0.000000e+00> : vector<2000x128xf32>
    %dot_general3A_13 = tpu.matmul %get3A_9, %get3A_12, %dot_general3A {dimension_numbers = #tpu.dot_dimension_numbers<[1], [0], [0], [1], [0, 0, 1, 1], [], []>, transpose_lhs_hint = false} : vector<2000x128xf32>, vector<128x128xf32>, vector<2000x128xf32> -> vector<2000x128xf32>
    %get3A_14 = arith.constant 0 : index
    %get3A_15 = arith.constant 0 : index
    %get3A_16 = vector.load %arg5[%get3A_14, %get3A_15] : memref<128x128xf32, #tpu.memory_space<vmem>>, vector<128x128xf32>
    %dot_general3A_17 = arith.constant dense<0.000000e+00> : vector<2000x128xf32>
    %dot_general3A_18 = tpu.matmul %mul3A, %get3A_16, %dot_general3A_17 {dimension_numbers = #tpu.dot_dimension_numbers<[1], [0], [0], [1], [0, 0, 1, 1], [], []>, transpose_lhs_hint = false} : vector<2000x128xf32>, vector<128x128xf32>, vector<2000x128xf32> -> vector<2000x128xf32>
    %add3A = arith.addf %dot_general3A_13, %dot_general3A_18 : vector<2000x128xf32>
    %get3A_19 = arith.constant 0 : index
    %get3A_20 = arith.constant 0 : index
    %get3A_21 = vector.load %arg6[%get3A_19, %get3A_20] : memref<1x128xf32, #tpu.memory_space<vmem>>, vector<1x128xf32>
    %add3A_22 = vector.broadcast %get3A_21 : vector<1x128xf32> to vector<2000x128xf32>
    %add3A_23 = arith.addf %add3A, %add3A_22 : vector<2000x128xf32>
    %max3A = arith.constant 0.000000e+00 : f32
    %max3A_24 = vector.broadcast %max3A : f32 to vector<2000x128xf32>
    %max3A_25 = arith.maximumf %add3A_23, %max3A_24 : vector<2000x128xf32>
    %swap3A = arith.constant 0 : index
    %swap3A_26 = arith.constant 0 : index
    %swap3A_27 = vector.load %arg7[%swap3A, %swap3A_26] : memref<2000x128xf32, #tpu.memory_space<vmem>>, vector<2000x128xf32>
    tpu.vector_store %arg7[%swap3A, %swap3A_26], %max3A_25 {strides = array<i32>} : memref<2000x128xf32, #tpu.memory_space<vmem>>, vector<2000x128xf32>,
    return
  }
  func.func @transform_0(%arg0: i32) -> (i32, i32) {
    %c0_i32 = arith.constant 0 : i32
    %c0_i32_0 = arith.constant 0 : i32
    return %arg0, %c0_i32 : i32, i32
  }
  func.func @transform_1(%arg0: i32) -> (i32, i32, i32) {
    %c0_i32 = arith.constant 0 : i32
    %c0_i32_0 = arith.constant 0 : i32
    %c0_i32_1 = arith.constant 0 : i32
    return %c0_i32, %arg0, %c0_i32_0 : i32, i32, i32
  }
  func.func @transform_2(%arg0: i32) -> (i32, i32) {
    %c0_i32 = arith.constant 0 : i32
    %c0_i32_0 = arith.constant 0 : i32
    return %arg0, %c0_i32 : i32, i32
  }
  func.func @transform_3(%arg0: i32) -> (i32, i32) {
    %c0_i32 = arith.constant 0 : i32
    %c0_i32_0 = arith.constant 0 : i32
    %c0_i32_1 = arith.constant 0 : i32
    return %c0_i32, %c0_i32_0 : i32, i32
  }
  func.func @transform_4(%arg0: i32) -> (i32, i32) {
    %c0_i32 = arith.constant 0 : i32
    %c0_i32_0 = arith.constant 0 : i32
    %c0_i32_1 = arith.constant 0 : i32
    return %c0_i32, %c0_i32_0 : i32, i32
  }
  func.func @transform_5(%arg0: i32) -> (i32, i32) {
    %c0_i32 = arith.constant 0 : i32
    %c0_i32_0 = arith.constant 0 : i32
    %c0_i32_1 = arith.constant 0 : i32
    return %c0_i32, %c0_i32_0 : i32, i32
  }
  func.func @transform_6(%arg0: i32) -> (i32, i32) {
    %c0_i32 = arith.constant 0 : i32
    %c0_i32_0 = arith.constant 0 : i32
    return %arg0, %c0_i32 : i32, i32
  }
}

module attributes {stable_mosaic.version = 14 : i64} {
  func.func @_combine_body(%arg0: i32, %arg1: memref<2000x128xf32, #tpu.memory_space<vmem>>, %arg2: memref<1x2000x128xf32, #tpu.memory_space<vmem>>, %arg3: memref<2000x128xf32, #tpu.memory_space<vmem>>, %arg4: memref<128x128xf32, #tpu.memory_space<vmem>>, %arg5: memref<128x128xf32, #tpu.memory_space<vmem>>, %arg6: memref<1x128xf32, #tpu.memory_space<vmem>>, %arg7: memref<2000x128xf32, #tpu.memory_space<vmem>>) attributes {dimension_semantics = [#tpu.dimension_semantics<arbitrary>], iteration_bounds = array<i64: 5>, scalar_prefetch = 0 : i64, scratch_operands = 0 : i64, tpu.core_type = #tpu.core_type<tc>, window_params = [{transform_indices = @transform_0, window_bounds = array<i64: 2000, 128>}, {transform_indices = @transform_1, window_bounds = array<i64: 1, 2000, 128>}, {transform_indices = @transform_2, window_bounds = array<i64: 2000, 128>}, {pipeline_mode = #tpu.pipeline_mode<synchronous>, transform_indices = @transform_3, window_bounds = array<i64: 128, 128>}, {pipeline_mode = #tpu.pipeline_mode<synchronous>, transform_indices = @transform_4, window_bounds = array<i64: 128, 128>}, {pipeline_mode = #tpu.pipeline_mode<synchronous>, transform_indices = @transform_5, window_bounds = array<i64: 1, 128>}, {transform_indices = @transform_6, window_bounds = array<i64: 2000, 128>}]} {
    %get3A = arith.constant 0 : index
    %get3A_0 = arith.constant 0 : index
    %get3A_1 = arith.constant 0 : index
    %get3A_2 = vector.load %arg2[%get3A, %get3A_0, %get3A_1] : memref<1x2000x128xf32, #tpu.memory_space<vmem>>, vector<1x2000x128xf32>
    %get3A_3 = vector.shape_cast %get3A_2 : vector<1x2000x128xf32> to vector<2000x128xf32>
    %get3A_4 = arith.constant 0 : index
    %get3A_5 = arith.constant 0 : index
    %get3A_6 = vector.load %arg3[%get3A_4, %get3A_5] : memref<2000x128xf32, #tpu.memory_space<vmem>>, vector<2000x128xf32>
    %mul3A = arith.mulf %get3A_3, %get3A_6 : vector<2000x128xf32>
    %get3A_7 = arith.constant 0 : index
    %get3A_8 = arith.constant 0 : index
    %get3A_9 = vector.load %arg1[%get3A_7, %get3A_8] : memref<2000x128xf32, #tpu.memory_space<vmem>>, vector<2000x128xf32>
    %get3A_10 = arith.constant 0 : index
    %get3A_11 = arith.constant 0 : index
    %get3A_12 = vector.load %arg4[%get3A_10, %get3A_11] : memref<128x128xf32, #tpu.memory_space<vmem>>, vector<128x128xf32>
    %dot_general3A = arith.constant dense<0.000000e+00> : vector<2000x128xf32>
    %dot_general3A_13 = tpu.matmul %get3A_9, %get3A_12, %dot_general3A {dimension_numbers = #tpu.dot_dimension_numbers<[1], [0], [0], [1], [0, 0, 1, 1], [], []>, transpose_lhs_hint = false} : vector<2000x128xf32>, vector<128x128xf32>, vector<2000x128xf32> -> vector<2000x128xf32>
    %get3A_14 = arith.constant 0 : index
    %get3A_15 = arith.constant 0 : index
    %get3A_16 = vector.load %arg5[%get3A_14, %get3A_15] : memref<128x128xf32, #tpu.memory_space<vmem>>, vector<128x128xf32>
    %dot_general3A_17 = arith.constant dense<0.000000e+00> : vector<2000x128xf32>
    %dot_general3A_18 = tpu.matmul %mul3A, %get3A_16, %dot_general3A_17 {dimension_numbers = #tpu.dot_dimension_numbers<[1], [0], [0], [1], [0, 0, 1, 1], [], []>, transpose_lhs_hint = false} : vector<2000x128xf32>, vector<128x128xf32>, vector<2000x128xf32> -> vector<2000x128xf32>
    %add3A = arith.addf %dot_general3A_13, %dot_general3A_18 : vector<2000x128xf32>
    %get3A_19 = arith.constant 0 : index
    %get3A_20 = arith.constant 0 : index
    %get3A_21 = vector.load %arg6[%get3A_19, %get3A_20] : memref<1x128xf32, #tpu.memory_space<vmem>>, vector<1x128xf32>
    %add3A_22 = vector.broadcast %get3A_21 : vector<1x128xf32> to vector<2000x128xf32>
    %add3A_23 = arith.addf %add3A, %add3A_22 : vector<2000x128xf32>
    %swap3A = arith.constant 0 : index
    %swap3A_24 = arith.constant 0 : index
    %swap3A_25 = vector.load %arg7[%swap3A, %swap3A_24] : memref<2000x128xf32, #tpu.memory_space<vmem>>, vector<2000x128xf32>
    tpu.vector_store %arg7[%swap3A, %swap3A_24], %add3A_23 {strides = array<i32>} : memref<2000x128xf32, #tpu.memory_space<vmem>>, vector<2000x128xf32>,
    return
  }
  func.func @transform_0(%arg0: i32) -> (i32, i32) {
    %c0_i32 = arith.constant 0 : i32
    %c0_i32_0 = arith.constant 0 : i32
    return %arg0, %c0_i32 : i32, i32
  }
  func.func @transform_1(%arg0: i32) -> (i32, i32, i32) {
    %c0_i32 = arith.constant 0 : i32
    %c0_i32_0 = arith.constant 0 : i32
    %c0_i32_1 = arith.constant 0 : i32
    return %c0_i32, %arg0, %c0_i32_0 : i32, i32, i32
  }
  func.func @transform_2(%arg0: i32) -> (i32, i32) {
    %c0_i32 = arith.constant 0 : i32
    %c0_i32_0 = arith.constant 0 : i32
    return %arg0, %c0_i32 : i32, i32
  }
  func.func @transform_3(%arg0: i32) -> (i32, i32) {
    %c0_i32 = arith.constant 0 : i32
    %c0_i32_0 = arith.constant 0 : i32
    %c0_i32_1 = arith.constant 0 : i32
    return %c0_i32, %c0_i32_0 : i32, i32
  }
  func.func @transform_4(%arg0: i32) -> (i32, i32) {
    %c0_i32 = arith.constant 0 : i32
    %c0_i32_0 = arith.constant 0 : i32
    %c0_i32_1 = arith.constant 0 : i32
    return %c0_i32, %c0_i32_0 : i32, i32
  }
  func.func @transform_5(%arg0: i32) -> (i32, i32) {
    %c0_i32 = arith.constant 0 : i32
    %c0_i32_0 = arith.constant 0 : i32
    %c0_i32_1 = arith.constant 0 : i32
    return %c0_i32, %c0_i32_0 : i32, i32
  }
  func.func @transform_6(%arg0: i32) -> (i32, i32) {
    %c0_i32 = arith.constant 0 : i32
    %c0_i32_0 = arith.constant 0 : i32
    return %arg0, %c0_i32 : i32, i32
  }
}

</mosaic_0001>

<sc_bundles>
// kernel: kernel.10.cloned.1.call-start
scs
__scs_entry_jumppad:
0x0: {  	(pc) =	sbr.rel $0x88, $3  }
0x1: {  	(tag) =	ssettag $0x0;
	lr =	simm.s32 $0x1  }
0x2: {  	[smem:$0x3F96] =	sst lr;
	_ =	strace $0xD0000000  }
0x3: {  	_ = 	snop  }
0x4: {  	_ = 	snop  }
0x5: {  	_ = 	snop  }
0x6: {  	_ = 	snop  }
0x7: {  	_ = 	snop  }
__scs_overlays_trampoline_lowered:
0x8: {  	[smem:$0x3FA5] =	sst s0  }
0x9: {  	[smem:$0x3FA6] =	sst s1  }
0xa: {  	[smem:$0x3FA7] =	sst s2  }
0xb: {  	[smem:$0x3FA8] =	sst s3  }
0xc: {  	[smem:$0x3FA9] =	sst s4  }
0xd: {  	[smem:$0x3FAA] =	sst s5  }
0xe: {  	[smem:$0x3FAB] =	sst s6  }
0xf: {  	[smem:$0x3FAC] =	sst s7  }
0x10: {  	[smem:$0x3FAD] =	sst s8  }
0x11: {  	[smem:$0x3FAE] =	sst s9;
	s0 =	simm.s32 @!p0 $0x0  }
0x12: {  	s1 =	sld [smem:$0x3F94];
	s0 =	simm.s32 @p0 $0x1  }
0x13: {  	[smem:$0x3FAF] =	sst s0;
	s0 =	simm.s32 @!p1 $0x0  }
0x14: {  	s2 =	sld [smem:$0x3F93];
	s0 =	simm.s32 @p1 $0x1  }
0x15: {  	[smem:$0x3FB0] =	sst s0;
	s0 =	simm.s32 @!p2 $0x0  }
0x16: {  	s3 =	sld [smem:$0x3FDB];
	s0 =	simm.s32 @p2 $0x1  }
0x17: {  	s4 =	simm.s32 $0x1BF5;
	[smem:$0x3FB2] =	sst s0  }
0x18: {  	s0 =	sld [smem:$0x3F95];
	_ =	swait.ge [sflag:s4], $0x0  }
0x19: {  	s7 =	sld [smem:$0x3F96]  }
0x1a: {  	s8 =	sadd.s32 $0xFFFFE003, lr  }
0x1b: {  	s9 =	sadd.s32 $0xFFFFFEF7, lr;
	s5 =	simm.s32 $0xFFFFFFFF;
	p2 =	slt.u32 s8, $0xFFFFF086  }
0x1c: {  	p1 =	slt.u32 s9, $0xF7A;
	s5 =	simm.s32 @!p2 $0x0  }
0x1d: {  	s5 =	simm.s32 @p1 $0x1;
	p0 =	seq.s32 s7, s2  }
0x1e: {  	s7 =	smul.u32 @!p0 $0xF7A, s2;
	p2 =	seq.s32 @!p0 s5, $0x0  }
0x1f: {  	s9 =	smul.u32 $0xF7A, s1;
	s8 =	simm.s32 @!p0 $0x1BF5;
	p2 =	por !p2, p0  }
0x20: {  	[sflag:s8] =	ssyncset.s32 @!p0 $0xFFFFF086;
	s6 =	sadd.s32 @!p0 s3, s7;
	s7 =	simm.s32 @!p0 $0x108  }
0x21: {  	s3 =	sadd.s32 s3, s9;
	s6 =	sadd.s32 @!p0 $0x88, s6;
	s7 =	simm.s32 @p2 $0x1082  }
0x22: {  	[simem:s7], [sflag:s8] =	dma.local @!p0 [hbm:s6], $0xF7A  }
0x23: {  	s9 =	sor.u32 $0xD0000000, s2;
	s6 =	simm.s32 $0x108;
	_ =	swait.ge @!p0 [sflag:s8], $0x0  }
0x24: {  	s3 =	sadd.s32 $0x88, s3;
	s6 =	simm.s32 @!p1 $0x1082;
	[sflag:s4] =	ssyncset.s32 $0xFFFFF086  }
0x25: {  	[simem:s6], [sflag:s4] =	dma.local [hbm:s3], $0xF7A  }
0x26: {  	[smem:$0x3F96] =	sst s1;
	(tag) =	ssettag s2;
	_ =	strace s9  }
0x27: {  	s1 =	sld [smem:$0x3FA6]  }
0x28: {  	s2 =	sld [smem:$0x3FA7]  }
0x29: {  	s4 =	sld [smem:$0x3FA9]  }
0x2a: {  	p0 =	seq.s32 s5, $0x0;
	s5 =	sld [smem:$0x3FAA]  }
0x2b: {  	s6 =	sld [smem:$0x3FAB]  }
0x2c: {  	s7 =	sld [smem:$0x3FAC]  }
0x2d: {  	s3 =	simm.s32 $0x108;
	s8 =	sld [smem:$0x3FAD]  }
0x2e: {  	s3 =	simm.s32 @!p0 $0x1082;
	s9 =	sld [smem:$0x3FAE]  }
0x2f: {  	lr =	sadd.s32 s0, s3;
	s0 =	sld [smem:$0x3FA5]  }
0x30: {  	s3 =	sld [smem:$0x3FA8]  }
0x31: {  	[smem:$0x3FB1] =	sst s10  }
0x32: {  	s10 =	sld [smem:$0x3FAF];
	_ =	sdelay $0x3  }
0x33: {  	p0 =	seq.s32 s10, $0x1;
	s10 =	sld [smem:$0x3FB1];
	_ =	sdelay $0x3  }
0x34: {  	[smem:$0x3FB1] =	sst s10  }
0x35: {  	s10 =	sld [smem:$0x3FB0];
	_ =	sdelay $0x3  }
0x36: {  	p1 =	seq.s32 s10, $0x1;
	s10 =	sld [smem:$0x3FB1];
	_ =	sdelay $0x3  }
0x37: {  	[smem:$0x3FB1] =	sst s10  }
0x38: {  	s10 =	sld [smem:$0x3FB2]  }
0x39: {  	_ = 	snop;
	(pc) =	sbr.ind lr, $3  }
0x3a: {  	_ = 	snop  }
0x3b: {  	_ = 	snop  }
0x3c: {  	p2 =	seq.s32 s10, $0x1;
	s10 =	sld [smem:$0x3FB1]  }
0x3d: {  	_ =	shalt  }
0x3e: {  	_ =	shalt  }
0x3f: {  	_ =	shalt  }
0x40: {  	_ =	shalt  }
0x41: {  	_ =	shalt  }
0x42: {  	_ =	shalt  }
0x43: {  	_ =	shalt  }
0x44: {  	_ =	shalt  }
0x45: {  	_ =	shalt  }
0x46: {  	_ =	shalt  }
0x47: {  	_ =	shalt  }
0x48: {  	_ =	shalt  }
0x49: {  	_ =	shalt  }
0x4a: {  	_ =	shalt  }
0x4b: {  	_ =	shalt  }
0x4c: {  	_ =	shalt  }
0x4d: {  	_ =	shalt  }
0x4e: {  	_ =	shalt  }
0x4f: {  	_ =	shalt  }
0x50: {  	_ =	shalt  }
0x51: {  	_ =	shalt  }
0x52: {  	_ =	shalt  }
0x53: {  	_ =	shalt  }
0x54: {  	_ =	shalt  }
0x55: {  	_ =	shalt  }
0x56: {  	_ =	shalt  }
0x57: {  	_ =	shalt  }
0x58: {  	_ =	shalt  }
0x59: {  	_ =	shalt  }
0x5a: {  	_ =	shalt  }
0x5b: {  	_ =	shalt  }
0x5c: {  	_ =	shalt  }
0x5d: {  	_ =	shalt  }
0x5e: {  	_ =	shalt  }
0x5f: {  	_ =	shalt  }
0x60: {  	_ =	shalt  }
0x61: {  	_ =	shalt  }
0x62: {  	_ =	shalt  }
0x63: {  	_ =	shalt  }
0x64: {  	_ =	shalt  }
0x65: {  	_ =	shalt  }
0x66: {  	_ =	shalt  }
0x67: {  	_ =	shalt  }
0x68: {  	_ =	shalt  }
0x69: {  	_ =	shalt  }
0x6a: {  	_ =	shalt  }
0x6b: {  	_ =	shalt  }
0x6c: {  	_ =	shalt  }
0x6d: {  	_ =	shalt  }
0x6e: {  	_ =	shalt  }
0x6f: {  	_ =	shalt  }
0x70: {  	_ =	shalt  }
0x71: {  	_ =	shalt  }
0x72: {  	_ =	shalt  }
0x73: {  	_ =	shalt  }
0x74: {  	_ =	shalt  }
0x75: {  	_ =	shalt  }
0x76: {  	_ =	shalt  }
0x77: {  	_ =	shalt  }
0x78: {  	_ =	shalt  }
0x79: {  	_ =	shalt  }
0x7a: {  	_ =	shalt  }
0x7b: {  	_ =	shalt  }
0x7c: {  	_ =	shalt  }
0x7d: {  	_ =	shalt  }
0x7e: {  	_ =	shalt  }
0x7f: {  	_ =	shalt  }
0x80: {  	_ =	shalt  }
0x81: {  	_ =	shalt  }
0x82: {  	_ =	shalt  }
0x83: {  	_ =	shalt  }
0x84: {  	_ =	shalt  }
0x85: {  	_ =	shalt  }
0x86: {  	_ =	shalt  }
0x87: {  	_ =	shalt  }
.Lfunc_end0:
.L_simem_size_0:
called_computation_lowered:
.L_overlay_start_0:
0x88: {  	s2 =	sld [smem:$0x3FD9]  }
0x89: {  	s3 =	sld [smem:$0x3FFE];
	_ =	sdelay $0x1  }
0x8a: {  	s1 =	srdreg.scid  }
0x8b: {  	s0 =	sand.u32 $0x1, s1  }
0x8c: {  	s17 =	sshll.u32 s0, $0xA;
	s2 =	sadd.s32 s3, s2  }
0x8d: {  	s2 =	sadd.s32 s2, s17  }
0x8e: {  	[smem:$0x3FBD] =	sst s2  }
0x8f: {  	_ = 	snop  }
0x90: {  	s2 =	sld [smem:$0x3FD0];
	(tm) =	ssettm $0x1  }
0x91: {  	s18 =	sld [smem:$0x3FFB];
	_ =	sdelay $0x3  }
0x92: {  	_ =	strace s18  }
0x93: {  	s3 =	sld [smem:$0x3FFC];
	_ =	sdelay $0x3  }
0x94: {  	_ =	strace s3  }
0x95: {  	s3 =	sld [smem:$0x3FFD];
	_ =	sdelay $0x3  }
0x96: {  	_ =	strace s3  }
0x97: {  	_ =	strace $0x8FFFFFFF  }
0x98: {  	s19 =	sld [smem:$0x3FDB];
	_ =	sdelay $0x1  }
0x99: {  	s4 =	simm.s32 $_scs_section_size  }
0x9a: {  	s5 =	simm.s32 $_size__tile_overlayer_lowered;
	s6 =	simm.s32 $_tile_overlayer_lowered  }
0x9b: {  	s22 =	simm.s32 $0x1BFF;
	s21 =	sshll.u32 s6, $0x1;
	s3 =	sadd.s32 s4, s19  }
0x9c: {  	s7 =	simm.s32 $0x0;
	s20 =	sshll.u32 s5, $0x1;
	s5 =	sadd.s32 s21, s3  }
0x9d: {  	[timem:s7], [sflag:s22] =	dma.local [hbm:s5], s20  }
0x9e: {  	_ =	swait.ge [sflag:s22], s20  }
0x9f: {  	s4 =	ssub.s32 $0x0, s20;
	[sflag:s22] =	ssyncset.done $0x0  }
0xa0: {  	[sflag:s22] =	ssyncadd.s32 s4;
	_ =	sdelay $0x1  }
0xa1: {  	s23 =	simm.s32 $0x1B8B  }
0xa2: {  	_ =	swait.ge [sflag:s23], $0x1  }
0xa3: {  	[sflag:s23] =	ssyncset.done $0x0  }
0xa4: {  	s25 =	simm.s32 $0x1B8E;
	s24 =	sld [smem:$0x3FFE];
	[sflag:s23] =	ssyncadd.s32 $0xFFFFFFFF  }
0xa5: {  	s26 =	simm.s32 $execute0_lowered;
	[smem:$0x3FD2] =	sst s25  }
0xa6: {  	s5 =	sshll.u32 s26, $0x1;
	_ =	strace $0x80000046;
	[dreg:$0x1] =	wrdreg $0xFFFFFFFF  }
0xa7: {  	s28 =	simm.s32 $_size_execute0_lowered;
	s3 =	sadd.s32 s3, s5;
	[dreg:$0x0] =	wrdreg $0x0  }
0xa8: {  	s5 =	sshll.u32 s28, $0x1;
	[dreg:$0x2] =	wrdreg s3  }
0xa9: {  	[dreg:$0x3] =	wrdreg s5  }
0xaa: {  	[dreg:$0x4] =	wrdreg $0xC0  }
0xab: {  	_ =	task [dreg:s7], $0x5FFFF  }
0xac: {  	[dreg:$0x1] =	wrdreg $0xFFFFFFFF  }
0xad: {  	[dreg:$0x0] =	wrdreg $0x60  }
0xae: {  	[dreg:$0x2] =	wrdreg s2  }
0xaf: {  	[dreg:$0x3] =	wrdreg s24  }
0xb0: {  	[dreg:$0x4] =	wrdreg $0x0  }
0xb1: {  	[dreg:$0x5] =	wrdreg $0x9  }
0xb2: {  	_ =	task.clear_ibuf [dreg:s7], $0x6FFFF;
	_ =	strace $0x90000046  }
0xb3: {  	s29 =	simm.s32 $0x9;
	_ =	strace $0x80000048  }
0xb4: {  	_ =	swait.ge [sflag:s29], $0x1  }
0xb5: {  	[sflag:s29] =	ssyncadd.s32 $0xFFFFFFFF  }
0xb6: {  	_ =	strace $0x90000048  }
0xb7: {  	_ =	sfence  }
0xb8: {  	s30 =	sld [smem:$0x0];
	_ =	sdelay $0x2  }
0xb9: {  	s31 =	sshll.u32 s1, $0xD;
	s1 =	sshrl.u32 s1, $0x2  }
0xba: {  	s3 =	sand.u32 $0x4000, s31;
	s1 =	sadd.s32 s1, s30  }
0xbb: {  	s0 =	sor.u32 s3, s0;
	s1 =	sshll.u32 s1, $0x11  }
0xbc: {  	s0 =	sor.u32 s1, s0  }
0xbd: {  	s0 =	sadd.s32 $0x8F2B, s0  }
0xbe: {  	[sflag:s0] =	ssyncadd.remote.s32 $0x1  }
0xbf: {  	_ =	sfence.sel $0xFFFF  }
0xc0: {  	[dreg:$0x0] =	wrdreg $0xFFFFFFFF;
	(pc) =	sbr.abs _section_cstart, $3  }
0xc1: {  	[dreg:$0x1] =	wrdreg $0xFFFFFFFF  }
0xc2: {  	_ =	task.clear_ibuf [dreg:s7], $0x2FFFF;
	_ =	strace $0x9FFFFFFF  }
0xc3: {  	(tm) =	ssettm $0x7FFFFFFF  }
tec
execute0_lowered:
.L_overlay_start_1:
0x0: {  	(tag) =	ssettag $0x1  }
0x1: {  	s1 =	rddreg [dreg:$0x0]  }
0x2: {  	s6 =	rddreg [dreg:$0x1]  }
0x3: {  	s2 =	rddreg [dreg:$0x2]  }
0x4: {  	s3 =	srdreg.scid;
	s0 =	rddreg [dreg:$0x3]  }
0x5: {  	s4 =	simm.s32 $0x0;
	s15 =	simm.s32 $0x13D00;
	s16 =	simm.s32 $0x13C00  }
0x6: {  	s17 =	simm.s32 $0x13C80;
	s18 =	simm.s32 $0x1;
	s7 =	sand.u32 $0x1, s3  }
0x7: {  	s19 =	simm.s32 $0x40;
	s3 =	stileid.u32;
	s5 =	smul.u32 $0x13C000, s7  }
0x8: {  	s20 =	simm.s32 $0x0;
	[smem:$0x7FF] =	sst s4;
	s8 =	smul.u32 $0x13C00, s3  }
0x9: {  	s12 =	sadd.s32 $0xD200, s6;
	_ =	strace $0x80000047;
	s10 =	smul.u32 $0x4F000, s3  }
0xa: {  	s9 =	sshll.u32 s7, $0x4;
	s26 =	ssub.s32 $0x2, s7;
	s7 =	smul.u32 $0x28000, s7  }
0xb: {  	s13 =	smul.u32 $0x2800, s3;
	s28 =	sshll.u32 s3, $0x6;
	s9 =	sor.u32 s3, s9  }
0xc: {  	s11 =	sshrl.u32 s26, $0x1;
	s8 =	sadd.s32 s8, s5;
	s5 =	sadd.s32 $0x17200, s6  }
0xd: {  	s9 =	smul.u32 $0x2800, s9;
	s10 =	sshrl.u32 s10, $0x2;
	s11 =	ssub.s32 s26, s11  }
0xe: {  	s29 =	sadd.s32 s13, s7;
	s8 =	sshrl.u32 s8, $0x3;
	s14 =	sadd.s32 s10, s2  }
0xf: {  	s13 =	sor.u32 $0x80, s29;
	s31 =	sor.u32 $0x40, s29;
	s8 =	sadd.s32 s8, s6  }
0x10: {  	s6 =	sor.u32 $0x1C02, s28;
	s9 =	sshrl.u32 s9, $0x3;
	s30 =	sshrl.u32 s13, $0x3  }
0x11: {  	s13 =	sshrl.u32 s31, $0x3;
	s7 =	sadd.s32 s12, s9;
	s8 =	sadd.s32 $0x19A00, s8  }
0x12: {  	s9 =	smax.u32 s11, $0x1;
	s11 =	sadd.s32 s30, s12;
	s12 =	sadd.s32 s13, s12  }
0x13: {  	s13 =	sshrl.u32 s14, $0x3;
	s14 =	simm.s32 $0x2;
	s10 =	sadd.s32 $0x4F8, s7  }
.LBB2_1:
0x14: {  	[spmem:s13], [sflag:s6] =	dma.local [hbm:s5], $0x2780  }
0x15: {  	_ =	swait.ge [sflag:s14], $0x2780  }
0x16: {  	[sflag:s14] =	ssyncset.done $0x0  }
0x17: {  	[sflag:s14] =	ssyncadd.s32 $0xFFFFD880  }
0x18: {  	[tilespmem:s15], [sflag:$0x2] =	stream.linear.gather [hbm4b:s1+s4], $0x2000, $0x38;
	[tilespmem:$0x15D00] =	vst v63  }
0x19: {  	_ =	swait.ge [sflag:s14], $0x2000  }
0x1a: {  	[sflag:s14] =	ssyncset.done $0x0  }
0x1b: {  	[sflag:s14] =	ssyncadd.s32 $0xFFFFE000  }
0x1c: {  	[bflag:$0x0] =	sbarrier.arrive $0xFFFF  }
0x1d: {  	[tilespmem:s16], [sflag:$0x1] =	stream.linear.gather [hbm4b:s7+s4], $0x40, $0x38;
	[tilespmem:$0x15D00] =	vst v63  }
0x1e: {  	s21 =	sadd.s32 $0x0, s12  }
0x1f: {  	[tilespmem:s17], [sflag:$0x1] =	stream.linear.gather [hbm4b:s21+s4], $0x40, $0x38;
	[tilespmem:$0x15D00] =	vst v63  }
0x20: {  	_ =	swait.ge [sflag:s18], $0x40  }
0x21: {  	[sflag:s18] =	ssyncset.done $0x0  }
0x22: {  	[sflag:s18] =	ssyncadd.s32 $0xFFFFFFC0  }
0x23: {  	[spmem:s2] =	stream.indirect.scatter.add.f32 [tilespmem:s15], [sflag:$0x2], $0x80, s16, s19, $0xb8;
	[tilespmem:$0x15D00] =	vst v63  }
0x24: {  	_ =	swait.ge [sflag:s14], $0x2000  }
0x25: {  	[sflag:s14] =	ssyncset.done $0x0  }
0x26: {  	s31 =	sadd.s32 $0x0, s11;
	[sflag:s14] =	ssyncadd.s32 $0xFFFFE000  }
0x27: {  	[tilespmem:s16], [sflag:$0x1] =	stream.linear.gather [hbm4b:s31+s4], $0x40, $0x38;
	[tilespmem:$0x15D00] =	vst v63  }
0x28: {  	_ =	swait.ge [sflag:s18], $0x40  }
0x29: {  	[sflag:s18] =	ssyncset.done $0x0  }
0x2a: {  	[sflag:s18] =	ssyncadd.s32 $0xFFFFFFC0  }
0x2b: {  	[spmem:s2] =	stream.indirect.scatter.add.f32 [tilespmem:s15], [sflag:$0x2], $0x80, s17, s19, $0xb8;
	[tilespmem:$0x15D00] =	vst v63  }
0x2c: {  	_ =	swait.ge [sflag:s14], $0x2000  }
0x2d: {  	s22 =	simm.s32 $0x20;
	s21 =	simm.s32 $0x10;
	[sflag:s14] =	ssyncset.done $0x0  }
.LBB2_2:
0x2e: {  	s23 =	sadd.s32 s21, s12  }
0x2f: {  	[sflag:s14] =	ssyncadd.s32 $0xFFFFE000;
	s24 =	smov.u32 s22;
	s25 =	sadd.s32 $0x10, s22  }
0x30: {  	[tilespmem:s17], [sflag:$0x1] =	stream.linear.gather [hbm4b:s23+s4], $0x40, $0x38;
	[tilespmem:$0x15D00] =	vst v63  }
0x31: {  	p0 =	sne.s32 s22, $0x4E0;
	_ =	swait.ge [sflag:s18], $0x40  }
0x32: {  	[sflag:s18] =	ssyncset.done $0x0  }
0x33: {  	[sflag:s18] =	ssyncadd.s32 $0xFFFFFFC0  }
0x34: {  	[spmem:s2] =	stream.indirect.scatter.add.f32 [tilespmem:s15], [sflag:$0x2], $0x80, s16, s19, $0xb8;
	[tilespmem:$0x15D00] =	vst v63  }
0x35: {  	_ =	swait.ge [sflag:s14], $0x2000  }
0x36: {  	[sflag:s14] =	ssyncset.done $0x0  }
0x37: {  	s22 =	sadd.s32 s21, s11;
	s21 =	smov.u32 s24;
	[sflag:s14] =	ssyncadd.s32 $0xFFFFE000  }
0x38: {  	[tilespmem:s16], [sflag:$0x1] =	stream.linear.gather [hbm4b:s22+s4], $0x40, $0x38;
	[tilespmem:$0x15D00] =	vst v63  }
0x39: {  	_ =	swait.ge [sflag:s18], $0x40  }
.Ltmp0:
0x3a: {  	[sflag:s18] =	ssyncset.done $0x0;
	(pc) =	sbr.rel @p0 .LBB2_2-.Ltmp0, $4  }
0x3b: {  	[sflag:s18] =	ssyncadd.s32 $0xFFFFFFC0  }
0x3c: {  	[spmem:s2] =	stream.indirect.scatter.add.f32 [tilespmem:s15], [sflag:$0x2], $0x80, s17, s19, $0xb8;
	[tilespmem:$0x15D00] =	vst v63  }
0x3d: {  	_ =	swait.ge [sflag:s14], $0x2000  }
0x3e: {  	s22 =	smov.u32 s25;
	[sflag:s14] =	ssyncset.done $0x0  }
0x3f: {  	s22 =	sadd.s32 s21, s12;
	[sflag:s14] =	ssyncadd.s32 $0xFFFFE000  }
0x40: {  	[tilespmem:s17], [sflag:$0x1] =	stream.linear.gather [hbm4b:s22+s4], $0x40, $0x38;
	[tilespmem:$0x15D00] =	vst v63  }
0x41: {  	_ =	swait.ge [sflag:s18], $0x40  }
0x42: {  	[sflag:s18] =	ssyncset.done $0x0  }
0x43: {  	[sflag:s18] =	ssyncadd.s32 $0xFFFFFFC0  }
0x44: {  	[spmem:s2] =	stream.indirect.scatter.add.f32 [tilespmem:s15], [sflag:$0x2], $0x80, s16, s19, $0xb8;
	[tilespmem:$0x15D00] =	vst v63  }
0x45: {  	_ =	swait.ge [sflag:s14], $0x2000  }
0x46: {  	[sflag:s14] =	ssyncset.done $0x0  }
0x47: {  	s31 =	sadd.s32 s21, s11;
	[sflag:s14] =	ssyncadd.s32 $0xFFFFE000  }
0x48: {  	[tilespmem:s16], [sflag:$0x1] =	stream.linear.gather [hbm4b:s31+s4], $0x40, $0x38;
	[tilespmem:$0x15D00] =	vst v63  }
0x49: {  	_ =	swait.ge [sflag:s18], $0x40  }
0x4a: {  	[sflag:s18] =	ssyncset.done $0x0  }
0x4b: {  	[sflag:s18] =	ssyncadd.s32 $0xFFFFFFC0  }
0x4c: {  	[spmem:s2] =	stream.indirect.scatter.add.f32 [tilespmem:s15], [sflag:$0x2], $0x80, s17, s19, $0xb8;
	[tilespmem:$0x15D00] =	vst v63  }
0x4d: {  	_ =	swait.ge [sflag:s14], $0x2000  }
0x4e: {  	[sflag:s14] =	ssyncset.done $0x0  }
0x4f: {  	[sflag:s14] =	ssyncadd.s32 $0xFFFFE000  }
0x50: {  	[tilespmem:s17], [sflag:$0x1] =	stream.linear.gather [hbm4b:s10+s4], $0x40, $0x38;
	[tilespmem:$0x15D00] =	vst v63  }
0x51: {  	_ =	swait.ge [sflag:s18], $0x40  }
0x52: {  	[sflag:s18] =	ssyncset.done $0x0  }
0x53: {  	[sflag:s18] =	ssyncadd.s32 $0xFFFFFFC0  }
0x54: {  	[spmem:s2] =	stream.indirect.scatter.add.f32 [tilespmem:s15], [sflag:$0x2], $0x80, s16, s19, $0xb8;
	[tilespmem:$0x15D00] =	vst v63  }
0x55: {  	_ =	swait.ge [sflag:s14], $0x2000  }
0x56: {  	[sflag:s14] =	ssyncset.done $0x0  }
0x57: {  	[sflag:s14] =	ssyncadd.s32 $0xFFFFE000  }
0x58: {  	_ =	swait.ge [sflag:s18], $0x40  }
0x59: {  	[sflag:s18] =	ssyncset.done $0x0  }
0x5a: {  	[sflag:s18] =	ssyncadd.s32 $0xFFFFFFC0  }
0x5b: {  	[spmem:s2] =	stream.indirect.scatter.add.f32 [tilespmem:s15], [sflag:$0x2], $0x80, s17, s19, $0xb8;
	[tilespmem:$0x15D00] =	vst v63  }
0x5c: {  	_ =	swait.ge [sflag:s14], $0x2000  }
0x5d: {  	s20 =	sadd.s32 $0x1, s20;
	[sflag:s14] =	ssyncset.done $0x0  }
0x5e: {  	p0 =	sne.s32 s20, s9;
	[sflag:s14] =	ssyncadd.s32 $0xFFFFE000  }
.Ltmp1:
0x5f: {  	[bflag:$0x0] =	sbarrier.arrive $0xFFFF;
	(pc) =	sbr.rel @p0 .LBB2_1-.Ltmp1, $4  }
0x60: {  	[hbm:s8], [sflag:s6] =	dma.local [spmem:s13], $0x2780  }
0x61: {  	_ =	swait.ge [sflag:s14], $0x2780  }
0x62: {  	[sflag:s14] =	ssyncset.done $0x0  }
0x63: {  	[sflag:s14] =	ssyncadd.s32 $0xFFFFD880  }
0x64: {  	_ =	sfence.sel $0x180000  }
0x65: {  	[bflag:$0x0] =	sbarrier.arrive $0xFFFF  }
0x66: {  	p0 =	sne.s32 s3, $0x0;
	_ =	strace $0x90000047  }
0x67: {  	s0 =	sadd.s32 @!p0 $0x100000, s0;
	[bflag:$0x2] =	sbarrier.arrive $0xFFFF  }
0x68: {  	[sflag:s0] =	ssyncadd.tile.s32 @!p0 $0x1;
	_ =	shalt  }
.Lfunc_end2:
_tile_overlayer_lowered:
.L_overlay_start_2:
0x69: {  	(tag) =	ssettag $0x2  }
0x6a: {  	s0 =	rddreg [dreg:$0x0];
	s2 =	stileid.u32  }
0x6b: {  	s1 =	rddreg [dreg:$0x1];
	p0 =	sne.s32 s2, $0x0  }
0x6c: {  	s3 =	rddreg [dreg:$0x2];
	[bflag:$0x3] =	sbarrier.arrive $0xFFFF;
	s2 =	simm.s32 @!p0 $0x1C02  }
0x6d: {  	[timem:s3], [sflag:s2] =	dma.local @!p0 [hbm:s0], s1  }
0x6e: {  	s0 =	simm.s32 @!p0 $0x2  }
0x6f: {  	_ =	swait.ge @!p0 [sflag:s0], s1  }
0x70: {  	s1 =	ssub.s32 @!p0 $0x0, s1;
	[sflag:s0] =	ssyncset.done @!p0 $0x0  }
0x71: {  	[sflag:s0] =	ssyncadd.s32 @!p0 s1  }
0x72: {  	[bflag:$0x3] =	sbarrier.arrive $0xFFFF  }
0x73: {  	_ =	shalt  }

// kernel: kernel.13.cloned.1.call-start
scs
__scs_entry_jumppad:
0x0: {  	(pc) =	sbr.rel $0x88, $3  }
0x1: {  	(tag) =	ssettag $0x0;
	lr =	simm.s32 $0x1  }
0x2: {  	[smem:$0x3F96] =	sst lr;
	_ =	strace $0xD0000000  }
0x3: {  	_ = 	snop  }
0x4: {  	_ = 	snop  }
0x5: {  	_ = 	snop  }
0x6: {  	_ = 	snop  }
0x7: {  	_ = 	snop  }
__scs_overlays_trampoline_lowered:
0x8: {  	[smem:$0x3FA5] =	sst s0  }
0x9: {  	[smem:$0x3FA6] =	sst s1  }
0xa: {  	[smem:$0x3FA7] =	sst s2  }
0xb: {  	[smem:$0x3FA8] =	sst s3  }
0xc: {  	[smem:$0x3FA9] =	sst s4  }
0xd: {  	[smem:$0x3FAA] =	sst s5  }
0xe: {  	[smem:$0x3FAB] =	sst s6  }
0xf: {  	[smem:$0x3FAC] =	sst s7  }
0x10: {  	[smem:$0x3FAD] =	sst s8  }
0x11: {  	[smem:$0x3FAE] =	sst s9;
	s0 =	simm.s32 @!p0 $0x0  }
0x12: {  	s1 =	sld [smem:$0x3F94];
	s0 =	simm.s32 @p0 $0x1  }
0x13: {  	[smem:$0x3FAF] =	sst s0;
	s0 =	simm.s32 @!p1 $0x0  }
0x14: {  	s2 =	sld [smem:$0x3F93];
	s0 =	simm.s32 @p1 $0x1  }
0x15: {  	[smem:$0x3FB0] =	sst s0;
	s0 =	simm.s32 @!p2 $0x0  }
0x16: {  	s3 =	sld [smem:$0x3FDB];
	s0 =	simm.s32 @p2 $0x1  }
0x17: {  	s4 =	simm.s32 $0x1BF5;
	[smem:$0x3FB2] =	sst s0  }
0x18: {  	s0 =	sld [smem:$0x3F95];
	_ =	swait.ge [sflag:s4], $0x0  }
0x19: {  	s7 =	sld [smem:$0x3F96]  }
0x1a: {  	s8 =	sadd.s32 $0xFFFFE003, lr  }
0x1b: {  	s9 =	sadd.s32 $0xFFFFFEF7, lr;
	s5 =	simm.s32 $0xFFFFFFFF;
	p2 =	slt.u32 s8, $0xFFFFF086  }
0x1c: {  	p1 =	slt.u32 s9, $0xF7A;
	s5 =	simm.s32 @!p2 $0x0  }
0x1d: {  	s5 =	simm.s32 @p1 $0x1;
	p0 =	seq.s32 s7, s2  }
0x1e: {  	s7 =	smul.u32 @!p0 $0xF7A, s2;
	p2 =	seq.s32 @!p0 s5, $0x0  }
0x1f: {  	s9 =	smul.u32 $0xF7A, s1;
	s8 =	simm.s32 @!p0 $0x1BF5;
	p2 =	por !p2, p0  }
0x20: {  	[sflag:s8] =	ssyncset.s32 @!p0 $0xFFFFF086;
	s6 =	sadd.s32 @!p0 s3, s7;
	s7 =	simm.s32 @!p0 $0x108  }
0x21: {  	s3 =	sadd.s32 s3, s9;
	s6 =	sadd.s32 @!p0 $0x88, s6;
	s7 =	simm.s32 @p2 $0x1082  }
0x22: {  	[simem:s7], [sflag:s8] =	dma.local @!p0 [hbm:s6], $0xF7A  }
0x23: {  	s9 =	sor.u32 $0xD0000000, s2;
	s6 =	simm.s32 $0x108;
	_ =	swait.ge @!p0 [sflag:s8], $0x0  }
0x24: {  	s3 =	sadd.s32 $0x88, s3;
	s6 =	simm.s32 @!p1 $0x1082;
	[sflag:s4] =	ssyncset.s32 $0xFFFFF086  }
0x25: {  	[simem:s6], [sflag:s4] =	dma.local [hbm:s3], $0xF7A  }
0x26: {  	[smem:$0x3F96] =	sst s1;
	(tag) =	ssettag s2;
	_ =	strace s9  }
0x27: {  	s1 =	sld [smem:$0x3FA6]  }
0x28: {  	s2 =	sld [smem:$0x3FA7]  }
0x29: {  	s4 =	sld [smem:$0x3FA9]  }
0x2a: {  	p0 =	seq.s32 s5, $0x0;
	s5 =	sld [smem:$0x3FAA]  }
0x2b: {  	s6 =	sld [smem:$0x3FAB]  }
0x2c: {  	s7 =	sld [smem:$0x3FAC]  }
0x2d: {  	s3 =	simm.s32 $0x108;
	s8 =	sld [smem:$0x3FAD]  }
0x2e: {  	s3 =	simm.s32 @!p0 $0x1082;
	s9 =	sld [smem:$0x3FAE]  }
0x2f: {  	lr =	sadd.s32 s0, s3;
	s0 =	sld [smem:$0x3FA5]  }
0x30: {  	s3 =	sld [smem:$0x3FA8]  }
0x31: {  	[smem:$0x3FB1] =	sst s10  }
0x32: {  	s10 =	sld [smem:$0x3FAF];
	_ =	sdelay $0x3  }
0x33: {  	p0 =	seq.s32 s10, $0x1;
	s10 =	sld [smem:$0x3FB1];
	_ =	sdelay $0x3  }
0x34: {  	[smem:$0x3FB1] =	sst s10  }
0x35: {  	s10 =	sld [smem:$0x3FB0];
	_ =	sdelay $0x3  }
0x36: {  	p1 =	seq.s32 s10, $0x1;
	s10 =	sld [smem:$0x3FB1];
	_ =	sdelay $0x3  }
0x37: {  	[smem:$0x3FB1] =	sst s10  }
0x38: {  	s10 =	sld [smem:$0x3FB2]  }
0x39: {  	_ = 	snop;
	(pc) =	sbr.ind lr, $3  }
0x3a: {  	_ = 	snop  }
0x3b: {  	_ = 	snop  }
0x3c: {  	p2 =	seq.s32 s10, $0x1;
	s10 =	sld [smem:$0x3FB1]  }
0x3d: {  	_ =	shalt  }
0x3e: {  	_ =	shalt  }
0x3f: {  	_ =	shalt  }
0x40: {  	_ =	shalt  }
0x41: {  	_ =	shalt  }
0x42: {  	_ =	shalt  }
0x43: {  	_ =	shalt  }
0x44: {  	_ =	shalt  }
0x45: {  	_ =	shalt  }
0x46: {  	_ =	shalt  }
0x47: {  	_ =	shalt  }
0x48: {  	_ =	shalt  }
0x49: {  	_ =	shalt  }
0x4a: {  	_ =	shalt  }
0x4b: {  	_ =	shalt  }
0x4c: {  	_ =	shalt  }
0x4d: {  	_ =	shalt  }
0x4e: {  	_ =	shalt  }
0x4f: {  	_ =	shalt  }
0x50: {  	_ =	shalt  }
0x51: {  	_ =	shalt  }
0x52: {  	_ =	shalt  }
0x53: {  	_ =	shalt  }
0x54: {  	_ =	shalt  }
0x55: {  	_ =	shalt  }
0x56: {  	_ =	shalt  }
0x57: {  	_ =	shalt  }
0x58: {  	_ =	shalt  }
0x59: {  	_ =	shalt  }
0x5a: {  	_ =	shalt  }
0x5b: {  	_ =	shalt  }
0x5c: {  	_ =	shalt  }
0x5d: {  	_ =	shalt  }
0x5e: {  	_ =	shalt  }
0x5f: {  	_ =	shalt  }
0x60: {  	_ =	shalt  }
0x61: {  	_ =	shalt  }
0x62: {  	_ =	shalt  }
0x63: {  	_ =	shalt  }
0x64: {  	_ =	shalt  }
0x65: {  	_ =	shalt  }
0x66: {  	_ =	shalt  }
0x67: {  	_ =	shalt  }
0x68: {  	_ =	shalt  }
0x69: {  	_ =	shalt  }
0x6a: {  	_ =	shalt  }
0x6b: {  	_ =	shalt  }
0x6c: {  	_ =	shalt  }
0x6d: {  	_ =	shalt  }
0x6e: {  	_ =	shalt  }
0x6f: {  	_ =	shalt  }
0x70: {  	_ =	shalt  }
0x71: {  	_ =	shalt  }
0x72: {  	_ =	shalt  }
0x73: {  	_ =	shalt  }
0x74: {  	_ =	shalt  }
0x75: {  	_ =	shalt  }
0x76: {  	_ =	shalt  }
0x77: {  	_ =	shalt  }
0x78: {  	_ =	shalt  }
0x79: {  	_ =	shalt  }
0x7a: {  	_ =	shalt  }
0x7b: {  	_ =	shalt  }
0x7c: {  	_ =	shalt  }
0x7d: {  	_ =	shalt  }
0x7e: {  	_ =	shalt  }
0x7f: {  	_ =	shalt  }
0x80: {  	_ =	shalt  }
0x81: {  	_ =	shalt  }
0x82: {  	_ =	shalt  }
0x83: {  	_ =	shalt  }
0x84: {  	_ =	shalt  }
0x85: {  	_ =	shalt  }
0x86: {  	_ =	shalt  }
0x87: {  	_ =	shalt  }
.Lfunc_end0:
.L_simem_size_0:
called_computation.1_lowered:
.L_overlay_start_0:
0x88: {  	s2 =	sld [smem:$0x3FD9]  }
0x89: {  	s3 =	sld [smem:$0x3FFE];
	_ =	sdelay $0x1  }
0x8a: {  	s1 =	srdreg.scid  }
0x8b: {  	s0 =	sand.u32 $0x1, s1  }
0x8c: {  	s17 =	sshll.u32 s0, $0xA;
	s2 =	sadd.s32 s3, s2  }
0x8d: {  	s2 =	sadd.s32 s2, s17  }
0x8e: {  	[smem:$0x3FBD] =	sst s2  }
0x8f: {  	_ = 	snop  }
0x90: {  	s18 =	sld [smem:$0x3FC9];
	(tm) =	ssettm $0x1  }
0x91: {  	s19 =	sld [smem:$0x3FFB];
	_ =	sdelay $0x3  }
0x92: {  	_ =	strace s19  }
0x93: {  	s2 =	sld [smem:$0x3FFC];
	_ =	sdelay $0x3  }
0x94: {  	_ =	strace s2  }
0x95: {  	s2 =	sld [smem:$0x3FFD];
	_ =	sdelay $0x3  }
0x96: {  	_ =	strace s2  }
0x97: {  	_ =	strace $0x8FFFFFFF  }
0x98: {  	s20 =	sld [smem:$0x3FDB];
	_ =	sdelay $0x1  }
0x99: {  	s4 =	simm.s32 $_scs_section_size  }
0x9a: {  	s5 =	simm.s32 $_size__tile_overlayer_lowered;
	s6 =	simm.s32 $_tile_overlayer_lowered  }
0x9b: {  	s7 =	simm.s32 $0x1BFF;
	s21 =	sshll.u32 s6, $0x1;
	s4 =	sadd.s32 s4, s20  }
0x9c: {  	s22 =	simm.s32 $0x0;
	s5 =	sshll.u32 s5, $0x1;
	s6 =	sadd.s32 s21, s4  }
0x9d: {  	[timem:s22], [sflag:s7] =	dma.local [hbm:s6], s5  }
0x9e: {  	_ =	swait.ge [sflag:s7], s5  }
0x9f: {  	s5 =	ssub.s32 $0x0, s5;
	[sflag:s7] =	ssyncset.done $0x0  }
0xa0: {  	[sflag:s7] =	ssyncadd.s32 s5;
	_ =	sdelay $0x1  }
0xa1: {  	s23 =	simm.s32 $0x1B8B  }
0xa2: {  	_ =	swait.ge [sflag:s23], $0x1  }
0xa3: {  	[sflag:s23] =	ssyncset.done $0x0  }
0xa4: {  	[sflag:s23] =	ssyncadd.s32 $0xFFFFFFFF  }
0xa5: {  	s5 =	sld [smem:$0x0]  }
0xa6: {  	s6 =	sand.u32 $0xFFFFFFFE, s1  }
0xa7: {  	p0 =	sne.s32 s1, s6  }
0xa8: {  	s6 =	sshll.u32 @p0 s6, $0xE  }
0xa9: {  	s6 =	sadd.s32 @p0 $0x11B8D, s6;
	s7 =	sshll.u32 @p0 s5, $0x11  }
0xaa: {  	s6 =	sor.u32 @p0 s7, s6  }
0xab: {  	[sflag:s6] =	ssyncadd.remote.s32 @p0 $0x1;
	_ =	sdelay $0x1  }
0xac: {  	s6 =	simm.s32 @p0 $0x1B8D  }
0xad: {  	_ =	swait.eq @p0 [sflag:s6], $0x1  }
0xae: {  	[sflag:s6] =	ssyncadd.s32 @p0 $0xFFFFFFFF  }
0xaf: {  	s7 =	sshll.u32 @!p0 s1, $0xE  }
0xb0: {  	s7 =	sor.u32 @!p0 $0x4000, s7;
	s6 =	simm.s32 @!p0 $0x1B8D  }
0xb1: {  	s5 =	sshll.u32 @!p0 s5, $0x11;
	s7 =	sadd.s32 @!p0 $0x11B8D, s7;
	_ =	swait.eq @!p0 [sflag:s6], $0x1  }
0xb2: {  	s5 =	sor.u32 @!p0 s5, s7;
	[sflag:s6] =	ssyncadd.s32 @!p0 $0xFFFFFFFF  }
0xb3: {  	s25 =	simm.s32 $0x1B8E;
	s24 =	sld [smem:$0x3FFE];
	[sflag:s5] =	ssyncadd.remote.s32 @!p0 $0x1  }
0xb4: {  	s26 =	simm.s32 $execute0_lowered;
	[smem:$0x3FD2] =	sst s25  }
0xb5: {  	s6 =	sshll.u32 s26, $0x1;
	_ =	strace $0x80000049;
	[dreg:$0x1] =	wrdreg $0xFFFFFFFF  }
0xb6: {  	s28 =	simm.s32 $_size_execute0_lowered;
	s4 =	sadd.s32 s4, s6;
	[dreg:$0x0] =	wrdreg $0x0  }
0xb7: {  	s6 =	sshll.u32 s28, $0x1;
	[dreg:$0x2] =	wrdreg s4  }
0xb8: {  	[dreg:$0x3] =	wrdreg s6  }
0xb9: {  	[dreg:$0x4] =	wrdreg $0xC0  }
0xba: {  	_ =	task [dreg:s22], $0x5FFFF  }
0xbb: {  	[dreg:$0x1] =	wrdreg $0xFFFFFFFF  }
0xbc: {  	[dreg:$0x0] =	wrdreg $0x60  }
0xbd: {  	[dreg:$0x2] =	wrdreg s18  }
0xbe: {  	[dreg:$0x3] =	wrdreg s24  }
0xbf: {  	[dreg:$0x4] =	wrdreg $0x0  }
0xc0: {  	[dreg:$0x5] =	wrdreg $0xA  }
0xc1: {  	_ =	task.clear_ibuf [dreg:s22], $0x6FFFF;
	_ =	strace $0x90000049  }
0xc2: {  	s29 =	simm.s32 $0xA;
	_ =	strace $0x8000004B  }
0xc3: {  	_ =	swait.ge [sflag:s29], $0x1  }
0xc4: {  	[sflag:s29] =	ssyncadd.s32 $0xFFFFFFFF  }
0xc5: {  	_ =	strace $0x9000004B  }
0xc6: {  	_ =	sfence  }
0xc7: {  	s30 =	sld [smem:$0x0];
	_ =	sdelay $0x2  }
0xc8: {  	s31 =	sshll.u32 s1, $0xD;
	s1 =	sshrl.u32 s1, $0x2  }
0xc9: {  	s4 =	sand.u32 $0x4000, s31;
	s1 =	sadd.s32 s1, s30  }
0xca: {  	s0 =	sor.u32 s4, s0;
	s1 =	sshll.u32 s1, $0x11  }
0xcb: {  	s0 =	sor.u32 s1, s0  }
0xcc: {  	s0 =	sadd.s32 $0x8F2B, s0  }
0xcd: {  	[sflag:s0] =	ssyncadd.remote.s32 $0x1  }
0xce: {  	_ =	sfence.sel $0xFFFF  }
0xcf: {  	[dreg:$0x0] =	wrdreg $0xFFFFFFFF;
	(pc) =	sbr.abs _section_cstart, $3  }
0xd0: {  	[dreg:$0x1] =	wrdreg $0xFFFFFFFF  }
0xd1: {  	_ =	task.clear_ibuf [dreg:s22], $0x2FFFF;
	_ =	strace $0x9FFFFFFF  }
0xd2: {  	(tm) =	ssettm $0x7FFFFFFF  }
0xd3: {  	_ =	shalt  }
tec
execute0_lowered:
.L_overlay_start_1:
0x0: {  	(tag) =	ssettag $0x1  }
0x1: {  	s1 =	rddreg [dreg:$0x0]  }
0x2: {  	s0 =	rddreg [dreg:$0x1]  }
0x3: {  	s3 =	rddreg [dreg:$0x2];
	s4 =	simm.s32 $0x0;
	s12 =	stileid.u32  }
0x4: {  	s5 =	srdreg.scid;
	s28 =	simm.s32 $0x15000;
	s29 =	simm.s32 $0x40  }
0x5: {  	s30 =	simm.s32 $0x15100;
	s31 =	simm.s32 $0x15080;
	s2 =	smul.u32 $0x2780, s12  }
0x6: {  	[smem:$0x7FF] =	sst s4;
	s6 =	sadd.s32 $0x3200, s0;
	s7 =	smul.u32 $0x4F000, s12  }
0x7: {  	s5 =	sand.u32 $0x1, s5;
	s9 =	sadd.s32 $0xD200, s0;
	s10 =	smul.u32 $0x5000, s12  }
0x8: {  	s11 =	sadd.s32 $0x17200, s0;
	s25 =	smul.u32 $0xA00, s12;
	_ =	strace $0x8000004A  }
0x9: {  	s8 =	ssub.s32 $0x2, s5;
	[dreg:$0x4] =	wrdreg s11;
	p0 =	sne.s32 s5, $0x0  }
0xa: {  	s5 =	simm.s32 $0x2;
	s0 =	sadd.s32 s2, s0;
	s17 =	sshrl.u32 s8, $0x1  }
0xb: {  	s7 =	sshrl.u32 s7, $0x2;
	s10 =	sshrl.u32 s10, $0x3;
	s26 =	sadd.s32 s25, s9  }
0xc: {  	s25 =	simm.s32 $0x3;
	s2 =	ssub.s32 s8, s17;
	s7 =	sadd.s32 s7, s3  }
0xd: {  	s18 =	sadd.s32 s6, s10;
	s19 =	sadd.s32 $0x280, s10;
	s8 =	sadd.s32 s9, s10  }
0xe: {  	s21 =	sadd.s32 $0x500, s10;
	s23 =	sadd.s32 $0x780, s10;
	[dreg:$0x5] =	wrdreg s7  }
0xf: {  	s0 =	sadd.s32 $0x68A00, s0;
	[dreg:$0x6] =	wrdreg s18;
	s20 =	sadd.s32 s6, s19  }
0x10: {  	s7 =	sadd.s32 s9, s19;
	s22 =	sadd.s32 s6, s21;
	[dreg:$0xd] =	wrdreg s0  }
0x11: {  	s24 =	sadd.s32 s9, s21;
	s6 =	sadd.s32 s6, s23;
	[dreg:$0x7] =	wrdreg s20  }
0x12: {  	s16 =	smax.u32 s2, $0x1;
	s17 =	sadd.s32 $0x278, s8;
	[dreg:$0x8] =	wrdreg s7  }
0x13: {  	s18 =	sadd.s32 $0x4F8, s8;
	s19 =	sadd.s32 $0x778, s8;
	[dreg:$0x9] =	wrdreg s22  }
.Ltmp0:
0x14: {  	s21 =	sadd.s32 $0x8, s26;
	[dreg:$0xa] =	wrdreg s24;
	(pc) =	sbr.rel .LBB2_1-.Ltmp0, $4  }
0x15: {  	s0 =	simm.s32 $0x17100;
	s2 =	simm.s32 $0x1;
	[dreg:$0xb] =	wrdreg s6  }
0x16: {  	s7 =	sadd.s32 s9, s23;
	s20 =	sadd.s32 $0x9F8, s8;
	s22 =	sadd.s32 $0x288, s26  }
0x17: {  	s23 =	sadd.s32 $0x508, s26;
	s24 =	sadd.s32 $0x788, s26;
	s26 =	simm.s32 $0x13C00  }
0x18: {  	s6 =	simm.s32 $0x14FC0;
	[dreg:$0xc] =	wrdreg s7;
	s7 =	simm.s32 $0x0  }
.LBB2_13:
0x19: {  	[bflag:$0x0] =	sbarrier.arrive $0xFFFF  }
0x1a: {  	[bflag:$0x0] =	sbarrier.arrive $0xFFFF  }
.LBB2_11:
0x1b: {  	s7 =	sadd.s32 $0x1, s7  }
0x1c: {  	p1 =	sne.s32 s7, s16  }
.Ltmp1:
0x1d: {  	_ = 	snop;
	(pc) =	sbr.rel @!p1 .LBB2_12-.Ltmp1, $1  }
0x1e: {  	_ =	sdelay $0x3  }
.LBB2_1:
.Ltmp2:
0x1f: {  	(pc) =	sbr.rel @p0 .LBB2_13-.Ltmp2, $1  }
0x20: {  	_ =	sdelay $0x3  }
0x21: {  	s9 =	stileid.u32  }
0x22: {  	s10 =	rddreg [dreg:$0x5];
	s9 =	sshll.u32 s9, $0x6  }
0x23: {  	s11 =	rddreg [dreg:$0x4];
	s10 =	sshrl.u32 s10, $0x3;
	s9 =	sor.u32 $0x1C03, s9  }
0x24: {  	[spmem:s10], [sflag:s9] =	dma.local [hbm:s11], $0x2780  }
0x25: {  	_ =	swait.ge [sflag:s25], $0x2780  }
0x26: {  	[sflag:s25] =	ssyncset.done $0x0  }
0x27: {  	[sflag:s25] =	ssyncadd.s32 $0xFFFFD880  }
0x28: {  	[bflag:$0x0] =	sbarrier.arrive $0xFFFF  }
0x29: {  	s12 =	rddreg [dreg:$0x6]  }
0x2a: {  	[tilespmem:s26], [sflag:$0x3] =	stream.linear.gather [hbm4b:s12+s4], $0x1400, $0x38;
	[tilespmem:$0x19100] =	vst v63  }
0x2b: {  	_ =	swait.ge [sflag:s25], $0x1400  }
0x2c: {  	[sflag:s25] =	ssyncset.done $0x0  }
0x2d: {  	[sflag:s25] =	ssyncadd.s32 $0xFFFFEC00  }
0x2e: {  	[tilespmem:s28], [sflag:$0x2] =	stream.linear.gather [hbm4b:s8+s4], $0x40, $0x38;
	[tilespmem:$0x19100] =	vst v63  }
0x2f: {  	_ = 	snop  }
0x30: {  	[tilespmem:s30], [sflag:$0x1] =	stream.indirect.gather [hbm4b:s1+s29], $0x80, s26, s29, $0xb8;
	[tilespmem:$0x19100] =	vst v63  }
0x31: {  	_ = 	snop  }
0x32: {  	[tilespmem:s31], [sflag:$0x2] =	stream.linear.gather [hbm4b:s21+s4], $0x40, $0x38;
	[tilespmem:$0x19100] =	vst v63  }
0x33: {  	s13 =	simm.s32 $0x13C40  }
0x34: {  	[tilespmem:s0], [sflag:$0x1] =	stream.indirect.gather [hbm4b:s1+s29], $0x80, s13, s29, $0xb8;
	[tilespmem:$0x19100] =	vst v63  }
0x35: {  	_ =	swait.ge [sflag:s2], $0x2000  }
0x36: {  	[sflag:s2] =	ssyncset.done $0x0  }
0x37: {  	[sflag:s2] =	ssyncadd.s32 $0xFFFFE000  }
0x38: {  	_ =	swait.ge [sflag:s5], $0x40  }
0x39: {  	[sflag:s5] =	ssyncset.done $0x0  }
0x3a: {  	[sflag:s5] =	ssyncadd.s32 $0xFFFFFFC0  }
0x3b: {  	[spmem:s3] =	stream.indirect.scatter.add.f32 [tilespmem:s30], [sflag:$0x3], $0x80, s28, s29, $0xb8;
	[tilespmem:$0x19100] =	vst v63  }
0x3c: {  	_ =	swait.ge [sflag:s25], $0x2000  }
0x3d: {  	[sflag:s25] =	ssyncset.done $0x0  }
0x3e: {  	s14 =	sadd.s32 $0x8, s21;
	[sflag:s25] =	ssyncadd.s32 $0xFFFFE000  }
0x3f: {  	[tilespmem:s28], [sflag:$0x2] =	stream.linear.gather [hbm4b:s14+s4], $0x40, $0x38;
	[tilespmem:$0x19100] =	vst v63  }
0x40: {  	s15 =	simm.s32 $0x13C80  }
0x41: {  	[tilespmem:s30], [sflag:$0x1] =	stream.indirect.gather [hbm4b:s1+s29], $0x80, s15, s29, $0xb8;
	[tilespmem:$0x19100] =	vst v63  }
0x42: {  	_ =	swait.ge [sflag:s2], $0x2000  }
0x43: {  	[sflag:s2] =	ssyncset.done $0x0  }
0x44: {  	[sflag:s2] =	ssyncadd.s32 $0xFFFFE000  }
0x45: {  	_ =	swait.ge [sflag:s5], $0x40  }
0x46: {  	[sflag:s5] =	ssyncset.done $0x0  }
0x47: {  	[sflag:s5] =	ssyncadd.s32 $0xFFFFFFC0  }
0x48: {  	[spmem:s3] =	stream.indirect.scatter.add.f32 [tilespmem:s0], [sflag:$0x3], $0x80, s31, s29, $0xb8;
	[tilespmem:$0x19100] =	vst v63  }
0x49: {  	_ =	swait.ge [sflag:s25], $0x2000  }
0x4a: {  	s11 =	sadd.s32 $0x10, s21;
	s12 =	simm.s32 $0xFFFFB400;
	[sflag:s25] =	ssyncset.done $0x0  }
.LBB2_3:
0x4b: {  	s14 =	smov.u32 s12  }
0x4c: {  	s13 =	sshra.s32 s12, $0x2;
	[sflag:s25] =	ssyncadd.s32 $0xFFFFE000;
	s14 =	sadd.s32 $0x200, s12  }
0x4d: {  	[tilespmem:s31], [sflag:$0x2] =	stream.linear.gather [hbm4b:s11+s4], $0x40, $0x38;
	[tilespmem:$0x19100] =	vst v63  }
0x4e: {  	p1 =	sne.s32 s12, $0xFFFFFE00;
	s15 =	sadd.s32 $0x14FC0, s13  }
0x4f: {  	[tilespmem:s0], [sflag:$0x1] =	stream.indirect.gather [hbm4b:s1+s29], $0x80, s15, s29, $0xb8;
	[tilespmem:$0x19100] =	vst v63  }
0x50: {  	_ =	swait.ge [sflag:s2], $0x2000  }
0x51: {  	[sflag:s2] =	ssyncset.done $0x0  }
0x52: {  	[sflag:s2] =	ssyncadd.s32 $0xFFFFE000  }
0x53: {  	_ =	swait.ge [sflag:s5], $0x40  }
0x54: {  	[sflag:s5] =	ssyncset.done $0x0  }
0x55: {  	[sflag:s5] =	ssyncadd.s32 $0xFFFFFFC0  }
0x56: {  	[spmem:s3] =	stream.indirect.scatter.add.f32 [tilespmem:s30], [sflag:$0x3], $0x80, s28, s29, $0xb8;
	[tilespmem:$0x19100] =	vst v63  }
0x57: {  	_ =	swait.ge [sflag:s25], $0x2000  }
0x58: {  	[sflag:s25] =	ssyncset.done $0x0  }
0x59: {  	s12 =	sadd.s32 $0x8, s11;
	[sflag:s25] =	ssyncadd.s32 $0xFFFFE000  }
0x5a: {  	[tilespmem:s28], [sflag:$0x2] =	stream.linear.gather [hbm4b:s12+s4], $0x40, $0x38;
	[tilespmem:$0x19100] =	vst v63  }
0x5b: {  	s12 =	sadd.s32 $0x15000, s13  }
0x5c: {  	[tilespmem:s30], [sflag:$0x1] =	stream.indirect.gather [hbm4b:s1+s29], $0x80, s12, s29, $0xb8;
	[tilespmem:$0x19100] =	vst v63  }
0x5d: {  	_ =	swait.ge [sflag:s2], $0x2000  }
0x5e: {  	[sflag:s2] =	ssyncset.done $0x0  }
0x5f: {  	[sflag:s2] =	ssyncadd.s32 $0xFFFFE000  }
0x60: {  	_ =	swait.ge [sflag:s5], $0x40  }
.Ltmp3:
0x61: {  	[sflag:s5] =	ssyncset.done $0x0;
	(pc) =	sbr.rel @p1 .LBB2_3-.Ltmp3, $4  }
0x62: {  	[sflag:s5] =	ssyncadd.s32 $0xFFFFFFC0  }
0x63: {  	[spmem:s3] =	stream.indirect.scatter.add.f32 [tilespmem:s0], [sflag:$0x3], $0x80, s31, s29, $0xb8;
	[tilespmem:$0x19100] =	vst v63  }
0x64: {  	_ =	swait.ge [sflag:s25], $0x2000  }
0x65: {  	s11 =	sadd.s32 $0x10, s11;
	s12 =	smov.u32 s14;
	[sflag:s25] =	ssyncset.done $0x0  }
0x66: {  	[sflag:s25] =	ssyncadd.s32 $0xFFFFE000  }
0x67: {  	[tilespmem:s31], [sflag:$0x2] =	stream.linear.gather [hbm4b:s17+s4], $0x40, $0x38;
	[tilespmem:$0x19100] =	vst v63  }
0x68: {  	_ = 	snop  }
0x69: {  	[tilespmem:s0], [sflag:$0x1] =	stream.indirect.gather [hbm4b:s1+s29], $0x80, s6, s29, $0xb8;
	[tilespmem:$0x19100] =	vst v63  }
0x6a: {  	_ =	swait.ge [sflag:s2], $0x2000  }
0x6b: {  	[sflag:s2] =	ssyncset.done $0x0  }
0x6c: {  	[sflag:s2] =	ssyncadd.s32 $0xFFFFE000  }
0x6d: {  	_ =	swait.ge [sflag:s5], $0x40  }
0x6e: {  	[sflag:s5] =	ssyncset.done $0x0  }
0x6f: {  	[sflag:s5] =	ssyncadd.s32 $0xFFFFFFC0  }
0x70: {  	[spmem:s3] =	stream.indirect.scatter.add.f32 [tilespmem:s30], [sflag:$0x3], $0x80, s28, s29, $0xb8;
	[tilespmem:$0x19100] =	vst v63  }
0x71: {  	_ =	swait.ge [sflag:s25], $0x2000  }
0x72: {  	[sflag:s25] =	ssyncset.done $0x0  }
0x73: {  	[sflag:s25] =	ssyncadd.s32 $0xFFFFE000  }
0x74: {  	_ =	swait.ge [sflag:s2], $0x2000  }
0x75: {  	[sflag:s2] =	ssyncset.done $0x0  }
0x76: {  	[sflag:s2] =	ssyncadd.s32 $0xFFFFE000  }
0x77: {  	_ =	swait.ge [sflag:s5], $0x40  }
0x78: {  	[sflag:s5] =	ssyncset.done $0x0  }
0x79: {  	[sflag:s5] =	ssyncadd.s32 $0xFFFFFFC0  }
0x7a: {  	[spmem:s3] =	stream.indirect.scatter.add.f32 [tilespmem:s0], [sflag:$0x3], $0x80, s31, s29, $0xb8;
	[tilespmem:$0x19100] =	vst v63  }
0x7b: {  	_ =	swait.ge [sflag:s25], $0x2000  }
0x7c: {  	[sflag:s25] =	ssyncset.done $0x0  }
0x7d: {  	s11 =	rddreg [dreg:$0x7];
	[sflag:s25] =	ssyncadd.s32 $0xFFFFE000  }
0x7e: {  	[tilespmem:s26], [sflag:$0x3] =	stream.linear.gather [hbm4b:s11+s4], $0x1400, $0x38;
	[tilespmem:$0x19100] =	vst v63  }
0x7f: {  	_ =	swait.ge [sflag:s25], $0x1400  }
0x80: {  	[sflag:s25] =	ssyncset.done $0x0  }
0x81: {  	s12 =	rddreg [dreg:$0x8];
	[sflag:s25] =	ssyncadd.s32 $0xFFFFEC00  }
0x82: {  	[tilespmem:s28], [sflag:$0x2] =	stream.linear.gather [hbm4b:s12+s4], $0x40, $0x38;
	[tilespmem:$0x19100] =	vst v63  }
0x83: {  	_ = 	snop  }
0x84: {  	[tilespmem:s30], [sflag:$0x1] =	stream.indirect.gather [hbm4b:s1+s29], $0x80, s26, s29, $0xb8;
	[tilespmem:$0x19100] =	vst v63  }
0x85: {  	_ = 	snop  }
0x86: {  	[tilespmem:s31], [sflag:$0x2] =	stream.linear.gather [hbm4b:s22+s4], $0x40, $0x38;
	[tilespmem:$0x19100] =	vst v63  }
0x87: {  	s13 =	simm.s32 $0x13C40  }
0x88: {  	[tilespmem:s0], [sflag:$0x1] =	stream.indirect.gather [hbm4b:s1+s29], $0x80, s13, s29, $0xb8;
	[tilespmem:$0x19100] =	vst v63  }
0x89: {  	_ =	swait.ge [sflag:s2], $0x2000  }
0x8a: {  	[sflag:s2] =	ssyncset.done $0x0  }
0x8b: {  	[sflag:s2] =	ssyncadd.s32 $0xFFFFE000  }
0x8c: {  	_ =	swait.ge [sflag:s5], $0x40  }
0x8d: {  	[sflag:s5] =	ssyncset.done $0x0  }
0x8e: {  	[sflag:s5] =	ssyncadd.s32 $0xFFFFFFC0  }
0x8f: {  	[spmem:s3] =	stream.indirect.scatter.add.f32 [tilespmem:s30], [sflag:$0x3], $0x80, s28, s29, $0xb8;
	[tilespmem:$0x19100] =	vst v63  }
0x90: {  	_ =	swait.ge [sflag:s25], $0x2000  }
0x91: {  	[sflag:s25] =	ssyncset.done $0x0  }
0x92: {  	s14 =	sadd.s32 $0x8, s22;
	[sflag:s25] =	ssyncadd.s32 $0xFFFFE000  }
0x93: {  	[tilespmem:s28], [sflag:$0x2] =	stream.linear.gather [hbm4b:s14+s4], $0x40, $0x38;
	[tilespmem:$0x19100] =	vst v63  }
0x94: {  	s15 =	simm.s32 $0x13C80  }
0x95: {  	[tilespmem:s30], [sflag:$0x1] =	stream.indirect.gather [hbm4b:s1+s29], $0x80, s15, s29, $0xb8;
	[tilespmem:$0x19100] =	vst v63  }
0x96: {  	_ =	swait.ge [sflag:s2], $0x2000  }
0x97: {  	[sflag:s2] =	ssyncset.done $0x0  }
0x98: {  	[sflag:s2] =	ssyncadd.s32 $0xFFFFE000  }
0x99: {  	_ =	swait.ge [sflag:s5], $0x40  }
0x9a: {  	[sflag:s5] =	ssyncset.done $0x0  }
0x9b: {  	[sflag:s5] =	ssyncadd.s32 $0xFFFFFFC0  }
0x9c: {  	[spmem:s3] =	stream.indirect.scatter.add.f32 [tilespmem:s0], [sflag:$0x3], $0x80, s31, s29, $0xb8;
	[tilespmem:$0x19100] =	vst v63  }
0x9d: {  	_ =	swait.ge [sflag:s25], $0x2000  }
0x9e: {  	s11 =	sadd.s32 $0x10, s22;
	s12 =	simm.s32 $0xFFFFB400;
	[sflag:s25] =	ssyncset.done $0x0  }
.LBB2_5:
0x9f: {  	s14 =	smov.u32 s12  }
0xa0: {  	s13 =	sshra.s32 s12, $0x2;
	[sflag:s25] =	ssyncadd.s32 $0xFFFFE000;
	s14 =	sadd.s32 $0x200, s12  }
0xa1: {  	[tilespmem:s31], [sflag:$0x2] =	stream.linear.gather [hbm4b:s11+s4], $0x40, $0x38;
	[tilespmem:$0x19100] =	vst v63  }
0xa2: {  	p1 =	sne.s32 s12, $0xFFFFFE00;
	s15 =	sadd.s32 $0x14FC0, s13  }
0xa3: {  	[tilespmem:s0], [sflag:$0x1] =	stream.indirect.gather [hbm4b:s1+s29], $0x80, s15, s29, $0xb8;
	[tilespmem:$0x19100] =	vst v63  }
0xa4: {  	_ =	swait.ge [sflag:s2], $0x2000  }
0xa5: {  	[sflag:s2] =	ssyncset.done $0x0  }
0xa6: {  	[sflag:s2] =	ssyncadd.s32 $0xFFFFE000  }
0xa7: {  	_ =	swait.ge [sflag:s5], $0x40  }
0xa8: {  	[sflag:s5] =	ssyncset.done $0x0  }
0xa9: {  	[sflag:s5] =	ssyncadd.s32 $0xFFFFFFC0  }
0xaa: {  	[spmem:s3] =	stream.indirect.scatter.add.f32 [tilespmem:s30], [sflag:$0x3], $0x80, s28, s29, $0xb8;
	[tilespmem:$0x19100] =	vst v63  }
0xab: {  	_ =	swait.ge [sflag:s25], $0x2000  }
0xac: {  	[sflag:s25] =	ssyncset.done $0x0  }
0xad: {  	s12 =	sadd.s32 $0x8, s11;
	[sflag:s25] =	ssyncadd.s32 $0xFFFFE000  }
0xae: {  	[tilespmem:s28], [sflag:$0x2] =	stream.linear.gather [hbm4b:s12+s4], $0x40, $0x38;
	[tilespmem:$0x19100] =	vst v63  }
0xaf: {  	s12 =	sadd.s32 $0x15000, s13  }
0xb0: {  	[tilespmem:s30], [sflag:$0x1] =	stream.indirect.gather [hbm4b:s1+s29], $0x80, s12, s29, $0xb8;
	[tilespmem:$0x19100] =	vst v63  }
0xb1: {  	_ =	swait.ge [sflag:s2], $0x2000  }
0xb2: {  	[sflag:s2] =	ssyncset.done $0x0  }
0xb3: {  	[sflag:s2] =	ssyncadd.s32 $0xFFFFE000  }
0xb4: {  	_ =	swait.ge [sflag:s5], $0x40  }
.Ltmp4:
0xb5: {  	[sflag:s5] =	ssyncset.done $0x0;
	(pc) =	sbr.rel @p1 .LBB2_5-.Ltmp4, $4  }
0xb6: {  	[sflag:s5] =	ssyncadd.s32 $0xFFFFFFC0  }
0xb7: {  	[spmem:s3] =	stream.indirect.scatter.add.f32 [tilespmem:s0], [sflag:$0x3], $0x80, s31, s29, $0xb8;
	[tilespmem:$0x19100] =	vst v63  }
0xb8: {  	_ =	swait.ge [sflag:s25], $0x2000  }
0xb9: {  	s11 =	sadd.s32 $0x10, s11;
	s12 =	smov.u32 s14;
	[sflag:s25] =	ssyncset.done $0x0  }
0xba: {  	[sflag:s25] =	ssyncadd.s32 $0xFFFFE000  }
0xbb: {  	[tilespmem:s31], [sflag:$0x2] =	stream.linear.gather [hbm4b:s18+s4], $0x40, $0x38;
	[tilespmem:$0x19100] =	vst v63  }
0xbc: {  	_ = 	snop  }
0xbd: {  	[tilespmem:s0], [sflag:$0x1] =	stream.indirect.gather [hbm4b:s1+s29], $0x80, s6, s29, $0xb8;
	[tilespmem:$0x19100] =	vst v63  }
0xbe: {  	_ =	swait.ge [sflag:s2], $0x2000  }
0xbf: {  	[sflag:s2] =	ssyncset.done $0x0  }
0xc0: {  	[sflag:s2] =	ssyncadd.s32 $0xFFFFE000  }
0xc1: {  	_ =	swait.ge [sflag:s5], $0x40  }
0xc2: {  	[sflag:s5] =	ssyncset.done $0x0  }
0xc3: {  	[sflag:s5] =	ssyncadd.s32 $0xFFFFFFC0  }
0xc4: {  	[spmem:s3] =	stream.indirect.scatter.add.f32 [tilespmem:s30], [sflag:$0x3], $0x80, s28, s29, $0xb8;
	[tilespmem:$0x19100] =	vst v63  }
0xc5: {  	_ =	swait.ge [sflag:s25], $0x2000  }
0xc6: {  	[sflag:s25] =	ssyncset.done $0x0  }
0xc7: {  	[sflag:s25] =	ssyncadd.s32 $0xFFFFE000  }
0xc8: {  	_ =	swait.ge [sflag:s2], $0x2000  }
0xc9: {  	[sflag:s2] =	ssyncset.done $0x0  }
0xca: {  	[sflag:s2] =	ssyncadd.s32 $0xFFFFE000  }
0xcb: {  	_ =	swait.ge [sflag:s5], $0x40  }
0xcc: {  	[sflag:s5] =	ssyncset.done $0x0  }
0xcd: {  	[sflag:s5] =	ssyncadd.s32 $0xFFFFFFC0  }
0xce: {  	[spmem:s3] =	stream.indirect.scatter.add.f32 [tilespmem:s0], [sflag:$0x3], $0x80, s31, s29, $0xb8;
	[tilespmem:$0x19100] =	vst v63  }
0xcf: {  	_ =	swait.ge [sflag:s25], $0x2000  }
0xd0: {  	[sflag:s25] =	ssyncset.done $0x0  }
0xd1: {  	s11 =	rddreg [dreg:$0x9];
	[sflag:s25] =	ssyncadd.s32 $0xFFFFE000  }
0xd2: {  	[tilespmem:s26], [sflag:$0x3] =	stream.linear.gather [hbm4b:s11+s4], $0x1400, $0x38;
	[tilespmem:$0x19100] =	vst v63  }
0xd3: {  	_ =	swait.ge [sflag:s25], $0x1400  }
0xd4: {  	[sflag:s25] =	ssyncset.done $0x0  }
0xd5: {  	s12 =	rddreg [dreg:$0xa];
	[sflag:s25] =	ssyncadd.s32 $0xFFFFEC00  }
0xd6: {  	[tilespmem:s28], [sflag:$0x2] =	stream.linear.gather [hbm4b:s12+s4], $0x40, $0x38;
	[tilespmem:$0x19100] =	vst v63  }
0xd7: {  	_ = 	snop  }
0xd8: {  	[tilespmem:s30], [sflag:$0x1] =	stream.indirect.gather [hbm4b:s1+s29], $0x80, s26, s29, $0xb8;
	[tilespmem:$0x19100] =	vst v63  }
0xd9: {  	_ = 	snop  }
0xda: {  	[tilespmem:s31], [sflag:$0x2] =	stream.linear.gather [hbm4b:s23+s4], $0x40, $0x38;
	[tilespmem:$0x19100] =	vst v63  }
0xdb: {  	s13 =	simm.s32 $0x13C40  }
0xdc: {  	[tilespmem:s0], [sflag:$0x1] =	stream.indirect.gather [hbm4b:s1+s29], $0x80, s13, s29, $0xb8;
	[tilespmem:$0x19100] =	vst v63  }
0xdd: {  	_ =	swait.ge [sflag:s2], $0x2000  }
0xde: {  	[sflag:s2] =	ssyncset.done $0x0  }
0xdf: {  	[sflag:s2] =	ssyncadd.s32 $0xFFFFE000  }
0xe0: {  	_ =	swait.ge [sflag:s5], $0x40  }
0xe1: {  	[sflag:s5] =	ssyncset.done $0x0  }
0xe2: {  	[sflag:s5] =	ssyncadd.s32 $0xFFFFFFC0  }
0xe3: {  	[spmem:s3] =	stream.indirect.scatter.add.f32 [tilespmem:s30], [sflag:$0x3], $0x80, s28, s29, $0xb8;
	[tilespmem:$0x19100] =	vst v63  }
0xe4: {  	_ =	swait.ge [sflag:s25], $0x2000  }
0xe5: {  	[sflag:s25] =	ssyncset.done $0x0  }
0xe6: {  	s14 =	sadd.s32 $0x8, s23;
	[sflag:s25] =	ssyncadd.s32 $0xFFFFE000  }
0xe7: {  	[tilespmem:s28], [sflag:$0x2] =	stream.linear.gather [hbm4b:s14+s4], $0x40, $0x38;
	[tilespmem:$0x19100] =	vst v63  }
0xe8: {  	s15 =	simm.s32 $0x13C80  }
0xe9: {  	[tilespmem:s30], [sflag:$0x1] =	stream.indirect.gather [hbm4b:s1+s29], $0x80, s15, s29, $0xb8;
	[tilespmem:$0x19100] =	vst v63  }
0xea: {  	_ =	swait.ge [sflag:s2], $0x2000  }
0xeb: {  	[sflag:s2] =	ssyncset.done $0x0  }
0xec: {  	[sflag:s2] =	ssyncadd.s32 $0xFFFFE000  }
0xed: {  	_ =	swait.ge [sflag:s5], $0x40  }
0xee: {  	[sflag:s5] =	ssyncset.done $0x0  }
0xef: {  	[sflag:s5] =	ssyncadd.s32 $0xFFFFFFC0  }
0xf0: {  	[spmem:s3] =	stream.indirect.scatter.add.f32 [tilespmem:s0], [sflag:$0x3], $0x80, s31, s29, $0xb8;
	[tilespmem:$0x19100] =	vst v63  }
0xf1: {  	_ =	swait.ge [sflag:s25], $0x2000  }
0xf2: {  	s11 =	sadd.s32 $0x10, s23;
	s12 =	simm.s32 $0xFFFFB400;
	[sflag:s25] =	ssyncset.done $0x0  }
.LBB2_7:
0xf3: {  	s14 =	smov.u32 s12  }
0xf4: {  	s13 =	sshra.s32 s12, $0x2;
	[sflag:s25] =	ssyncadd.s32 $0xFFFFE000;
	s14 =	sadd.s32 $0x200, s12  }
0xf5: {  	[tilespmem:s31], [sflag:$0x2] =	stream.linear.gather [hbm4b:s11+s4], $0x40, $0x38;
	[tilespmem:$0x19100] =	vst v63  }
0xf6: {  	p1 =	sne.s32 s12, $0xFFFFFE00;
	s15 =	sadd.s32 $0x14FC0, s13  }
0xf7: {  	[tilespmem:s0], [sflag:$0x1] =	stream.indirect.gather [hbm4b:s1+s29], $0x80, s15, s29, $0xb8;
	[tilespmem:$0x19100] =	vst v63  }
0xf8: {  	_ =	swait.ge [sflag:s2], $0x2000  }
0xf9: {  	[sflag:s2] =	ssyncset.done $0x0  }
0xfa: {  	[sflag:s2] =	ssyncadd.s32 $0xFFFFE000  }
0xfb: {  	_ =	swait.ge [sflag:s5], $0x40  }
0xfc: {  	[sflag:s5] =	ssyncset.done $0x0  }
0xfd: {  	[sflag:s5] =	ssyncadd.s32 $0xFFFFFFC0  }
0xfe: {  	[spmem:s3] =	stream.indirect.scatter.add.f32 [tilespmem:s30], [sflag:$0x3], $0x80, s28, s29, $0xb8;
	[tilespmem:$0x19100] =	vst v63  }
0xff: {  	_ =	swait.ge [sflag:s25], $0x2000  }
0x100: {  	[sflag:s25] =	ssyncset.done $0x0  }
0x101: {  	s12 =	sadd.s32 $0x8, s11;
	[sflag:s25] =	ssyncadd.s32 $0xFFFFE000  }
0x102: {  	[tilespmem:s28], [sflag:$0x2] =	stream.linear.gather [hbm4b:s12+s4], $0x40, $0x38;
	[tilespmem:$0x19100] =	vst v63  }
0x103: {  	s12 =	sadd.s32 $0x15000, s13  }
0x104: {  	[tilespmem:s30], [sflag:$0x1] =	stream.indirect.gather [hbm4b:s1+s29], $0x80, s12, s29, $0xb8;
	[tilespmem:$0x19100] =	vst v63  }
0x105: {  	_ =	swait.ge [sflag:s2], $0x2000  }
0x106: {  	[sflag:s2] =	ssyncset.done $0x0  }
0x107: {  	[sflag:s2] =	ssyncadd.s32 $0xFFFFE000  }
0x108: {  	_ =	swait.ge [sflag:s5], $0x40  }
.Ltmp5:
0x109: {  	[sflag:s5] =	ssyncset.done $0x0;
	(pc) =	sbr.rel @p1 .LBB2_7-.Ltmp5, $4  }
0x10a: {  	[sflag:s5] =	ssyncadd.s32 $0xFFFFFFC0  }
0x10b: {  	[spmem:s3] =	stream.indirect.scatter.add.f32 [tilespmem:s0], [sflag:$0x3], $0x80, s31, s29, $0xb8;
	[tilespmem:$0x19100] =	vst v63  }
0x10c: {  	_ =	swait.ge [sflag:s25], $0x2000  }
0x10d: {  	s11 =	sadd.s32 $0x10, s11;
	s12 =	smov.u32 s14;
	[sflag:s25] =	ssyncset.done $0x0  }
0x10e: {  	[sflag:s25] =	ssyncadd.s32 $0xFFFFE000  }
0x10f: {  	[tilespmem:s31], [sflag:$0x2] =	stream.linear.gather [hbm4b:s19+s4], $0x40, $0x38;
	[tilespmem:$0x19100] =	vst v63  }
0x110: {  	_ = 	snop  }
0x111: {  	[tilespmem:s0], [sflag:$0x1] =	stream.indirect.gather [hbm4b:s1+s29], $0x80, s6, s29, $0xb8;
	[tilespmem:$0x19100] =	vst v63  }
0x112: {  	_ =	swait.ge [sflag:s2], $0x2000  }
0x113: {  	[sflag:s2] =	ssyncset.done $0x0  }
0x114: {  	[sflag:s2] =	ssyncadd.s32 $0xFFFFE000  }
0x115: {  	_ =	swait.ge [sflag:s5], $0x40  }
0x116: {  	[sflag:s5] =	ssyncset.done $0x0  }
0x117: {  	[sflag:s5] =	ssyncadd.s32 $0xFFFFFFC0  }
0x118: {  	[spmem:s3] =	stream.indirect.scatter.add.f32 [tilespmem:s30], [sflag:$0x3], $0x80, s28, s29, $0xb8;
	[tilespmem:$0x19100] =	vst v63  }
0x119: {  	_ =	swait.ge [sflag:s25], $0x2000  }
0x11a: {  	[sflag:s25] =	ssyncset.done $0x0  }
0x11b: {  	[sflag:s25] =	ssyncadd.s32 $0xFFFFE000  }
0x11c: {  	_ =	swait.ge [sflag:s2], $0x2000  }
0x11d: {  	[sflag:s2] =	ssyncset.done $0x0  }
0x11e: {  	[sflag:s2] =	ssyncadd.s32 $0xFFFFE000  }
0x11f: {  	_ =	swait.ge [sflag:s5], $0x40  }
0x120: {  	[sflag:s5] =	ssyncset.done $0x0  }
0x121: {  	[sflag:s5] =	ssyncadd.s32 $0xFFFFFFC0  }
0x122: {  	[spmem:s3] =	stream.indirect.scatter.add.f32 [tilespmem:s0], [sflag:$0x3], $0x80, s31, s29, $0xb8;
	[tilespmem:$0x19100] =	vst v63  }
0x123: {  	_ =	swait.ge [sflag:s25], $0x2000  }
0x124: {  	[sflag:s25] =	ssyncset.done $0x0  }
0x125: {  	s11 =	rddreg [dreg:$0xb];
	[sflag:s25] =	ssyncadd.s32 $0xFFFFE000  }
0x126: {  	[tilespmem:s26], [sflag:$0x3] =	stream.linear.gather [hbm4b:s11+s4], $0x1400, $0x38;
	[tilespmem:$0x19100] =	vst v63  }
0x127: {  	_ =	swait.ge [sflag:s25], $0x1400  }
0x128: {  	[sflag:s25] =	ssyncset.done $0x0  }
0x129: {  	s12 =	rddreg [dreg:$0xc];
	[sflag:s25] =	ssyncadd.s32 $0xFFFFEC00  }
0x12a: {  	[tilespmem:s28], [sflag:$0x2] =	stream.linear.gather [hbm4b:s12+s4], $0x40, $0x38;
	[tilespmem:$0x19100] =	vst v63  }
0x12b: {  	_ = 	snop  }
0x12c: {  	[tilespmem:s30], [sflag:$0x1] =	stream.indirect.gather [hbm4b:s1+s29], $0x80, s26, s29, $0xb8;
	[tilespmem:$0x19100] =	vst v63  }
0x12d: {  	_ = 	snop  }
0x12e: {  	[tilespmem:s31], [sflag:$0x2] =	stream.linear.gather [hbm4b:s24+s4], $0x40, $0x38;
	[tilespmem:$0x19100] =	vst v63  }
0x12f: {  	s13 =	simm.s32 $0x13C40  }
0x130: {  	[tilespmem:s0], [sflag:$0x1] =	stream.indirect.gather [hbm4b:s1+s29], $0x80, s13, s29, $0xb8;
	[tilespmem:$0x19100] =	vst v63  }
0x131: {  	_ =	swait.ge [sflag:s2], $0x2000  }
0x132: {  	[sflag:s2] =	ssyncset.done $0x0  }
0x133: {  	[sflag:s2] =	ssyncadd.s32 $0xFFFFE000  }
0x134: {  	_ =	swait.ge [sflag:s5], $0x40  }
0x135: {  	[sflag:s5] =	ssyncset.done $0x0  }
0x136: {  	[sflag:s5] =	ssyncadd.s32 $0xFFFFFFC0  }
0x137: {  	[spmem:s3] =	stream.indirect.scatter.add.f32 [tilespmem:s30], [sflag:$0x3], $0x80, s28, s29, $0xb8;
	[tilespmem:$0x19100] =	vst v63  }
0x138: {  	_ =	swait.ge [sflag:s25], $0x2000  }
0x139: {  	[sflag:s25] =	ssyncset.done $0x0  }
0x13a: {  	s14 =	sadd.s32 $0x8, s24;
	[sflag:s25] =	ssyncadd.s32 $0xFFFFE000  }
0x13b: {  	[tilespmem:s28], [sflag:$0x2] =	stream.linear.gather [hbm4b:s14+s4], $0x40, $0x38;
	[tilespmem:$0x19100] =	vst v63  }
0x13c: {  	s15 =	simm.s32 $0x13C80  }
0x13d: {  	[tilespmem:s30], [sflag:$0x1] =	stream.indirect.gather [hbm4b:s1+s29], $0x80, s15, s29, $0xb8;
	[tilespmem:$0x19100] =	vst v63  }
0x13e: {  	_ =	swait.ge [sflag:s2], $0x2000  }
0x13f: {  	[sflag:s2] =	ssyncset.done $0x0  }
0x140: {  	[sflag:s2] =	ssyncadd.s32 $0xFFFFE000  }
0x141: {  	_ =	swait.ge [sflag:s5], $0x40  }
0x142: {  	[sflag:s5] =	ssyncset.done $0x0  }
0x143: {  	[sflag:s5] =	ssyncadd.s32 $0xFFFFFFC0  }
0x144: {  	[spmem:s3] =	stream.indirect.scatter.add.f32 [tilespmem:s0], [sflag:$0x3], $0x80, s31, s29, $0xb8;
	[tilespmem:$0x19100] =	vst v63  }
0x145: {  	_ =	swait.ge [sflag:s25], $0x2000  }
0x146: {  	s11 =	sadd.s32 $0x10, s24;
	s12 =	simm.s32 $0xFFFFB400;
	[sflag:s25] =	ssyncset.done $0x0  }
.LBB2_9:
0x147: {  	s14 =	smov.u32 s12  }
0x148: {  	s13 =	sshra.s32 s12, $0x2;
	[sflag:s25] =	ssyncadd.s32 $0xFFFFE000;
	s14 =	sadd.s32 $0x200, s12  }
0x149: {  	[tilespmem:s31], [sflag:$0x2] =	stream.linear.gather [hbm4b:s11+s4], $0x40, $0x38;
	[tilespmem:$0x19100] =	vst v63  }
0x14a: {  	p1 =	seq.s32 s12, $0xFFFFFE00;
	s15 =	sadd.s32 $0x14FC0, s13  }
0x14b: {  	[tilespmem:s0], [sflag:$0x1] =	stream.indirect.gather [hbm4b:s1+s29], $0x80, s15, s29, $0xb8;
	[tilespmem:$0x19100] =	vst v63  }
0x14c: {  	_ =	swait.ge [sflag:s2], $0x2000  }
0x14d: {  	[sflag:s2] =	ssyncset.done $0x0  }
0x14e: {  	[sflag:s2] =	ssyncadd.s32 $0xFFFFE000  }
0x14f: {  	_ =	swait.ge [sflag:s5], $0x40  }
0x150: {  	[sflag:s5] =	ssyncset.done $0x0  }
0x151: {  	[sflag:s5] =	ssyncadd.s32 $0xFFFFFFC0  }
0x152: {  	[spmem:s3] =	stream.indirect.scatter.add.f32 [tilespmem:s30], [sflag:$0x3], $0x80, s28, s29, $0xb8;
	[tilespmem:$0x19100] =	vst v63  }
0x153: {  	_ =	swait.ge [sflag:s25], $0x2000  }
0x154: {  	[sflag:s25] =	ssyncset.done $0x0  }
0x155: {  	s12 =	sadd.s32 $0x8, s11;
	[sflag:s25] =	ssyncadd.s32 $0xFFFFE000  }
0x156: {  	[tilespmem:s28], [sflag:$0x2] =	stream.linear.gather [hbm4b:s12+s4], $0x40, $0x38;
	[tilespmem:$0x19100] =	vst v63  }
0x157: {  	s12 =	sadd.s32 $0x15000, s13  }
0x158: {  	[tilespmem:s30], [sflag:$0x1] =	stream.indirect.gather [hbm4b:s1+s29], $0x80, s12, s29, $0xb8;
	[tilespmem:$0x19100] =	vst v63  }
0x159: {  	_ =	swait.ge [sflag:s2], $0x2000  }
0x15a: {  	[sflag:s2] =	ssyncset.done $0x0  }
0x15b: {  	[sflag:s2] =	ssyncadd.s32 $0xFFFFE000  }
0x15c: {  	_ =	swait.ge [sflag:s5], $0x40  }
.Ltmp6:
0x15d: {  	[sflag:s5] =	ssyncset.done $0x0;
	(pc) =	sbr.rel @!p1 .LBB2_9-.Ltmp6, $4  }
0x15e: {  	[sflag:s5] =	ssyncadd.s32 $0xFFFFFFC0  }
0x15f: {  	[spmem:s3] =	stream.indirect.scatter.add.f32 [tilespmem:s0], [sflag:$0x3], $0x80, s31, s29, $0xb8;
	[tilespmem:$0x19100] =	vst v63  }
0x160: {  	_ =	swait.ge [sflag:s25], $0x2000  }
0x161: {  	s11 =	sadd.s32 $0x10, s11;
	s12 =	smov.u32 s14;
	[sflag:s25] =	ssyncset.done $0x0  }
0x162: {  	[sflag:s25] =	ssyncadd.s32 $0xFFFFE000  }
0x163: {  	[tilespmem:s31], [sflag:$0x2] =	stream.linear.gather [hbm4b:s20+s4], $0x40, $0x38;
	[tilespmem:$0x19100] =	vst v63  }
0x164: {  	_ = 	snop  }
0x165: {  	[tilespmem:s0], [sflag:$0x1] =	stream.indirect.gather [hbm4b:s1+s29], $0x80, s6, s29, $0xb8;
	[tilespmem:$0x19100] =	vst v63  }
0x166: {  	_ =	swait.ge [sflag:s2], $0x2000  }
0x167: {  	[sflag:s2] =	ssyncset.done $0x0  }
0x168: {  	[sflag:s2] =	ssyncadd.s32 $0xFFFFE000  }
0x169: {  	_ =	swait.ge [sflag:s5], $0x40  }
0x16a: {  	[sflag:s5] =	ssyncset.done $0x0  }
0x16b: {  	[sflag:s5] =	ssyncadd.s32 $0xFFFFFFC0  }
0x16c: {  	[spmem:s3] =	stream.indirect.scatter.add.f32 [tilespmem:s30], [sflag:$0x3], $0x80, s28, s29, $0xb8;
	[tilespmem:$0x19100] =	vst v63  }
0x16d: {  	_ =	swait.ge [sflag:s25], $0x2000  }
0x16e: {  	[sflag:s25] =	ssyncset.done $0x0  }
0x16f: {  	[sflag:s25] =	ssyncadd.s32 $0xFFFFE000  }
0x170: {  	_ =	swait.ge [sflag:s2], $0x2000  }
0x171: {  	[sflag:s2] =	ssyncset.done $0x0  }
0x172: {  	[sflag:s2] =	ssyncadd.s32 $0xFFFFE000  }
0x173: {  	_ =	swait.ge [sflag:s5], $0x40  }
0x174: {  	[sflag:s5] =	ssyncset.done $0x0  }
0x175: {  	[sflag:s5] =	ssyncadd.s32 $0xFFFFFFC0  }
0x176: {  	[spmem:s3] =	stream.indirect.scatter.add.f32 [tilespmem:s0], [sflag:$0x3], $0x80, s31, s29, $0xb8;
	[tilespmem:$0x19100] =	vst v63  }
0x177: {  	_ =	swait.ge [sflag:s25], $0x2000  }
0x178: {  	[sflag:s25] =	ssyncset.done $0x0  }
0x179: {  	[sflag:s25] =	ssyncadd.s32 $0xFFFFE000  }
0x17a: {  	[bflag:$0x0] =	sbarrier.arrive $0xFFFF  }
.Ltmp7:
0x17b: {  	s11 =	rddreg [dreg:$0xd];
	(pc) =	sbr.rel .LBB2_11-.Ltmp7, $4  }
0x17c: {  	[hbm:s11], [sflag:s9] =	dma.local [spmem:s10], $0x2780  }
0x17d: {  	_ =	swait.ge [sflag:s25], $0x2780  }
0x17e: {  	[sflag:s25] =	ssyncset.done $0x0  }
0x17f: {  	[sflag:s25] =	ssyncadd.s32 $0xFFFFD880  }
.LBB2_12:
0x180: {  	_ =	sfence.sel $0x180000  }
0x181: {  	[bflag:$0x0] =	sbarrier.arrive $0xFFFF  }
0x182: {  	_ =	strace $0x9000004A  }
0x183: {  	s0 =	stileid.u32;
	[bflag:$0x2] =	sbarrier.arrive $0xFFFF  }
0x184: {  	p0 =	sne.s32 s0, $0x0;
	s0 =	rddreg [dreg:$0x3]  }
0x185: {  	s0 =	sadd.s32 @!p0 $0x100000, s0  }
0x186: {  	[sflag:s0] =	ssyncadd.tile.s32 @!p0 $0x1;
	_ =	shalt  }
.Lfunc_end2:
_tile_overlayer_lowered:
.L_overlay_start_2:
0x187: {  	(tag) =	ssettag $0x2  }
0x188: {  	s0 =	rddreg [dreg:$0x0];
	s2 =	stileid.u32  }
0x189: {  	s1 =	rddreg [dreg:$0x1];
	p0 =	sne.s32 s2, $0x0  }
0x18a: {  	s3 =	rddreg [dreg:$0x2];
	[bflag:$0x3] =	sbarrier.arrive $0xFFFF;
	s2 =	simm.s32 @!p0 $0x1C03  }
0x18b: {  	[timem:s3], [sflag:s2] =	dma.local @!p0 [hbm:s0], s1  }
0x18c: {  	s0 =	simm.s32 @!p0 $0x3  }
0x18d: {  	_ =	swait.ge @!p0 [sflag:s0], s1  }
0x18e: {  	s1 =	ssub.s32 @!p0 $0x0, s1;
	[sflag:s0] =	ssyncset.done @!p0 $0x0  }
0x18f: {  	[sflag:s0] =	ssyncadd.s32 @!p0 s1  }
0x190: {  	[bflag:$0x3] =	sbarrier.arrive $0xFFFF  }
0x191: {  	_ =	shalt  }

// kernel: kernel.16.cloned.1.call-start
scs
__scs_entry_jumppad:
0x0: {  	(pc) =	sbr.rel $0x88, $3  }
0x1: {  	(tag) =	ssettag $0x0;
	lr =	simm.s32 $0x1  }
0x2: {  	[smem:$0x3F96] =	sst lr;
	_ =	strace $0xD0000000  }
0x3: {  	_ = 	snop  }
0x4: {  	_ = 	snop  }
0x5: {  	_ = 	snop  }
0x6: {  	_ = 	snop  }
0x7: {  	_ = 	snop  }
__scs_overlays_trampoline_lowered:
0x8: {  	[smem:$0x3FA5] =	sst s0  }
0x9: {  	[smem:$0x3FA6] =	sst s1  }
0xa: {  	[smem:$0x3FA7] =	sst s2  }
0xb: {  	[smem:$0x3FA8] =	sst s3  }
0xc: {  	[smem:$0x3FA9] =	sst s4  }
0xd: {  	[smem:$0x3FAA] =	sst s5  }
0xe: {  	[smem:$0x3FAB] =	sst s6  }
0xf: {  	[smem:$0x3FAC] =	sst s7  }
0x10: {  	[smem:$0x3FAD] =	sst s8  }
0x11: {  	[smem:$0x3FAE] =	sst s9;
	s0 =	simm.s32 @!p0 $0x0  }
0x12: {  	s1 =	sld [smem:$0x3F94];
	s0 =	simm.s32 @p0 $0x1  }
0x13: {  	[smem:$0x3FAF] =	sst s0;
	s0 =	simm.s32 @!p1 $0x0  }
0x14: {  	s2 =	sld [smem:$0x3F93];
	s0 =	simm.s32 @p1 $0x1  }
0x15: {  	[smem:$0x3FB0] =	sst s0;
	s0 =	simm.s32 @!p2 $0x0  }
0x16: {  	s3 =	sld [smem:$0x3FDB];
	s0 =	simm.s32 @p2 $0x1  }
0x17: {  	s4 =	simm.s32 $0x1BF5;
	[smem:$0x3FB2] =	sst s0  }
0x18: {  	s0 =	sld [smem:$0x3F95];
	_ =	swait.ge [sflag:s4], $0x0  }
0x19: {  	s7 =	sld [smem:$0x3F96]  }
0x1a: {  	s8 =	sadd.s32 $0xFFFFE003, lr  }
0x1b: {  	s9 =	sadd.s32 $0xFFFFFEF7, lr;
	s5 =	simm.s32 $0xFFFFFFFF;
	p2 =	slt.u32 s8, $0xFFFFF086  }
0x1c: {  	p1 =	slt.u32 s9, $0xF7A;
	s5 =	simm.s32 @!p2 $0x0  }
0x1d: {  	s5 =	simm.s32 @p1 $0x1;
	p0 =	seq.s32 s7, s2  }
0x1e: {  	s7 =	smul.u32 @!p0 $0xF7A, s2;
	p2 =	seq.s32 @!p0 s5, $0x0  }
0x1f: {  	s9 =	smul.u32 $0xF7A, s1;
	s8 =	simm.s32 @!p0 $0x1BF5;
	p2 =	por !p2, p0  }
0x20: {  	[sflag:s8] =	ssyncset.s32 @!p0 $0xFFFFF086;
	s6 =	sadd.s32 @!p0 s3, s7;
	s7 =	simm.s32 @!p0 $0x108  }
0x21: {  	s3 =	sadd.s32 s3, s9;
	s6 =	sadd.s32 @!p0 $0x88, s6;
	s7 =	simm.s32 @p2 $0x1082  }
0x22: {  	[simem:s7], [sflag:s8] =	dma.local @!p0 [hbm:s6], $0xF7A  }
0x23: {  	s9 =	sor.u32 $0xD0000000, s2;
	s6 =	simm.s32 $0x108;
	_ =	swait.ge @!p0 [sflag:s8], $0x0  }
0x24: {  	s3 =	sadd.s32 $0x88, s3;
	s6 =	simm.s32 @!p1 $0x1082;
	[sflag:s4] =	ssyncset.s32 $0xFFFFF086  }
0x25: {  	[simem:s6], [sflag:s4] =	dma.local [hbm:s3], $0xF7A  }
0x26: {  	[smem:$0x3F96] =	sst s1;
	(tag) =	ssettag s2;
	_ =	strace s9  }
0x27: {  	s1 =	sld [smem:$0x3FA6]  }
0x28: {  	s2 =	sld [smem:$0x3FA7]  }
0x29: {  	s4 =	sld [smem:$0x3FA9]  }
0x2a: {  	p0 =	seq.s32 s5, $0x0;
	s5 =	sld [smem:$0x3FAA]  }
0x2b: {  	s6 =	sld [smem:$0x3FAB]  }
0x2c: {  	s7 =	sld [smem:$0x3FAC]  }
0x2d: {  	s3 =	simm.s32 $0x108;
	s8 =	sld [smem:$0x3FAD]  }
0x2e: {  	s3 =	simm.s32 @!p0 $0x1082;
	s9 =	sld [smem:$0x3FAE]  }
0x2f: {  	lr =	sadd.s32 s0, s3;
	s0 =	sld [smem:$0x3FA5]  }
0x30: {  	s3 =	sld [smem:$0x3FA8]  }
0x31: {  	[smem:$0x3FB1] =	sst s10  }
0x32: {  	s10 =	sld [smem:$0x3FAF];
	_ =	sdelay $0x3  }
0x33: {  	p0 =	seq.s32 s10, $0x1;
	s10 =	sld [smem:$0x3FB1];
	_ =	sdelay $0x3  }
0x34: {  	[smem:$0x3FB1] =	sst s10  }
0x35: {  	s10 =	sld [smem:$0x3FB0];
	_ =	sdelay $0x3  }
0x36: {  	p1 =	seq.s32 s10, $0x1;
	s10 =	sld [smem:$0x3FB1];
	_ =	sdelay $0x3  }
0x37: {  	[smem:$0x3FB1] =	sst s10  }
0x38: {  	s10 =	sld [smem:$0x3FB2]  }
0x39: {  	_ = 	snop;
	(pc) =	sbr.ind lr, $3  }
0x3a: {  	_ = 	snop  }
0x3b: {  	_ = 	snop  }
0x3c: {  	p2 =	seq.s32 s10, $0x1;
	s10 =	sld [smem:$0x3FB1]  }
0x3d: {  	_ =	shalt  }
0x3e: {  	_ =	shalt  }
0x3f: {  	_ =	shalt  }
0x40: {  	_ =	shalt  }
0x41: {  	_ =	shalt  }
0x42: {  	_ =	shalt  }
0x43: {  	_ =	shalt  }
0x44: {  	_ =	shalt  }
0x45: {  	_ =	shalt  }
0x46: {  	_ =	shalt  }
0x47: {  	_ =	shalt  }
0x48: {  	_ =	shalt  }
0x49: {  	_ =	shalt  }
0x4a: {  	_ =	shalt  }
0x4b: {  	_ =	shalt  }
0x4c: {  	_ =	shalt  }
0x4d: {  	_ =	shalt  }
0x4e: {  	_ =	shalt  }
0x4f: {  	_ =	shalt  }
0x50: {  	_ =	shalt  }
0x51: {  	_ =	shalt  }
0x52: {  	_ =	shalt  }
0x53: {  	_ =	shalt  }
0x54: {  	_ =	shalt  }
0x55: {  	_ =	shalt  }
0x56: {  	_ =	shalt  }
0x57: {  	_ =	shalt  }
0x58: {  	_ =	shalt  }
0x59: {  	_ =	shalt  }
0x5a: {  	_ =	shalt  }
0x5b: {  	_ =	shalt  }
0x5c: {  	_ =	shalt  }
0x5d: {  	_ =	shalt  }
0x5e: {  	_ =	shalt  }
0x5f: {  	_ =	shalt  }
0x60: {  	_ =	shalt  }
0x61: {  	_ =	shalt  }
0x62: {  	_ =	shalt  }
0x63: {  	_ =	shalt  }
0x64: {  	_ =	shalt  }
0x65: {  	_ =	shalt  }
0x66: {  	_ =	shalt  }
0x67: {  	_ =	shalt  }
0x68: {  	_ =	shalt  }
0x69: {  	_ =	shalt  }
0x6a: {  	_ =	shalt  }
0x6b: {  	_ =	shalt  }
0x6c: {  	_ =	shalt  }
0x6d: {  	_ =	shalt  }
0x6e: {  	_ =	shalt  }
0x6f: {  	_ =	shalt  }
0x70: {  	_ =	shalt  }
0x71: {  	_ =	shalt  }
0x72: {  	_ =	shalt  }
0x73: {  	_ =	shalt  }
0x74: {  	_ =	shalt  }
0x75: {  	_ =	shalt  }
0x76: {  	_ =	shalt  }
0x77: {  	_ =	shalt  }
0x78: {  	_ =	shalt  }
0x79: {  	_ =	shalt  }
0x7a: {  	_ =	shalt  }
0x7b: {  	_ =	shalt  }
0x7c: {  	_ =	shalt  }
0x7d: {  	_ =	shalt  }
0x7e: {  	_ =	shalt  }
0x7f: {  	_ =	shalt  }
0x80: {  	_ =	shalt  }
0x81: {  	_ =	shalt  }
0x82: {  	_ =	shalt  }
0x83: {  	_ =	shalt  }
0x84: {  	_ =	shalt  }
0x85: {  	_ =	shalt  }
0x86: {  	_ =	shalt  }
0x87: {  	_ =	shalt  }
.Lfunc_end0:
.L_simem_size_0:
called_computation.2_lowered:
.L_overlay_start_0:
0x88: {  	s2 =	sld [smem:$0x3FD9]  }
0x89: {  	s3 =	sld [smem:$0x3FFE];
	_ =	sdelay $0x1  }
0x8a: {  	s1 =	srdreg.scid  }
0x8b: {  	s0 =	sand.u32 $0x1, s1  }
0x8c: {  	s17 =	sshll.u32 s0, $0xA;
	s2 =	sadd.s32 s3, s2  }
0x8d: {  	s2 =	sadd.s32 s2, s17  }
0x8e: {  	[smem:$0x3FBD] =	sst s2  }
0x8f: {  	_ = 	snop  }
0x90: {  	s2 =	sld [smem:$0x3FD0];
	(tm) =	ssettm $0x1  }
0x91: {  	s18 =	sld [smem:$0x3FFB];
	_ =	sdelay $0x3  }
0x92: {  	_ =	strace s18  }
0x93: {  	s3 =	sld [smem:$0x3FFC];
	_ =	sdelay $0x3  }
0x94: {  	_ =	strace s3  }
0x95: {  	s3 =	sld [smem:$0x3FFD];
	_ =	sdelay $0x3  }
0x96: {  	_ =	strace s3  }
0x97: {  	_ =	strace $0x8FFFFFFF  }
0x98: {  	s19 =	sld [smem:$0x3FDB];
	_ =	sdelay $0x1  }
0x99: {  	s4 =	simm.s32 $_scs_section_size  }
0x9a: {  	s5 =	simm.s32 $_size__tile_overlayer_lowered;
	s6 =	simm.s32 $_tile_overlayer_lowered  }
0x9b: {  	s22 =	simm.s32 $0x1BFF;
	s21 =	sshll.u32 s6, $0x1;
	s3 =	sadd.s32 s4, s19  }
0x9c: {  	s7 =	simm.s32 $0x0;
	s20 =	sshll.u32 s5, $0x1;
	s5 =	sadd.s32 s21, s3  }
0x9d: {  	[timem:s7], [sflag:s22] =	dma.local [hbm:s5], s20  }
0x9e: {  	_ =	swait.ge [sflag:s22], s20  }
0x9f: {  	s4 =	ssub.s32 $0x0, s20;
	[sflag:s22] =	ssyncset.done $0x0  }
0xa0: {  	[sflag:s22] =	ssyncadd.s32 s4;
	_ =	sdelay $0x1  }
0xa1: {  	s23 =	simm.s32 $0x1B8B  }
0xa2: {  	_ =	swait.ge [sflag:s23], $0x1  }
0xa3: {  	[sflag:s23] =	ssyncset.done $0x0  }
0xa4: {  	s25 =	simm.s32 $0x1B8E;
	s24 =	sld [smem:$0x3FFE];
	[sflag:s23] =	ssyncadd.s32 $0xFFFFFFFF  }
0xa5: {  	s26 =	simm.s32 $execute0_lowered;
	[smem:$0x3FD2] =	sst s25  }
0xa6: {  	s5 =	sshll.u32 s26, $0x1;
	_ =	strace $0x8000004C;
	[dreg:$0x1] =	wrdreg $0xFFFFFFFF  }
0xa7: {  	s28 =	simm.s32 $_size_execute0_lowered;
	s3 =	sadd.s32 s3, s5;
	[dreg:$0x0] =	wrdreg $0x0  }
0xa8: {  	s5 =	sshll.u32 s28, $0x1;
	[dreg:$0x2] =	wrdreg s3  }
0xa9: {  	[dreg:$0x3] =	wrdreg s5  }
0xaa: {  	[dreg:$0x4] =	wrdreg $0xC0  }
0xab: {  	_ =	task [dreg:s7], $0x5FFFF  }
0xac: {  	[dreg:$0x1] =	wrdreg $0xFFFFFFFF  }
0xad: {  	[dreg:$0x0] =	wrdreg $0x60  }
0xae: {  	[dreg:$0x2] =	wrdreg s2  }
0xaf: {  	[dreg:$0x3] =	wrdreg s24  }
0xb0: {  	[dreg:$0x4] =	wrdreg $0x0  }
0xb1: {  	[dreg:$0x5] =	wrdreg $0x9  }
0xb2: {  	_ =	task.clear_ibuf [dreg:s7], $0x6FFFF;
	_ =	strace $0x9000004C  }
0xb3: {  	s29 =	simm.s32 $0x9;
	_ =	strace $0x8000004E  }
0xb4: {  	_ =	swait.ge [sflag:s29], $0x1  }
0xb5: {  	[sflag:s29] =	ssyncadd.s32 $0xFFFFFFFF  }
0xb6: {  	_ =	strace $0x9000004E  }
0xb7: {  	_ =	sfence  }
0xb8: {  	s30 =	sld [smem:$0x0];
	_ =	sdelay $0x2  }
0xb9: {  	s31 =	sshll.u32 s1, $0xD;
	s1 =	sshrl.u32 s1, $0x2  }
0xba: {  	s3 =	sand.u32 $0x4000, s31;
	s1 =	sadd.s32 s1, s30  }
0xbb: {  	s0 =	sor.u32 s3, s0;
	s1 =	sshll.u32 s1, $0x11  }
0xbc: {  	s0 =	sor.u32 s1, s0  }
0xbd: {  	s0 =	sadd.s32 $0x8F2B, s0  }
0xbe: {  	[sflag:s0] =	ssyncadd.remote.s32 $0x1  }
0xbf: {  	_ =	sfence.sel $0xFFFF  }
0xc0: {  	[dreg:$0x0] =	wrdreg $0xFFFFFFFF;
	(pc) =	sbr.abs _section_cstart, $3  }
0xc1: {  	[dreg:$0x1] =	wrdreg $0xFFFFFFFF  }
0xc2: {  	_ =	task.clear_ibuf [dreg:s7], $0x2FFFF;
	_ =	strace $0x9FFFFFFF  }
0xc3: {  	(tm) =	ssettm $0x7FFFFFFF  }
tec
execute0_lowered:
.L_overlay_start_1:
0x0: {  	(tag) =	ssettag $0x1  }
0x1: {  	s1 =	rddreg [dreg:$0x0]  }
0x2: {  	s0 =	rddreg [dreg:$0x1]  }
0x3: {  	s3 =	rddreg [dreg:$0x2];
	s4 =	simm.s32 $0x0;
	s12 =	stileid.u32  }
0x4: {  	s5 =	srdreg.scid;
	s28 =	simm.s32 $0x15000;
	s29 =	simm.s32 $0x40  }
0x5: {  	s30 =	simm.s32 $0x15100;
	s31 =	simm.s32 $0x15080;
	s2 =	smul.u32 $0x2780, s12  }
0x6: {  	[smem:$0x7FF] =	sst s4;
	s6 =	sadd.s32 $0x3200, s0;
	s7 =	smul.u32 $0x4F000, s12  }
0x7: {  	s5 =	sand.u32 $0x1, s5;
	s9 =	sadd.s32 $0xD200, s0;
	s10 =	smul.u32 $0x5000, s12  }
0x8: {  	s11 =	sadd.s32 $0x17200, s0;
	s25 =	smul.u32 $0xA00, s12;
	_ =	strace $0x8000004D  }
0x9: {  	s8 =	ssub.s32 $0x2, s5;
	[dreg:$0x4] =	wrdreg s11;
	p0 =	sne.s32 s5, $0x0  }
0xa: {  	s5 =	simm.s32 $0x2;
	s0 =	sadd.s32 s2, s0;
	s17 =	sshrl.u32 s8, $0x1  }
0xb: {  	s7 =	sshrl.u32 s7, $0x2;
	s10 =	sshrl.u32 s10, $0x3;
	s26 =	sadd.s32 s25, s9  }
0xc: {  	s25 =	simm.s32 $0x3;
	s2 =	ssub.s32 s8, s17;
	s7 =	sadd.s32 s7, s3  }
0xd: {  	s18 =	sadd.s32 s6, s10;
	s19 =	sadd.s32 $0x280, s10;
	s8 =	sadd.s32 s9, s10  }
0xe: {  	s21 =	sadd.s32 $0x500, s10;
	s23 =	sadd.s32 $0x780, s10;
	[dreg:$0x5] =	wrdreg s7  }
0xf: {  	s0 =	sadd.s32 $0x19A00, s0;
	[dreg:$0x6] =	wrdreg s18;
	s20 =	sadd.s32 s6, s19  }
0x10: {  	s7 =	sadd.s32 s9, s19;
	s22 =	sadd.s32 s6, s21;
	[dreg:$0xd] =	wrdreg s0  }
0x11: {  	s24 =	sadd.s32 s9, s21;
	s6 =	sadd.s32 s6, s23;
	[dreg:$0x7] =	wrdreg s20  }
0x12: {  	s16 =	smax.u32 s2, $0x1;
	s17 =	sadd.s32 $0x278, s8;
	[dreg:$0x8] =	wrdreg s7  }
0x13: {  	s18 =	sadd.s32 $0x4F8, s8;
	s19 =	sadd.s32 $0x778, s8;
	[dreg:$0x9] =	wrdreg s22  }
.Ltmp0:
0x14: {  	s21 =	sadd.s32 $0x8, s26;
	[dreg:$0xa] =	wrdreg s24;
	(pc) =	sbr.rel .LBB2_1-.Ltmp0, $4  }
0x15: {  	s0 =	simm.s32 $0x17100;
	s2 =	simm.s32 $0x1;
	[dreg:$0xb] =	wrdreg s6  }
0x16: {  	s7 =	sadd.s32 s9, s23;
	s20 =	sadd.s32 $0x9F8, s8;
	s22 =	sadd.s32 $0x288, s26  }
0x17: {  	s23 =	sadd.s32 $0x508, s26;
	s24 =	sadd.s32 $0x788, s26;
	s26 =	simm.s32 $0x13C00  }
0x18: {  	s6 =	simm.s32 $0x14FC0;
	[dreg:$0xc] =	wrdreg s7;
	s7 =	simm.s32 $0x0  }
.LBB2_13:
0x19: {  	[bflag:$0x0] =	sbarrier.arrive $0xFFFF  }
0x1a: {  	[bflag:$0x0] =	sbarrier.arrive $0xFFFF  }
.LBB2_11:
0x1b: {  	s7 =	sadd.s32 $0x1, s7  }
0x1c: {  	p1 =	sne.s32 s7, s16  }
.Ltmp1:
0x1d: {  	_ = 	snop;
	(pc) =	sbr.rel @!p1 .LBB2_12-.Ltmp1, $1  }
0x1e: {  	_ =	sdelay $0x3  }
.LBB2_1:
.Ltmp2:
0x1f: {  	(pc) =	sbr.rel @p0 .LBB2_13-.Ltmp2, $1  }
0x20: {  	_ =	sdelay $0x3  }
0x21: {  	s9 =	stileid.u32  }
0x22: {  	s10 =	rddreg [dreg:$0x5];
	s9 =	sshll.u32 s9, $0x6  }
0x23: {  	s11 =	rddreg [dreg:$0x4];
	s10 =	sshrl.u32 s10, $0x3;
	s9 =	sor.u32 $0x1C03, s9  }
0x24: {  	[spmem:s10], [sflag:s9] =	dma.local [hbm:s11], $0x2780  }
0x25: {  	_ =	swait.ge [sflag:s25], $0x2780  }
0x26: {  	[sflag:s25] =	ssyncset.done $0x0  }
0x27: {  	[sflag:s25] =	ssyncadd.s32 $0xFFFFD880  }
0x28: {  	[bflag:$0x0] =	sbarrier.arrive $0xFFFF  }
0x29: {  	s12 =	rddreg [dreg:$0x6]  }
0x2a: {  	[tilespmem:s26], [sflag:$0x3] =	stream.linear.gather [hbm4b:s12+s4], $0x1400, $0x38;
	[tilespmem:$0x19100] =	vst v63  }
0x2b: {  	_ =	swait.ge [sflag:s25], $0x1400  }
0x2c: {  	[sflag:s25] =	ssyncset.done $0x0  }
0x2d: {  	[sflag:s25] =	ssyncadd.s32 $0xFFFFEC00  }
0x2e: {  	[tilespmem:s28], [sflag:$0x2] =	stream.linear.gather [hbm4b:s8+s4], $0x40, $0x38;
	[tilespmem:$0x19100] =	vst v63  }
0x2f: {  	_ = 	snop  }
0x30: {  	[tilespmem:s30], [sflag:$0x1] =	stream.indirect.gather [hbm4b:s1+s29], $0x80, s26, s29, $0xb8;
	[tilespmem:$0x19100] =	vst v63  }
0x31: {  	_ = 	snop  }
0x32: {  	[tilespmem:s31], [sflag:$0x2] =	stream.linear.gather [hbm4b:s21+s4], $0x40, $0x38;
	[tilespmem:$0x19100] =	vst v63  }
0x33: {  	s13 =	simm.s32 $0x13C40  }
0x34: {  	[tilespmem:s0], [sflag:$0x1] =	stream.indirect.gather [hbm4b:s1+s29], $0x80, s13, s29, $0xb8;
	[tilespmem:$0x19100] =	vst v63  }
0x35: {  	_ =	swait.ge [sflag:s2], $0x2000  }
0x36: {  	[sflag:s2] =	ssyncset.done $0x0  }
0x37: {  	[sflag:s2] =	ssyncadd.s32 $0xFFFFE000  }
0x38: {  	_ =	swait.ge [sflag:s5], $0x40  }
0x39: {  	[sflag:s5] =	ssyncset.done $0x0  }
0x3a: {  	[sflag:s5] =	ssyncadd.s32 $0xFFFFFFC0  }
0x3b: {  	[spmem:s3] =	stream.indirect.scatter.add.f32 [tilespmem:s30], [sflag:$0x3], $0x80, s28, s29, $0xb8;
	[tilespmem:$0x19100] =	vst v63  }
0x3c: {  	_ =	swait.ge [sflag:s25], $0x2000  }
0x3d: {  	[sflag:s25] =	ssyncset.done $0x0  }
0x3e: {  	s14 =	sadd.s32 $0x8, s21;
	[sflag:s25] =	ssyncadd.s32 $0xFFFFE000  }
0x3f: {  	[tilespmem:s28], [sflag:$0x2] =	stream.linear.gather [hbm4b:s14+s4], $0x40, $0x38;
	[tilespmem:$0x19100] =	vst v63  }
0x40: {  	s15 =	simm.s32 $0x13C80  }
0x41: {  	[tilespmem:s30], [sflag:$0x1] =	stream.indirect.gather [hbm4b:s1+s29], $0x80, s15, s29, $0xb8;
	[tilespmem:$0x19100] =	vst v63  }
0x42: {  	_ =	swait.ge [sflag:s2], $0x2000  }
0x43: {  	[sflag:s2] =	ssyncset.done $0x0  }
0x44: {  	[sflag:s2] =	ssyncadd.s32 $0xFFFFE000  }
0x45: {  	_ =	swait.ge [sflag:s5], $0x40  }
0x46: {  	[sflag:s5] =	ssyncset.done $0x0  }
0x47: {  	[sflag:s5] =	ssyncadd.s32 $0xFFFFFFC0  }
0x48: {  	[spmem:s3] =	stream.indirect.scatter.add.f32 [tilespmem:s0], [sflag:$0x3], $0x80, s31, s29, $0xb8;
	[tilespmem:$0x19100] =	vst v63  }
0x49: {  	_ =	swait.ge [sflag:s25], $0x2000  }
0x4a: {  	s11 =	sadd.s32 $0x10, s21;
	s12 =	simm.s32 $0xFFFFB400;
	[sflag:s25] =	ssyncset.done $0x0  }
.LBB2_3:
0x4b: {  	s14 =	smov.u32 s12  }
0x4c: {  	s13 =	sshra.s32 s12, $0x2;
	[sflag:s25] =	ssyncadd.s32 $0xFFFFE000;
	s14 =	sadd.s32 $0x200, s12  }
0x4d: {  	[tilespmem:s31], [sflag:$0x2] =	stream.linear.gather [hbm4b:s11+s4], $0x40, $0x38;
	[tilespmem:$0x19100] =	vst v63  }
0x4e: {  	p1 =	sne.s32 s12, $0xFFFFFE00;
	s15 =	sadd.s32 $0x14FC0, s13  }
0x4f: {  	[tilespmem:s0], [sflag:$0x1] =	stream.indirect.gather [hbm4b:s1+s29], $0x80, s15, s29, $0xb8;
	[tilespmem:$0x19100] =	vst v63  }
0x50: {  	_ =	swait.ge [sflag:s2], $0x2000  }
0x51: {  	[sflag:s2] =	ssyncset.done $0x0  }
0x52: {  	[sflag:s2] =	ssyncadd.s32 $0xFFFFE000  }
0x53: {  	_ =	swait.ge [sflag:s5], $0x40  }
0x54: {  	[sflag:s5] =	ssyncset.done $0x0  }
0x55: {  	[sflag:s5] =	ssyncadd.s32 $0xFFFFFFC0  }
0x56: {  	[spmem:s3] =	stream.indirect.scatter.add.f32 [tilespmem:s30], [sflag:$0x3], $0x80, s28, s29, $0xb8;
	[tilespmem:$0x19100] =	vst v63  }
0x57: {  	_ =	swait.ge [sflag:s25], $0x2000  }
0x58: {  	[sflag:s25] =	ssyncset.done $0x0  }
0x59: {  	s12 =	sadd.s32 $0x8, s11;
	[sflag:s25] =	ssyncadd.s32 $0xFFFFE000  }
0x5a: {  	[tilespmem:s28], [sflag:$0x2] =	stream.linear.gather [hbm4b:s12+s4], $0x40, $0x38;
	[tilespmem:$0x19100] =	vst v63  }
0x5b: {  	s12 =	sadd.s32 $0x15000, s13  }
0x5c: {  	[tilespmem:s30], [sflag:$0x1] =	stream.indirect.gather [hbm4b:s1+s29], $0x80, s12, s29, $0xb8;
	[tilespmem:$0x19100] =	vst v63  }
0x5d: {  	_ =	swait.ge [sflag:s2], $0x2000  }
0x5e: {  	[sflag:s2] =	ssyncset.done $0x0  }
0x5f: {  	[sflag:s2] =	ssyncadd.s32 $0xFFFFE000  }
0x60: {  	_ =	swait.ge [sflag:s5], $0x40  }
.Ltmp3:
0x61: {  	[sflag:s5] =	ssyncset.done $0x0;
	(pc) =	sbr.rel @p1 .LBB2_3-.Ltmp3, $4  }
0x62: {  	[sflag:s5] =	ssyncadd.s32 $0xFFFFFFC0  }
0x63: {  	[spmem:s3] =	stream.indirect.scatter.add.f32 [tilespmem:s0], [sflag:$0x3], $0x80, s31, s29, $0xb8;
	[tilespmem:$0x19100] =	vst v63  }
0x64: {  	_ =	swait.ge [sflag:s25], $0x2000  }
0x65: {  	s11 =	sadd.s32 $0x10, s11;
	s12 =	smov.u32 s14;
	[sflag:s25] =	ssyncset.done $0x0  }
0x66: {  	[sflag:s25] =	ssyncadd.s32 $0xFFFFE000  }
0x67: {  	[tilespmem:s31], [sflag:$0x2] =	stream.linear.gather [hbm4b:s17+s4], $0x40, $0x38;
	[tilespmem:$0x19100] =	vst v63  }
0x68: {  	_ = 	snop  }
0x69: {  	[tilespmem:s0], [sflag:$0x1] =	stream.indirect.gather [hbm4b:s1+s29], $0x80, s6, s29, $0xb8;
	[tilespmem:$0x19100] =	vst v63  }
0x6a: {  	_ =	swait.ge [sflag:s2], $0x2000  }
0x6b: {  	[sflag:s2] =	ssyncset.done $0x0  }
0x6c: {  	[sflag:s2] =	ssyncadd.s32 $0xFFFFE000  }
0x6d: {  	_ =	swait.ge [sflag:s5], $0x40  }
0x6e: {  	[sflag:s5] =	ssyncset.done $0x0  }
0x6f: {  	[sflag:s5] =	ssyncadd.s32 $0xFFFFFFC0  }
0x70: {  	[spmem:s3] =	stream.indirect.scatter.add.f32 [tilespmem:s30], [sflag:$0x3], $0x80, s28, s29, $0xb8;
	[tilespmem:$0x19100] =	vst v63  }
0x71: {  	_ =	swait.ge [sflag:s25], $0x2000  }
0x72: {  	[sflag:s25] =	ssyncset.done $0x0  }
0x73: {  	[sflag:s25] =	ssyncadd.s32 $0xFFFFE000  }
0x74: {  	_ =	swait.ge [sflag:s2], $0x2000  }
0x75: {  	[sflag:s2] =	ssyncset.done $0x0  }
0x76: {  	[sflag:s2] =	ssyncadd.s32 $0xFFFFE000  }
0x77: {  	_ =	swait.ge [sflag:s5], $0x40  }
0x78: {  	[sflag:s5] =	ssyncset.done $0x0  }
0x79: {  	[sflag:s5] =	ssyncadd.s32 $0xFFFFFFC0  }
0x7a: {  	[spmem:s3] =	stream.indirect.scatter.add.f32 [tilespmem:s0], [sflag:$0x3], $0x80, s31, s29, $0xb8;
	[tilespmem:$0x19100] =	vst v63  }
0x7b: {  	_ =	swait.ge [sflag:s25], $0x2000  }
0x7c: {  	[sflag:s25] =	ssyncset.done $0x0  }
0x7d: {  	s11 =	rddreg [dreg:$0x7];
	[sflag:s25] =	ssyncadd.s32 $0xFFFFE000  }
0x7e: {  	[tilespmem:s26], [sflag:$0x3] =	stream.linear.gather [hbm4b:s11+s4], $0x1400, $0x38;
	[tilespmem:$0x19100] =	vst v63  }
0x7f: {  	_ =	swait.ge [sflag:s25], $0x1400  }
0x80: {  	[sflag:s25] =	ssyncset.done $0x0  }
0x81: {  	s12 =	rddreg [dreg:$0x8];
	[sflag:s25] =	ssyncadd.s32 $0xFFFFEC00  }
0x82: {  	[tilespmem:s28], [sflag:$0x2] =	stream.linear.gather [hbm4b:s12+s4], $0x40, $0x38;
	[tilespmem:$0x19100] =	vst v63  }
0x83: {  	_ = 	snop  }
0x84: {  	[tilespmem:s30], [sflag:$0x1] =	stream.indirect.gather [hbm4b:s1+s29], $0x80, s26, s29, $0xb8;
	[tilespmem:$0x19100] =	vst v63  }
0x85: {  	_ = 	snop  }
0x86: {  	[tilespmem:s31], [sflag:$0x2] =	stream.linear.gather [hbm4b:s22+s4], $0x40, $0x38;
	[tilespmem:$0x19100] =	vst v63  }
0x87: {  	s13 =	simm.s32 $0x13C40  }
0x88: {  	[tilespmem:s0], [sflag:$0x1] =	stream.indirect.gather [hbm4b:s1+s29], $0x80, s13, s29, $0xb8;
	[tilespmem:$0x19100] =	vst v63  }
0x89: {  	_ =	swait.ge [sflag:s2], $0x2000  }
0x8a: {  	[sflag:s2] =	ssyncset.done $0x0  }
0x8b: {  	[sflag:s2] =	ssyncadd.s32 $0xFFFFE000  }
0x8c: {  	_ =	swait.ge [sflag:s5], $0x40  }
0x8d: {  	[sflag:s5] =	ssyncset.done $0x0  }
0x8e: {  	[sflag:s5] =	ssyncadd.s32 $0xFFFFFFC0  }
0x8f: {  	[spmem:s3] =	stream.indirect.scatter.add.f32 [tilespmem:s30], [sflag:$0x3], $0x80, s28, s29, $0xb8;
	[tilespmem:$0x19100] =	vst v63  }
0x90: {  	_ =	swait.ge [sflag:s25], $0x2000  }
0x91: {  	[sflag:s25] =	ssyncset.done $0x0  }
0x92: {  	s14 =	sadd.s32 $0x8, s22;
	[sflag:s25] =	ssyncadd.s32 $0xFFFFE000  }
0x93: {  	[tilespmem:s28], [sflag:$0x2] =	stream.linear.gather [hbm4b:s14+s4], $0x40, $0x38;
	[tilespmem:$0x19100] =	vst v63  }
0x94: {  	s15 =	simm.s32 $0x13C80  }
0x95: {  	[tilespmem:s30], [sflag:$0x1] =	stream.indirect.gather [hbm4b:s1+s29], $0x80, s15, s29, $0xb8;
	[tilespmem:$0x19100] =	vst v63  }
0x96: {  	_ =	swait.ge [sflag:s2], $0x2000  }
0x97: {  	[sflag:s2] =	ssyncset.done $0x0  }
0x98: {  	[sflag:s2] =	ssyncadd.s32 $0xFFFFE000  }
0x99: {  	_ =	swait.ge [sflag:s5], $0x40  }
0x9a: {  	[sflag:s5] =	ssyncset.done $0x0  }
0x9b: {  	[sflag:s5] =	ssyncadd.s32 $0xFFFFFFC0  }
0x9c: {  	[spmem:s3] =	stream.indirect.scatter.add.f32 [tilespmem:s0], [sflag:$0x3], $0x80, s31, s29, $0xb8;
	[tilespmem:$0x19100] =	vst v63  }
0x9d: {  	_ =	swait.ge [sflag:s25], $0x2000  }
0x9e: {  	s11 =	sadd.s32 $0x10, s22;
	s12 =	simm.s32 $0xFFFFB400;
	[sflag:s25] =	ssyncset.done $0x0  }
.LBB2_5:
0x9f: {  	s14 =	smov.u32 s12  }
0xa0: {  	s13 =	sshra.s32 s12, $0x2;
	[sflag:s25] =	ssyncadd.s32 $0xFFFFE000;
	s14 =	sadd.s32 $0x200, s12  }
0xa1: {  	[tilespmem:s31], [sflag:$0x2] =	stream.linear.gather [hbm4b:s11+s4], $0x40, $0x38;
	[tilespmem:$0x19100] =	vst v63  }
0xa2: {  	p1 =	sne.s32 s12, $0xFFFFFE00;
	s15 =	sadd.s32 $0x14FC0, s13  }
0xa3: {  	[tilespmem:s0], [sflag:$0x1] =	stream.indirect.gather [hbm4b:s1+s29], $0x80, s15, s29, $0xb8;
	[tilespmem:$0x19100] =	vst v63  }
0xa4: {  	_ =	swait.ge [sflag:s2], $0x2000  }
0xa5: {  	[sflag:s2] =	ssyncset.done $0x0  }
0xa6: {  	[sflag:s2] =	ssyncadd.s32 $0xFFFFE000  }
0xa7: {  	_ =	swait.ge [sflag:s5], $0x40  }
0xa8: {  	[sflag:s5] =	ssyncset.done $0x0  }
0xa9: {  	[sflag:s5] =	ssyncadd.s32 $0xFFFFFFC0  }
0xaa: {  	[spmem:s3] =	stream.indirect.scatter.add.f32 [tilespmem:s30], [sflag:$0x3], $0x80, s28, s29, $0xb8;
	[tilespmem:$0x19100] =	vst v63  }
0xab: {  	_ =	swait.ge [sflag:s25], $0x2000  }
0xac: {  	[sflag:s25] =	ssyncset.done $0x0  }
0xad: {  	s12 =	sadd.s32 $0x8, s11;
	[sflag:s25] =	ssyncadd.s32 $0xFFFFE000  }
0xae: {  	[tilespmem:s28], [sflag:$0x2] =	stream.linear.gather [hbm4b:s12+s4], $0x40, $0x38;
	[tilespmem:$0x19100] =	vst v63  }
0xaf: {  	s12 =	sadd.s32 $0x15000, s13  }
0xb0: {  	[tilespmem:s30], [sflag:$0x1] =	stream.indirect.gather [hbm4b:s1+s29], $0x80, s12, s29, $0xb8;
	[tilespmem:$0x19100] =	vst v63  }
0xb1: {  	_ =	swait.ge [sflag:s2], $0x2000  }
0xb2: {  	[sflag:s2] =	ssyncset.done $0x0  }
0xb3: {  	[sflag:s2] =	ssyncadd.s32 $0xFFFFE000  }
0xb4: {  	_ =	swait.ge [sflag:s5], $0x40  }
.Ltmp4:
0xb5: {  	[sflag:s5] =	ssyncset.done $0x0;
	(pc) =	sbr.rel @p1 .LBB2_5-.Ltmp4, $4  }
0xb6: {  	[sflag:s5] =	ssyncadd.s32 $0xFFFFFFC0  }
0xb7: {  	[spmem:s3] =	stream.indirect.scatter.add.f32 [tilespmem:s0], [sflag:$0x3], $0x80, s31, s29, $0xb8;
	[tilespmem:$0x19100] =	vst v63  }
0xb8: {  	_ =	swait.ge [sflag:s25], $0x2000  }
0xb9: {  	s11 =	sadd.s32 $0x10, s11;
	s12 =	smov.u32 s14;
	[sflag:s25] =	ssyncset.done $0x0  }
0xba: {  	[sflag:s25] =	ssyncadd.s32 $0xFFFFE000  }
0xbb: {  	[tilespmem:s31], [sflag:$0x2] =	stream.linear.gather [hbm4b:s18+s4], $0x40, $0x38;
	[tilespmem:$0x19100] =	vst v63  }
0xbc: {  	_ = 	snop  }
0xbd: {  	[tilespmem:s0], [sflag:$0x1] =	stream.indirect.gather [hbm4b:s1+s29], $0x80, s6, s29, $0xb8;
	[tilespmem:$0x19100] =	vst v63  }
0xbe: {  	_ =	swait.ge [sflag:s2], $0x2000  }
0xbf: {  	[sflag:s2] =	ssyncset.done $0x0  }
0xc0: {  	[sflag:s2] =	ssyncadd.s32 $0xFFFFE000  }
0xc1: {  	_ =	swait.ge [sflag:s5], $0x40  }
0xc2: {  	[sflag:s5] =	ssyncset.done $0x0  }
0xc3: {  	[sflag:s5] =	ssyncadd.s32 $0xFFFFFFC0  }
0xc4: {  	[spmem:s3] =	stream.indirect.scatter.add.f32 [tilespmem:s30], [sflag:$0x3], $0x80, s28, s29, $0xb8;
	[tilespmem:$0x19100] =	vst v63  }
0xc5: {  	_ =	swait.ge [sflag:s25], $0x2000  }
0xc6: {  	[sflag:s25] =	ssyncset.done $0x0  }
0xc7: {  	[sflag:s25] =	ssyncadd.s32 $0xFFFFE000  }
0xc8: {  	_ =	swait.ge [sflag:s2], $0x2000  }
0xc9: {  	[sflag:s2] =	ssyncset.done $0x0  }
0xca: {  	[sflag:s2] =	ssyncadd.s32 $0xFFFFE000  }
0xcb: {  	_ =	swait.ge [sflag:s5], $0x40  }
0xcc: {  	[sflag:s5] =	ssyncset.done $0x0  }
0xcd: {  	[sflag:s5] =	ssyncadd.s32 $0xFFFFFFC0  }
0xce: {  	[spmem:s3] =	stream.indirect.scatter.add.f32 [tilespmem:s0], [sflag:$0x3], $0x80, s31, s29, $0xb8;
	[tilespmem:$0x19100] =	vst v63  }
0xcf: {  	_ =	swait.ge [sflag:s25], $0x2000  }
0xd0: {  	[sflag:s25] =	ssyncset.done $0x0  }
0xd1: {  	s11 =	rddreg [dreg:$0x9];
	[sflag:s25] =	ssyncadd.s32 $0xFFFFE000  }
0xd2: {  	[tilespmem:s26], [sflag:$0x3] =	stream.linear.gather [hbm4b:s11+s4], $0x1400, $0x38;
	[tilespmem:$0x19100] =	vst v63  }
0xd3: {  	_ =	swait.ge [sflag:s25], $0x1400  }
0xd4: {  	[sflag:s25] =	ssyncset.done $0x0  }
0xd5: {  	s12 =	rddreg [dreg:$0xa];
	[sflag:s25] =	ssyncadd.s32 $0xFFFFEC00  }
0xd6: {  	[tilespmem:s28], [sflag:$0x2] =	stream.linear.gather [hbm4b:s12+s4], $0x40, $0x38;
	[tilespmem:$0x19100] =	vst v63  }
0xd7: {  	_ = 	snop  }
0xd8: {  	[tilespmem:s30], [sflag:$0x1] =	stream.indirect.gather [hbm4b:s1+s29], $0x80, s26, s29, $0xb8;
	[tilespmem:$0x19100] =	vst v63  }
0xd9: {  	_ = 	snop  }
0xda: {  	[tilespmem:s31], [sflag:$0x2] =	stream.linear.gather [hbm4b:s23+s4], $0x40, $0x38;
	[tilespmem:$0x19100] =	vst v63  }
0xdb: {  	s13 =	simm.s32 $0x13C40  }
0xdc: {  	[tilespmem:s0], [sflag:$0x1] =	stream.indirect.gather [hbm4b:s1+s29], $0x80, s13, s29, $0xb8;
	[tilespmem:$0x19100] =	vst v63  }
0xdd: {  	_ =	swait.ge [sflag:s2], $0x2000  }
0xde: {  	[sflag:s2] =	ssyncset.done $0x0  }
0xdf: {  	[sflag:s2] =	ssyncadd.s32 $0xFFFFE000  }
0xe0: {  	_ =	swait.ge [sflag:s5], $0x40  }
0xe1: {  	[sflag:s5] =	ssyncset.done $0x0  }
0xe2: {  	[sflag:s5] =	ssyncadd.s32 $0xFFFFFFC0  }
0xe3: {  	[spmem:s3] =	stream.indirect.scatter.add.f32 [tilespmem:s30], [sflag:$0x3], $0x80, s28, s29, $0xb8;
	[tilespmem:$0x19100] =	vst v63  }
0xe4: {  	_ =	swait.ge [sflag:s25], $0x2000  }
0xe5: {  	[sflag:s25] =	ssyncset.done $0x0  }
0xe6: {  	s14 =	sadd.s32 $0x8, s23;
	[sflag:s25] =	ssyncadd.s32 $0xFFFFE000  }
0xe7: {  	[tilespmem:s28], [sflag:$0x2] =	stream.linear.gather [hbm4b:s14+s4], $0x40, $0x38;
	[tilespmem:$0x19100] =	vst v63  }
0xe8: {  	s15 =	simm.s32 $0x13C80  }
0xe9: {  	[tilespmem:s30], [sflag:$0x1] =	stream.indirect.gather [hbm4b:s1+s29], $0x80, s15, s29, $0xb8;
	[tilespmem:$0x19100] =	vst v63  }
0xea: {  	_ =	swait.ge [sflag:s2], $0x2000  }
0xeb: {  	[sflag:s2] =	ssyncset.done $0x0  }
0xec: {  	[sflag:s2] =	ssyncadd.s32 $0xFFFFE000  }
0xed: {  	_ =	swait.ge [sflag:s5], $0x40  }
0xee: {  	[sflag:s5] =	ssyncset.done $0x0  }
0xef: {  	[sflag:s5] =	ssyncadd.s32 $0xFFFFFFC0  }
0xf0: {  	[spmem:s3] =	stream.indirect.scatter.add.f32 [tilespmem:s0], [sflag:$0x3], $0x80, s31, s29, $0xb8;
	[tilespmem:$0x19100] =	vst v63  }
0xf1: {  	_ =	swait.ge [sflag:s25], $0x2000  }
0xf2: {  	s11 =	sadd.s32 $0x10, s23;
	s12 =	simm.s32 $0xFFFFB400;
	[sflag:s25] =	ssyncset.done $0x0  }
.LBB2_7:
0xf3: {  	s14 =	smov.u32 s12  }
0xf4: {  	s13 =	sshra.s32 s12, $0x2;
	[sflag:s25] =	ssyncadd.s32 $0xFFFFE000;
	s14 =	sadd.s32 $0x200, s12  }
0xf5: {  	[tilespmem:s31], [sflag:$0x2] =	stream.linear.gather [hbm4b:s11+s4], $0x40, $0x38;
	[tilespmem:$0x19100] =	vst v63  }
0xf6: {  	p1 =	sne.s32 s12, $0xFFFFFE00;
	s15 =	sadd.s32 $0x14FC0, s13  }
0xf7: {  	[tilespmem:s0], [sflag:$0x1] =	stream.indirect.gather [hbm4b:s1+s29], $0x80, s15, s29, $0xb8;
	[tilespmem:$0x19100] =	vst v63  }
0xf8: {  	_ =	swait.ge [sflag:s2], $0x2000  }
0xf9: {  	[sflag:s2] =	ssyncset.done $0x0  }
0xfa: {  	[sflag:s2] =	ssyncadd.s32 $0xFFFFE000  }
0xfb: {  	_ =	swait.ge [sflag:s5], $0x40  }
0xfc: {  	[sflag:s5] =	ssyncset.done $0x0  }
0xfd: {  	[sflag:s5] =	ssyncadd.s32 $0xFFFFFFC0  }
0xfe: {  	[spmem:s3] =	stream.indirect.scatter.add.f32 [tilespmem:s30], [sflag:$0x3], $0x80, s28, s29, $0xb8;
	[tilespmem:$0x19100] =	vst v63  }
0xff: {  	_ =	swait.ge [sflag:s25], $0x2000  }
0x100: {  	[sflag:s25] =	ssyncset.done $0x0  }
0x101: {  	s12 =	sadd.s32 $0x8, s11;
	[sflag:s25] =	ssyncadd.s32 $0xFFFFE000  }
0x102: {  	[tilespmem:s28], [sflag:$0x2] =	stream.linear.gather [hbm4b:s12+s4], $0x40, $0x38;
	[tilespmem:$0x19100] =	vst v63  }
0x103: {  	s12 =	sadd.s32 $0x15000, s13  }
0x104: {  	[tilespmem:s30], [sflag:$0x1] =	stream.indirect.gather [hbm4b:s1+s29], $0x80, s12, s29, $0xb8;
	[tilespmem:$0x19100] =	vst v63  }
0x105: {  	_ =	swait.ge [sflag:s2], $0x2000  }
0x106: {  	[sflag:s2] =	ssyncset.done $0x0  }
0x107: {  	[sflag:s2] =	ssyncadd.s32 $0xFFFFE000  }
0x108: {  	_ =	swait.ge [sflag:s5], $0x40  }
.Ltmp5:
0x109: {  	[sflag:s5] =	ssyncset.done $0x0;
	(pc) =	sbr.rel @p1 .LBB2_7-.Ltmp5, $4  }
0x10a: {  	[sflag:s5] =	ssyncadd.s32 $0xFFFFFFC0  }
0x10b: {  	[spmem:s3] =	stream.indirect.scatter.add.f32 [tilespmem:s0], [sflag:$0x3], $0x80, s31, s29, $0xb8;
	[tilespmem:$0x19100] =	vst v63  }
0x10c: {  	_ =	swait.ge [sflag:s25], $0x2000  }
0x10d: {  	s11 =	sadd.s32 $0x10, s11;
	s12 =	smov.u32 s14;
	[sflag:s25] =	ssyncset.done $0x0  }
0x10e: {  	[sflag:s25] =	ssyncadd.s32 $0xFFFFE000  }
0x10f: {  	[tilespmem:s31], [sflag:$0x2] =	stream.linear.gather [hbm4b:s19+s4], $0x40, $0x38;
	[tilespmem:$0x19100] =	vst v63  }
0x110: {  	_ = 	snop  }
0x111: {  	[tilespmem:s0], [sflag:$0x1] =	stream.indirect.gather [hbm4b:s1+s29], $0x80, s6, s29, $0xb8;
	[tilespmem:$0x19100] =	vst v63  }
0x112: {  	_ =	swait.ge [sflag:s2], $0x2000  }
0x113: {  	[sflag:s2] =	ssyncset.done $0x0  }
0x114: {  	[sflag:s2] =	ssyncadd.s32 $0xFFFFE000  }
0x115: {  	_ =	swait.ge [sflag:s5], $0x40  }
0x116: {  	[sflag:s5] =	ssyncset.done $0x0  }
0x117: {  	[sflag:s5] =	ssyncadd.s32 $0xFFFFFFC0  }
0x118: {  	[spmem:s3] =	stream.indirect.scatter.add.f32 [tilespmem:s30], [sflag:$0x3], $0x80, s28, s29, $0xb8;
	[tilespmem:$0x19100] =	vst v63  }
0x119: {  	_ =	swait.ge [sflag:s25], $0x2000  }
0x11a: {  	[sflag:s25] =	ssyncset.done $0x0  }
0x11b: {  	[sflag:s25] =	ssyncadd.s32 $0xFFFFE000  }
0x11c: {  	_ =	swait.ge [sflag:s2], $0x2000  }
0x11d: {  	[sflag:s2] =	ssyncset.done $0x0  }
0x11e: {  	[sflag:s2] =	ssyncadd.s32 $0xFFFFE000  }
0x11f: {  	_ =	swait.ge [sflag:s5], $0x40  }
0x120: {  	[sflag:s5] =	ssyncset.done $0x0  }
0x121: {  	[sflag:s5] =	ssyncadd.s32 $0xFFFFFFC0  }
0x122: {  	[spmem:s3] =	stream.indirect.scatter.add.f32 [tilespmem:s0], [sflag:$0x3], $0x80, s31, s29, $0xb8;
	[tilespmem:$0x19100] =	vst v63  }
0x123: {  	_ =	swait.ge [sflag:s25], $0x2000  }
0x124: {  	[sflag:s25] =	ssyncset.done $0x0  }
0x125: {  	s11 =	rddreg [dreg:$0xb];
	[sflag:s25] =	ssyncadd.s32 $0xFFFFE000  }
0x126: {  	[tilespmem:s26], [sflag:$0x3] =	stream.linear.gather [hbm4b:s11+s4], $0x1400, $0x38;
	[tilespmem:$0x19100] =	vst v63  }
0x127: {  	_ =	swait.ge [sflag:s25], $0x1400  }
0x128: {  	[sflag:s25] =	ssyncset.done $0x0  }
0x129: {  	s12 =	rddreg [dreg:$0xc];
	[sflag:s25] =	ssyncadd.s32 $0xFFFFEC00  }
0x12a: {  	[tilespmem:s28], [sflag:$0x2] =	stream.linear.gather [hbm4b:s12+s4], $0x40, $0x38;
	[tilespmem:$0x19100] =	vst v63  }
0x12b: {  	_ = 	snop  }
0x12c: {  	[tilespmem:s30], [sflag:$0x1] =	stream.indirect.gather [hbm4b:s1+s29], $0x80, s26, s29, $0xb8;
	[tilespmem:$0x19100] =	vst v63  }
0x12d: {  	_ = 	snop  }
0x12e: {  	[tilespmem:s31], [sflag:$0x2] =	stream.linear.gather [hbm4b:s24+s4], $0x40, $0x38;
	[tilespmem:$0x19100] =	vst v63  }
0x12f: {  	s13 =	simm.s32 $0x13C40  }
0x130: {  	[tilespmem:s0], [sflag:$0x1] =	stream.indirect.gather [hbm4b:s1+s29], $0x80, s13, s29, $0xb8;
	[tilespmem:$0x19100] =	vst v63  }
0x131: {  	_ =	swait.ge [sflag:s2], $0x2000  }
0x132: {  	[sflag:s2] =	ssyncset.done $0x0  }
0x133: {  	[sflag:s2] =	ssyncadd.s32 $0xFFFFE000  }
0x134: {  	_ =	swait.ge [sflag:s5], $0x40  }
0x135: {  	[sflag:s5] =	ssyncset.done $0x0  }
0x136: {  	[sflag:s5] =	ssyncadd.s32 $0xFFFFFFC0  }
0x137: {  	[spmem:s3] =	stream.indirect.scatter.add.f32 [tilespmem:s30], [sflag:$0x3], $0x80, s28, s29, $0xb8;
	[tilespmem:$0x19100] =	vst v63  }
0x138: {  	_ =	swait.ge [sflag:s25], $0x2000  }
0x139: {  	[sflag:s25] =	ssyncset.done $0x0  }
0x13a: {  	s14 =	sadd.s32 $0x8, s24;
	[sflag:s25] =	ssyncadd.s32 $0xFFFFE000  }
0x13b: {  	[tilespmem:s28], [sflag:$0x2] =	stream.linear.gather [hbm4b:s14+s4], $0x40, $0x38;
	[tilespmem:$0x19100] =	vst v63  }
0x13c: {  	s15 =	simm.s32 $0x13C80  }
0x13d: {  	[tilespmem:s30], [sflag:$0x1] =	stream.indirect.gather [hbm4b:s1+s29], $0x80, s15, s29, $0xb8;
	[tilespmem:$0x19100] =	vst v63  }
0x13e: {  	_ =	swait.ge [sflag:s2], $0x2000  }
0x13f: {  	[sflag:s2] =	ssyncset.done $0x0  }
0x140: {  	[sflag:s2] =	ssyncadd.s32 $0xFFFFE000  }
0x141: {  	_ =	swait.ge [sflag:s5], $0x40  }
0x142: {  	[sflag:s5] =	ssyncset.done $0x0  }
0x143: {  	[sflag:s5] =	ssyncadd.s32 $0xFFFFFFC0  }
0x144: {  	[spmem:s3] =	stream.indirect.scatter.add.f32 [tilespmem:s0], [sflag:$0x3], $0x80, s31, s29, $0xb8;
	[tilespmem:$0x19100] =	vst v63  }
0x145: {  	_ =	swait.ge [sflag:s25], $0x2000  }
0x146: {  	s11 =	sadd.s32 $0x10, s24;
	s12 =	simm.s32 $0xFFFFB400;
	[sflag:s25] =	ssyncset.done $0x0  }
.LBB2_9:
0x147: {  	s14 =	smov.u32 s12  }
0x148: {  	s13 =	sshra.s32 s12, $0x2;
	[sflag:s25] =	ssyncadd.s32 $0xFFFFE000;
	s14 =	sadd.s32 $0x200, s12  }
0x149: {  	[tilespmem:s31], [sflag:$0x2] =	stream.linear.gather [hbm4b:s11+s4], $0x40, $0x38;
	[tilespmem:$0x19100] =	vst v63  }
0x14a: {  	p1 =	seq.s32 s12, $0xFFFFFE00;
	s15 =	sadd.s32 $0x14FC0, s13  }
0x14b: {  	[tilespmem:s0], [sflag:$0x1] =	stream.indirect.gather [hbm4b:s1+s29], $0x80, s15, s29, $0xb8;
	[tilespmem:$0x19100] =	vst v63  }
0x14c: {  	_ =	swait.ge [sflag:s2], $0x2000  }
0x14d: {  	[sflag:s2] =	ssyncset.done $0x0  }
0x14e: {  	[sflag:s2] =	ssyncadd.s32 $0xFFFFE000  }
0x14f: {  	_ =	swait.ge [sflag:s5], $0x40  }
0x150: {  	[sflag:s5] =	ssyncset.done $0x0  }
0x151: {  	[sflag:s5] =	ssyncadd.s32 $0xFFFFFFC0  }
0x152: {  	[spmem:s3] =	stream.indirect.scatter.add.f32 [tilespmem:s30], [sflag:$0x3], $0x80, s28, s29, $0xb8;
	[tilespmem:$0x19100] =	vst v63  }
0x153: {  	_ =	swait.ge [sflag:s25], $0x2000  }
0x154: {  	[sflag:s25] =	ssyncset.done $0x0  }
0x155: {  	s12 =	sadd.s32 $0x8, s11;
	[sflag:s25] =	ssyncadd.s32 $0xFFFFE000  }
0x156: {  	[tilespmem:s28], [sflag:$0x2] =	stream.linear.gather [hbm4b:s12+s4], $0x40, $0x38;
	[tilespmem:$0x19100] =	vst v63  }
0x157: {  	s12 =	sadd.s32 $0x15000, s13  }
0x158: {  	[tilespmem:s30], [sflag:$0x1] =	stream.indirect.gather [hbm4b:s1+s29], $0x80, s12, s29, $0xb8;
	[tilespmem:$0x19100] =	vst v63  }
0x159: {  	_ =	swait.ge [sflag:s2], $0x2000  }
0x15a: {  	[sflag:s2] =	ssyncset.done $0x0  }
0x15b: {  	[sflag:s2] =	ssyncadd.s32 $0xFFFFE000  }
0x15c: {  	_ =	swait.ge [sflag:s5], $0x40  }
.Ltmp6:
0x15d: {  	[sflag:s5] =	ssyncset.done $0x0;
	(pc) =	sbr.rel @!p1 .LBB2_9-.Ltmp6, $4  }
0x15e: {  	[sflag:s5] =	ssyncadd.s32 $0xFFFFFFC0  }
0x15f: {  	[spmem:s3] =	stream.indirect.scatter.add.f32 [tilespmem:s0], [sflag:$0x3], $0x80, s31, s29, $0xb8;
	[tilespmem:$0x19100] =	vst v63  }
0x160: {  	_ =	swait.ge [sflag:s25], $0x2000  }
0x161: {  	s11 =	sadd.s32 $0x10, s11;
	s12 =	smov.u32 s14;
	[sflag:s25] =	ssyncset.done $0x0  }
0x162: {  	[sflag:s25] =	ssyncadd.s32 $0xFFFFE000  }
0x163: {  	[tilespmem:s31], [sflag:$0x2] =	stream.linear.gather [hbm4b:s20+s4], $0x40, $0x38;
	[tilespmem:$0x19100] =	vst v63  }
0x164: {  	_ = 	snop  }
0x165: {  	[tilespmem:s0], [sflag:$0x1] =	stream.indirect.gather [hbm4b:s1+s29], $0x80, s6, s29, $0xb8;
	[tilespmem:$0x19100] =	vst v63  }
0x166: {  	_ =	swait.ge [sflag:s2], $0x2000  }
0x167: {  	[sflag:s2] =	ssyncset.done $0x0  }
0x168: {  	[sflag:s2] =	ssyncadd.s32 $0xFFFFE000  }
0x169: {  	_ =	swait.ge [sflag:s5], $0x40  }
0x16a: {  	[sflag:s5] =	ssyncset.done $0x0  }
0x16b: {  	[sflag:s5] =	ssyncadd.s32 $0xFFFFFFC0  }
0x16c: {  	[spmem:s3] =	stream.indirect.scatter.add.f32 [tilespmem:s30], [sflag:$0x3], $0x80, s28, s29, $0xb8;
	[tilespmem:$0x19100] =	vst v63  }
0x16d: {  	_ =	swait.ge [sflag:s25], $0x2000  }
0x16e: {  	[sflag:s25] =	ssyncset.done $0x0  }
0x16f: {  	[sflag:s25] =	ssyncadd.s32 $0xFFFFE000  }
0x170: {  	_ =	swait.ge [sflag:s2], $0x2000  }
0x171: {  	[sflag:s2] =	ssyncset.done $0x0  }
0x172: {  	[sflag:s2] =	ssyncadd.s32 $0xFFFFE000  }
0x173: {  	_ =	swait.ge [sflag:s5], $0x40  }
0x174: {  	[sflag:s5] =	ssyncset.done $0x0  }
0x175: {  	[sflag:s5] =	ssyncadd.s32 $0xFFFFFFC0  }
0x176: {  	[spmem:s3] =	stream.indirect.scatter.add.f32 [tilespmem:s0], [sflag:$0x3], $0x80, s31, s29, $0xb8;
	[tilespmem:$0x19100] =	vst v63  }
0x177: {  	_ =	swait.ge [sflag:s25], $0x2000  }
0x178: {  	[sflag:s25] =	ssyncset.done $0x0  }
0x179: {  	[sflag:s25] =	ssyncadd.s32 $0xFFFFE000  }
0x17a: {  	[bflag:$0x0] =	sbarrier.arrive $0xFFFF  }
.Ltmp7:
0x17b: {  	s11 =	rddreg [dreg:$0xd];
	(pc) =	sbr.rel .LBB2_11-.Ltmp7, $4  }
0x17c: {  	[hbm:s11], [sflag:s9] =	dma.local [spmem:s10], $0x2780  }
0x17d: {  	_ =	swait.ge [sflag:s25], $0x2780  }
0x17e: {  	[sflag:s25] =	ssyncset.done $0x0  }
0x17f: {  	[sflag:s25] =	ssyncadd.s32 $0xFFFFD880  }
.LBB2_12:
0x180: {  	_ =	sfence.sel $0x180000  }
0x181: {  	[bflag:$0x0] =	sbarrier.arrive $0xFFFF  }
0x182: {  	_ =	strace $0x9000004D  }
0x183: {  	s0 =	stileid.u32;
	[bflag:$0x2] =	sbarrier.arrive $0xFFFF  }
0x184: {  	p0 =	sne.s32 s0, $0x0;
	s0 =	rddreg [dreg:$0x3]  }
0x185: {  	s0 =	sadd.s32 @!p0 $0x100000, s0  }
0x186: {  	[sflag:s0] =	ssyncadd.tile.s32 @!p0 $0x1;
	_ =	shalt  }
.Lfunc_end2:
_tile_overlayer_lowered:
.L_overlay_start_2:
0x187: {  	(tag) =	ssettag $0x2  }
0x188: {  	s0 =	rddreg [dreg:$0x0];
	s2 =	stileid.u32  }
0x189: {  	s1 =	rddreg [dreg:$0x1];
	p0 =	sne.s32 s2, $0x0  }
0x18a: {  	s3 =	rddreg [dreg:$0x2];
	[bflag:$0x3] =	sbarrier.arrive $0xFFFF;
	s2 =	simm.s32 @!p0 $0x1C03  }
0x18b: {  	[timem:s3], [sflag:s2] =	dma.local @!p0 [hbm:s0], s1  }
0x18c: {  	s0 =	simm.s32 @!p0 $0x3  }
0x18d: {  	_ =	swait.ge @!p0 [sflag:s0], s1  }
0x18e: {  	s1 =	ssub.s32 @!p0 $0x0, s1;
	[sflag:s0] =	ssyncset.done @!p0 $0x0  }
0x18f: {  	[sflag:s0] =	ssyncadd.s32 @!p0 s1  }
0x190: {  	[bflag:$0x3] =	sbarrier.arrive $0xFFFF  }
0x191: {  	_ =	shalt  }

// kernel: kernel.19.cloned.1.call-start
scs
__scs_entry_jumppad:
0x0: {  	(pc) =	sbr.rel $0x88, $3  }
0x1: {  	(tag) =	ssettag $0x0;
	lr =	simm.s32 $0x1  }
0x2: {  	[smem:$0x3F96] =	sst lr;
	_ =	strace $0xD0000000  }
0x3: {  	_ = 	snop  }
0x4: {  	_ = 	snop  }
0x5: {  	_ = 	snop  }
0x6: {  	_ = 	snop  }
0x7: {  	_ = 	snop  }
__scs_overlays_trampoline_lowered:
0x8: {  	[smem:$0x3FA5] =	sst s0  }
0x9: {  	[smem:$0x3FA6] =	sst s1  }
0xa: {  	[smem:$0x3FA7] =	sst s2  }
0xb: {  	[smem:$0x3FA8] =	sst s3  }
0xc: {  	[smem:$0x3FA9] =	sst s4  }
0xd: {  	[smem:$0x3FAA] =	sst s5  }
0xe: {  	[smem:$0x3FAB] =	sst s6  }
0xf: {  	[smem:$0x3FAC] =	sst s7  }
0x10: {  	[smem:$0x3FAD] =	sst s8  }
0x11: {  	[smem:$0x3FAE] =	sst s9;
	s0 =	simm.s32 @!p0 $0x0  }
0x12: {  	s1 =	sld [smem:$0x3F94];
	s0 =	simm.s32 @p0 $0x1  }
0x13: {  	[smem:$0x3FAF] =	sst s0;
	s0 =	simm.s32 @!p1 $0x0  }
0x14: {  	s2 =	sld [smem:$0x3F93];
	s0 =	simm.s32 @p1 $0x1  }
0x15: {  	[smem:$0x3FB0] =	sst s0;
	s0 =	simm.s32 @!p2 $0x0  }
0x16: {  	s3 =	sld [smem:$0x3FDB];
	s0 =	simm.s32 @p2 $0x1  }
0x17: {  	s4 =	simm.s32 $0x1BF5;
	[smem:$0x3FB2] =	sst s0  }
0x18: {  	s0 =	sld [smem:$0x3F95];
	_ =	swait.ge [sflag:s4], $0x0  }
0x19: {  	s7 =	sld [smem:$0x3F96]  }
0x1a: {  	s8 =	sadd.s32 $0xFFFFE003, lr  }
0x1b: {  	s9 =	sadd.s32 $0xFFFFFEF7, lr;
	s5 =	simm.s32 $0xFFFFFFFF;
	p2 =	slt.u32 s8, $0xFFFFF086  }
0x1c: {  	p1 =	slt.u32 s9, $0xF7A;
	s5 =	simm.s32 @!p2 $0x0  }
0x1d: {  	s5 =	simm.s32 @p1 $0x1;
	p0 =	seq.s32 s7, s2  }
0x1e: {  	s7 =	smul.u32 @!p0 $0xF7A, s2;
	p2 =	seq.s32 @!p0 s5, $0x0  }
0x1f: {  	s9 =	smul.u32 $0xF7A, s1;
	s8 =	simm.s32 @!p0 $0x1BF5;
	p2 =	por !p2, p0  }
0x20: {  	[sflag:s8] =	ssyncset.s32 @!p0 $0xFFFFF086;
	s6 =	sadd.s32 @!p0 s3, s7;
	s7 =	simm.s32 @!p0 $0x108  }
0x21: {  	s3 =	sadd.s32 s3, s9;
	s6 =	sadd.s32 @!p0 $0x88, s6;
	s7 =	simm.s32 @p2 $0x1082  }
0x22: {  	[simem:s7], [sflag:s8] =	dma.local @!p0 [hbm:s6], $0xF7A  }
0x23: {  	s9 =	sor.u32 $0xD0000000, s2;
	s6 =	simm.s32 $0x108;
	_ =	swait.ge @!p0 [sflag:s8], $0x0  }
0x24: {  	s3 =	sadd.s32 $0x88, s3;
	s6 =	simm.s32 @!p1 $0x1082;
	[sflag:s4] =	ssyncset.s32 $0xFFFFF086  }
0x25: {  	[simem:s6], [sflag:s4] =	dma.local [hbm:s3], $0xF7A  }
0x26: {  	[smem:$0x3F96] =	sst s1;
	(tag) =	ssettag s2;
	_ =	strace s9  }
0x27: {  	s1 =	sld [smem:$0x3FA6]  }
0x28: {  	s2 =	sld [smem:$0x3FA7]  }
0x29: {  	s4 =	sld [smem:$0x3FA9]  }
0x2a: {  	p0 =	seq.s32 s5, $0x0;
	s5 =	sld [smem:$0x3FAA]  }
0x2b: {  	s6 =	sld [smem:$0x3FAB]  }
0x2c: {  	s7 =	sld [smem:$0x3FAC]  }
0x2d: {  	s3 =	simm.s32 $0x108;
	s8 =	sld [smem:$0x3FAD]  }
0x2e: {  	s3 =	simm.s32 @!p0 $0x1082;
	s9 =	sld [smem:$0x3FAE]  }
0x2f: {  	lr =	sadd.s32 s0, s3;
	s0 =	sld [smem:$0x3FA5]  }
0x30: {  	s3 =	sld [smem:$0x3FA8]  }
0x31: {  	[smem:$0x3FB1] =	sst s10  }
0x32: {  	s10 =	sld [smem:$0x3FAF];
	_ =	sdelay $0x3  }
0x33: {  	p0 =	seq.s32 s10, $0x1;
	s10 =	sld [smem:$0x3FB1];
	_ =	sdelay $0x3  }
0x34: {  	[smem:$0x3FB1] =	sst s10  }
0x35: {  	s10 =	sld [smem:$0x3FB0];
	_ =	sdelay $0x3  }
0x36: {  	p1 =	seq.s32 s10, $0x1;
	s10 =	sld [smem:$0x3FB1];
	_ =	sdelay $0x3  }
0x37: {  	[smem:$0x3FB1] =	sst s10  }
0x38: {  	s10 =	sld [smem:$0x3FB2]  }
0x39: {  	_ = 	snop;
	(pc) =	sbr.ind lr, $3  }
0x3a: {  	_ = 	snop  }
0x3b: {  	_ = 	snop  }
0x3c: {  	p2 =	seq.s32 s10, $0x1;
	s10 =	sld [smem:$0x3FB1]  }
0x3d: {  	_ =	shalt  }
0x3e: {  	_ =	shalt  }
0x3f: {  	_ =	shalt  }
0x40: {  	_ =	shalt  }
0x41: {  	_ =	shalt  }
0x42: {  	_ =	shalt  }
0x43: {  	_ =	shalt  }
0x44: {  	_ =	shalt  }
0x45: {  	_ =	shalt  }
0x46: {  	_ =	shalt  }
0x47: {  	_ =	shalt  }
0x48: {  	_ =	shalt  }
0x49: {  	_ =	shalt  }
0x4a: {  	_ =	shalt  }
0x4b: {  	_ =	shalt  }
0x4c: {  	_ =	shalt  }
0x4d: {  	_ =	shalt  }
0x4e: {  	_ =	shalt  }
0x4f: {  	_ =	shalt  }
0x50: {  	_ =	shalt  }
0x51: {  	_ =	shalt  }
0x52: {  	_ =	shalt  }
0x53: {  	_ =	shalt  }
0x54: {  	_ =	shalt  }
0x55: {  	_ =	shalt  }
0x56: {  	_ =	shalt  }
0x57: {  	_ =	shalt  }
0x58: {  	_ =	shalt  }
0x59: {  	_ =	shalt  }
0x5a: {  	_ =	shalt  }
0x5b: {  	_ =	shalt  }
0x5c: {  	_ =	shalt  }
0x5d: {  	_ =	shalt  }
0x5e: {  	_ =	shalt  }
0x5f: {  	_ =	shalt  }
0x60: {  	_ =	shalt  }
0x61: {  	_ =	shalt  }
0x62: {  	_ =	shalt  }
0x63: {  	_ =	shalt  }
0x64: {  	_ =	shalt  }
0x65: {  	_ =	shalt  }
0x66: {  	_ =	shalt  }
0x67: {  	_ =	shalt  }
0x68: {  	_ =	shalt  }
0x69: {  	_ =	shalt  }
0x6a: {  	_ =	shalt  }
0x6b: {  	_ =	shalt  }
0x6c: {  	_ =	shalt  }
0x6d: {  	_ =	shalt  }
0x6e: {  	_ =	shalt  }
0x6f: {  	_ =	shalt  }
0x70: {  	_ =	shalt  }
0x71: {  	_ =	shalt  }
0x72: {  	_ =	shalt  }
0x73: {  	_ =	shalt  }
0x74: {  	_ =	shalt  }
0x75: {  	_ =	shalt  }
0x76: {  	_ =	shalt  }
0x77: {  	_ =	shalt  }
0x78: {  	_ =	shalt  }
0x79: {  	_ =	shalt  }
0x7a: {  	_ =	shalt  }
0x7b: {  	_ =	shalt  }
0x7c: {  	_ =	shalt  }
0x7d: {  	_ =	shalt  }
0x7e: {  	_ =	shalt  }
0x7f: {  	_ =	shalt  }
0x80: {  	_ =	shalt  }
0x81: {  	_ =	shalt  }
0x82: {  	_ =	shalt  }
0x83: {  	_ =	shalt  }
0x84: {  	_ =	shalt  }
0x85: {  	_ =	shalt  }
0x86: {  	_ =	shalt  }
0x87: {  	_ =	shalt  }
.Lfunc_end0:
.L_simem_size_0:
called_computation.3_lowered:
.L_overlay_start_0:
0x88: {  	s2 =	sld [smem:$0x3FD9]  }
0x89: {  	s3 =	sld [smem:$0x3FFE];
	_ =	sdelay $0x1  }
0x8a: {  	s1 =	srdreg.scid  }
0x8b: {  	s0 =	sand.u32 $0x1, s1  }
0x8c: {  	s17 =	sshll.u32 s0, $0xA;
	s2 =	sadd.s32 s3, s2  }
0x8d: {  	s2 =	sadd.s32 s2, s17  }
0x8e: {  	[smem:$0x3FBD] =	sst s2  }
0x8f: {  	_ = 	snop  }
0x90: {  	s2 =	sld [smem:$0x3FD0];
	(tm) =	ssettm $0x1  }
0x91: {  	s18 =	sld [smem:$0x3FFB];
	_ =	sdelay $0x3  }
0x92: {  	_ =	strace s18  }
0x93: {  	s3 =	sld [smem:$0x3FFC];
	_ =	sdelay $0x3  }
0x94: {  	_ =	strace s3  }
0x95: {  	s3 =	sld [smem:$0x3FFD];
	_ =	sdelay $0x3  }
0x96: {  	_ =	strace s3  }
0x97: {  	_ =	strace $0x8FFFFFFF  }
0x98: {  	s19 =	sld [smem:$0x3FDB];
	_ =	sdelay $0x1  }
0x99: {  	s4 =	simm.s32 $_scs_section_size  }
0x9a: {  	s5 =	simm.s32 $_size__tile_overlayer_lowered;
	s6 =	simm.s32 $_tile_overlayer_lowered  }
0x9b: {  	s22 =	simm.s32 $0x1BFF;
	s21 =	sshll.u32 s6, $0x1;
	s3 =	sadd.s32 s4, s19  }
0x9c: {  	s7 =	simm.s32 $0x0;
	s20 =	sshll.u32 s5, $0x1;
	s5 =	sadd.s32 s21, s3  }
0x9d: {  	[timem:s7], [sflag:s22] =	dma.local [hbm:s5], s20  }
0x9e: {  	_ =	swait.ge [sflag:s22], s20  }
0x9f: {  	s4 =	ssub.s32 $0x0, s20;
	[sflag:s22] =	ssyncset.done $0x0  }
0xa0: {  	[sflag:s22] =	ssyncadd.s32 s4;
	_ =	sdelay $0x1  }
0xa1: {  	s23 =	simm.s32 $0x1B8B  }
0xa2: {  	_ =	swait.ge [sflag:s23], $0x1  }
0xa3: {  	[sflag:s23] =	ssyncset.done $0x0  }
0xa4: {  	s25 =	simm.s32 $0x1B8E;
	s24 =	sld [smem:$0x3FFE];
	[sflag:s23] =	ssyncadd.s32 $0xFFFFFFFF  }
0xa5: {  	s26 =	simm.s32 $execute0_lowered;
	[smem:$0x3FD2] =	sst s25  }
0xa6: {  	s5 =	sshll.u32 s26, $0x1;
	_ =	strace $0x8000004F;
	[dreg:$0x1] =	wrdreg $0xFFFFFFFF  }
0xa7: {  	s28 =	simm.s32 $_size_execute0_lowered;
	s3 =	sadd.s32 s3, s5;
	[dreg:$0x0] =	wrdreg $0x0  }
0xa8: {  	s5 =	sshll.u32 s28, $0x1;
	[dreg:$0x2] =	wrdreg s3  }
0xa9: {  	[dreg:$0x3] =	wrdreg s5  }
0xaa: {  	[dreg:$0x4] =	wrdreg $0xC0  }
0xab: {  	_ =	task [dreg:s7], $0x5FFFF  }
0xac: {  	[dreg:$0x1] =	wrdreg $0xFFFFFFFF  }
0xad: {  	[dreg:$0x0] =	wrdreg $0x60  }
0xae: {  	[dreg:$0x2] =	wrdreg s2  }
0xaf: {  	[dreg:$0x3] =	wrdreg s24  }
0xb0: {  	[dreg:$0x4] =	wrdreg $0x0  }
0xb1: {  	[dreg:$0x5] =	wrdreg $0x9  }
0xb2: {  	_ =	task.clear_ibuf [dreg:s7], $0x6FFFF;
	_ =	strace $0x9000004F  }
0xb3: {  	s29 =	simm.s32 $0x9;
	_ =	strace $0x80000051  }
0xb4: {  	_ =	swait.ge [sflag:s29], $0x1  }
0xb5: {  	[sflag:s29] =	ssyncadd.s32 $0xFFFFFFFF  }
0xb6: {  	_ =	strace $0x90000051  }
0xb7: {  	_ =	sfence  }
0xb8: {  	s30 =	sld [smem:$0x0];
	_ =	sdelay $0x2  }
0xb9: {  	s31 =	sshll.u32 s1, $0xD;
	s1 =	sshrl.u32 s1, $0x2  }
0xba: {  	s3 =	sand.u32 $0x4000, s31;
	s1 =	sadd.s32 s1, s30  }
0xbb: {  	s0 =	sor.u32 s3, s0;
	s1 =	sshll.u32 s1, $0x11  }
0xbc: {  	s0 =	sor.u32 s1, s0  }
0xbd: {  	s0 =	sadd.s32 $0x8F2B, s0  }
0xbe: {  	[sflag:s0] =	ssyncadd.remote.s32 $0x1  }
0xbf: {  	_ =	sfence.sel $0xFFFF  }
0xc0: {  	[dreg:$0x0] =	wrdreg $0xFFFFFFFF;
	(pc) =	sbr.abs _section_cstart, $3  }
0xc1: {  	[dreg:$0x1] =	wrdreg $0xFFFFFFFF  }
0xc2: {  	_ =	task.clear_ibuf [dreg:s7], $0x2FFFF;
	_ =	strace $0x9FFFFFFF  }
0xc3: {  	(tm) =	ssettm $0x7FFFFFFF  }
tec
execute0_lowered:
.L_overlay_start_1:
0x0: {  	(tag) =	ssettag $0x1  }
0x1: {  	s1 =	rddreg [dreg:$0x0]  }
0x2: {  	s0 =	rddreg [dreg:$0x1]  }
0x3: {  	s3 =	rddreg [dreg:$0x2];
	s4 =	simm.s32 $0x0;
	s12 =	stileid.u32  }
0x4: {  	s5 =	srdreg.scid;
	s28 =	simm.s32 $0x15000;
	s29 =	simm.s32 $0x40  }
0x5: {  	s30 =	simm.s32 $0x15100;
	s31 =	simm.s32 $0x15080;
	s2 =	smul.u32 $0x2780, s12  }
0x6: {  	[smem:$0x7FF] =	sst s4;
	s6 =	sadd.s32 $0x3200, s0;
	s7 =	smul.u32 $0x4F000, s12  }
0x7: {  	s5 =	sand.u32 $0x1, s5;
	s9 =	sadd.s32 $0xD200, s0;
	s10 =	smul.u32 $0x5000, s12  }
0x8: {  	s11 =	sadd.s32 $0x17200, s0;
	s25 =	smul.u32 $0xA00, s12;
	_ =	strace $0x80000050  }
0x9: {  	s8 =	ssub.s32 $0x2, s5;
	[dreg:$0x4] =	wrdreg s11;
	p0 =	sne.s32 s5, $0x0  }
0xa: {  	s5 =	simm.s32 $0x2;
	s0 =	sadd.s32 s2, s0;
	s17 =	sshrl.u32 s8, $0x1  }
0xb: {  	s7 =	sshrl.u32 s7, $0x2;
	s10 =	sshrl.u32 s10, $0x3;
	s26 =	sadd.s32 s25, s9  }
0xc: {  	s25 =	simm.s32 $0x3;
	s2 =	ssub.s32 s8, s17;
	s7 =	sadd.s32 s7, s3  }
0xd: {  	s18 =	sadd.s32 s6, s10;
	s19 =	sadd.s32 $0x280, s10;
	s8 =	sadd.s32 s9, s10  }
0xe: {  	s21 =	sadd.s32 $0x500, s10;
	s23 =	sadd.s32 $0x780, s10;
	[dreg:$0x5] =	wrdreg s7  }
0xf: {  	s0 =	sadd.s32 $0x19A00, s0;
	[dreg:$0x6] =	wrdreg s18;
	s20 =	sadd.s32 s6, s19  }
0x10: {  	s7 =	sadd.s32 s9, s19;
	s22 =	sadd.s32 s6, s21;
	[dreg:$0xd] =	wrdreg s0  }
0x11: {  	s24 =	sadd.s32 s9, s21;
	s6 =	sadd.s32 s6, s23;
	[dreg:$0x7] =	wrdreg s20  }
0x12: {  	s16 =	smax.u32 s2, $0x1;
	s17 =	sadd.s32 $0x278, s8;
	[dreg:$0x8] =	wrdreg s7  }
0x13: {  	s18 =	sadd.s32 $0x4F8, s8;
	s19 =	sadd.s32 $0x778, s8;
	[dreg:$0x9] =	wrdreg s22  }
.Ltmp0:
0x14: {  	s21 =	sadd.s32 $0x8, s26;
	[dreg:$0xa] =	wrdreg s24;
	(pc) =	sbr.rel .LBB2_1-.Ltmp0, $4  }
0x15: {  	s0 =	simm.s32 $0x17100;
	s2 =	simm.s32 $0x1;
	[dreg:$0xb] =	wrdreg s6  }
0x16: {  	s7 =	sadd.s32 s9, s23;
	s20 =	sadd.s32 $0x9F8, s8;
	s22 =	sadd.s32 $0x288, s26  }
0x17: {  	s23 =	sadd.s32 $0x508, s26;
	s24 =	sadd.s32 $0x788, s26;
	s26 =	simm.s32 $0x13C00  }
0x18: {  	s6 =	simm.s32 $0x14FC0;
	[dreg:$0xc] =	wrdreg s7;
	s7 =	simm.s32 $0x0  }
.LBB2_13:
0x19: {  	[bflag:$0x0] =	sbarrier.arrive $0xFFFF  }
0x1a: {  	[bflag:$0x0] =	sbarrier.arrive $0xFFFF  }
.LBB2_11:
0x1b: {  	s7 =	sadd.s32 $0x1, s7  }
0x1c: {  	p1 =	sne.s32 s7, s16  }
.Ltmp1:
0x1d: {  	_ = 	snop;
	(pc) =	sbr.rel @!p1 .LBB2_12-.Ltmp1, $1  }
0x1e: {  	_ =	sdelay $0x3  }
.LBB2_1:
.Ltmp2:
0x1f: {  	(pc) =	sbr.rel @p0 .LBB2_13-.Ltmp2, $1  }
0x20: {  	_ =	sdelay $0x3  }
0x21: {  	s9 =	stileid.u32  }
0x22: {  	s10 =	rddreg [dreg:$0x5];
	s9 =	sshll.u32 s9, $0x6  }
0x23: {  	s11 =	rddreg [dreg:$0x4];
	s10 =	sshrl.u32 s10, $0x3;
	s9 =	sor.u32 $0x1C03, s9  }
0x24: {  	[spmem:s10], [sflag:s9] =	dma.local [hbm:s11], $0x2780  }
0x25: {  	_ =	swait.ge [sflag:s25], $0x2780  }
0x26: {  	[sflag:s25] =	ssyncset.done $0x0  }
0x27: {  	[sflag:s25] =	ssyncadd.s32 $0xFFFFD880  }
0x28: {  	[bflag:$0x0] =	sbarrier.arrive $0xFFFF  }
0x29: {  	s12 =	rddreg [dreg:$0x6]  }
0x2a: {  	[tilespmem:s26], [sflag:$0x3] =	stream.linear.gather [hbm4b:s12+s4], $0x1400, $0x38;
	[tilespmem:$0x19100] =	vst v63  }
0x2b: {  	_ =	swait.ge [sflag:s25], $0x1400  }
0x2c: {  	[sflag:s25] =	ssyncset.done $0x0  }
0x2d: {  	[sflag:s25] =	ssyncadd.s32 $0xFFFFEC00  }
0x2e: {  	[tilespmem:s28], [sflag:$0x2] =	stream.linear.gather [hbm4b:s8+s4], $0x40, $0x38;
	[tilespmem:$0x19100] =	vst v63  }
0x2f: {  	_ = 	snop  }
0x30: {  	[tilespmem:s30], [sflag:$0x1] =	stream.indirect.gather [hbm4b:s1+s29], $0x80, s26, s29, $0xb8;
	[tilespmem:$0x19100] =	vst v63  }
0x31: {  	_ = 	snop  }
0x32: {  	[tilespmem:s31], [sflag:$0x2] =	stream.linear.gather [hbm4b:s21+s4], $0x40, $0x38;
	[tilespmem:$0x19100] =	vst v63  }
0x33: {  	s13 =	simm.s32 $0x13C40  }
0x34: {  	[tilespmem:s0], [sflag:$0x1] =	stream.indirect.gather [hbm4b:s1+s29], $0x80, s13, s29, $0xb8;
	[tilespmem:$0x19100] =	vst v63  }
0x35: {  	_ =	swait.ge [sflag:s2], $0x2000  }
0x36: {  	[sflag:s2] =	ssyncset.done $0x0  }
0x37: {  	[sflag:s2] =	ssyncadd.s32 $0xFFFFE000  }
0x38: {  	_ =	swait.ge [sflag:s5], $0x40  }
0x39: {  	[sflag:s5] =	ssyncset.done $0x0  }
0x3a: {  	[sflag:s5] =	ssyncadd.s32 $0xFFFFFFC0  }
0x3b: {  	[spmem:s3] =	stream.indirect.scatter.add.f32 [tilespmem:s30], [sflag:$0x3], $0x80, s28, s29, $0xb8;
	[tilespmem:$0x19100] =	vst v63  }
0x3c: {  	_ =	swait.ge [sflag:s25], $0x2000  }
0x3d: {  	[sflag:s25] =	ssyncset.done $0x0  }
0x3e: {  	s14 =	sadd.s32 $0x8, s21;
	[sflag:s25] =	ssyncadd.s32 $0xFFFFE000  }
0x3f: {  	[tilespmem:s28], [sflag:$0x2] =	stream.linear.gather [hbm4b:s14+s4], $0x40, $0x38;
	[tilespmem:$0x19100] =	vst v63  }
0x40: {  	s15 =	simm.s32 $0x13C80  }
0x41: {  	[tilespmem:s30], [sflag:$0x1] =	stream.indirect.gather [hbm4b:s1+s29], $0x80, s15, s29, $0xb8;
	[tilespmem:$0x19100] =	vst v63  }
0x42: {  	_ =	swait.ge [sflag:s2], $0x2000  }
0x43: {  	[sflag:s2] =	ssyncset.done $0x0  }
0x44: {  	[sflag:s2] =	ssyncadd.s32 $0xFFFFE000  }
0x45: {  	_ =	swait.ge [sflag:s5], $0x40  }
0x46: {  	[sflag:s5] =	ssyncset.done $0x0  }
0x47: {  	[sflag:s5] =	ssyncadd.s32 $0xFFFFFFC0  }
0x48: {  	[spmem:s3] =	stream.indirect.scatter.add.f32 [tilespmem:s0], [sflag:$0x3], $0x80, s31, s29, $0xb8;
	[tilespmem:$0x19100] =	vst v63  }
0x49: {  	_ =	swait.ge [sflag:s25], $0x2000  }
0x4a: {  	s11 =	sadd.s32 $0x10, s21;
	s12 =	simm.s32 $0xFFFFB400;
	[sflag:s25] =	ssyncset.done $0x0  }
.LBB2_3:
0x4b: {  	s14 =	smov.u32 s12  }
0x4c: {  	s13 =	sshra.s32 s12, $0x2;
	[sflag:s25] =	ssyncadd.s32 $0xFFFFE000;
	s14 =	sadd.s32 $0x200, s12  }
0x4d: {  	[tilespmem:s31], [sflag:$0x2] =	stream.linear.gather [hbm4b:s11+s4], $0x40, $0x38;
	[tilespmem:$0x19100] =	vst v63  }
0x4e: {  	p1 =	sne.s32 s12, $0xFFFFFE00;
	s15 =	sadd.s32 $0x14FC0, s13  }
0x4f: {  	[tilespmem:s0], [sflag:$0x1] =	stream.indirect.gather [hbm4b:s1+s29], $0x80, s15, s29, $0xb8;
	[tilespmem:$0x19100] =	vst v63  }
0x50: {  	_ =	swait.ge [sflag:s2], $0x2000  }
0x51: {  	[sflag:s2] =	ssyncset.done $0x0  }
0x52: {  	[sflag:s2] =	ssyncadd.s32 $0xFFFFE000  }
0x53: {  	_ =	swait.ge [sflag:s5], $0x40  }
0x54: {  	[sflag:s5] =	ssyncset.done $0x0  }
0x55: {  	[sflag:s5] =	ssyncadd.s32 $0xFFFFFFC0  }
0x56: {  	[spmem:s3] =	stream.indirect.scatter.add.f32 [tilespmem:s30], [sflag:$0x3], $0x80, s28, s29, $0xb8;
	[tilespmem:$0x19100] =	vst v63  }
0x57: {  	_ =	swait.ge [sflag:s25], $0x2000  }
0x58: {  	[sflag:s25] =	ssyncset.done $0x0  }
0x59: {  	s12 =	sadd.s32 $0x8, s11;
	[sflag:s25] =	ssyncadd.s32 $0xFFFFE000  }
0x5a: {  	[tilespmem:s28], [sflag:$0x2] =	stream.linear.gather [hbm4b:s12+s4], $0x40, $0x38;
	[tilespmem:$0x19100] =	vst v63  }
0x5b: {  	s12 =	sadd.s32 $0x15000, s13  }
0x5c: {  	[tilespmem:s30], [sflag:$0x1] =	stream.indirect.gather [hbm4b:s1+s29], $0x80, s12, s29, $0xb8;
	[tilespmem:$0x19100] =	vst v63  }
0x5d: {  	_ =	swait.ge [sflag:s2], $0x2000  }
0x5e: {  	[sflag:s2] =	ssyncset.done $0x0  }
0x5f: {  	[sflag:s2] =	ssyncadd.s32 $0xFFFFE000  }
0x60: {  	_ =	swait.ge [sflag:s5], $0x40  }
.Ltmp3:
0x61: {  	[sflag:s5] =	ssyncset.done $0x0;
	(pc) =	sbr.rel @p1 .LBB2_3-.Ltmp3, $4  }
0x62: {  	[sflag:s5] =	ssyncadd.s32 $0xFFFFFFC0  }
0x63: {  	[spmem:s3] =	stream.indirect.scatter.add.f32 [tilespmem:s0], [sflag:$0x3], $0x80, s31, s29, $0xb8;
	[tilespmem:$0x19100] =	vst v63  }
0x64: {  	_ =	swait.ge [sflag:s25], $0x2000  }
0x65: {  	s11 =	sadd.s32 $0x10, s11;
	s12 =	smov.u32 s14;
	[sflag:s25] =	ssyncset.done $0x0  }
0x66: {  	[sflag:s25] =	ssyncadd.s32 $0xFFFFE000  }
0x67: {  	[tilespmem:s31], [sflag:$0x2] =	stream.linear.gather [hbm4b:s17+s4], $0x40, $0x38;
	[tilespmem:$0x19100] =	vst v63  }
0x68: {  	_ = 	snop  }
0x69: {  	[tilespmem:s0], [sflag:$0x1] =	stream.indirect.gather [hbm4b:s1+s29], $0x80, s6, s29, $0xb8;
	[tilespmem:$0x19100] =	vst v63  }
0x6a: {  	_ =	swait.ge [sflag:s2], $0x2000  }
0x6b: {  	[sflag:s2] =	ssyncset.done $0x0  }
0x6c: {  	[sflag:s2] =	ssyncadd.s32 $0xFFFFE000  }
0x6d: {  	_ =	swait.ge [sflag:s5], $0x40  }
0x6e: {  	[sflag:s5] =	ssyncset.done $0x0  }
0x6f: {  	[sflag:s5] =	ssyncadd.s32 $0xFFFFFFC0  }
0x70: {  	[spmem:s3] =	stream.indirect.scatter.add.f32 [tilespmem:s30], [sflag:$0x3], $0x80, s28, s29, $0xb8;
	[tilespmem:$0x19100] =	vst v63  }
0x71: {  	_ =	swait.ge [sflag:s25], $0x2000  }
0x72: {  	[sflag:s25] =	ssyncset.done $0x0  }
0x73: {  	[sflag:s25] =	ssyncadd.s32 $0xFFFFE000  }
0x74: {  	_ =	swait.ge [sflag:s2], $0x2000  }
0x75: {  	[sflag:s2] =	ssyncset.done $0x0  }
0x76: {  	[sflag:s2] =	ssyncadd.s32 $0xFFFFE000  }
0x77: {  	_ =	swait.ge [sflag:s5], $0x40  }
0x78: {  	[sflag:s5] =	ssyncset.done $0x0  }
0x79: {  	[sflag:s5] =	ssyncadd.s32 $0xFFFFFFC0  }
0x7a: {  	[spmem:s3] =	stream.indirect.scatter.add.f32 [tilespmem:s0], [sflag:$0x3], $0x80, s31, s29, $0xb8;
	[tilespmem:$0x19100] =	vst v63  }
0x7b: {  	_ =	swait.ge [sflag:s25], $0x2000  }
0x7c: {  	[sflag:s25] =	ssyncset.done $0x0  }
0x7d: {  	s11 =	rddreg [dreg:$0x7];
	[sflag:s25] =	ssyncadd.s32 $0xFFFFE000  }
0x7e: {  	[tilespmem:s26], [sflag:$0x3] =	stream.linear.gather [hbm4b:s11+s4], $0x1400, $0x38;
	[tilespmem:$0x19100] =	vst v63  }
0x7f: {  	_ =	swait.ge [sflag:s25], $0x1400  }
0x80: {  	[sflag:s25] =	ssyncset.done $0x0  }
0x81: {  	s12 =	rddreg [dreg:$0x8];
	[sflag:s25] =	ssyncadd.s32 $0xFFFFEC00  }
0x82: {  	[tilespmem:s28], [sflag:$0x2] =	stream.linear.gather [hbm4b:s12+s4], $0x40, $0x38;
	[tilespmem:$0x19100] =	vst v63  }
0x83: {  	_ = 	snop  }
0x84: {  	[tilespmem:s30], [sflag:$0x1] =	stream.indirect.gather [hbm4b:s1+s29], $0x80, s26, s29, $0xb8;
	[tilespmem:$0x19100] =	vst v63  }
0x85: {  	_ = 	snop  }
0x86: {  	[tilespmem:s31], [sflag:$0x2] =	stream.linear.gather [hbm4b:s22+s4], $0x40, $0x38;
	[tilespmem:$0x19100] =	vst v63  }
0x87: {  	s13 =	simm.s32 $0x13C40  }
0x88: {  	[tilespmem:s0], [sflag:$0x1] =	stream.indirect.gather [hbm4b:s1+s29], $0x80, s13, s29, $0xb8;
	[tilespmem:$0x19100] =	vst v63  }
0x89: {  	_ =	swait.ge [sflag:s2], $0x2000  }
0x8a: {  	[sflag:s2] =	ssyncset.done $0x0  }
0x8b: {  	[sflag:s2] =	ssyncadd.s32 $0xFFFFE000  }
0x8c: {  	_ =	swait.ge [sflag:s5], $0x40  }
0x8d: {  	[sflag:s5] =	ssyncset.done $0x0  }
0x8e: {  	[sflag:s5] =	ssyncadd.s32 $0xFFFFFFC0  }
0x8f: {  	[spmem:s3] =	stream.indirect.scatter.add.f32 [tilespmem:s30], [sflag:$0x3], $0x80, s28, s29, $0xb8;
	[tilespmem:$0x19100] =	vst v63  }
0x90: {  	_ =	swait.ge [sflag:s25], $0x2000  }
0x91: {  	[sflag:s25] =	ssyncset.done $0x0  }
0x92: {  	s14 =	sadd.s32 $0x8, s22;
	[sflag:s25] =	ssyncadd.s32 $0xFFFFE000  }
0x93: {  	[tilespmem:s28], [sflag:$0x2] =	stream.linear.gather [hbm4b:s14+s4], $0x40, $0x38;
	[tilespmem:$0x19100] =	vst v63  }
0x94: {  	s15 =	simm.s32 $0x13C80  }
0x95: {  	[tilespmem:s30], [sflag:$0x1] =	stream.indirect.gather [hbm4b:s1+s29], $0x80, s15, s29, $0xb8;
	[tilespmem:$0x19100] =	vst v63  }
0x96: {  	_ =	swait.ge [sflag:s2], $0x2000  }
0x97: {  	[sflag:s2] =	ssyncset.done $0x0  }
0x98: {  	[sflag:s2] =	ssyncadd.s32 $0xFFFFE000  }
0x99: {  	_ =	swait.ge [sflag:s5], $0x40  }
0x9a: {  	[sflag:s5] =	ssyncset.done $0x0  }
0x9b: {  	[sflag:s5] =	ssyncadd.s32 $0xFFFFFFC0  }
0x9c: {  	[spmem:s3] =	stream.indirect.scatter.add.f32 [tilespmem:s0], [sflag:$0x3], $0x80, s31, s29, $0xb8;
	[tilespmem:$0x19100] =	vst v63  }
0x9d: {  	_ =	swait.ge [sflag:s25], $0x2000  }
0x9e: {  	s11 =	sadd.s32 $0x10, s22;
	s12 =	simm.s32 $0xFFFFB400;
	[sflag:s25] =	ssyncset.done $0x0  }
.LBB2_5:
0x9f: {  	s14 =	smov.u32 s12  }
0xa0: {  	s13 =	sshra.s32 s12, $0x2;
	[sflag:s25] =	ssyncadd.s32 $0xFFFFE000;
	s14 =	sadd.s32 $0x200, s12  }
0xa1: {  	[tilespmem:s31], [sflag:$0x2] =	stream.linear.gather [hbm4b:s11+s4], $0x40, $0x38;
	[tilespmem:$0x19100] =	vst v63  }
0xa2: {  	p1 =	sne.s32 s12, $0xFFFFFE00;
	s15 =	sadd.s32 $0x14FC0, s13  }
0xa3: {  	[tilespmem:s0], [sflag:$0x1] =	stream.indirect.gather [hbm4b:s1+s29], $0x80, s15, s29, $0xb8;
	[tilespmem:$0x19100] =	vst v63  }
0xa4: {  	_ =	swait.ge [sflag:s2], $0x2000  }
0xa5: {  	[sflag:s2] =	ssyncset.done $0x0  }
0xa6: {  	[sflag:s2] =	ssyncadd.s32 $0xFFFFE000  }
0xa7: {  	_ =	swait.ge [sflag:s5], $0x40  }
0xa8: {  	[sflag:s5] =	ssyncset.done $0x0  }
0xa9: {  	[sflag:s5] =	ssyncadd.s32 $0xFFFFFFC0  }
0xaa: {  	[spmem:s3] =	stream.indirect.scatter.add.f32 [tilespmem:s30], [sflag:$0x3], $0x80, s28, s29, $0xb8;
	[tilespmem:$0x19100] =	vst v63  }
0xab: {  	_ =	swait.ge [sflag:s25], $0x2000  }
0xac: {  	[sflag:s25] =	ssyncset.done $0x0  }
0xad: {  	s12 =	sadd.s32 $0x8, s11;
	[sflag:s25] =	ssyncadd.s32 $0xFFFFE000  }
0xae: {  	[tilespmem:s28], [sflag:$0x2] =	stream.linear.gather [hbm4b:s12+s4], $0x40, $0x38;
	[tilespmem:$0x19100] =	vst v63  }
0xaf: {  	s12 =	sadd.s32 $0x15000, s13  }
0xb0: {  	[tilespmem:s30], [sflag:$0x1] =	stream.indirect.gather [hbm4b:s1+s29], $0x80, s12, s29, $0xb8;
	[tilespmem:$0x19100] =	vst v63  }
0xb1: {  	_ =	swait.ge [sflag:s2], $0x2000  }
0xb2: {  	[sflag:s2] =	ssyncset.done $0x0  }
0xb3: {  	[sflag:s2] =	ssyncadd.s32 $0xFFFFE000  }
0xb4: {  	_ =	swait.ge [sflag:s5], $0x40  }
.Ltmp4:
0xb5: {  	[sflag:s5] =	ssyncset.done $0x0;
	(pc) =	sbr.rel @p1 .LBB2_5-.Ltmp4, $4  }
0xb6: {  	[sflag:s5] =	ssyncadd.s32 $0xFFFFFFC0  }
0xb7: {  	[spmem:s3] =	stream.indirect.scatter.add.f32 [tilespmem:s0], [sflag:$0x3], $0x80, s31, s29, $0xb8;
	[tilespmem:$0x19100] =	vst v63  }
0xb8: {  	_ =	swait.ge [sflag:s25], $0x2000  }
0xb9: {  	s11 =	sadd.s32 $0x10, s11;
	s12 =	smov.u32 s14;
	[sflag:s25] =	ssyncset.done $0x0  }
0xba: {  	[sflag:s25] =	ssyncadd.s32 $0xFFFFE000  }
0xbb: {  	[tilespmem:s31], [sflag:$0x2] =	stream.linear.gather [hbm4b:s18+s4], $0x40, $0x38;
	[tilespmem:$0x19100] =	vst v63  }
0xbc: {  	_ = 	snop  }
0xbd: {  	[tilespmem:s0], [sflag:$0x1] =	stream.indirect.gather [hbm4b:s1+s29], $0x80, s6, s29, $0xb8;
	[tilespmem:$0x19100] =	vst v63  }
0xbe: {  	_ =	swait.ge [sflag:s2], $0x2000  }
0xbf: {  	[sflag:s2] =	ssyncset.done $0x0  }
0xc0: {  	[sflag:s2] =	ssyncadd.s32 $0xFFFFE000  }
0xc1: {  	_ =	swait.ge [sflag:s5], $0x40  }
0xc2: {  	[sflag:s5] =	ssyncset.done $0x0  }
0xc3: {  	[sflag:s5] =	ssyncadd.s32 $0xFFFFFFC0  }
0xc4: {  	[spmem:s3] =	stream.indirect.scatter.add.f32 [tilespmem:s30], [sflag:$0x3], $0x80, s28, s29, $0xb8;
	[tilespmem:$0x19100] =	vst v63  }
0xc5: {  	_ =	swait.ge [sflag:s25], $0x2000  }
0xc6: {  	[sflag:s25] =	ssyncset.done $0x0  }
0xc7: {  	[sflag:s25] =	ssyncadd.s32 $0xFFFFE000  }
0xc8: {  	_ =	swait.ge [sflag:s2], $0x2000  }
0xc9: {  	[sflag:s2] =	ssyncset.done $0x0  }
0xca: {  	[sflag:s2] =	ssyncadd.s32 $0xFFFFE000  }
0xcb: {  	_ =	swait.ge [sflag:s5], $0x40  }
0xcc: {  	[sflag:s5] =	ssyncset.done $0x0  }
0xcd: {  	[sflag:s5] =	ssyncadd.s32 $0xFFFFFFC0  }
0xce: {  	[spmem:s3] =	stream.indirect.scatter.add.f32 [tilespmem:s0], [sflag:$0x3], $0x80, s31, s29, $0xb8;
	[tilespmem:$0x19100] =	vst v63  }
0xcf: {  	_ =	swait.ge [sflag:s25], $0x2000  }
0xd0: {  	[sflag:s25] =	ssyncset.done $0x0  }
0xd1: {  	s11 =	rddreg [dreg:$0x9];
	[sflag:s25] =	ssyncadd.s32 $0xFFFFE000  }
0xd2: {  	[tilespmem:s26], [sflag:$0x3] =	stream.linear.gather [hbm4b:s11+s4], $0x1400, $0x38;
	[tilespmem:$0x19100] =	vst v63  }
0xd3: {  	_ =	swait.ge [sflag:s25], $0x1400  }
0xd4: {  	[sflag:s25] =	ssyncset.done $0x0  }
0xd5: {  	s12 =	rddreg [dreg:$0xa];
	[sflag:s25] =	ssyncadd.s32 $0xFFFFEC00  }
0xd6: {  	[tilespmem:s28], [sflag:$0x2] =	stream.linear.gather [hbm4b:s12+s4], $0x40, $0x38;
	[tilespmem:$0x19100] =	vst v63  }
0xd7: {  	_ = 	snop  }
0xd8: {  	[tilespmem:s30], [sflag:$0x1] =	stream.indirect.gather [hbm4b:s1+s29], $0x80, s26, s29, $0xb8;
	[tilespmem:$0x19100] =	vst v63  }
0xd9: {  	_ = 	snop  }
0xda: {  	[tilespmem:s31], [sflag:$0x2] =	stream.linear.gather [hbm4b:s23+s4], $0x40, $0x38;
	[tilespmem:$0x19100] =	vst v63  }
0xdb: {  	s13 =	simm.s32 $0x13C40  }
0xdc: {  	[tilespmem:s0], [sflag:$0x1] =	stream.indirect.gather [hbm4b:s1+s29], $0x80, s13, s29, $0xb8;
	[tilespmem:$0x19100] =	vst v63  }
0xdd: {  	_ =	swait.ge [sflag:s2], $0x2000  }
0xde: {  	[sflag:s2] =	ssyncset.done $0x0  }
0xdf: {  	[sflag:s2] =	ssyncadd.s32 $0xFFFFE000  }
0xe0: {  	_ =	swait.ge [sflag:s5], $0x40  }
0xe1: {  	[sflag:s5] =	ssyncset.done $0x0  }
0xe2: {  	[sflag:s5] =	ssyncadd.s32 $0xFFFFFFC0  }
0xe3: {  	[spmem:s3] =	stream.indirect.scatter.add.f32 [tilespmem:s30], [sflag:$0x3], $0x80, s28, s29, $0xb8;
	[tilespmem:$0x19100] =	vst v63  }
0xe4: {  	_ =	swait.ge [sflag:s25], $0x2000  }
0xe5: {  	[sflag:s25] =	ssyncset.done $0x0  }
0xe6: {  	s14 =	sadd.s32 $0x8, s23;
	[sflag:s25] =	ssyncadd.s32 $0xFFFFE000  }
0xe7: {  	[tilespmem:s28], [sflag:$0x2] =	stream.linear.gather [hbm4b:s14+s4], $0x40, $0x38;
	[tilespmem:$0x19100] =	vst v63  }
0xe8: {  	s15 =	simm.s32 $0x13C80  }
0xe9: {  	[tilespmem:s30], [sflag:$0x1] =	stream.indirect.gather [hbm4b:s1+s29], $0x80, s15, s29, $0xb8;
	[tilespmem:$0x19100] =	vst v63  }
0xea: {  	_ =	swait.ge [sflag:s2], $0x2000  }
0xeb: {  	[sflag:s2] =	ssyncset.done $0x0  }
0xec: {  	[sflag:s2] =	ssyncadd.s32 $0xFFFFE000  }
0xed: {  	_ =	swait.ge [sflag:s5], $0x40  }
0xee: {  	[sflag:s5] =	ssyncset.done $0x0  }
0xef: {  	[sflag:s5] =	ssyncadd.s32 $0xFFFFFFC0  }
0xf0: {  	[spmem:s3] =	stream.indirect.scatter.add.f32 [tilespmem:s0], [sflag:$0x3], $0x80, s31, s29, $0xb8;
	[tilespmem:$0x19100] =	vst v63  }
0xf1: {  	_ =	swait.ge [sflag:s25], $0x2000  }
0xf2: {  	s11 =	sadd.s32 $0x10, s23;
	s12 =	simm.s32 $0xFFFFB400;
	[sflag:s25] =	ssyncset.done $0x0  }
.LBB2_7:
0xf3: {  	s14 =	smov.u32 s12  }
0xf4: {  	s13 =	sshra.s32 s12, $0x2;
	[sflag:s25] =	ssyncadd.s32 $0xFFFFE000;
	s14 =	sadd.s32 $0x200, s12  }
0xf5: {  	[tilespmem:s31], [sflag:$0x2] =	stream.linear.gather [hbm4b:s11+s4], $0x40, $0x38;
	[tilespmem:$0x19100] =	vst v63  }
0xf6: {  	p1 =	sne.s32 s12, $0xFFFFFE00;
	s15 =	sadd.s32 $0x14FC0, s13  }
0xf7: {  	[tilespmem:s0], [sflag:$0x1] =	stream.indirect.gather [hbm4b:s1+s29], $0x80, s15, s29, $0xb8;
	[tilespmem:$0x19100] =	vst v63  }
0xf8: {  	_ =	swait.ge [sflag:s2], $0x2000  }
0xf9: {  	[sflag:s2] =	ssyncset.done $0x0  }
0xfa: {  	[sflag:s2] =	ssyncadd.s32 $0xFFFFE000  }
0xfb: {  	_ =	swait.ge [sflag:s5], $0x40  }
0xfc: {  	[sflag:s5] =	ssyncset.done $0x0  }
0xfd: {  	[sflag:s5] =	ssyncadd.s32 $0xFFFFFFC0  }
0xfe: {  	[spmem:s3] =	stream.indirect.scatter.add.f32 [tilespmem:s30], [sflag:$0x3], $0x80, s28, s29, $0xb8;
	[tilespmem:$0x19100] =	vst v63  }
0xff: {  	_ =	swait.ge [sflag:s25], $0x2000  }
0x100: {  	[sflag:s25] =	ssyncset.done $0x0  }
0x101: {  	s12 =	sadd.s32 $0x8, s11;
	[sflag:s25] =	ssyncadd.s32 $0xFFFFE000  }
0x102: {  	[tilespmem:s28], [sflag:$0x2] =	stream.linear.gather [hbm4b:s12+s4], $0x40, $0x38;
	[tilespmem:$0x19100] =	vst v63  }
0x103: {  	s12 =	sadd.s32 $0x15000, s13  }
0x104: {  	[tilespmem:s30], [sflag:$0x1] =	stream.indirect.gather [hbm4b:s1+s29], $0x80, s12, s29, $0xb8;
	[tilespmem:$0x19100] =	vst v63  }
0x105: {  	_ =	swait.ge [sflag:s2], $0x2000  }
0x106: {  	[sflag:s2] =	ssyncset.done $0x0  }
0x107: {  	[sflag:s2] =	ssyncadd.s32 $0xFFFFE000  }
0x108: {  	_ =	swait.ge [sflag:s5], $0x40  }
.Ltmp5:
0x109: {  	[sflag:s5] =	ssyncset.done $0x0;
	(pc) =	sbr.rel @p1 .LBB2_7-.Ltmp5, $4  }
0x10a: {  	[sflag:s5] =	ssyncadd.s32 $0xFFFFFFC0  }
0x10b: {  	[spmem:s3] =	stream.indirect.scatter.add.f32 [tilespmem:s0], [sflag:$0x3], $0x80, s31, s29, $0xb8;
	[tilespmem:$0x19100] =	vst v63  }
0x10c: {  	_ =	swait.ge [sflag:s25], $0x2000  }
0x10d: {  	s11 =	sadd.s32 $0x10, s11;
	s12 =	smov.u32 s14;
	[sflag:s25] =	ssyncset.done $0x0  }
0x10e: {  	[sflag:s25] =	ssyncadd.s32 $0xFFFFE000  }
0x10f: {  	[tilespmem:s31], [sflag:$0x2] =	stream.linear.gather [hbm4b:s19+s4], $0x40, $0x38;
	[tilespmem:$0x19100] =	vst v63  }
0x110: {  	_ = 	snop  }
0x111: {  	[tilespmem:s0], [sflag:$0x1] =	stream.indirect.gather [hbm4b:s1+s29], $0x80, s6, s29, $0xb8;
	[tilespmem:$0x19100] =	vst v63  }
0x112: {  	_ =	swait.ge [sflag:s2], $0x2000  }
0x113: {  	[sflag:s2] =	ssyncset.done $0x0  }
0x114: {  	[sflag:s2] =	ssyncadd.s32 $0xFFFFE000  }
0x115: {  	_ =	swait.ge [sflag:s5], $0x40  }
0x116: {  	[sflag:s5] =	ssyncset.done $0x0  }
0x117: {  	[sflag:s5] =	ssyncadd.s32 $0xFFFFFFC0  }
0x118: {  	[spmem:s3] =	stream.indirect.scatter.add.f32 [tilespmem:s30], [sflag:$0x3], $0x80, s28, s29, $0xb8;
	[tilespmem:$0x19100] =	vst v63  }
0x119: {  	_ =	swait.ge [sflag:s25], $0x2000  }
0x11a: {  	[sflag:s25] =	ssyncset.done $0x0  }
0x11b: {  	[sflag:s25] =	ssyncadd.s32 $0xFFFFE000  }
0x11c: {  	_ =	swait.ge [sflag:s2], $0x2000  }
0x11d: {  	[sflag:s2] =	ssyncset.done $0x0  }
0x11e: {  	[sflag:s2] =	ssyncadd.s32 $0xFFFFE000  }
0x11f: {  	_ =	swait.ge [sflag:s5], $0x40  }
0x120: {  	[sflag:s5] =	ssyncset.done $0x0  }
0x121: {  	[sflag:s5] =	ssyncadd.s32 $0xFFFFFFC0  }
0x122: {  	[spmem:s3] =	stream.indirect.scatter.add.f32 [tilespmem:s0], [sflag:$0x3], $0x80, s31, s29, $0xb8;
	[tilespmem:$0x19100] =	vst v63  }
0x123: {  	_ =	swait.ge [sflag:s25], $0x2000  }
0x124: {  	[sflag:s25] =	ssyncset.done $0x0  }
0x125: {  	s11 =	rddreg [dreg:$0xb];
	[sflag:s25] =	ssyncadd.s32 $0xFFFFE000  }
0x126: {  	[tilespmem:s26], [sflag:$0x3] =	stream.linear.gather [hbm4b:s11+s4], $0x1400, $0x38;
	[tilespmem:$0x19100] =	vst v63  }
0x127: {  	_ =	swait.ge [sflag:s25], $0x1400  }
0x128: {  	[sflag:s25] =	ssyncset.done $0x0  }
0x129: {  	s12 =	rddreg [dreg:$0xc];
	[sflag:s25] =	ssyncadd.s32 $0xFFFFEC00  }
0x12a: {  	[tilespmem:s28], [sflag:$0x2] =	stream.linear.gather [hbm4b:s12+s4], $0x40, $0x38;
	[tilespmem:$0x19100] =	vst v63  }
0x12b: {  	_ = 	snop  }
0x12c: {  	[tilespmem:s30], [sflag:$0x1] =	stream.indirect.gather [hbm4b:s1+s29], $0x80, s26, s29, $0xb8;
	[tilespmem:$0x19100] =	vst v63  }
0x12d: {  	_ = 	snop  }
0x12e: {  	[tilespmem:s31], [sflag:$0x2] =	stream.linear.gather [hbm4b:s24+s4], $0x40, $0x38;
	[tilespmem:$0x19100] =	vst v63  }
0x12f: {  	s13 =	simm.s32 $0x13C40  }
0x130: {  	[tilespmem:s0], [sflag:$0x1] =	stream.indirect.gather [hbm4b:s1+s29], $0x80, s13, s29, $0xb8;
	[tilespmem:$0x19100] =	vst v63  }
0x131: {  	_ =	swait.ge [sflag:s2], $0x2000  }
0x132: {  	[sflag:s2] =	ssyncset.done $0x0  }
0x133: {  	[sflag:s2] =	ssyncadd.s32 $0xFFFFE000  }
0x134: {  	_ =	swait.ge [sflag:s5], $0x40  }
0x135: {  	[sflag:s5] =	ssyncset.done $0x0  }
0x136: {  	[sflag:s5] =	ssyncadd.s32 $0xFFFFFFC0  }
0x137: {  	[spmem:s3] =	stream.indirect.scatter.add.f32 [tilespmem:s30], [sflag:$0x3], $0x80, s28, s29, $0xb8;
	[tilespmem:$0x19100] =	vst v63  }
0x138: {  	_ =	swait.ge [sflag:s25], $0x2000  }
0x139: {  	[sflag:s25] =	ssyncset.done $0x0  }
0x13a: {  	s14 =	sadd.s32 $0x8, s24;
	[sflag:s25] =	ssyncadd.s32 $0xFFFFE000  }
0x13b: {  	[tilespmem:s28], [sflag:$0x2] =	stream.linear.gather [hbm4b:s14+s4], $0x40, $0x38;
	[tilespmem:$0x19100] =	vst v63  }
0x13c: {  	s15 =	simm.s32 $0x13C80  }
0x13d: {  	[tilespmem:s30], [sflag:$0x1] =	stream.indirect.gather [hbm4b:s1+s29], $0x80, s15, s29, $0xb8;
	[tilespmem:$0x19100] =	vst v63  }
0x13e: {  	_ =	swait.ge [sflag:s2], $0x2000  }
0x13f: {  	[sflag:s2] =	ssyncset.done $0x0  }
0x140: {  	[sflag:s2] =	ssyncadd.s32 $0xFFFFE000  }
0x141: {  	_ =	swait.ge [sflag:s5], $0x40  }
0x142: {  	[sflag:s5] =	ssyncset.done $0x0  }
0x143: {  	[sflag:s5] =	ssyncadd.s32 $0xFFFFFFC0  }
0x144: {  	[spmem:s3] =	stream.indirect.scatter.add.f32 [tilespmem:s0], [sflag:$0x3], $0x80, s31, s29, $0xb8;
	[tilespmem:$0x19100] =	vst v63  }
0x145: {  	_ =	swait.ge [sflag:s25], $0x2000  }
0x146: {  	s11 =	sadd.s32 $0x10, s24;
	s12 =	simm.s32 $0xFFFFB400;
	[sflag:s25] =	ssyncset.done $0x0  }
.LBB2_9:
0x147: {  	s14 =	smov.u32 s12  }
0x148: {  	s13 =	sshra.s32 s12, $0x2;
	[sflag:s25] =	ssyncadd.s32 $0xFFFFE000;
	s14 =	sadd.s32 $0x200, s12  }
0x149: {  	[tilespmem:s31], [sflag:$0x2] =	stream.linear.gather [hbm4b:s11+s4], $0x40, $0x38;
	[tilespmem:$0x19100] =	vst v63  }
0x14a: {  	p1 =	seq.s32 s12, $0xFFFFFE00;
	s15 =	sadd.s32 $0x14FC0, s13  }
0x14b: {  	[tilespmem:s0], [sflag:$0x1] =	stream.indirect.gather [hbm4b:s1+s29], $0x80, s15, s29, $0xb8;
	[tilespmem:$0x19100] =	vst v63  }
0x14c: {  	_ =	swait.ge [sflag:s2], $0x2000  }
0x14d: {  	[sflag:s2] =	ssyncset.done $0x0  }
0x14e: {  	[sflag:s2] =	ssyncadd.s32 $0xFFFFE000  }
0x14f: {  	_ =	swait.ge [sflag:s5], $0x40  }
0x150: {  	[sflag:s5] =	ssyncset.done $0x0  }
0x151: {  	[sflag:s5] =	ssyncadd.s32 $0xFFFFFFC0  }
0x152: {  	[spmem:s3] =	stream.indirect.scatter.add.f32 [tilespmem:s30], [sflag:$0x3], $0x80, s28, s29, $0xb8;
	[tilespmem:$0x19100] =	vst v63  }
0x153: {  	_ =	swait.ge [sflag:s25], $0x2000  }
0x154: {  	[sflag:s25] =	ssyncset.done $0x0  }
0x155: {  	s12 =	sadd.s32 $0x8, s11;
	[sflag:s25] =	ssyncadd.s32 $0xFFFFE000  }
0x156: {  	[tilespmem:s28], [sflag:$0x2] =	stream.linear.gather [hbm4b:s12+s4], $0x40, $0x38;
	[tilespmem:$0x19100] =	vst v63  }
0x157: {  	s12 =	sadd.s32 $0x15000, s13  }
0x158: {  	[tilespmem:s30], [sflag:$0x1] =	stream.indirect.gather [hbm4b:s1+s29], $0x80, s12, s29, $0xb8;
	[tilespmem:$0x19100] =	vst v63  }
0x159: {  	_ =	swait.ge [sflag:s2], $0x2000  }
0x15a: {  	[sflag:s2] =	ssyncset.done $0x0  }
0x15b: {  	[sflag:s2] =	ssyncadd.s32 $0xFFFFE000  }
0x15c: {  	_ =	swait.ge [sflag:s5], $0x40  }
.Ltmp6:
0x15d: {  	[sflag:s5] =	ssyncset.done $0x0;
	(pc) =	sbr.rel @!p1 .LBB2_9-.Ltmp6, $4  }
0x15e: {  	[sflag:s5] =	ssyncadd.s32 $0xFFFFFFC0  }
0x15f: {  	[spmem:s3] =	stream.indirect.scatter.add.f32 [tilespmem:s0], [sflag:$0x3], $0x80, s31, s29, $0xb8;
	[tilespmem:$0x19100] =	vst v63  }
0x160: {  	_ =	swait.ge [sflag:s25], $0x2000  }
0x161: {  	s11 =	sadd.s32 $0x10, s11;
	s12 =	smov.u32 s14;
	[sflag:s25] =	ssyncset.done $0x0  }
0x162: {  	[sflag:s25] =	ssyncadd.s32 $0xFFFFE000  }
0x163: {  	[tilespmem:s31], [sflag:$0x2] =	stream.linear.gather [hbm4b:s20+s4], $0x40, $0x38;
	[tilespmem:$0x19100] =	vst v63  }
0x164: {  	_ = 	snop  }
0x165: {  	[tilespmem:s0], [sflag:$0x1] =	stream.indirect.gather [hbm4b:s1+s29], $0x80, s6, s29, $0xb8;
	[tilespmem:$0x19100] =	vst v63  }
0x166: {  	_ =	swait.ge [sflag:s2], $0x2000  }
0x167: {  	[sflag:s2] =	ssyncset.done $0x0  }
0x168: {  	[sflag:s2] =	ssyncadd.s32 $0xFFFFE000  }
0x169: {  	_ =	swait.ge [sflag:s5], $0x40  }
0x16a: {  	[sflag:s5] =	ssyncset.done $0x0  }
0x16b: {  	[sflag:s5] =	ssyncadd.s32 $0xFFFFFFC0  }
0x16c: {  	[spmem:s3] =	stream.indirect.scatter.add.f32 [tilespmem:s30], [sflag:$0x3], $0x80, s28, s29, $0xb8;
	[tilespmem:$0x19100] =	vst v63  }
0x16d: {  	_ =	swait.ge [sflag:s25], $0x2000  }
0x16e: {  	[sflag:s25] =	ssyncset.done $0x0  }
0x16f: {  	[sflag:s25] =	ssyncadd.s32 $0xFFFFE000  }
0x170: {  	_ =	swait.ge [sflag:s2], $0x2000  }
0x171: {  	[sflag:s2] =	ssyncset.done $0x0  }
0x172: {  	[sflag:s2] =	ssyncadd.s32 $0xFFFFE000  }
0x173: {  	_ =	swait.ge [sflag:s5], $0x40  }
0x174: {  	[sflag:s5] =	ssyncset.done $0x0  }
0x175: {  	[sflag:s5] =	ssyncadd.s32 $0xFFFFFFC0  }
0x176: {  	[spmem:s3] =	stream.indirect.scatter.add.f32 [tilespmem:s0], [sflag:$0x3], $0x80, s31, s29, $0xb8;
	[tilespmem:$0x19100] =	vst v63  }
0x177: {  	_ =	swait.ge [sflag:s25], $0x2000  }
0x178: {  	[sflag:s25] =	ssyncset.done $0x0  }
0x179: {  	[sflag:s25] =	ssyncadd.s32 $0xFFFFE000  }
0x17a: {  	[bflag:$0x0] =	sbarrier.arrive $0xFFFF  }
.Ltmp7:
0x17b: {  	s11 =	rddreg [dreg:$0xd];
	(pc) =	sbr.rel .LBB2_11-.Ltmp7, $4  }
0x17c: {  	[hbm:s11], [sflag:s9] =	dma.local [spmem:s10], $0x2780  }
0x17d: {  	_ =	swait.ge [sflag:s25], $0x2780  }
0x17e: {  	[sflag:s25] =	ssyncset.done $0x0  }
0x17f: {  	[sflag:s25] =	ssyncadd.s32 $0xFFFFD880  }
.LBB2_12:
0x180: {  	_ =	sfence.sel $0x180000  }
0x181: {  	[bflag:$0x0] =	sbarrier.arrive $0xFFFF  }
0x182: {  	_ =	strace $0x90000050  }
0x183: {  	s0 =	stileid.u32;
	[bflag:$0x2] =	sbarrier.arrive $0xFFFF  }
0x184: {  	p0 =	sne.s32 s0, $0x0;
	s0 =	rddreg [dreg:$0x3]  }
0x185: {  	s0 =	sadd.s32 @!p0 $0x100000, s0  }
0x186: {  	[sflag:s0] =	ssyncadd.tile.s32 @!p0 $0x1;
	_ =	shalt  }
.Lfunc_end2:
_tile_overlayer_lowered:
.L_overlay_start_2:
0x187: {  	(tag) =	ssettag $0x2  }
0x188: {  	s0 =	rddreg [dreg:$0x0];
	s2 =	stileid.u32  }
0x189: {  	s1 =	rddreg [dreg:$0x1];
	p0 =	sne.s32 s2, $0x0  }
0x18a: {  	s3 =	rddreg [dreg:$0x2];
	[bflag:$0x3] =	sbarrier.arrive $0xFFFF;
	s2 =	simm.s32 @!p0 $0x1C03  }
0x18b: {  	[timem:s3], [sflag:s2] =	dma.local @!p0 [hbm:s0], s1  }
0x18c: {  	s0 =	simm.s32 @!p0 $0x3  }
0x18d: {  	_ =	swait.ge @!p0 [sflag:s0], s1  }
0x18e: {  	s1 =	ssub.s32 @!p0 $0x0, s1;
	[sflag:s0] =	ssyncset.done @!p0 $0x0  }
0x18f: {  	[sflag:s0] =	ssyncadd.s32 @!p0 s1  }
0x190: {  	[bflag:$0x3] =	sbarrier.arrive $0xFFFF  }
0x191: {  	_ =	shalt  }

</sc_bundles>
